<compile_context>
chip_gen: v7x
topology: tpu7x:2x2x1
jax: 0.10.2.dev20260603
libtpu: 0.0.44.dev20260713+nightly
codegen_flags: <defaults>
</compile_context>

<pallas_src>
import functools

import jax
import jax.numpy as jnp
from jax import lax
from jax.experimental import pallas as pl
from jax.experimental.pallas import tpu as pltpu
from jax.experimental.pallas import tpu_sc as plsc

NC, NS, L = 2, 16, 16
NW = NC * NS
B, T, D = 16384, 50, 64
ROW_W = T * D
ROWS_W = B // NW
R_BLK = 8
NBLK = ROWS_W // R_BLK
NPAD = 128


def _sc_call(x2, sid2, comb_t):
    mesh = plsc.VectorSubcoreMesh(core_axis_name="c", subcore_axis_name="s",
                                  num_cores=NC)

    @functools.partial(
        pl.kernel,
        out_type=jax.ShapeDtypeStruct((B, ROW_W), jnp.float32),
        mesh=mesh,
        compiler_params=pltpu.CompilerParams(needs_layout_passes=False),
        scratch_types=[
            pltpu.VMEM((ROWS_W,), jnp.int32),
            pltpu.VMEM((NPAD, 2 * D), jnp.float32),
            pltpu.VMEM((R_BLK, ROW_W), jnp.float32),
            pltpu.VMEM((R_BLK, ROW_W), jnp.float32),
            pltpu.VMEM((R_BLK, ROW_W), jnp.float32),
            pltpu.VMEM((R_BLK, ROW_W), jnp.float32),
            pltpu.SemaphoreType.DMA,
            pltpu.SemaphoreType.DMA,
            pltpu.SemaphoreType.DMA,
            pltpu.SemaphoreType.DMA,
        ],
    )
    def k(x_hbm, sid_hbm, comb_hbm, out_hbm,
          idx_v, tab_v, in0, in1, ou0, ou1, l0, l1, s0, s1):
        wid = lax.axis_index("s") * NC + lax.axis_index("c")
        base_row = wid * ROWS_W
        ins, ous = (in0, in1), (ou0, ou1)
        lsem, ssem = (l0, l1), (s0, s1)

        pltpu.sync_copy(sid_hbm.at[wid], idx_v)
        pltpu.sync_copy(comb_hbm, tab_v)
        pltpu.async_copy(x_hbm.at[pl.ds(base_row, R_BLK)], in0, l0)
        pltpu.async_copy(x_hbm.at[pl.ds(base_row + R_BLK, R_BLK)], in1, l1)

        lane = lax.iota(jnp.int32, L)

        def step(h, carry):
            for kk in range(2):
                g = h * 2 + kk
                inb, oub = ins[kk], ous[kk]

                pltpu.make_async_copy(
                    x_hbm.at[pl.ds(base_row, R_BLK)], inb, lsem[kk]).wait()

                @pl.when(g >= 2)
                def _wait_store():
                    pltpu.make_async_copy(
                        x_hbm.at[pl.ds(base_row, R_BLK)], oub,
                        ssem[kk]).wait()

                for r in range(R_BLK):
                    row = g * R_BLK + r
                    sid = plsc.load_gather(
                        idx_v, [jnp.full((L,), row, jnp.int32)])
                    sc = [plsc.load_gather(tab_v, [sid, lane + L * j])
                          for j in range(D // L)]
                    sh = [plsc.load_gather(tab_v, [sid, lane + D + L * j])
                          for j in range(D // L)]

                    def _t_body(tt, c2):
                        col = tt * (2 * D)
                        for u in range(2):
                            for j in range(D // L):
                                cj = col + u * D + L * j
                                oub[r, pl.ds(cj, L)] = (
                                    inb[r, pl.ds(cj, L)] * sc[j] + sh[j])
                        return c2

                    lax.fori_loop(0, T // 2, _t_body, 0)

                r0 = base_row + g * R_BLK
                pltpu.async_copy(oub, out_hbm.at[pl.ds(r0, R_BLK)], ssem[kk])

                @pl.when(g + 2 < NBLK)
                def _next_load():
                    rn = base_row + (g + 2) * R_BLK
                    pltpu.async_copy(
                        x_hbm.at[pl.ds(rn, R_BLK)], inb, lsem[kk])
            return carry

        lax.fori_loop(0, NBLK // 2, step, 0)

        pltpu.make_async_copy(x_hbm.at[pl.ds(base_row, R_BLK)], ou0, s0).wait()
        pltpu.make_async_copy(x_hbm.at[pl.ds(base_row, R_BLK)], ou1, s1).wait()

    return k(x2, sid2, comb_t)


def kernel(x, session_id, session_shift, session_scale):
    x2 = x.reshape(B, ROW_W)
    sid2 = session_id.astype(jnp.int32).reshape(NW, ROWS_W)
    comb = jnp.concatenate([session_scale, session_shift], axis=1)
    n = comb.shape[0]
    comb = jnp.pad(comb, ((0, NPAD - n), (0, 0)))
    out = _sc_call(x2, sid2, comb)
    return out.reshape(B, T, D)

# --- scband reference (transcript-rebuilt; emitter-appended) ---
"""Pipeline reference for scband-session-stitcher-15573551415856 (READ-ONLY COPY).

The authoritative reference and input builder live on the scoring server;
editing this copy changes nothing except your own understanding.
"""

import jax, jax.numpy as jnp
import numpy as np

D_MODEL = 64
N_SESSIONS = 100

def setup_inputs(seed: int = 0) -> dict:
    key = jax.random.key(seed)
    k1, k2 = jax.random.split(key)
    x = jax.random.normal(k1, (16384, 50, D_MODEL), dtype=jnp.float32)
    session_id = jax.random.randint(k2, (16384,), 0, N_SESSIONS, dtype=jnp.int64 if jax.config.jax_enable_x64 else jnp.int32)
    session_shift = jnp.zeros((N_SESSIONS, D_MODEL), dtype=jnp.float32)
    session_scale = jnp.ones((N_SESSIONS, D_MODEL), dtype=jnp.float32)
    return {"x": x, "session_id": session_id, "session_shift": session_shift, "session_scale": session_scale}

def reference(x, session_id, session_shift, session_scale):
    # Embedding lookups (gather) for per-session shift and scale
    shift = jnp.take(session_shift, session_id, axis=0)  # (B, D)
    scale = jnp.take(session_scale, session_id, axis=0)  # (B, D)
    # Reshape to broadcast over middle dims: (B, 1, ..., 1, D)
    bshape = (shift.shape[0],) + (1,) * (x.ndim - 2) + (shift.shape[-1],)
    shift = shift.reshape(bshape)
    scale = scale.reshape(bshape)
    stitched = scale * x + shift
    return stitched

if __name__ == "__main__":
    import jax
    _d = setup_inputs()
    print(jax.jit(kernel)(*tuple(_d.values())))

</pallas_src>

<mosaic_0001>
#map = affine_map<(d0, d1) -> (0, 0)>
module attributes {stable_mosaic.version = 14 : i64} {
  func.func @k(%arg0: i32, %arg1: i32, %arg2: memref<16384x3200xf32, #tpu.memory_space<hbm>>, %arg3: memref<32x512xi32, #tpu.memory_space<hbm>>, %arg4: memref<128x128xf32, #tpu.memory_space<hbm>>, %arg5: memref<16384x3200xf32, #tpu.memory_space<hbm>>, %arg6: memref<512xi32, #tpu.memory_space<vmem>>, %arg7: memref<128x128xf32, #tpu.memory_space<vmem>>, %arg8: memref<8x3200xf32, #tpu.memory_space<vmem>>, %arg9: memref<8x3200xf32, #tpu.memory_space<vmem>>, %arg10: memref<8x3200xf32, #tpu.memory_space<vmem>>, %arg11: memref<8x3200xf32, #tpu.memory_space<vmem>>, %arg12: memref<!tpu.dma_semaphore, #tpu.memory_space<semaphore_mem>>, %arg13: memref<!tpu.dma_semaphore, #tpu.memory_space<semaphore_mem>>, %arg14: memref<!tpu.dma_semaphore, #tpu.memory_space<semaphore_mem>>, %arg15: memref<!tpu.dma_semaphore, #tpu.memory_space<semaphore_mem>>) attributes {dimension_semantics = [#tpu.dimension_semantics<core_parallel>, #tpu.dimension_semantics<subcore_parallel>], iteration_bounds = array<i64: 2, 16>, scalar_prefetch = 0 : i64, scratch_operands = 10 : i64, tpu.core_type = #tpu.core_type<sc_vector_subcore>, window_params = [{transform_indices = #map}, {transform_indices = #map}, {transform_indices = #map}, {transform_indices = #map}]} {
    %mul3A = arith.constant 2 : i32
    %mul3A_0 = arith.muli %arg1, %mul3A : i32
    %add3A = arith.addi %mul3A_0, %arg0 : i32
    %mul3A_1 = arith.constant 512 : i32
    %mul3A_2 = arith.muli %add3A, %mul3A_1 : i32
    "tpu.region"() ({
      %run_scoped3A = tpu.sem_alloc : memref<!tpu.dma_semaphore, #tpu.memory_space<semaphore_mem>>
      %dma_start3A_24 = arith.constant 0 : i32
      %dma_start3A_25 = tpu.memref_slice %arg3[%add3A, %dma_start3A_24] : memref<32x512xi32, #tpu.memory_space<hbm>> -> memref<1x512xi32, #tpu.memory_space<hbm>>
      %dma_start3A_26 = tpu.memref_squeeze %dma_start3A_25 : memref<1x512xi32, #tpu.memory_space<hbm>> -> memref<512xi32, #tpu.memory_space<hbm>>
      %dma_start3A_27 = arith.constant 0 : i32
      %dma_start3A_28 = tpu.memref_slice %arg3[%add3A, %dma_start3A_27] : memref<32x512xi32, #tpu.memory_space<hbm>> -> memref<1x512xi32, #tpu.memory_space<hbm>>
      %dma_start3A_29 = tpu.memref_squeeze %dma_start3A_28 : memref<1x512xi32, #tpu.memory_space<hbm>> -> memref<512xi32, #tpu.memory_space<hbm>>
      tpu.enqueue_dma source(%dma_start3A_29 : memref<512xi32, #tpu.memory_space<hbm>>) target(%arg6 : memref<512xi32, #tpu.memory_space<vmem>>) target_semaphore(%run_scoped3A : memref<!tpu.dma_semaphore, #tpu.memory_space<semaphore_mem>>)
      %dma_wait3A_30 = arith.constant 0 : i32
      %dma_wait3A_31 = tpu.memref_slice %arg3[%add3A, %dma_wait3A_30] : memref<32x512xi32, #tpu.memory_space<hbm>> -> memref<1x512xi32, #tpu.memory_space<hbm>>
      %dma_wait3A_32 = tpu.memref_squeeze %dma_wait3A_31 : memref<1x512xi32, #tpu.memory_space<hbm>> -> memref<512xi32, #tpu.memory_space<hbm>>
      %dma_wait3A_33 = arith.constant 0 : i32
      %dma_wait3A_34 = tpu.memref_slice %arg3[%add3A, %dma_wait3A_33] : memref<32x512xi32, #tpu.memory_space<hbm>> -> memref<1x512xi32, #tpu.memory_space<hbm>>
      %dma_wait3A_35 = tpu.memref_squeeze %dma_wait3A_34 : memref<1x512xi32, #tpu.memory_space<hbm>> -> memref<512xi32, #tpu.memory_space<hbm>>
      tpu.wait_dma2 semaphore(%run_scoped3A : memref<!tpu.dma_semaphore, #tpu.memory_space<semaphore_mem>>) src(%dma_wait3A_35 : memref<512xi32, #tpu.memory_space<hbm>>) dst(%arg6 : memref<512xi32, #tpu.memory_space<vmem>>)
      tpu.yield
    }) : () -> ()
    "tpu.region"() ({
      %run_scoped3A = tpu.sem_alloc : memref<!tpu.dma_semaphore, #tpu.memory_space<semaphore_mem>>
      tpu.enqueue_dma source(%arg4 : memref<128x128xf32, #tpu.memory_space<hbm>>) target(%arg7 : memref<128x128xf32, #tpu.memory_space<vmem>>) target_semaphore(%run_scoped3A : memref<!tpu.dma_semaphore, #tpu.memory_space<semaphore_mem>>)
      tpu.wait_dma2 semaphore(%run_scoped3A : memref<!tpu.dma_semaphore, #tpu.memory_space<semaphore_mem>>) src(%arg4 : memref<128x128xf32, #tpu.memory_space<hbm>>) dst(%arg7 : memref<128x128xf32, #tpu.memory_space<vmem>>)
      tpu.yield
    }) : () -> ()
    %dma_start3A = arith.constant 0 : i32
    %dma_start3A_3 = tpu.memref_slice %arg2[%mul3A_2, %dma_start3A] : memref<16384x3200xf32, #tpu.memory_space<hbm>> -> memref<8x3200xf32, #tpu.memory_space<hbm>>
    %dma_start3A_4 = arith.constant 0 : i32
    %dma_start3A_5 = tpu.memref_slice %arg2[%mul3A_2, %dma_start3A_4] : memref<16384x3200xf32, #tpu.memory_space<hbm>> -> memref<8x3200xf32, #tpu.memory_space<hbm>>
    tpu.enqueue_dma source(%dma_start3A_5 : memref<8x3200xf32, #tpu.memory_space<hbm>>) target(%arg8 : memref<8x3200xf32, #tpu.memory_space<vmem>>) target_semaphore(%arg12 : memref<!tpu.dma_semaphore, #tpu.memory_space<semaphore_mem>>)
    %add3A_6 = arith.constant 8 : i32
    %add3A_7 = arith.addi %mul3A_2, %add3A_6 : i32
    %dma_start3A_8 = arith.constant 0 : i32
    %dma_start3A_9 = tpu.memref_slice %arg2[%add3A_7, %dma_start3A_8] : memref<16384x3200xf32, #tpu.memory_space<hbm>> -> memref<8x3200xf32, #tpu.memory_space<hbm>>
    %dma_start3A_10 = arith.constant 0 : i32
    %dma_start3A_11 = tpu.memref_slice %arg2[%add3A_7, %dma_start3A_10] : memref<16384x3200xf32, #tpu.memory_space<hbm>> -> memref<8x3200xf32, #tpu.memory_space<hbm>>
    tpu.enqueue_dma source(%dma_start3A_11 : memref<8x3200xf32, #tpu.memory_space<hbm>>) target(%arg9 : memref<8x3200xf32, #tpu.memory_space<vmem>>) target_semaphore(%arg13 : memref<!tpu.dma_semaphore, #tpu.memory_space<semaphore_mem>>)
    %iota3A = tpu.iota {dimensions = array<i32: 0>} : vector<16xi32>
    %scan3A = arith.constant 0 : i32
    %scan3A_12 = arith.constant 0 : i32
    %scan3A_13 = arith.constant 32 : i32
    %scan3A_14 = arith.addi %scan3A_12, %scan3A_13 : i32
    %scan3A_15 = arith.constant 1 : i32
    scf.for %scan3A_24 = %scan3A_12 to %scan3A_14 step %scan3A_15  : i32 {
      %mul3A_25 = arith.constant 2 : i32
      %mul3A_26 = arith.muli %scan3A_24, %mul3A_25 : i32
      %add3A_27 = arith.constant 0 : i32
      %add3A_28 = arith.addi %mul3A_26, %add3A_27 : i32
      %dma_wait3A_29 = arith.constant 0 : i32
      %dma_wait3A_30 = tpu.memref_slice %arg2[%mul3A_2, %dma_wait3A_29] : memref<16384x3200xf32, #tpu.memory_space<hbm>> -> memref<8x3200xf32, #tpu.memory_space<hbm>>
      %dma_wait3A_31 = arith.constant 0 : i32
      %dma_wait3A_32 = tpu.memref_slice %arg2[%mul3A_2, %dma_wait3A_31] : memref<16384x3200xf32, #tpu.memory_space<hbm>> -> memref<8x3200xf32, #tpu.memory_space<hbm>>
      tpu.wait_dma2 semaphore(%arg12 : memref<!tpu.dma_semaphore, #tpu.memory_space<semaphore_mem>>) src(%dma_wait3A_32 : memref<8x3200xf32, #tpu.memory_space<hbm>>) dst(%arg8 : memref<8x3200xf32, #tpu.memory_space<vmem>>)
      %ge3A = arith.constant 2 : i32
      %ge3A_33 = arith.cmpi sge, %add3A_28, %ge3A : i32
      %convert_element_type3A = arith.extui %ge3A_33 : i1 to i32
      %cond3A = arith.constant 0 : i32
      %cond3A_34 = arith.cmpi ne, %convert_element_type3A, %cond3A : i32
      scf.if %cond3A_34 {
        %dma_wait3A_969 = arith.constant 0 : i32
        %dma_wait3A_970 = tpu.memref_slice %arg2[%mul3A_2, %dma_wait3A_969] : memref<16384x3200xf32, #tpu.memory_space<hbm>> -> memref<8x3200xf32, #tpu.memory_space<hbm>>
        %dma_wait3A_971 = arith.constant 0 : i32
        %dma_wait3A_972 = tpu.memref_slice %arg2[%mul3A_2, %dma_wait3A_971] : memref<16384x3200xf32, #tpu.memory_space<hbm>> -> memref<8x3200xf32, #tpu.memory_space<hbm>>
        tpu.wait_dma2 semaphore(%arg14 : memref<!tpu.dma_semaphore, #tpu.memory_space<semaphore_mem>>) src(%dma_wait3A_972 : memref<8x3200xf32, #tpu.memory_space<hbm>>) dst(%arg10 : memref<8x3200xf32, #tpu.memory_space<vmem>>)
      } else {
      }
      %mul3A_35 = arith.constant 8 : i32
      %mul3A_36 = arith.muli %add3A_28, %mul3A_35 : i32
      %add3A_37 = arith.constant 0 : i32
      %add3A_38 = arith.addi %mul3A_36, %add3A_37 : i32
      %broadcast_in_dim3A = vector.broadcast %add3A_38 : i32 to vector<16xi32>
      %gather3A = tpu.vector_load_idx %arg6[%broadcast_in_dim3A] : memref<512xi32, #tpu.memory_space<vmem>>[vector<16xi32>], vector<16xi32>,
      %add3A_39 = arith.constant 0 : i32
      %add3A_40 = vector.broadcast %add3A_39 : i32 to vector<16xi32>
      %add3A_41 = arith.addi %iota3A, %add3A_40 : vector<16xi32>
      %gather3A_42 = tpu.vector_load_idx %arg7[%gather3A, %add3A_41] : memref<128x128xf32, #tpu.memory_space<vmem>>[vector<16xi32>, vector<16xi32>], vector<16xf32>,
      %add3A_43 = arith.constant 16 : i32
      %add3A_44 = vector.broadcast %add3A_43 : i32 to vector<16xi32>
      %add3A_45 = arith.addi %iota3A, %add3A_44 : vector<16xi32>
      %gather3A_46 = tpu.vector_load_idx %arg7[%gather3A, %add3A_45] : memref<128x128xf32, #tpu.memory_space<vmem>>[vector<16xi32>, vector<16xi32>], vector<16xf32>,
      %add3A_47 = arith.constant 32 : i32
      %add3A_48 = vector.broadcast %add3A_47 : i32 to vector<16xi32>
      %add3A_49 = arith.addi %iota3A, %add3A_48 : vector<16xi32>
      %gather3A_50 = tpu.vector_load_idx %arg7[%gather3A, %add3A_49] : memref<128x128xf32, #tpu.memory_space<vmem>>[vector<16xi32>, vector<16xi32>], vector<16xf32>,
      %add3A_51 = arith.constant 48 : i32
      %add3A_52 = vector.broadcast %add3A_51 : i32 to vector<16xi32>
      %add3A_53 = arith.addi %iota3A, %add3A_52 : vector<16xi32>
      %gather3A_54 = tpu.vector_load_idx %arg7[%gather3A, %add3A_53] : memref<128x128xf32, #tpu.memory_space<vmem>>[vector<16xi32>, vector<16xi32>], vector<16xf32>,
      %add3A_55 = arith.constant 64 : i32
      %add3A_56 = vector.broadcast %add3A_55 : i32 to vector<16xi32>
      %add3A_57 = arith.addi %iota3A, %add3A_56 : vector<16xi32>
      %add3A_58 = arith.constant 0 : i32
      %add3A_59 = vector.broadcast %add3A_58 : i32 to vector<16xi32>
      %add3A_60 = arith.addi %add3A_57, %add3A_59 : vector<16xi32>
      %gather3A_61 = tpu.vector_load_idx %arg7[%gather3A, %add3A_60] : memref<128x128xf32, #tpu.memory_space<vmem>>[vector<16xi32>, vector<16xi32>], vector<16xf32>,
      %add3A_62 = arith.constant 64 : i32
      %add3A_63 = vector.broadcast %add3A_62 : i32 to vector<16xi32>
      %add3A_64 = arith.addi %iota3A, %add3A_63 : vector<16xi32>
      %add3A_65 = arith.constant 16 : i32
      %add3A_66 = vector.broadcast %add3A_65 : i32 to vector<16xi32>
      %add3A_67 = arith.addi %add3A_64, %add3A_66 : vector<16xi32>
      %gather3A_68 = tpu.vector_load_idx %arg7[%gather3A, %add3A_67] : memref<128x128xf32, #tpu.memory_space<vmem>>[vector<16xi32>, vector<16xi32>], vector<16xf32>,
      %add3A_69 = arith.constant 64 : i32
      %add3A_70 = vector.broadcast %add3A_69 : i32 to vector<16xi32>
      %add3A_71 = arith.addi %iota3A, %add3A_70 : vector<16xi32>
      %add3A_72 = arith.constant 32 : i32
      %add3A_73 = vector.broadcast %add3A_72 : i32 to vector<16xi32>
      %add3A_74 = arith.addi %add3A_71, %add3A_73 : vector<16xi32>
      %gather3A_75 = tpu.vector_load_idx %arg7[%gather3A, %add3A_74] : memref<128x128xf32, #tpu.memory_space<vmem>>[vector<16xi32>, vector<16xi32>], vector<16xf32>,
      %add3A_76 = arith.constant 64 : i32
      %add3A_77 = vector.broadcast %add3A_76 : i32 to vector<16xi32>
      %add3A_78 = arith.addi %iota3A, %add3A_77 : vector<16xi32>
      %add3A_79 = arith.constant 48 : i32
      %add3A_80 = vector.broadcast %add3A_79 : i32 to vector<16xi32>
      %add3A_81 = arith.addi %add3A_78, %add3A_80 : vector<16xi32>
      %gather3A_82 = tpu.vector_load_idx %arg7[%gather3A, %add3A_81] : memref<128x128xf32, #tpu.memory_space<vmem>>[vector<16xi32>, vector<16xi32>], vector<16xf32>,
      %scan3A_83 = arith.constant 0 : i32
      %scan3A_84 = arith.constant 0 : i32
      %scan3A_85 = arith.constant 25 : i32
      %scan3A_86 = arith.addi %scan3A_84, %scan3A_85 : i32
      %scan3A_87 = arith.constant 1 : i32
      scf.for %scan3A_969 = %scan3A_84 to %scan3A_86 step %scan3A_87  : i32 {
        %mul3A_970 = arith.constant 128 : i32
        %mul3A_971 = arith.muli %scan3A_969, %mul3A_970 : i32
        %add3A_972 = arith.constant 0 : i32
        %add3A_973 = arith.addi %mul3A_971, %add3A_972 : i32
        %add3A_974 = arith.constant 0 : i32
        %add3A_975 = arith.addi %add3A_973, %add3A_974 : i32
        %get3A = arith.constant 0 : i32
        %get3A_976 = arith.index_cast %get3A : i32 to index
        %get3A_977 = arith.index_cast %add3A_975 : i32 to index
        %get3A_978 = tpu.vector_load %arg8[%get3A_976, %get3A_977] {strides = array<i32>} : memref<8x3200xf32, #tpu.memory_space<vmem>>, vector<16xf32>,
        %mul3A_979 = arith.mulf %get3A_978, %gather3A_42 : vector<16xf32>
        %add3A_980 = arith.addf %mul3A_979, %gather3A_61 : vector<16xf32>
        %swap3A = arith.constant 0 : i32
        %swap3A_981 = arith.index_cast %swap3A : i32 to index
        %swap3A_982 = arith.index_cast %add3A_975 : i32 to index
        %swap3A_983 = tpu.vector_load %arg10[%swap3A_981, %swap3A_982] {strides = array<i32>} : memref<8x3200xf32, #tpu.memory_space<vmem>>, vector<16xf32>,
        tpu.vector_store %arg10[%swap3A_981, %swap3A_982], %add3A_980 {strides = array<i32>} : memref<8x3200xf32, #tpu.memory_space<vmem>>, vector<16xf32>,
        %add3A_984 = arith.constant 0 : i32
        %add3A_985 = arith.addi %mul3A_971, %add3A_984 : i32
        %add3A_986 = arith.constant 16 : i32
        %add3A_987 = arith.addi %add3A_985, %add3A_986 : i32
        %get3A_988 = arith.constant 0 : i32
        %get3A_989 = arith.index_cast %get3A_988 : i32 to index
        %get3A_990 = arith.index_cast %add3A_987 : i32 to index
        %get3A_991 = tpu.vector_load %arg8[%get3A_989, %get3A_990] {strides = array<i32>} : memref<8x3200xf32, #tpu.memory_space<vmem>>, vector<16xf32>,
        %mul3A_992 = arith.mulf %get3A_991, %gather3A_46 : vector<16xf32>
        %add3A_993 = arith.addf %mul3A_992, %gather3A_68 : vector<16xf32>
        %swap3A_994 = arith.constant 0 : i32
        %swap3A_995 = arith.index_cast %swap3A_994 : i32 to index
        %swap3A_996 = arith.index_cast %add3A_987 : i32 to index
        %swap3A_997 = tpu.vector_load %arg10[%swap3A_995, %swap3A_996] {strides = array<i32>} : memref<8x3200xf32, #tpu.memory_space<vmem>>, vector<16xf32>,
        tpu.vector_store %arg10[%swap3A_995, %swap3A_996], %add3A_993 {strides = array<i32>} : memref<8x3200xf32, #tpu.memory_space<vmem>>, vector<16xf32>,
        %add3A_998 = arith.constant 0 : i32
        %add3A_999 = arith.addi %mul3A_971, %add3A_998 : i32
        %add3A_1000 = arith.constant 32 : i32
        %add3A_1001 = arith.addi %add3A_999, %add3A_1000 : i32
        %get3A_1002 = arith.constant 0 : i32
        %get3A_1003 = arith.index_cast %get3A_1002 : i32 to index
        %get3A_1004 = arith.index_cast %add3A_1001 : i32 to index
        %get3A_1005 = tpu.vector_load %arg8[%get3A_1003, %get3A_1004] {strides = array<i32>} : memref<8x3200xf32, #tpu.memory_space<vmem>>, vector<16xf32>,
        %mul3A_1006 = arith.mulf %get3A_1005, %gather3A_50 : vector<16xf32>
        %add3A_1007 = arith.addf %mul3A_1006, %gather3A_75 : vector<16xf32>
        %swap3A_1008 = arith.constant 0 : i32
        %swap3A_1009 = arith.index_cast %swap3A_1008 : i32 to index
        %swap3A_1010 = arith.index_cast %add3A_1001 : i32 to index
        %swap3A_1011 = tpu.vector_load %arg10[%swap3A_1009, %swap3A_1010] {strides = array<i32>} : memref<8x3200xf32, #tpu.memory_space<vmem>>, vector<16xf32>,
        tpu.vector_store %arg10[%swap3A_1009, %swap3A_1010], %add3A_1007 {strides = array<i32>} : memref<8x3200xf32, #tpu.memory_space<vmem>>, vector<16xf32>,
        %add3A_1012 = arith.constant 0 : i32
        %add3A_1013 = arith.addi %mul3A_971, %add3A_1012 : i32
        %add3A_1014 = arith.constant 48 : i32
        %add3A_1015 = arith.addi %add3A_1013, %add3A_1014 : i32
        %get3A_1016 = arith.constant 0 : i32
        %get3A_1017 = arith.index_cast %get3A_1016 : i32 to index
        %get3A_1018 = arith.index_cast %add3A_1015 : i32 to index
        %get3A_1019 = tpu.vector_load %arg8[%get3A_1017, %get3A_1018] {strides = array<i32>} : memref<8x3200xf32, #tpu.memory_space<vmem>>, vector<16xf32>,
        %mul3A_1020 = arith.mulf %get3A_1019, %gather3A_54 : vector<16xf32>
        %add3A_1021 = arith.addf %mul3A_1020, %gather3A_82 : vector<16xf32>
        %swap3A_1022 = arith.constant 0 : i32
        %swap3A_1023 = arith.index_cast %swap3A_1022 : i32 to index
        %swap3A_1024 = arith.index_cast %add3A_1015 : i32 to index
        %swap3A_1025 = tpu.vector_load %arg10[%swap3A_1023, %swap3A_1024] {strides = array<i32>} : memref<8x3200xf32, #tpu.memory_space<vmem>>, vector<16xf32>,
        tpu.vector_store %arg10[%swap3A_1023, %swap3A_1024], %add3A_1021 {strides = array<i32>} : memref<8x3200xf32, #tpu.memory_space<vmem>>, vector<16xf32>,
        %add3A_1026 = arith.constant 64 : i32
        %add3A_1027 = arith.addi %mul3A_971, %add3A_1026 : i32
        %add3A_1028 = arith.constant 0 : i32
        %add3A_1029 = arith.addi %add3A_1027, %add3A_1028 : i32
        %get3A_1030 = arith.constant 0 : i32
        %get3A_1031 = arith.index_cast %get3A_1030 : i32 to index
        %get3A_1032 = arith.index_cast %add3A_1029 : i32 to index
        %get3A_1033 = tpu.vector_load %arg8[%get3A_1031, %get3A_1032] {strides = array<i32>} : memref<8x3200xf32, #tpu.memory_space<vmem>>, vector<16xf32>,
        %mul3A_1034 = arith.mulf %get3A_1033, %gather3A_42 : vector<16xf32>
        %add3A_1035 = arith.addf %mul3A_1034, %gather3A_61 : vector<16xf32>
        %swap3A_1036 = arith.constant 0 : i32
        %swap3A_1037 = arith.index_cast %swap3A_1036 : i32 to index
        %swap3A_1038 = arith.index_cast %add3A_1029 : i32 to index
        %swap3A_1039 = tpu.vector_load %arg10[%swap3A_1037, %swap3A_1038] {strides = array<i32>} : memref<8x3200xf32, #tpu.memory_space<vmem>>, vector<16xf32>,
        tpu.vector_store %arg10[%swap3A_1037, %swap3A_1038], %add3A_1035 {strides = array<i32>} : memref<8x3200xf32, #tpu.memory_space<vmem>>, vector<16xf32>,
        %add3A_1040 = arith.constant 64 : i32
        %add3A_1041 = arith.addi %mul3A_971, %add3A_1040 : i32
        %add3A_1042 = arith.constant 16 : i32
        %add3A_1043 = arith.addi %add3A_1041, %add3A_1042 : i32
        %get3A_1044 = arith.constant 0 : i32
        %get3A_1045 = arith.index_cast %get3A_1044 : i32 to index
        %get3A_1046 = arith.index_cast %add3A_1043 : i32 to index
        %get3A_1047 = tpu.vector_load %arg8[%get3A_1045, %get3A_1046] {strides = array<i32>} : memref<8x3200xf32, #tpu.memory_space<vmem>>, vector<16xf32>,
        %mul3A_1048 = arith.mulf %get3A_1047, %gather3A_46 : vector<16xf32>
        %add3A_1049 = arith.addf %mul3A_1048, %gather3A_68 : vector<16xf32>
        %swap3A_1050 = arith.constant 0 : i32
        %swap3A_1051 = arith.index_cast %swap3A_1050 : i32 to index
        %swap3A_1052 = arith.index_cast %add3A_1043 : i32 to index
        %swap3A_1053 = tpu.vector_load %arg10[%swap3A_1051, %swap3A_1052] {strides = array<i32>} : memref<8x3200xf32, #tpu.memory_space<vmem>>, vector<16xf32>,
        tpu.vector_store %arg10[%swap3A_1051, %swap3A_1052], %add3A_1049 {strides = array<i32>} : memref<8x3200xf32, #tpu.memory_space<vmem>>, vector<16xf32>,
        %add3A_1054 = arith.constant 64 : i32
        %add3A_1055 = arith.addi %mul3A_971, %add3A_1054 : i32
        %add3A_1056 = arith.constant 32 : i32
        %add3A_1057 = arith.addi %add3A_1055, %add3A_1056 : i32
        %get3A_1058 = arith.constant 0 : i32
        %get3A_1059 = arith.index_cast %get3A_1058 : i32 to index
        %get3A_1060 = arith.index_cast %add3A_1057 : i32 to index
        %get3A_1061 = tpu.vector_load %arg8[%get3A_1059, %get3A_1060] {strides = array<i32>} : memref<8x3200xf32, #tpu.memory_space<vmem>>, vector<16xf32>,
        %mul3A_1062 = arith.mulf %get3A_1061, %gather3A_50 : vector<16xf32>
        %add3A_1063 = arith.addf %mul3A_1062, %gather3A_75 : vector<16xf32>
        %swap3A_1064 = arith.constant 0 : i32
        %swap3A_1065 = arith.index_cast %swap3A_1064 : i32 to index
        %swap3A_1066 = arith.index_cast %add3A_1057 : i32 to index
        %swap3A_1067 = tpu.vector_load %arg10[%swap3A_1065, %swap3A_1066] {strides = array<i32>} : memref<8x3200xf32, #tpu.memory_space<vmem>>, vector<16xf32>,
        tpu.vector_store %arg10[%swap3A_1065, %swap3A_1066], %add3A_1063 {strides = array<i32>} : memref<8x3200xf32, #tpu.memory_space<vmem>>, vector<16xf32>,
        %add3A_1068 = arith.constant 64 : i32
        %add3A_1069 = arith.addi %mul3A_971, %add3A_1068 : i32
        %add3A_1070 = arith.constant 48 : i32
        %add3A_1071 = arith.addi %add3A_1069, %add3A_1070 : i32
        %get3A_1072 = arith.constant 0 : i32
        %get3A_1073 = arith.index_cast %get3A_1072 : i32 to index
        %get3A_1074 = arith.index_cast %add3A_1071 : i32 to index
        %get3A_1075 = tpu.vector_load %arg8[%get3A_1073, %get3A_1074] {strides = array<i32>} : memref<8x3200xf32, #tpu.memory_space<vmem>>, vector<16xf32>,
        %mul3A_1076 = arith.mulf %get3A_1075, %gather3A_54 : vector<16xf32>
        %add3A_1077 = arith.addf %mul3A_1076, %gather3A_82 : vector<16xf32>
        %swap3A_1078 = arith.constant 0 : i32
        %swap3A_1079 = arith.index_cast %swap3A_1078 : i32 to index
        %swap3A_1080 = arith.index_cast %add3A_1071 : i32 to index
        %swap3A_1081 = tpu.vector_load %arg10[%swap3A_1079, %swap3A_1080] {strides = array<i32>} : memref<8x3200xf32, #tpu.memory_space<vmem>>, vector<16xf32>,
        tpu.vector_store %arg10[%swap3A_1079, %swap3A_1080], %add3A_1077 {strides = array<i32>} : memref<8x3200xf32, #tpu.memory_space<vmem>>, vector<16xf32>,
      }
      %scan3A_88 = arith.constant 25 : i32
      %mul3A_89 = arith.constant 8 : i32
      %mul3A_90 = arith.muli %add3A_28, %mul3A_89 : i32
      %add3A_91 = arith.constant 1 : i32
      %add3A_92 = arith.addi %mul3A_90, %add3A_91 : i32
      %broadcast_in_dim3A_93 = vector.broadcast %add3A_92 : i32 to vector<16xi32>
      %gather3A_94 = tpu.vector_load_idx %arg6[%broadcast_in_dim3A_93] : memref<512xi32, #tpu.memory_space<vmem>>[vector<16xi32>], vector<16xi32>,
      %add3A_95 = arith.constant 0 : i32
      %add3A_96 = vector.broadcast %add3A_95 : i32 to vector<16xi32>
      %add3A_97 = arith.addi %iota3A, %add3A_96 : vector<16xi32>
      %gather3A_98 = tpu.vector_load_idx %arg7[%gather3A_94, %add3A_97] : memref<128x128xf32, #tpu.memory_space<vmem>>[vector<16xi32>, vector<16xi32>], vector<16xf32>,
      %add3A_99 = arith.constant 16 : i32
      %add3A_100 = vector.broadcast %add3A_99 : i32 to vector<16xi32>
      %add3A_101 = arith.addi %iota3A, %add3A_100 : vector<16xi32>
      %gather3A_102 = tpu.vector_load_idx %arg7[%gather3A_94, %add3A_101] : memref<128x128xf32, #tpu.memory_space<vmem>>[vector<16xi32>, vector<16xi32>], vector<16xf32>,
      %add3A_103 = arith.constant 32 : i32
      %add3A_104 = vector.broadcast %add3A_103 : i32 to vector<16xi32>
      %add3A_105 = arith.addi %iota3A, %add3A_104 : vector<16xi32>
      %gather3A_106 = tpu.vector_load_idx %arg7[%gather3A_94, %add3A_105] : memref<128x128xf32, #tpu.memory_space<vmem>>[vector<16xi32>, vector<16xi32>], vector<16xf32>,
      %add3A_107 = arith.constant 48 : i32
      %add3A_108 = vector.broadcast %add3A_107 : i32 to vector<16xi32>
      %add3A_109 = arith.addi %iota3A, %add3A_108 : vector<16xi32>
      %gather3A_110 = tpu.vector_load_idx %arg7[%gather3A_94, %add3A_109] : memref<128x128xf32, #tpu.memory_space<vmem>>[vector<16xi32>, vector<16xi32>], vector<16xf32>,
      %add3A_111 = arith.constant 64 : i32
      %add3A_112 = vector.broadcast %add3A_111 : i32 to vector<16xi32>
      %add3A_113 = arith.addi %iota3A, %add3A_112 : vector<16xi32>
      %add3A_114 = arith.constant 0 : i32
      %add3A_115 = vector.broadcast %add3A_114 : i32 to vector<16xi32>
      %add3A_116 = arith.addi %add3A_113, %add3A_115 : vector<16xi32>
      %gather3A_117 = tpu.vector_load_idx %arg7[%gather3A_94, %add3A_116] : memref<128x128xf32, #tpu.memory_space<vmem>>[vector<16xi32>, vector<16xi32>], vector<16xf32>,
      %add3A_118 = arith.constant 64 : i32
      %add3A_119 = vector.broadcast %add3A_118 : i32 to vector<16xi32>
      %add3A_120 = arith.addi %iota3A, %add3A_119 : vector<16xi32>
      %add3A_121 = arith.constant 16 : i32
      %add3A_122 = vector.broadcast %add3A_121 : i32 to vector<16xi32>
      %add3A_123 = arith.addi %add3A_120, %add3A_122 : vector<16xi32>
      %gather3A_124 = tpu.vector_load_idx %arg7[%gather3A_94, %add3A_123] : memref<128x128xf32, #tpu.memory_space<vmem>>[vector<16xi32>, vector<16xi32>], vector<16xf32>,
      %add3A_125 = arith.constant 64 : i32
      %add3A_126 = vector.broadcast %add3A_125 : i32 to vector<16xi32>
      %add3A_127 = arith.addi %iota3A, %add3A_126 : vector<16xi32>
      %add3A_128 = arith.constant 32 : i32
      %add3A_129 = vector.broadcast %add3A_128 : i32 to vector<16xi32>
      %add3A_130 = arith.addi %add3A_127, %add3A_129 : vector<16xi32>
      %gather3A_131 = tpu.vector_load_idx %arg7[%gather3A_94, %add3A_130] : memref<128x128xf32, #tpu.memory_space<vmem>>[vector<16xi32>, vector<16xi32>], vector<16xf32>,
      %add3A_132 = arith.constant 64 : i32
      %add3A_133 = vector.broadcast %add3A_132 : i32 to vector<16xi32>
      %add3A_134 = arith.addi %iota3A, %add3A_133 : vector<16xi32>
      %add3A_135 = arith.constant 48 : i32
      %add3A_136 = vector.broadcast %add3A_135 : i32 to vector<16xi32>
      %add3A_137 = arith.addi %add3A_134, %add3A_136 : vector<16xi32>
      %gather3A_138 = tpu.vector_load_idx %arg7[%gather3A_94, %add3A_137] : memref<128x128xf32, #tpu.memory_space<vmem>>[vector<16xi32>, vector<16xi32>], vector<16xf32>,
      %scan3A_139 = arith.constant 0 : i32
      %scan3A_140 = arith.constant 0 : i32
      %scan3A_141 = arith.constant 25 : i32
      %scan3A_142 = arith.addi %scan3A_140, %scan3A_141 : i32
      %scan3A_143 = arith.constant 1 : i32
      scf.for %scan3A_969 = %scan3A_140 to %scan3A_142 step %scan3A_143  : i32 {
        %mul3A_970 = arith.constant 128 : i32
        %mul3A_971 = arith.muli %scan3A_969, %mul3A_970 : i32
        %add3A_972 = arith.constant 0 : i32
        %add3A_973 = arith.addi %mul3A_971, %add3A_972 : i32
        %add3A_974 = arith.constant 0 : i32
        %add3A_975 = arith.addi %add3A_973, %add3A_974 : i32
        %get3A = arith.constant 1 : i32
        %get3A_976 = arith.index_cast %get3A : i32 to index
        %get3A_977 = arith.index_cast %add3A_975 : i32 to index
        %get3A_978 = tpu.vector_load %arg8[%get3A_976, %get3A_977] {strides = array<i32>} : memref<8x3200xf32, #tpu.memory_space<vmem>>, vector<16xf32>,
        %mul3A_979 = arith.mulf %get3A_978, %gather3A_98 : vector<16xf32>
        %add3A_980 = arith.addf %mul3A_979, %gather3A_117 : vector<16xf32>
        %swap3A = arith.constant 1 : i32
        %swap3A_981 = arith.index_cast %swap3A : i32 to index
        %swap3A_982 = arith.index_cast %add3A_975 : i32 to index
        %swap3A_983 = tpu.vector_load %arg10[%swap3A_981, %swap3A_982] {strides = array<i32>} : memref<8x3200xf32, #tpu.memory_space<vmem>>, vector<16xf32>,
        tpu.vector_store %arg10[%swap3A_981, %swap3A_982], %add3A_980 {strides = array<i32>} : memref<8x3200xf32, #tpu.memory_space<vmem>>, vector<16xf32>,
        %add3A_984 = arith.constant 0 : i32
        %add3A_985 = arith.addi %mul3A_971, %add3A_984 : i32
        %add3A_986 = arith.constant 16 : i32
        %add3A_987 = arith.addi %add3A_985, %add3A_986 : i32
        %get3A_988 = arith.constant 1 : i32
        %get3A_989 = arith.index_cast %get3A_988 : i32 to index
        %get3A_990 = arith.index_cast %add3A_987 : i32 to index
        %get3A_991 = tpu.vector_load %arg8[%get3A_989, %get3A_990] {strides = array<i32>} : memref<8x3200xf32, #tpu.memory_space<vmem>>, vector<16xf32>,
        %mul3A_992 = arith.mulf %get3A_991, %gather3A_102 : vector<16xf32>
        %add3A_993 = arith.addf %mul3A_992, %gather3A_124 : vector<16xf32>
        %swap3A_994 = arith.constant 1 : i32
        %swap3A_995 = arith.index_cast %swap3A_994 : i32 to index
        %swap3A_996 = arith.index_cast %add3A_987 : i32 to index
        %swap3A_997 = tpu.vector_load %arg10[%swap3A_995, %swap3A_996] {strides = array<i32>} : memref<8x3200xf32, #tpu.memory_space<vmem>>, vector<16xf32>,
        tpu.vector_store %arg10[%swap3A_995, %swap3A_996], %add3A_993 {strides = array<i32>} : memref<8x3200xf32, #tpu.memory_space<vmem>>, vector<16xf32>,
        %add3A_998 = arith.constant 0 : i32
        %add3A_999 = arith.addi %mul3A_971, %add3A_998 : i32
        %add3A_1000 = arith.constant 32 : i32
        %add3A_1001 = arith.addi %add3A_999, %add3A_1000 : i32
        %get3A_1002 = arith.constant 1 : i32
        %get3A_1003 = arith.index_cast %get3A_1002 : i32 to index
        %get3A_1004 = arith.index_cast %add3A_1001 : i32 to index
        %get3A_1005 = tpu.vector_load %arg8[%get3A_1003, %get3A_1004] {strides = array<i32>} : memref<8x3200xf32, #tpu.memory_space<vmem>>, vector<16xf32>,
        %mul3A_1006 = arith.mulf %get3A_1005, %gather3A_106 : vector<16xf32>
        %add3A_1007 = arith.addf %mul3A_1006, %gather3A_131 : vector<16xf32>
        %swap3A_1008 = arith.constant 1 : i32
        %swap3A_1009 = arith.index_cast %swap3A_1008 : i32 to index
        %swap3A_1010 = arith.index_cast %add3A_1001 : i32 to index
        %swap3A_1011 = tpu.vector_load %arg10[%swap3A_1009, %swap3A_1010] {strides = array<i32>} : memref<8x3200xf32, #tpu.memory_space<vmem>>, vector<16xf32>,
        tpu.vector_store %arg10[%swap3A_1009, %swap3A_1010], %add3A_1007 {strides = array<i32>} : memref<8x3200xf32, #tpu.memory_space<vmem>>, vector<16xf32>,
        %add3A_1012 = arith.constant 0 : i32
        %add3A_1013 = arith.addi %mul3A_971, %add3A_1012 : i32
        %add3A_1014 = arith.constant 48 : i32
        %add3A_1015 = arith.addi %add3A_1013, %add3A_1014 : i32
        %get3A_1016 = arith.constant 1 : i32
        %get3A_1017 = arith.index_cast %get3A_1016 : i32 to index
        %get3A_1018 = arith.index_cast %add3A_1015 : i32 to index
        %get3A_1019 = tpu.vector_load %arg8[%get3A_1017, %get3A_1018] {strides = array<i32>} : memref<8x3200xf32, #tpu.memory_space<vmem>>, vector<16xf32>,
        %mul3A_1020 = arith.mulf %get3A_1019, %gather3A_110 : vector<16xf32>
        %add3A_1021 = arith.addf %mul3A_1020, %gather3A_138 : vector<16xf32>
        %swap3A_1022 = arith.constant 1 : i32
        %swap3A_1023 = arith.index_cast %swap3A_1022 : i32 to index
        %swap3A_1024 = arith.index_cast %add3A_1015 : i32 to index
        %swap3A_1025 = tpu.vector_load %arg10[%swap3A_1023, %swap3A_1024] {strides = array<i32>} : memref<8x3200xf32, #tpu.memory_space<vmem>>, vector<16xf32>,
        tpu.vector_store %arg10[%swap3A_1023, %swap3A_1024], %add3A_1021 {strides = array<i32>} : memref<8x3200xf32, #tpu.memory_space<vmem>>, vector<16xf32>,
        %add3A_1026 = arith.constant 64 : i32
        %add3A_1027 = arith.addi %mul3A_971, %add3A_1026 : i32
        %add3A_1028 = arith.constant 0 : i32
        %add3A_1029 = arith.addi %add3A_1027, %add3A_1028 : i32
        %get3A_1030 = arith.constant 1 : i32
        %get3A_1031 = arith.index_cast %get3A_1030 : i32 to index
        %get3A_1032 = arith.index_cast %add3A_1029 : i32 to index
        %get3A_1033 = tpu.vector_load %arg8[%get3A_1031, %get3A_1032] {strides = array<i32>} : memref<8x3200xf32, #tpu.memory_space<vmem>>, vector<16xf32>,
        %mul3A_1034 = arith.mulf %get3A_1033, %gather3A_98 : vector<16xf32>
        %add3A_1035 = arith.addf %mul3A_1034, %gather3A_117 : vector<16xf32>
        %swap3A_1036 = arith.constant 1 : i32
        %swap3A_1037 = arith.index_cast %swap3A_1036 : i32 to index
        %swap3A_1038 = arith.index_cast %add3A_1029 : i32 to index
        %swap3A_1039 = tpu.vector_load %arg10[%swap3A_1037, %swap3A_1038] {strides = array<i32>} : memref<8x3200xf32, #tpu.memory_space<vmem>>, vector<16xf32>,
        tpu.vector_store %arg10[%swap3A_1037, %swap3A_1038], %add3A_1035 {strides = array<i32>} : memref<8x3200xf32, #tpu.memory_space<vmem>>, vector<16xf32>,
        %add3A_1040 = arith.constant 64 : i32
        %add3A_1041 = arith.addi %mul3A_971, %add3A_1040 : i32
        %add3A_1042 = arith.constant 16 : i32
        %add3A_1043 = arith.addi %add3A_1041, %add3A_1042 : i32
        %get3A_1044 = arith.constant 1 : i32
        %get3A_1045 = arith.index_cast %get3A_1044 : i32 to index
        %get3A_1046 = arith.index_cast %add3A_1043 : i32 to index
        %get3A_1047 = tpu.vector_load %arg8[%get3A_1045, %get3A_1046] {strides = array<i32>} : memref<8x3200xf32, #tpu.memory_space<vmem>>, vector<16xf32>,
        %mul3A_1048 = arith.mulf %get3A_1047, %gather3A_102 : vector<16xf32>
        %add3A_1049 = arith.addf %mul3A_1048, %gather3A_124 : vector<16xf32>
        %swap3A_1050 = arith.constant 1 : i32
        %swap3A_1051 = arith.index_cast %swap3A_1050 : i32 to index
        %swap3A_1052 = arith.index_cast %add3A_1043 : i32 to index
        %swap3A_1053 = tpu.vector_load %arg10[%swap3A_1051, %swap3A_1052] {strides = array<i32>} : memref<8x3200xf32, #tpu.memory_space<vmem>>, vector<16xf32>,
        tpu.vector_store %arg10[%swap3A_1051, %swap3A_1052], %add3A_1049 {strides = array<i32>} : memref<8x3200xf32, #tpu.memory_space<vmem>>, vector<16xf32>,
        %add3A_1054 = arith.constant 64 : i32
        %add3A_1055 = arith.addi %mul3A_971, %add3A_1054 : i32
        %add3A_1056 = arith.constant 32 : i32
        %add3A_1057 = arith.addi %add3A_1055, %add3A_1056 : i32
        %get3A_1058 = arith.constant 1 : i32
        %get3A_1059 = arith.index_cast %get3A_1058 : i32 to index
        %get3A_1060 = arith.index_cast %add3A_1057 : i32 to index
        %get3A_1061 = tpu.vector_load %arg8[%get3A_1059, %get3A_1060] {strides = array<i32>} : memref<8x3200xf32, #tpu.memory_space<vmem>>, vector<16xf32>,
        %mul3A_1062 = arith.mulf %get3A_1061, %gather3A_106 : vector<16xf32>
        %add3A_1063 = arith.addf %mul3A_1062, %gather3A_131 : vector<16xf32>
        %swap3A_1064 = arith.constant 1 : i32
        %swap3A_1065 = arith.index_cast %swap3A_1064 : i32 to index
        %swap3A_1066 = arith.index_cast %add3A_1057 : i32 to index
        %swap3A_1067 = tpu.vector_load %arg10[%swap3A_1065, %swap3A_1066] {strides = array<i32>} : memref<8x3200xf32, #tpu.memory_space<vmem>>, vector<16xf32>,
        tpu.vector_store %arg10[%swap3A_1065, %swap3A_1066], %add3A_1063 {strides = array<i32>} : memref<8x3200xf32, #tpu.memory_space<vmem>>, vector<16xf32>,
        %add3A_1068 = arith.constant 64 : i32
        %add3A_1069 = arith.addi %mul3A_971, %add3A_1068 : i32
        %add3A_1070 = arith.constant 48 : i32
        %add3A_1071 = arith.addi %add3A_1069, %add3A_1070 : i32
        %get3A_1072 = arith.constant 1 : i32
        %get3A_1073 = arith.index_cast %get3A_1072 : i32 to index
        %get3A_1074 = arith.index_cast %add3A_1071 : i32 to index
        %get3A_1075 = tpu.vector_load %arg8[%get3A_1073, %get3A_1074] {strides = array<i32>} : memref<8x3200xf32, #tpu.memory_space<vmem>>, vector<16xf32>,
        %mul3A_1076 = arith.mulf %get3A_1075, %gather3A_110 : vector<16xf32>
        %add3A_1077 = arith.addf %mul3A_1076, %gather3A_138 : vector<16xf32>
        %swap3A_1078 = arith.constant 1 : i32
        %swap3A_1079 = arith.index_cast %swap3A_1078 : i32 to index
        %swap3A_1080 = arith.index_cast %add3A_1071 : i32 to index
        %swap3A_1081 = tpu.vector_load %arg10[%swap3A_1079, %swap3A_1080] {strides = array<i32>} : memref<8x3200xf32, #tpu.memory_space<vmem>>, vector<16xf32>,
        tpu.vector_store %arg10[%swap3A_1079, %swap3A_1080], %add3A_1077 {strides = array<i32>} : memref<8x3200xf32, #tpu.memory_space<vmem>>, vector<16xf32>,
      }
      %scan3A_144 = arith.constant 25 : i32
      %mul3A_145 = arith.constant 8 : i32
      %mul3A_146 = arith.muli %add3A_28, %mul3A_145 : i32
      %add3A_147 = arith.constant 2 : i32
      %add3A_148 = arith.addi %mul3A_146, %add3A_147 : i32
      %broadcast_in_dim3A_149 = vector.broadcast %add3A_148 : i32 to vector<16xi32>
      %gather3A_150 = tpu.vector_load_idx %arg6[%broadcast_in_dim3A_149] : memref<512xi32, #tpu.memory_space<vmem>>[vector<16xi32>], vector<16xi32>,
      %add3A_151 = arith.constant 0 : i32
      %add3A_152 = vector.broadcast %add3A_151 : i32 to vector<16xi32>
      %add3A_153 = arith.addi %iota3A, %add3A_152 : vector<16xi32>
      %gather3A_154 = tpu.vector_load_idx %arg7[%gather3A_150, %add3A_153] : memref<128x128xf32, #tpu.memory_space<vmem>>[vector<16xi32>, vector<16xi32>], vector<16xf32>,
      %add3A_155 = arith.constant 16 : i32
      %add3A_156 = vector.broadcast %add3A_155 : i32 to vector<16xi32>
      %add3A_157 = arith.addi %iota3A, %add3A_156 : vector<16xi32>
      %gather3A_158 = tpu.vector_load_idx %arg7[%gather3A_150, %add3A_157] : memref<128x128xf32, #tpu.memory_space<vmem>>[vector<16xi32>, vector<16xi32>], vector<16xf32>,
      %add3A_159 = arith.constant 32 : i32
      %add3A_160 = vector.broadcast %add3A_159 : i32 to vector<16xi32>
      %add3A_161 = arith.addi %iota3A, %add3A_160 : vector<16xi32>
      %gather3A_162 = tpu.vector_load_idx %arg7[%gather3A_150, %add3A_161] : memref<128x128xf32, #tpu.memory_space<vmem>>[vector<16xi32>, vector<16xi32>], vector<16xf32>,
      %add3A_163 = arith.constant 48 : i32
      %add3A_164 = vector.broadcast %add3A_163 : i32 to vector<16xi32>
      %add3A_165 = arith.addi %iota3A, %add3A_164 : vector<16xi32>
      %gather3A_166 = tpu.vector_load_idx %arg7[%gather3A_150, %add3A_165] : memref<128x128xf32, #tpu.memory_space<vmem>>[vector<16xi32>, vector<16xi32>], vector<16xf32>,
      %add3A_167 = arith.constant 64 : i32
      %add3A_168 = vector.broadcast %add3A_167 : i32 to vector<16xi32>
      %add3A_169 = arith.addi %iota3A, %add3A_168 : vector<16xi32>
      %add3A_170 = arith.constant 0 : i32
      %add3A_171 = vector.broadcast %add3A_170 : i32 to vector<16xi32>
      %add3A_172 = arith.addi %add3A_169, %add3A_171 : vector<16xi32>
      %gather3A_173 = tpu.vector_load_idx %arg7[%gather3A_150, %add3A_172] : memref<128x128xf32, #tpu.memory_space<vmem>>[vector<16xi32>, vector<16xi32>], vector<16xf32>,
      %add3A_174 = arith.constant 64 : i32
      %add3A_175 = vector.broadcast %add3A_174 : i32 to vector<16xi32>
      %add3A_176 = arith.addi %iota3A, %add3A_175 : vector<16xi32>
      %add3A_177 = arith.constant 16 : i32
      %add3A_178 = vector.broadcast %add3A_177 : i32 to vector<16xi32>
      %add3A_179 = arith.addi %add3A_176, %add3A_178 : vector<16xi32>
      %gather3A_180 = tpu.vector_load_idx %arg7[%gather3A_150, %add3A_179] : memref<128x128xf32, #tpu.memory_space<vmem>>[vector<16xi32>, vector<16xi32>], vector<16xf32>,
      %add3A_181 = arith.constant 64 : i32
      %add3A_182 = vector.broadcast %add3A_181 : i32 to vector<16xi32>
      %add3A_183 = arith.addi %iota3A, %add3A_182 : vector<16xi32>
      %add3A_184 = arith.constant 32 : i32
      %add3A_185 = vector.broadcast %add3A_184 : i32 to vector<16xi32>
      %add3A_186 = arith.addi %add3A_183, %add3A_185 : vector<16xi32>
      %gather3A_187 = tpu.vector_load_idx %arg7[%gather3A_150, %add3A_186] : memref<128x128xf32, #tpu.memory_space<vmem>>[vector<16xi32>, vector<16xi32>], vector<16xf32>,
      %add3A_188 = arith.constant 64 : i32
      %add3A_189 = vector.broadcast %add3A_188 : i32 to vector<16xi32>
      %add3A_190 = arith.addi %iota3A, %add3A_189 : vector<16xi32>
      %add3A_191 = arith.constant 48 : i32
      %add3A_192 = vector.broadcast %add3A_191 : i32 to vector<16xi32>
      %add3A_193 = arith.addi %add3A_190, %add3A_192 : vector<16xi32>
      %gather3A_194 = tpu.vector_load_idx %arg7[%gather3A_150, %add3A_193] : memref<128x128xf32, #tpu.memory_space<vmem>>[vector<16xi32>, vector<16xi32>], vector<16xf32>,
      %scan3A_195 = arith.constant 0 : i32
      %scan3A_196 = arith.constant 0 : i32
      %scan3A_197 = arith.constant 25 : i32
      %scan3A_198 = arith.addi %scan3A_196, %scan3A_197 : i32
      %scan3A_199 = arith.constant 1 : i32
      scf.for %scan3A_969 = %scan3A_196 to %scan3A_198 step %scan3A_199  : i32 {
        %mul3A_970 = arith.constant 128 : i32
        %mul3A_971 = arith.muli %scan3A_969, %mul3A_970 : i32
        %add3A_972 = arith.constant 0 : i32
        %add3A_973 = arith.addi %mul3A_971, %add3A_972 : i32
        %add3A_974 = arith.constant 0 : i32
        %add3A_975 = arith.addi %add3A_973, %add3A_974 : i32
        %get3A = arith.constant 2 : i32
        %get3A_976 = arith.index_cast %get3A : i32 to index
        %get3A_977 = arith.index_cast %add3A_975 : i32 to index
        %get3A_978 = tpu.vector_load %arg8[%get3A_976, %get3A_977] {strides = array<i32>} : memref<8x3200xf32, #tpu.memory_space<vmem>>, vector<16xf32>,
        %mul3A_979 = arith.mulf %get3A_978, %gather3A_154 : vector<16xf32>
        %add3A_980 = arith.addf %mul3A_979, %gather3A_173 : vector<16xf32>
        %swap3A = arith.constant 2 : i32
        %swap3A_981 = arith.index_cast %swap3A : i32 to index
        %swap3A_982 = arith.index_cast %add3A_975 : i32 to index
        %swap3A_983 = tpu.vector_load %arg10[%swap3A_981, %swap3A_982] {strides = array<i32>} : memref<8x3200xf32, #tpu.memory_space<vmem>>, vector<16xf32>,
        tpu.vector_store %arg10[%swap3A_981, %swap3A_982], %add3A_980 {strides = array<i32>} : memref<8x3200xf32, #tpu.memory_space<vmem>>, vector<16xf32>,
        %add3A_984 = arith.constant 0 : i32
        %add3A_985 = arith.addi %mul3A_971, %add3A_984 : i32
        %add3A_986 = arith.constant 16 : i32
        %add3A_987 = arith.addi %add3A_985, %add3A_986 : i32
        %get3A_988 = arith.constant 2 : i32
        %get3A_989 = arith.index_cast %get3A_988 : i32 to index
        %get3A_990 = arith.index_cast %add3A_987 : i32 to index
        %get3A_991 = tpu.vector_load %arg8[%get3A_989, %get3A_990] {strides = array<i32>} : memref<8x3200xf32, #tpu.memory_space<vmem>>, vector<16xf32>,
        %mul3A_992 = arith.mulf %get3A_991, %gather3A_158 : vector<16xf32>
        %add3A_993 = arith.addf %mul3A_992, %gather3A_180 : vector<16xf32>
        %swap3A_994 = arith.constant 2 : i32
        %swap3A_995 = arith.index_cast %swap3A_994 : i32 to index
        %swap3A_996 = arith.index_cast %add3A_987 : i32 to index
        %swap3A_997 = tpu.vector_load %arg10[%swap3A_995, %swap3A_996] {strides = array<i32>} : memref<8x3200xf32, #tpu.memory_space<vmem>>, vector<16xf32>,
        tpu.vector_store %arg10[%swap3A_995, %swap3A_996], %add3A_993 {strides = array<i32>} : memref<8x3200xf32, #tpu.memory_space<vmem>>, vector<16xf32>,
        %add3A_998 = arith.constant 0 : i32
        %add3A_999 = arith.addi %mul3A_971, %add3A_998 : i32
        %add3A_1000 = arith.constant 32 : i32
        %add3A_1001 = arith.addi %add3A_999, %add3A_1000 : i32
        %get3A_1002 = arith.constant 2 : i32
        %get3A_1003 = arith.index_cast %get3A_1002 : i32 to index
        %get3A_1004 = arith.index_cast %add3A_1001 : i32 to index
        %get3A_1005 = tpu.vector_load %arg8[%get3A_1003, %get3A_1004] {strides = array<i32>} : memref<8x3200xf32, #tpu.memory_space<vmem>>, vector<16xf32>,
        %mul3A_1006 = arith.mulf %get3A_1005, %gather3A_162 : vector<16xf32>
        %add3A_1007 = arith.addf %mul3A_1006, %gather3A_187 : vector<16xf32>
        %swap3A_1008 = arith.constant 2 : i32
        %swap3A_1009 = arith.index_cast %swap3A_1008 : i32 to index
        %swap3A_1010 = arith.index_cast %add3A_1001 : i32 to index
        %swap3A_1011 = tpu.vector_load %arg10[%swap3A_1009, %swap3A_1010] {strides = array<i32>} : memref<8x3200xf32, #tpu.memory_space<vmem>>, vector<16xf32>,
        tpu.vector_store %arg10[%swap3A_1009, %swap3A_1010], %add3A_1007 {strides = array<i32>} : memref<8x3200xf32, #tpu.memory_space<vmem>>, vector<16xf32>,
        %add3A_1012 = arith.constant 0 : i32
        %add3A_1013 = arith.addi %mul3A_971, %add3A_1012 : i32
        %add3A_1014 = arith.constant 48 : i32
        %add3A_1015 = arith.addi %add3A_1013, %add3A_1014 : i32
        %get3A_1016 = arith.constant 2 : i32
        %get3A_1017 = arith.index_cast %get3A_1016 : i32 to index
        %get3A_1018 = arith.index_cast %add3A_1015 : i32 to index
        %get3A_1019 = tpu.vector_load %arg8[%get3A_1017, %get3A_1018] {strides = array<i32>} : memref<8x3200xf32, #tpu.memory_space<vmem>>, vector<16xf32>,
        %mul3A_1020 = arith.mulf %get3A_1019, %gather3A_166 : vector<16xf32>
        %add3A_1021 = arith.addf %mul3A_1020, %gather3A_194 : vector<16xf32>
        %swap3A_1022 = arith.constant 2 : i32
        %swap3A_1023 = arith.index_cast %swap3A_1022 : i32 to index
        %swap3A_1024 = arith.index_cast %add3A_1015 : i32 to index
        %swap3A_1025 = tpu.vector_load %arg10[%swap3A_1023, %swap3A_1024] {strides = array<i32>} : memref<8x3200xf32, #tpu.memory_space<vmem>>, vector<16xf32>,
        tpu.vector_store %arg10[%swap3A_1023, %swap3A_1024], %add3A_1021 {strides = array<i32>} : memref<8x3200xf32, #tpu.memory_space<vmem>>, vector<16xf32>,
        %add3A_1026 = arith.constant 64 : i32
        %add3A_1027 = arith.addi %mul3A_971, %add3A_1026 : i32
        %add3A_1028 = arith.constant 0 : i32
        %add3A_1029 = arith.addi %add3A_1027, %add3A_1028 : i32
        %get3A_1030 = arith.constant 2 : i32
        %get3A_1031 = arith.index_cast %get3A_1030 : i32 to index
        %get3A_1032 = arith.index_cast %add3A_1029 : i32 to index
        %get3A_1033 = tpu.vector_load %arg8[%get3A_1031, %get3A_1032] {strides = array<i32>} : memref<8x3200xf32, #tpu.memory_space<vmem>>, vector<16xf32>,
        %mul3A_1034 = arith.mulf %get3A_1033, %gather3A_154 : vector<16xf32>
        %add3A_1035 = arith.addf %mul3A_1034, %gather3A_173 : vector<16xf32>
        %swap3A_1036 = arith.constant 2 : i32
        %swap3A_1037 = arith.index_cast %swap3A_1036 : i32 to index
        %swap3A_1038 = arith.index_cast %add3A_1029 : i32 to index
        %swap3A_1039 = tpu.vector_load %arg10[%swap3A_1037, %swap3A_1038] {strides = array<i32>} : memref<8x3200xf32, #tpu.memory_space<vmem>>, vector<16xf32>,
        tpu.vector_store %arg10[%swap3A_1037, %swap3A_1038], %add3A_1035 {strides = array<i32>} : memref<8x3200xf32, #tpu.memory_space<vmem>>, vector<16xf32>,
        %add3A_1040 = arith.constant 64 : i32
        %add3A_1041 = arith.addi %mul3A_971, %add3A_1040 : i32
        %add3A_1042 = arith.constant 16 : i32
        %add3A_1043 = arith.addi %add3A_1041, %add3A_1042 : i32
        %get3A_1044 = arith.constant 2 : i32
        %get3A_1045 = arith.index_cast %get3A_1044 : i32 to index
        %get3A_1046 = arith.index_cast %add3A_1043 : i32 to index
        %get3A_1047 = tpu.vector_load %arg8[%get3A_1045, %get3A_1046] {strides = array<i32>} : memref<8x3200xf32, #tpu.memory_space<vmem>>, vector<16xf32>,
        %mul3A_1048 = arith.mulf %get3A_1047, %gather3A_158 : vector<16xf32>
        %add3A_1049 = arith.addf %mul3A_1048, %gather3A_180 : vector<16xf32>
        %swap3A_1050 = arith.constant 2 : i32
        %swap3A_1051 = arith.index_cast %swap3A_1050 : i32 to index
        %swap3A_1052 = arith.index_cast %add3A_1043 : i32 to index
        %swap3A_1053 = tpu.vector_load %arg10[%swap3A_1051, %swap3A_1052] {strides = array<i32>} : memref<8x3200xf32, #tpu.memory_space<vmem>>, vector<16xf32>,
        tpu.vector_store %arg10[%swap3A_1051, %swap3A_1052], %add3A_1049 {strides = array<i32>} : memref<8x3200xf32, #tpu.memory_space<vmem>>, vector<16xf32>,
        %add3A_1054 = arith.constant 64 : i32
        %add3A_1055 = arith.addi %mul3A_971, %add3A_1054 : i32
        %add3A_1056 = arith.constant 32 : i32
        %add3A_1057 = arith.addi %add3A_1055, %add3A_1056 : i32
        %get3A_1058 = arith.constant 2 : i32
        %get3A_1059 = arith.index_cast %get3A_1058 : i32 to index
        %get3A_1060 = arith.index_cast %add3A_1057 : i32 to index
        %get3A_1061 = tpu.vector_load %arg8[%get3A_1059, %get3A_1060] {strides = array<i32>} : memref<8x3200xf32, #tpu.memory_space<vmem>>, vector<16xf32>,
        %mul3A_1062 = arith.mulf %get3A_1061, %gather3A_162 : vector<16xf32>
        %add3A_1063 = arith.addf %mul3A_1062, %gather3A_187 : vector<16xf32>
        %swap3A_1064 = arith.constant 2 : i32
        %swap3A_1065 = arith.index_cast %swap3A_1064 : i32 to index
        %swap3A_1066 = arith.index_cast %add3A_1057 : i32 to index
        %swap3A_1067 = tpu.vector_load %arg10[%swap3A_1065, %swap3A_1066] {strides = array<i32>} : memref<8x3200xf32, #tpu.memory_space<vmem>>, vector<16xf32>,
        tpu.vector_store %arg10[%swap3A_1065, %swap3A_1066], %add3A_1063 {strides = array<i32>} : memref<8x3200xf32, #tpu.memory_space<vmem>>, vector<16xf32>,
        %add3A_1068 = arith.constant 64 : i32
        %add3A_1069 = arith.addi %mul3A_971, %add3A_1068 : i32
        %add3A_1070 = arith.constant 48 : i32
        %add3A_1071 = arith.addi %add3A_1069, %add3A_1070 : i32
        %get3A_1072 = arith.constant 2 : i32
        %get3A_1073 = arith.index_cast %get3A_1072 : i32 to index
        %get3A_1074 = arith.index_cast %add3A_1071 : i32 to index
        %get3A_1075 = tpu.vector_load %arg8[%get3A_1073, %get3A_1074] {strides = array<i32>} : memref<8x3200xf32, #tpu.memory_space<vmem>>, vector<16xf32>,
        %mul3A_1076 = arith.mulf %get3A_1075, %gather3A_166 : vector<16xf32>
        %add3A_1077 = arith.addf %mul3A_1076, %gather3A_194 : vector<16xf32>
        %swap3A_1078 = arith.constant 2 : i32
        %swap3A_1079 = arith.index_cast %swap3A_1078 : i32 to index
        %swap3A_1080 = arith.index_cast %add3A_1071 : i32 to index
        %swap3A_1081 = tpu.vector_load %arg10[%swap3A_1079, %swap3A_1080] {strides = array<i32>} : memref<8x3200xf32, #tpu.memory_space<vmem>>, vector<16xf32>,
        tpu.vector_store %arg10[%swap3A_1079, %swap3A_1080], %add3A_1077 {strides = array<i32>} : memref<8x3200xf32, #tpu.memory_space<vmem>>, vector<16xf32>,
      }
      %scan3A_200 = arith.constant 25 : i32
      %mul3A_201 = arith.constant 8 : i32
      %mul3A_202 = arith.muli %add3A_28, %mul3A_201 : i32
      %add3A_203 = arith.constant 3 : i32
      %add3A_204 = arith.addi %mul3A_202, %add3A_203 : i32
      %broadcast_in_dim3A_205 = vector.broadcast %add3A_204 : i32 to vector<16xi32>
      %gather3A_206 = tpu.vector_load_idx %arg6[%broadcast_in_dim3A_205] : memref<512xi32, #tpu.memory_space<vmem>>[vector<16xi32>], vector<16xi32>,
      %add3A_207 = arith.constant 0 : i32
      %add3A_208 = vector.broadcast %add3A_207 : i32 to vector<16xi32>
      %add3A_209 = arith.addi %iota3A, %add3A_208 : vector<16xi32>
      %gather3A_210 = tpu.vector_load_idx %arg7[%gather3A_206, %add3A_209] : memref<128x128xf32, #tpu.memory_space<vmem>>[vector<16xi32>, vector<16xi32>], vector<16xf32>,
      %add3A_211 = arith.constant 16 : i32
      %add3A_212 = vector.broadcast %add3A_211 : i32 to vector<16xi32>
      %add3A_213 = arith.addi %iota3A, %add3A_212 : vector<16xi32>
      %gather3A_214 = tpu.vector_load_idx %arg7[%gather3A_206, %add3A_213] : memref<128x128xf32, #tpu.memory_space<vmem>>[vector<16xi32>, vector<16xi32>], vector<16xf32>,
      %add3A_215 = arith.constant 32 : i32
      %add3A_216 = vector.broadcast %add3A_215 : i32 to vector<16xi32>
      %add3A_217 = arith.addi %iota3A, %add3A_216 : vector<16xi32>
      %gather3A_218 = tpu.vector_load_idx %arg7[%gather3A_206, %add3A_217] : memref<128x128xf32, #tpu.memory_space<vmem>>[vector<16xi32>, vector<16xi32>], vector<16xf32>,
      %add3A_219 = arith.constant 48 : i32
      %add3A_220 = vector.broadcast %add3A_219 : i32 to vector<16xi32>
      %add3A_221 = arith.addi %iota3A, %add3A_220 : vector<16xi32>
      %gather3A_222 = tpu.vector_load_idx %arg7[%gather3A_206, %add3A_221] : memref<128x128xf32, #tpu.memory_space<vmem>>[vector<16xi32>, vector<16xi32>], vector<16xf32>,
      %add3A_223 = arith.constant 64 : i32
      %add3A_224 = vector.broadcast %add3A_223 : i32 to vector<16xi32>
      %add3A_225 = arith.addi %iota3A, %add3A_224 : vector<16xi32>
      %add3A_226 = arith.constant 0 : i32
      %add3A_227 = vector.broadcast %add3A_226 : i32 to vector<16xi32>
      %add3A_228 = arith.addi %add3A_225, %add3A_227 : vector<16xi32>
      %gather3A_229 = tpu.vector_load_idx %arg7[%gather3A_206, %add3A_228] : memref<128x128xf32, #tpu.memory_space<vmem>>[vector<16xi32>, vector<16xi32>], vector<16xf32>,
      %add3A_230 = arith.constant 64 : i32
      %add3A_231 = vector.broadcast %add3A_230 : i32 to vector<16xi32>
      %add3A_232 = arith.addi %iota3A, %add3A_231 : vector<16xi32>
      %add3A_233 = arith.constant 16 : i32
      %add3A_234 = vector.broadcast %add3A_233 : i32 to vector<16xi32>
      %add3A_235 = arith.addi %add3A_232, %add3A_234 : vector<16xi32>
      %gather3A_236 = tpu.vector_load_idx %arg7[%gather3A_206, %add3A_235] : memref<128x128xf32, #tpu.memory_space<vmem>>[vector<16xi32>, vector<16xi32>], vector<16xf32>,
      %add3A_237 = arith.constant 64 : i32
      %add3A_238 = vector.broadcast %add3A_237 : i32 to vector<16xi32>
      %add3A_239 = arith.addi %iota3A, %add3A_238 : vector<16xi32>
      %add3A_240 = arith.constant 32 : i32
      %add3A_241 = vector.broadcast %add3A_240 : i32 to vector<16xi32>
      %add3A_242 = arith.addi %add3A_239, %add3A_241 : vector<16xi32>
      %gather3A_243 = tpu.vector_load_idx %arg7[%gather3A_206, %add3A_242] : memref<128x128xf32, #tpu.memory_space<vmem>>[vector<16xi32>, vector<16xi32>], vector<16xf32>,
      %add3A_244 = arith.constant 64 : i32
      %add3A_245 = vector.broadcast %add3A_244 : i32 to vector<16xi32>
      %add3A_246 = arith.addi %iota3A, %add3A_245 : vector<16xi32>
      %add3A_247 = arith.constant 48 : i32
      %add3A_248 = vector.broadcast %add3A_247 : i32 to vector<16xi32>
      %add3A_249 = arith.addi %add3A_246, %add3A_248 : vector<16xi32>
      %gather3A_250 = tpu.vector_load_idx %arg7[%gather3A_206, %add3A_249] : memref<128x128xf32, #tpu.memory_space<vmem>>[vector<16xi32>, vector<16xi32>], vector<16xf32>,
      %scan3A_251 = arith.constant 0 : i32
      %scan3A_252 = arith.constant 0 : i32
      %scan3A_253 = arith.constant 25 : i32
      %scan3A_254 = arith.addi %scan3A_252, %scan3A_253 : i32
      %scan3A_255 = arith.constant 1 : i32
      scf.for %scan3A_969 = %scan3A_252 to %scan3A_254 step %scan3A_255  : i32 {
        %mul3A_970 = arith.constant 128 : i32
        %mul3A_971 = arith.muli %scan3A_969, %mul3A_970 : i32
        %add3A_972 = arith.constant 0 : i32
        %add3A_973 = arith.addi %mul3A_971, %add3A_972 : i32
        %add3A_974 = arith.constant 0 : i32
        %add3A_975 = arith.addi %add3A_973, %add3A_974 : i32
        %get3A = arith.constant 3 : i32
        %get3A_976 = arith.index_cast %get3A : i32 to index
        %get3A_977 = arith.index_cast %add3A_975 : i32 to index
        %get3A_978 = tpu.vector_load %arg8[%get3A_976, %get3A_977] {strides = array<i32>} : memref<8x3200xf32, #tpu.memory_space<vmem>>, vector<16xf32>,
        %mul3A_979 = arith.mulf %get3A_978, %gather3A_210 : vector<16xf32>
        %add3A_980 = arith.addf %mul3A_979, %gather3A_229 : vector<16xf32>
        %swap3A = arith.constant 3 : i32
        %swap3A_981 = arith.index_cast %swap3A : i32 to index
        %swap3A_982 = arith.index_cast %add3A_975 : i32 to index
        %swap3A_983 = tpu.vector_load %arg10[%swap3A_981, %swap3A_982] {strides = array<i32>} : memref<8x3200xf32, #tpu.memory_space<vmem>>, vector<16xf32>,
        tpu.vector_store %arg10[%swap3A_981, %swap3A_982], %add3A_980 {strides = array<i32>} : memref<8x3200xf32, #tpu.memory_space<vmem>>, vector<16xf32>,
        %add3A_984 = arith.constant 0 : i32
        %add3A_985 = arith.addi %mul3A_971, %add3A_984 : i32
        %add3A_986 = arith.constant 16 : i32
        %add3A_987 = arith.addi %add3A_985, %add3A_986 : i32
        %get3A_988 = arith.constant 3 : i32
        %get3A_989 = arith.index_cast %get3A_988 : i32 to index
        %get3A_990 = arith.index_cast %add3A_987 : i32 to index
        %get3A_991 = tpu.vector_load %arg8[%get3A_989, %get3A_990] {strides = array<i32>} : memref<8x3200xf32, #tpu.memory_space<vmem>>, vector<16xf32>,
        %mul3A_992 = arith.mulf %get3A_991, %gather3A_214 : vector<16xf32>
        %add3A_993 = arith.addf %mul3A_992, %gather3A_236 : vector<16xf32>
        %swap3A_994 = arith.constant 3 : i32
        %swap3A_995 = arith.index_cast %swap3A_994 : i32 to index
        %swap3A_996 = arith.index_cast %add3A_987 : i32 to index
        %swap3A_997 = tpu.vector_load %arg10[%swap3A_995, %swap3A_996] {strides = array<i32>} : memref<8x3200xf32, #tpu.memory_space<vmem>>, vector<16xf32>,
        tpu.vector_store %arg10[%swap3A_995, %swap3A_996], %add3A_993 {strides = array<i32>} : memref<8x3200xf32, #tpu.memory_space<vmem>>, vector<16xf32>,
        %add3A_998 = arith.constant 0 : i32
        %add3A_999 = arith.addi %mul3A_971, %add3A_998 : i32
        %add3A_1000 = arith.constant 32 : i32
        %add3A_1001 = arith.addi %add3A_999, %add3A_1000 : i32
        %get3A_1002 = arith.constant 3 : i32
        %get3A_1003 = arith.index_cast %get3A_1002 : i32 to index
        %get3A_1004 = arith.index_cast %add3A_1001 : i32 to index
        %get3A_1005 = tpu.vector_load %arg8[%get3A_1003, %get3A_1004] {strides = array<i32>} : memref<8x3200xf32, #tpu.memory_space<vmem>>, vector<16xf32>,
        %mul3A_1006 = arith.mulf %get3A_1005, %gather3A_218 : vector<16xf32>
        %add3A_1007 = arith.addf %mul3A_1006, %gather3A_243 : vector<16xf32>
        %swap3A_1008 = arith.constant 3 : i32
        %swap3A_1009 = arith.index_cast %swap3A_1008 : i32 to index
        %swap3A_1010 = arith.index_cast %add3A_1001 : i32 to index
        %swap3A_1011 = tpu.vector_load %arg10[%swap3A_1009, %swap3A_1010] {strides = array<i32>} : memref<8x3200xf32, #tpu.memory_space<vmem>>, vector<16xf32>,
        tpu.vector_store %arg10[%swap3A_1009, %swap3A_1010], %add3A_1007 {strides = array<i32>} : memref<8x3200xf32, #tpu.memory_space<vmem>>, vector<16xf32>,
        %add3A_1012 = arith.constant 0 : i32
        %add3A_1013 = arith.addi %mul3A_971, %add3A_1012 : i32
        %add3A_1014 = arith.constant 48 : i32
        %add3A_1015 = arith.addi %add3A_1013, %add3A_1014 : i32
        %get3A_1016 = arith.constant 3 : i32
        %get3A_1017 = arith.index_cast %get3A_1016 : i32 to index
        %get3A_1018 = arith.index_cast %add3A_1015 : i32 to index
        %get3A_1019 = tpu.vector_load %arg8[%get3A_1017, %get3A_1018] {strides = array<i32>} : memref<8x3200xf32, #tpu.memory_space<vmem>>, vector<16xf32>,
        %mul3A_1020 = arith.mulf %get3A_1019, %gather3A_222 : vector<16xf32>
        %add3A_1021 = arith.addf %mul3A_1020, %gather3A_250 : vector<16xf32>
        %swap3A_1022 = arith.constant 3 : i32
        %swap3A_1023 = arith.index_cast %swap3A_1022 : i32 to index
        %swap3A_1024 = arith.index_cast %add3A_1015 : i32 to index
        %swap3A_1025 = tpu.vector_load %arg10[%swap3A_1023, %swap3A_1024] {strides = array<i32>} : memref<8x3200xf32, #tpu.memory_space<vmem>>, vector<16xf32>,
        tpu.vector_store %arg10[%swap3A_1023, %swap3A_1024], %add3A_1021 {strides = array<i32>} : memref<8x3200xf32, #tpu.memory_space<vmem>>, vector<16xf32>,
        %add3A_1026 = arith.constant 64 : i32
        %add3A_1027 = arith.addi %mul3A_971, %add3A_1026 : i32
        %add3A_1028 = arith.constant 0 : i32
        %add3A_1029 = arith.addi %add3A_1027, %add3A_1028 : i32
        %get3A_1030 = arith.constant 3 : i32
        %get3A_1031 = arith.index_cast %get3A_1030 : i32 to index
        %get3A_1032 = arith.index_cast %add3A_1029 : i32 to index
        %get3A_1033 = tpu.vector_load %arg8[%get3A_1031, %get3A_1032] {strides = array<i32>} : memref<8x3200xf32, #tpu.memory_space<vmem>>, vector<16xf32>,
        %mul3A_1034 = arith.mulf %get3A_1033, %gather3A_210 : vector<16xf32>
        %add3A_1035 = arith.addf %mul3A_1034, %gather3A_229 : vector<16xf32>
        %swap3A_1036 = arith.constant 3 : i32
        %swap3A_1037 = arith.index_cast %swap3A_1036 : i32 to index
        %swap3A_1038 = arith.index_cast %add3A_1029 : i32 to index
        %swap3A_1039 = tpu.vector_load %arg10[%swap3A_1037, %swap3A_1038] {strides = array<i32>} : memref<8x3200xf32, #tpu.memory_space<vmem>>, vector<16xf32>,
        tpu.vector_store %arg10[%swap3A_1037, %swap3A_1038], %add3A_1035 {strides = array<i32>} : memref<8x3200xf32, #tpu.memory_space<vmem>>, vector<16xf32>,
        %add3A_1040 = arith.constant 64 : i32
        %add3A_1041 = arith.addi %mul3A_971, %add3A_1040 : i32
        %add3A_1042 = arith.constant 16 : i32
        %add3A_1043 = arith.addi %add3A_1041, %add3A_1042 : i32
        %get3A_1044 = arith.constant 3 : i32
        %get3A_1045 = arith.index_cast %get3A_1044 : i32 to index
        %get3A_1046 = arith.index_cast %add3A_1043 : i32 to index
        %get3A_1047 = tpu.vector_load %arg8[%get3A_1045, %get3A_1046] {strides = array<i32>} : memref<8x3200xf32, #tpu.memory_space<vmem>>, vector<16xf32>,
        %mul3A_1048 = arith.mulf %get3A_1047, %gather3A_214 : vector<16xf32>
        %add3A_1049 = arith.addf %mul3A_1048, %gather3A_236 : vector<16xf32>
        %swap3A_1050 = arith.constant 3 : i32
        %swap3A_1051 = arith.index_cast %swap3A_1050 : i32 to index
        %swap3A_1052 = arith.index_cast %add3A_1043 : i32 to index
        %swap3A_1053 = tpu.vector_load %arg10[%swap3A_1051, %swap3A_1052] {strides = array<i32>} : memref<8x3200xf32, #tpu.memory_space<vmem>>, vector<16xf32>,
        tpu.vector_store %arg10[%swap3A_1051, %swap3A_1052], %add3A_1049 {strides = array<i32>} : memref<8x3200xf32, #tpu.memory_space<vmem>>, vector<16xf32>,
        %add3A_1054 = arith.constant 64 : i32
        %add3A_1055 = arith.addi %mul3A_971, %add3A_1054 : i32
        %add3A_1056 = arith.constant 32 : i32
        %add3A_1057 = arith.addi %add3A_1055, %add3A_1056 : i32
        %get3A_1058 = arith.constant 3 : i32
        %get3A_1059 = arith.index_cast %get3A_1058 : i32 to index
        %get3A_1060 = arith.index_cast %add3A_1057 : i32 to index
        %get3A_1061 = tpu.vector_load %arg8[%get3A_1059, %get3A_1060] {strides = array<i32>} : memref<8x3200xf32, #tpu.memory_space<vmem>>, vector<16xf32>,
        %mul3A_1062 = arith.mulf %get3A_1061, %gather3A_218 : vector<16xf32>
        %add3A_1063 = arith.addf %mul3A_1062, %gather3A_243 : vector<16xf32>
        %swap3A_1064 = arith.constant 3 : i32
        %swap3A_1065 = arith.index_cast %swap3A_1064 : i32 to index
        %swap3A_1066 = arith.index_cast %add3A_1057 : i32 to index
        %swap3A_1067 = tpu.vector_load %arg10[%swap3A_1065, %swap3A_1066] {strides = array<i32>} : memref<8x3200xf32, #tpu.memory_space<vmem>>, vector<16xf32>,
        tpu.vector_store %arg10[%swap3A_1065, %swap3A_1066], %add3A_1063 {strides = array<i32>} : memref<8x3200xf32, #tpu.memory_space<vmem>>, vector<16xf32>,
        %add3A_1068 = arith.constant 64 : i32
        %add3A_1069 = arith.addi %mul3A_971, %add3A_1068 : i32
        %add3A_1070 = arith.constant 48 : i32
        %add3A_1071 = arith.addi %add3A_1069, %add3A_1070 : i32
        %get3A_1072 = arith.constant 3 : i32
        %get3A_1073 = arith.index_cast %get3A_1072 : i32 to index
        %get3A_1074 = arith.index_cast %add3A_1071 : i32 to index
        %get3A_1075 = tpu.vector_load %arg8[%get3A_1073, %get3A_1074] {strides = array<i32>} : memref<8x3200xf32, #tpu.memory_space<vmem>>, vector<16xf32>,
        %mul3A_1076 = arith.mulf %get3A_1075, %gather3A_222 : vector<16xf32>
        %add3A_1077 = arith.addf %mul3A_1076, %gather3A_250 : vector<16xf32>
        %swap3A_1078 = arith.constant 3 : i32
        %swap3A_1079 = arith.index_cast %swap3A_1078 : i32 to index
        %swap3A_1080 = arith.index_cast %add3A_1071 : i32 to index
        %swap3A_1081 = tpu.vector_load %arg10[%swap3A_1079, %swap3A_1080] {strides = array<i32>} : memref<8x3200xf32, #tpu.memory_space<vmem>>, vector<16xf32>,
        tpu.vector_store %arg10[%swap3A_1079, %swap3A_1080], %add3A_1077 {strides = array<i32>} : memref<8x3200xf32, #tpu.memory_space<vmem>>, vector<16xf32>,
      }
      %scan3A_256 = arith.constant 25 : i32
      %mul3A_257 = arith.constant 8 : i32
      %mul3A_258 = arith.muli %add3A_28, %mul3A_257 : i32
      %add3A_259 = arith.constant 4 : i32
      %add3A_260 = arith.addi %mul3A_258, %add3A_259 : i32
      %broadcast_in_dim3A_261 = vector.broadcast %add3A_260 : i32 to vector<16xi32>
      %gather3A_262 = tpu.vector_load_idx %arg6[%broadcast_in_dim3A_261] : memref<512xi32, #tpu.memory_space<vmem>>[vector<16xi32>], vector<16xi32>,
      %add3A_263 = arith.constant 0 : i32
      %add3A_264 = vector.broadcast %add3A_263 : i32 to vector<16xi32>
      %add3A_265 = arith.addi %iota3A, %add3A_264 : vector<16xi32>
      %gather3A_266 = tpu.vector_load_idx %arg7[%gather3A_262, %add3A_265] : memref<128x128xf32, #tpu.memory_space<vmem>>[vector<16xi32>, vector<16xi32>], vector<16xf32>,
      %add3A_267 = arith.constant 16 : i32
      %add3A_268 = vector.broadcast %add3A_267 : i32 to vector<16xi32>
      %add3A_269 = arith.addi %iota3A, %add3A_268 : vector<16xi32>
      %gather3A_270 = tpu.vector_load_idx %arg7[%gather3A_262, %add3A_269] : memref<128x128xf32, #tpu.memory_space<vmem>>[vector<16xi32>, vector<16xi32>], vector<16xf32>,
      %add3A_271 = arith.constant 32 : i32
      %add3A_272 = vector.broadcast %add3A_271 : i32 to vector<16xi32>
      %add3A_273 = arith.addi %iota3A, %add3A_272 : vector<16xi32>
      %gather3A_274 = tpu.vector_load_idx %arg7[%gather3A_262, %add3A_273] : memref<128x128xf32, #tpu.memory_space<vmem>>[vector<16xi32>, vector<16xi32>], vector<16xf32>,
      %add3A_275 = arith.constant 48 : i32
      %add3A_276 = vector.broadcast %add3A_275 : i32 to vector<16xi32>
      %add3A_277 = arith.addi %iota3A, %add3A_276 : vector<16xi32>
      %gather3A_278 = tpu.vector_load_idx %arg7[%gather3A_262, %add3A_277] : memref<128x128xf32, #tpu.memory_space<vmem>>[vector<16xi32>, vector<16xi32>], vector<16xf32>,
      %add3A_279 = arith.constant 64 : i32
      %add3A_280 = vector.broadcast %add3A_279 : i32 to vector<16xi32>
      %add3A_281 = arith.addi %iota3A, %add3A_280 : vector<16xi32>
      %add3A_282 = arith.constant 0 : i32
      %add3A_283 = vector.broadcast %add3A_282 : i32 to vector<16xi32>
      %add3A_284 = arith.addi %add3A_281, %add3A_283 : vector<16xi32>
      %gather3A_285 = tpu.vector_load_idx %arg7[%gather3A_262, %add3A_284] : memref<128x128xf32, #tpu.memory_space<vmem>>[vector<16xi32>, vector<16xi32>], vector<16xf32>,
      %add3A_286 = arith.constant 64 : i32
      %add3A_287 = vector.broadcast %add3A_286 : i32 to vector<16xi32>
      %add3A_288 = arith.addi %iota3A, %add3A_287 : vector<16xi32>
      %add3A_289 = arith.constant 16 : i32
      %add3A_290 = vector.broadcast %add3A_289 : i32 to vector<16xi32>
      %add3A_291 = arith.addi %add3A_288, %add3A_290 : vector<16xi32>
      %gather3A_292 = tpu.vector_load_idx %arg7[%gather3A_262, %add3A_291] : memref<128x128xf32, #tpu.memory_space<vmem>>[vector<16xi32>, vector<16xi32>], vector<16xf32>,
      %add3A_293 = arith.constant 64 : i32
      %add3A_294 = vector.broadcast %add3A_293 : i32 to vector<16xi32>
      %add3A_295 = arith.addi %iota3A, %add3A_294 : vector<16xi32>
      %add3A_296 = arith.constant 32 : i32
      %add3A_297 = vector.broadcast %add3A_296 : i32 to vector<16xi32>
      %add3A_298 = arith.addi %add3A_295, %add3A_297 : vector<16xi32>
      %gather3A_299 = tpu.vector_load_idx %arg7[%gather3A_262, %add3A_298] : memref<128x128xf32, #tpu.memory_space<vmem>>[vector<16xi32>, vector<16xi32>], vector<16xf32>,
      %add3A_300 = arith.constant 64 : i32
      %add3A_301 = vector.broadcast %add3A_300 : i32 to vector<16xi32>
      %add3A_302 = arith.addi %iota3A, %add3A_301 : vector<16xi32>
      %add3A_303 = arith.constant 48 : i32
      %add3A_304 = vector.broadcast %add3A_303 : i32 to vector<16xi32>
      %add3A_305 = arith.addi %add3A_302, %add3A_304 : vector<16xi32>
      %gather3A_306 = tpu.vector_load_idx %arg7[%gather3A_262, %add3A_305] : memref<128x128xf32, #tpu.memory_space<vmem>>[vector<16xi32>, vector<16xi32>], vector<16xf32>,
      %scan3A_307 = arith.constant 0 : i32
      %scan3A_308 = arith.constant 0 : i32
      %scan3A_309 = arith.constant 25 : i32
      %scan3A_310 = arith.addi %scan3A_308, %scan3A_309 : i32
      %scan3A_311 = arith.constant 1 : i32
      scf.for %scan3A_969 = %scan3A_308 to %scan3A_310 step %scan3A_311  : i32 {
        %mul3A_970 = arith.constant 128 : i32
        %mul3A_971 = arith.muli %scan3A_969, %mul3A_970 : i32
        %add3A_972 = arith.constant 0 : i32
        %add3A_973 = arith.addi %mul3A_971, %add3A_972 : i32
        %add3A_974 = arith.constant 0 : i32
        %add3A_975 = arith.addi %add3A_973, %add3A_974 : i32
        %get3A = arith.constant 4 : i32
        %get3A_976 = arith.index_cast %get3A : i32 to index
        %get3A_977 = arith.index_cast %add3A_975 : i32 to index
        %get3A_978 = tpu.vector_load %arg8[%get3A_976, %get3A_977] {strides = array<i32>} : memref<8x3200xf32, #tpu.memory_space<vmem>>, vector<16xf32>,
        %mul3A_979 = arith.mulf %get3A_978, %gather3A_266 : vector<16xf32>
        %add3A_980 = arith.addf %mul3A_979, %gather3A_285 : vector<16xf32>
        %swap3A = arith.constant 4 : i32
        %swap3A_981 = arith.index_cast %swap3A : i32 to index
        %swap3A_982 = arith.index_cast %add3A_975 : i32 to index
        %swap3A_983 = tpu.vector_load %arg10[%swap3A_981, %swap3A_982] {strides = array<i32>} : memref<8x3200xf32, #tpu.memory_space<vmem>>, vector<16xf32>,
        tpu.vector_store %arg10[%swap3A_981, %swap3A_982], %add3A_980 {strides = array<i32>} : memref<8x3200xf32, #tpu.memory_space<vmem>>, vector<16xf32>,
        %add3A_984 = arith.constant 0 : i32
        %add3A_985 = arith.addi %mul3A_971, %add3A_984 : i32
        %add3A_986 = arith.constant 16 : i32
        %add3A_987 = arith.addi %add3A_985, %add3A_986 : i32
        %get3A_988 = arith.constant 4 : i32
        %get3A_989 = arith.index_cast %get3A_988 : i32 to index
        %get3A_990 = arith.index_cast %add3A_987 : i32 to index
        %get3A_991 = tpu.vector_load %arg8[%get3A_989, %get3A_990] {strides = array<i32>} : memref<8x3200xf32, #tpu.memory_space<vmem>>, vector<16xf32>,
        %mul3A_992 = arith.mulf %get3A_991, %gather3A_270 : vector<16xf32>
        %add3A_993 = arith.addf %mul3A_992, %gather3A_292 : vector<16xf32>
        %swap3A_994 = arith.constant 4 : i32
        %swap3A_995 = arith.index_cast %swap3A_994 : i32 to index
        %swap3A_996 = arith.index_cast %add3A_987 : i32 to index
        %swap3A_997 = tpu.vector_load %arg10[%swap3A_995, %swap3A_996] {strides = array<i32>} : memref<8x3200xf32, #tpu.memory_space<vmem>>, vector<16xf32>,
        tpu.vector_store %arg10[%swap3A_995, %swap3A_996], %add3A_993 {strides = array<i32>} : memref<8x3200xf32, #tpu.memory_space<vmem>>, vector<16xf32>,
        %add3A_998 = arith.constant 0 : i32
        %add3A_999 = arith.addi %mul3A_971, %add3A_998 : i32
        %add3A_1000 = arith.constant 32 : i32
        %add3A_1001 = arith.addi %add3A_999, %add3A_1000 : i32
        %get3A_1002 = arith.constant 4 : i32
        %get3A_1003 = arith.index_cast %get3A_1002 : i32 to index
        %get3A_1004 = arith.index_cast %add3A_1001 : i32 to index
        %get3A_1005 = tpu.vector_load %arg8[%get3A_1003, %get3A_1004] {strides = array<i32>} : memref<8x3200xf32, #tpu.memory_space<vmem>>, vector<16xf32>,
        %mul3A_1006 = arith.mulf %get3A_1005, %gather3A_274 : vector<16xf32>
        %add3A_1007 = arith.addf %mul3A_1006, %gather3A_299 : vector<16xf32>
        %swap3A_1008 = arith.constant 4 : i32
        %swap3A_1009 = arith.index_cast %swap3A_1008 : i32 to index
        %swap3A_1010 = arith.index_cast %add3A_1001 : i32 to index
        %swap3A_1011 = tpu.vector_load %arg10[%swap3A_1009, %swap3A_1010] {strides = array<i32>} : memref<8x3200xf32, #tpu.memory_space<vmem>>, vector<16xf32>,
        tpu.vector_store %arg10[%swap3A_1009, %swap3A_1010], %add3A_1007 {strides = array<i32>} : memref<8x3200xf32, #tpu.memory_space<vmem>>, vector<16xf32>,
        %add3A_1012 = arith.constant 0 : i32
        %add3A_1013 = arith.addi %mul3A_971, %add3A_1012 : i32
        %add3A_1014 = arith.constant 48 : i32
        %add3A_1015 = arith.addi %add3A_1013, %add3A_1014 : i32
        %get3A_1016 = arith.constant 4 : i32
        %get3A_1017 = arith.index_cast %get3A_1016 : i32 to index
        %get3A_1018 = arith.index_cast %add3A_1015 : i32 to index
        %get3A_1019 = tpu.vector_load %arg8[%get3A_1017, %get3A_1018] {strides = array<i32>} : memref<8x3200xf32, #tpu.memory_space<vmem>>, vector<16xf32>,
        %mul3A_1020 = arith.mulf %get3A_1019, %gather3A_278 : vector<16xf32>
        %add3A_1021 = arith.addf %mul3A_1020, %gather3A_306 : vector<16xf32>
        %swap3A_1022 = arith.constant 4 : i32
        %swap3A_1023 = arith.index_cast %swap3A_1022 : i32 to index
        %swap3A_1024 = arith.index_cast %add3A_1015 : i32 to index
        %swap3A_1025 = tpu.vector_load %arg10[%swap3A_1023, %swap3A_1024] {strides = array<i32>} : memref<8x3200xf32, #tpu.memory_space<vmem>>, vector<16xf32>,
        tpu.vector_store %arg10[%swap3A_1023, %swap3A_1024], %add3A_1021 {strides = array<i32>} : memref<8x3200xf32, #tpu.memory_space<vmem>>, vector<16xf32>,
        %add3A_1026 = arith.constant 64 : i32
        %add3A_1027 = arith.addi %mul3A_971, %add3A_1026 : i32
        %add3A_1028 = arith.constant 0 : i32
        %add3A_1029 = arith.addi %add3A_1027, %add3A_1028 : i32
        %get3A_1030 = arith.constant 4 : i32
        %get3A_1031 = arith.index_cast %get3A_1030 : i32 to index
        %get3A_1032 = arith.index_cast %add3A_1029 : i32 to index
        %get3A_1033 = tpu.vector_load %arg8[%get3A_1031, %get3A_1032] {strides = array<i32>} : memref<8x3200xf32, #tpu.memory_space<vmem>>, vector<16xf32>,
        %mul3A_1034 = arith.mulf %get3A_1033, %gather3A_266 : vector<16xf32>
        %add3A_1035 = arith.addf %mul3A_1034, %gather3A_285 : vector<16xf32>
        %swap3A_1036 = arith.constant 4 : i32
        %swap3A_1037 = arith.index_cast %swap3A_1036 : i32 to index
        %swap3A_1038 = arith.index_cast %add3A_1029 : i32 to index
        %swap3A_1039 = tpu.vector_load %arg10[%swap3A_1037, %swap3A_1038] {strides = array<i32>} : memref<8x3200xf32, #tpu.memory_space<vmem>>, vector<16xf32>,
        tpu.vector_store %arg10[%swap3A_1037, %swap3A_1038], %add3A_1035 {strides = array<i32>} : memref<8x3200xf32, #tpu.memory_space<vmem>>, vector<16xf32>,
        %add3A_1040 = arith.constant 64 : i32
        %add3A_1041 = arith.addi %mul3A_971, %add3A_1040 : i32
        %add3A_1042 = arith.constant 16 : i32
        %add3A_1043 = arith.addi %add3A_1041, %add3A_1042 : i32
        %get3A_1044 = arith.constant 4 : i32
        %get3A_1045 = arith.index_cast %get3A_1044 : i32 to index
        %get3A_1046 = arith.index_cast %add3A_1043 : i32 to index
        %get3A_1047 = tpu.vector_load %arg8[%get3A_1045, %get3A_1046] {strides = array<i32>} : memref<8x3200xf32, #tpu.memory_space<vmem>>, vector<16xf32>,
        %mul3A_1048 = arith.mulf %get3A_1047, %gather3A_270 : vector<16xf32>
        %add3A_1049 = arith.addf %mul3A_1048, %gather3A_292 : vector<16xf32>
        %swap3A_1050 = arith.constant 4 : i32
        %swap3A_1051 = arith.index_cast %swap3A_1050 : i32 to index
        %swap3A_1052 = arith.index_cast %add3A_1043 : i32 to index
        %swap3A_1053 = tpu.vector_load %arg10[%swap3A_1051, %swap3A_1052] {strides = array<i32>} : memref<8x3200xf32, #tpu.memory_space<vmem>>, vector<16xf32>,
        tpu.vector_store %arg10[%swap3A_1051, %swap3A_1052], %add3A_1049 {strides = array<i32>} : memref<8x3200xf32, #tpu.memory_space<vmem>>, vector<16xf32>,
        %add3A_1054 = arith.constant 64 : i32
        %add3A_1055 = arith.addi %mul3A_971, %add3A_1054 : i32
        %add3A_1056 = arith.constant 32 : i32
        %add3A_1057 = arith.addi %add3A_1055, %add3A_1056 : i32
        %get3A_1058 = arith.constant 4 : i32
        %get3A_1059 = arith.index_cast %get3A_1058 : i32 to index
        %get3A_1060 = arith.index_cast %add3A_1057 : i32 to index
        %get3A_1061 = tpu.vector_load %arg8[%get3A_1059, %get3A_1060] {strides = array<i32>} : memref<8x3200xf32, #tpu.memory_space<vmem>>, vector<16xf32>,
        %mul3A_1062 = arith.mulf %get3A_1061, %gather3A_274 : vector<16xf32>
        %add3A_1063 = arith.addf %mul3A_1062, %gather3A_299 : vector<16xf32>
        %swap3A_1064 = arith.constant 4 : i32
        %swap3A_1065 = arith.index_cast %swap3A_1064 : i32 to index
        %swap3A_1066 = arith.index_cast %add3A_1057 : i32 to index
        %swap3A_1067 = tpu.vector_load %arg10[%swap3A_1065, %swap3A_1066] {strides = array<i32>} : memref<8x3200xf32, #tpu.memory_space<vmem>>, vector<16xf32>,
        tpu.vector_store %arg10[%swap3A_1065, %swap3A_1066], %add3A_1063 {strides = array<i32>} : memref<8x3200xf32, #tpu.memory_space<vmem>>, vector<16xf32>,
        %add3A_1068 = arith.constant 64 : i32
        %add3A_1069 = arith.addi %mul3A_971, %add3A_1068 : i32
        %add3A_1070 = arith.constant 48 : i32
        %add3A_1071 = arith.addi %add3A_1069, %add3A_1070 : i32
        %get3A_1072 = arith.constant 4 : i32
        %get3A_1073 = arith.index_cast %get3A_1072 : i32 to index
        %get3A_1074 = arith.index_cast %add3A_1071 : i32 to index
        %get3A_1075 = tpu.vector_load %arg8[%get3A_1073, %get3A_1074] {strides = array<i32>} : memref<8x3200xf32, #tpu.memory_space<vmem>>, vector<16xf32>,
        %mul3A_1076 = arith.mulf %get3A_1075, %gather3A_278 : vector<16xf32>
        %add3A_1077 = arith.addf %mul3A_1076, %gather3A_306 : vector<16xf32>
        %swap3A_1078 = arith.constant 4 : i32
        %swap3A_1079 = arith.index_cast %swap3A_1078 : i32 to index
        %swap3A_1080 = arith.index_cast %add3A_1071 : i32 to index
        %swap3A_1081 = tpu.vector_load %arg10[%swap3A_1079, %swap3A_1080] {strides = array<i32>} : memref<8x3200xf32, #tpu.memory_space<vmem>>, vector<16xf32>,
        tpu.vector_store %arg10[%swap3A_1079, %swap3A_1080], %add3A_1077 {strides = array<i32>} : memref<8x3200xf32, #tpu.memory_space<vmem>>, vector<16xf32>,
      }
      %scan3A_312 = arith.constant 25 : i32
      %mul3A_313 = arith.constant 8 : i32
      %mul3A_314 = arith.muli %add3A_28, %mul3A_313 : i32
      %add3A_315 = arith.constant 5 : i32
      %add3A_316 = arith.addi %mul3A_314, %add3A_315 : i32
      %broadcast_in_dim3A_317 = vector.broadcast %add3A_316 : i32 to vector<16xi32>
      %gather3A_318 = tpu.vector_load_idx %arg6[%broadcast_in_dim3A_317] : memref<512xi32, #tpu.memory_space<vmem>>[vector<16xi32>], vector<16xi32>,
      %add3A_319 = arith.constant 0 : i32
      %add3A_320 = vector.broadcast %add3A_319 : i32 to vector<16xi32>
      %add3A_321 = arith.addi %iota3A, %add3A_320 : vector<16xi32>
      %gather3A_322 = tpu.vector_load_idx %arg7[%gather3A_318, %add3A_321] : memref<128x128xf32, #tpu.memory_space<vmem>>[vector<16xi32>, vector<16xi32>], vector<16xf32>,
      %add3A_323 = arith.constant 16 : i32
      %add3A_324 = vector.broadcast %add3A_323 : i32 to vector<16xi32>
      %add3A_325 = arith.addi %iota3A, %add3A_324 : vector<16xi32>
      %gather3A_326 = tpu.vector_load_idx %arg7[%gather3A_318, %add3A_325] : memref<128x128xf32, #tpu.memory_space<vmem>>[vector<16xi32>, vector<16xi32>], vector<16xf32>,
      %add3A_327 = arith.constant 32 : i32
      %add3A_328 = vector.broadcast %add3A_327 : i32 to vector<16xi32>
      %add3A_329 = arith.addi %iota3A, %add3A_328 : vector<16xi32>
      %gather3A_330 = tpu.vector_load_idx %arg7[%gather3A_318, %add3A_329] : memref<128x128xf32, #tpu.memory_space<vmem>>[vector<16xi32>, vector<16xi32>], vector<16xf32>,
      %add3A_331 = arith.constant 48 : i32
      %add3A_332 = vector.broadcast %add3A_331 : i32 to vector<16xi32>
      %add3A_333 = arith.addi %iota3A, %add3A_332 : vector<16xi32>
      %gather3A_334 = tpu.vector_load_idx %arg7[%gather3A_318, %add3A_333] : memref<128x128xf32, #tpu.memory_space<vmem>>[vector<16xi32>, vector<16xi32>], vector<16xf32>,
      %add3A_335 = arith.constant 64 : i32
      %add3A_336 = vector.broadcast %add3A_335 : i32 to vector<16xi32>
      %add3A_337 = arith.addi %iota3A, %add3A_336 : vector<16xi32>
      %add3A_338 = arith.constant 0 : i32
      %add3A_339 = vector.broadcast %add3A_338 : i32 to vector<16xi32>
      %add3A_340 = arith.addi %add3A_337, %add3A_339 : vector<16xi32>
      %gather3A_341 = tpu.vector_load_idx %arg7[%gather3A_318, %add3A_340] : memref<128x128xf32, #tpu.memory_space<vmem>>[vector<16xi32>, vector<16xi32>], vector<16xf32>,
      %add3A_342 = arith.constant 64 : i32
      %add3A_343 = vector.broadcast %add3A_342 : i32 to vector<16xi32>
      %add3A_344 = arith.addi %iota3A, %add3A_343 : vector<16xi32>
      %add3A_345 = arith.constant 16 : i32
      %add3A_346 = vector.broadcast %add3A_345 : i32 to vector<16xi32>
      %add3A_347 = arith.addi %add3A_344, %add3A_346 : vector<16xi32>
      %gather3A_348 = tpu.vector_load_idx %arg7[%gather3A_318, %add3A_347] : memref<128x128xf32, #tpu.memory_space<vmem>>[vector<16xi32>, vector<16xi32>], vector<16xf32>,
      %add3A_349 = arith.constant 64 : i32
      %add3A_350 = vector.broadcast %add3A_349 : i32 to vector<16xi32>
      %add3A_351 = arith.addi %iota3A, %add3A_350 : vector<16xi32>
      %add3A_352 = arith.constant 32 : i32
      %add3A_353 = vector.broadcast %add3A_352 : i32 to vector<16xi32>
      %add3A_354 = arith.addi %add3A_351, %add3A_353 : vector<16xi32>
      %gather3A_355 = tpu.vector_load_idx %arg7[%gather3A_318, %add3A_354] : memref<128x128xf32, #tpu.memory_space<vmem>>[vector<16xi32>, vector<16xi32>], vector<16xf32>,
      %add3A_356 = arith.constant 64 : i32
      %add3A_357 = vector.broadcast %add3A_356 : i32 to vector<16xi32>
      %add3A_358 = arith.addi %iota3A, %add3A_357 : vector<16xi32>
      %add3A_359 = arith.constant 48 : i32
      %add3A_360 = vector.broadcast %add3A_359 : i32 to vector<16xi32>
      %add3A_361 = arith.addi %add3A_358, %add3A_360 : vector<16xi32>
      %gather3A_362 = tpu.vector_load_idx %arg7[%gather3A_318, %add3A_361] : memref<128x128xf32, #tpu.memory_space<vmem>>[vector<16xi32>, vector<16xi32>], vector<16xf32>,
      %scan3A_363 = arith.constant 0 : i32
      %scan3A_364 = arith.constant 0 : i32
      %scan3A_365 = arith.constant 25 : i32
      %scan3A_366 = arith.addi %scan3A_364, %scan3A_365 : i32
      %scan3A_367 = arith.constant 1 : i32
      scf.for %scan3A_969 = %scan3A_364 to %scan3A_366 step %scan3A_367  : i32 {
        %mul3A_970 = arith.constant 128 : i32
        %mul3A_971 = arith.muli %scan3A_969, %mul3A_970 : i32
        %add3A_972 = arith.constant 0 : i32
        %add3A_973 = arith.addi %mul3A_971, %add3A_972 : i32
        %add3A_974 = arith.constant 0 : i32
        %add3A_975 = arith.addi %add3A_973, %add3A_974 : i32
        %get3A = arith.constant 5 : i32
        %get3A_976 = arith.index_cast %get3A : i32 to index
        %get3A_977 = arith.index_cast %add3A_975 : i32 to index
        %get3A_978 = tpu.vector_load %arg8[%get3A_976, %get3A_977] {strides = array<i32>} : memref<8x3200xf32, #tpu.memory_space<vmem>>, vector<16xf32>,
        %mul3A_979 = arith.mulf %get3A_978, %gather3A_322 : vector<16xf32>
        %add3A_980 = arith.addf %mul3A_979, %gather3A_341 : vector<16xf32>
        %swap3A = arith.constant 5 : i32
        %swap3A_981 = arith.index_cast %swap3A : i32 to index
        %swap3A_982 = arith.index_cast %add3A_975 : i32 to index
        %swap3A_983 = tpu.vector_load %arg10[%swap3A_981, %swap3A_982] {strides = array<i32>} : memref<8x3200xf32, #tpu.memory_space<vmem>>, vector<16xf32>,
        tpu.vector_store %arg10[%swap3A_981, %swap3A_982], %add3A_980 {strides = array<i32>} : memref<8x3200xf32, #tpu.memory_space<vmem>>, vector<16xf32>,
        %add3A_984 = arith.constant 0 : i32
        %add3A_985 = arith.addi %mul3A_971, %add3A_984 : i32
        %add3A_986 = arith.constant 16 : i32
        %add3A_987 = arith.addi %add3A_985, %add3A_986 : i32
        %get3A_988 = arith.constant 5 : i32
        %get3A_989 = arith.index_cast %get3A_988 : i32 to index
        %get3A_990 = arith.index_cast %add3A_987 : i32 to index
        %get3A_991 = tpu.vector_load %arg8[%get3A_989, %get3A_990] {strides = array<i32>} : memref<8x3200xf32, #tpu.memory_space<vmem>>, vector<16xf32>,
        %mul3A_992 = arith.mulf %get3A_991, %gather3A_326 : vector<16xf32>
        %add3A_993 = arith.addf %mul3A_992, %gather3A_348 : vector<16xf32>
        %swap3A_994 = arith.constant 5 : i32
        %swap3A_995 = arith.index_cast %swap3A_994 : i32 to index
        %swap3A_996 = arith.index_cast %add3A_987 : i32 to index
        %swap3A_997 = tpu.vector_load %arg10[%swap3A_995, %swap3A_996] {strides = array<i32>} : memref<8x3200xf32, #tpu.memory_space<vmem>>, vector<16xf32>,
        tpu.vector_store %arg10[%swap3A_995, %swap3A_996], %add3A_993 {strides = array<i32>} : memref<8x3200xf32, #tpu.memory_space<vmem>>, vector<16xf32>,
        %add3A_998 = arith.constant 0 : i32
        %add3A_999 = arith.addi %mul3A_971, %add3A_998 : i32
        %add3A_1000 = arith.constant 32 : i32
        %add3A_1001 = arith.addi %add3A_999, %add3A_1000 : i32
        %get3A_1002 = arith.constant 5 : i32
        %get3A_1003 = arith.index_cast %get3A_1002 : i32 to index
        %get3A_1004 = arith.index_cast %add3A_1001 : i32 to index
        %get3A_1005 = tpu.vector_load %arg8[%get3A_1003, %get3A_1004] {strides = array<i32>} : memref<8x3200xf32, #tpu.memory_space<vmem>>, vector<16xf32>,
        %mul3A_1006 = arith.mulf %get3A_1005, %gather3A_330 : vector<16xf32>
        %add3A_1007 = arith.addf %mul3A_1006, %gather3A_355 : vector<16xf32>
        %swap3A_1008 = arith.constant 5 : i32
        %swap3A_1009 = arith.index_cast %swap3A_1008 : i32 to index
        %swap3A_1010 = arith.index_cast %add3A_1001 : i32 to index
        %swap3A_1011 = tpu.vector_load %arg10[%swap3A_1009, %swap3A_1010] {strides = array<i32>} : memref<8x3200xf32, #tpu.memory_space<vmem>>, vector<16xf32>,
        tpu.vector_store %arg10[%swap3A_1009, %swap3A_1010], %add3A_1007 {strides = array<i32>} : memref<8x3200xf32, #tpu.memory_space<vmem>>, vector<16xf32>,
        %add3A_1012 = arith.constant 0 : i32
        %add3A_1013 = arith.addi %mul3A_971, %add3A_1012 : i32
        %add3A_1014 = arith.constant 48 : i32
        %add3A_1015 = arith.addi %add3A_1013, %add3A_1014 : i32
        %get3A_1016 = arith.constant 5 : i32
        %get3A_1017 = arith.index_cast %get3A_1016 : i32 to index
        %get3A_1018 = arith.index_cast %add3A_1015 : i32 to index
        %get3A_1019 = tpu.vector_load %arg8[%get3A_1017, %get3A_1018] {strides = array<i32>} : memref<8x3200xf32, #tpu.memory_space<vmem>>, vector<16xf32>,
        %mul3A_1020 = arith.mulf %get3A_1019, %gather3A_334 : vector<16xf32>
        %add3A_1021 = arith.addf %mul3A_1020, %gather3A_362 : vector<16xf32>
        %swap3A_1022 = arith.constant 5 : i32
        %swap3A_1023 = arith.index_cast %swap3A_1022 : i32 to index
        %swap3A_1024 = arith.index_cast %add3A_1015 : i32 to index
        %swap3A_1025 = tpu.vector_load %arg10[%swap3A_1023, %swap3A_1024] {strides = array<i32>} : memref<8x3200xf32, #tpu.memory_space<vmem>>, vector<16xf32>,
        tpu.vector_store %arg10[%swap3A_1023, %swap3A_1024], %add3A_1021 {strides = array<i32>} : memref<8x3200xf32, #tpu.memory_space<vmem>>, vector<16xf32>,
        %add3A_1026 = arith.constant 64 : i32
        %add3A_1027 = arith.addi %mul3A_971, %add3A_1026 : i32
        %add3A_1028 = arith.constant 0 : i32
        %add3A_1029 = arith.addi %add3A_1027, %add3A_1028 : i32
        %get3A_1030 = arith.constant 5 : i32
        %get3A_1031 = arith.index_cast %get3A_1030 : i32 to index
        %get3A_1032 = arith.index_cast %add3A_1029 : i32 to index
        %get3A_1033 = tpu.vector_load %arg8[%get3A_1031, %get3A_1032] {strides = array<i32>} : memref<8x3200xf32, #tpu.memory_space<vmem>>, vector<16xf32>,
        %mul3A_1034 = arith.mulf %get3A_1033, %gather3A_322 : vector<16xf32>
        %add3A_1035 = arith.addf %mul3A_1034, %gather3A_341 : vector<16xf32>
        %swap3A_1036 = arith.constant 5 : i32
        %swap3A_1037 = arith.index_cast %swap3A_1036 : i32 to index
        %swap3A_1038 = arith.index_cast %add3A_1029 : i32 to index
        %swap3A_1039 = tpu.vector_load %arg10[%swap3A_1037, %swap3A_1038] {strides = array<i32>} : memref<8x3200xf32, #tpu.memory_space<vmem>>, vector<16xf32>,
        tpu.vector_store %arg10[%swap3A_1037, %swap3A_1038], %add3A_1035 {strides = array<i32>} : memref<8x3200xf32, #tpu.memory_space<vmem>>, vector<16xf32>,
        %add3A_1040 = arith.constant 64 : i32
        %add3A_1041 = arith.addi %mul3A_971, %add3A_1040 : i32
        %add3A_1042 = arith.constant 16 : i32
        %add3A_1043 = arith.addi %add3A_1041, %add3A_1042 : i32
        %get3A_1044 = arith.constant 5 : i32
        %get3A_1045 = arith.index_cast %get3A_1044 : i32 to index
        %get3A_1046 = arith.index_cast %add3A_1043 : i32 to index
        %get3A_1047 = tpu.vector_load %arg8[%get3A_1045, %get3A_1046] {strides = array<i32>} : memref<8x3200xf32, #tpu.memory_space<vmem>>, vector<16xf32>,
        %mul3A_1048 = arith.mulf %get3A_1047, %gather3A_326 : vector<16xf32>
        %add3A_1049 = arith.addf %mul3A_1048, %gather3A_348 : vector<16xf32>
        %swap3A_1050 = arith.constant 5 : i32
        %swap3A_1051 = arith.index_cast %swap3A_1050 : i32 to index
        %swap3A_1052 = arith.index_cast %add3A_1043 : i32 to index
        %swap3A_1053 = tpu.vector_load %arg10[%swap3A_1051, %swap3A_1052] {strides = array<i32>} : memref<8x3200xf32, #tpu.memory_space<vmem>>, vector<16xf32>,
        tpu.vector_store %arg10[%swap3A_1051, %swap3A_1052], %add3A_1049 {strides = array<i32>} : memref<8x3200xf32, #tpu.memory_space<vmem>>, vector<16xf32>,
        %add3A_1054 = arith.constant 64 : i32
        %add3A_1055 = arith.addi %mul3A_971, %add3A_1054 : i32
        %add3A_1056 = arith.constant 32 : i32
        %add3A_1057 = arith.addi %add3A_1055, %add3A_1056 : i32
        %get3A_1058 = arith.constant 5 : i32
        %get3A_1059 = arith.index_cast %get3A_1058 : i32 to index
        %get3A_1060 = arith.index_cast %add3A_1057 : i32 to index
        %get3A_1061 = tpu.vector_load %arg8[%get3A_1059, %get3A_1060] {strides = array<i32>} : memref<8x3200xf32, #tpu.memory_space<vmem>>, vector<16xf32>,
        %mul3A_1062 = arith.mulf %get3A_1061, %gather3A_330 : vector<16xf32>
        %add3A_1063 = arith.addf %mul3A_1062, %gather3A_355 : vector<16xf32>
        %swap3A_1064 = arith.constant 5 : i32
        %swap3A_1065 = arith.index_cast %swap3A_1064 : i32 to index
        %swap3A_1066 = arith.index_cast %add3A_1057 : i32 to index
        %swap3A_1067 = tpu.vector_load %arg10[%swap3A_1065, %swap3A_1066] {strides = array<i32>} : memref<8x3200xf32, #tpu.memory_space<vmem>>, vector<16xf32>,
        tpu.vector_store %arg10[%swap3A_1065, %swap3A_1066], %add3A_1063 {strides = array<i32>} : memref<8x3200xf32, #tpu.memory_space<vmem>>, vector<16xf32>,
        %add3A_1068 = arith.constant 64 : i32
        %add3A_1069 = arith.addi %mul3A_971, %add3A_1068 : i32
        %add3A_1070 = arith.constant 48 : i32
        %add3A_1071 = arith.addi %add3A_1069, %add3A_1070 : i32
        %get3A_1072 = arith.constant 5 : i32
        %get3A_1073 = arith.index_cast %get3A_1072 : i32 to index
        %get3A_1074 = arith.index_cast %add3A_1071 : i32 to index
        %get3A_1075 = tpu.vector_load %arg8[%get3A_1073, %get3A_1074] {strides = array<i32>} : memref<8x3200xf32, #tpu.memory_space<vmem>>, vector<16xf32>,
        %mul3A_1076 = arith.mulf %get3A_1075, %gather3A_334 : vector<16xf32>
        %add3A_1077 = arith.addf %mul3A_1076, %gather3A_362 : vector<16xf32>
        %swap3A_1078 = arith.constant 5 : i32
        %swap3A_1079 = arith.index_cast %swap3A_1078 : i32 to index
        %swap3A_1080 = arith.index_cast %add3A_1071 : i32 to index
        %swap3A_1081 = tpu.vector_load %arg10[%swap3A_1079, %swap3A_1080] {strides = array<i32>} : memref<8x3200xf32, #tpu.memory_space<vmem>>, vector<16xf32>,
        tpu.vector_store %arg10[%swap3A_1079, %swap3A_1080], %add3A_1077 {strides = array<i32>} : memref<8x3200xf32, #tpu.memory_space<vmem>>, vector<16xf32>,
      }
      %scan3A_368 = arith.constant 25 : i32
      %mul3A_369 = arith.constant 8 : i32
      %mul3A_370 = arith.muli %add3A_28, %mul3A_369 : i32
      %add3A_371 = arith.constant 6 : i32
      %add3A_372 = arith.addi %mul3A_370, %add3A_371 : i32
      %broadcast_in_dim3A_373 = vector.broadcast %add3A_372 : i32 to vector<16xi32>
      %gather3A_374 = tpu.vector_load_idx %arg6[%broadcast_in_dim3A_373] : memref<512xi32, #tpu.memory_space<vmem>>[vector<16xi32>], vector<16xi32>,
      %add3A_375 = arith.constant 0 : i32
      %add3A_376 = vector.broadcast %add3A_375 : i32 to vector<16xi32>
      %add3A_377 = arith.addi %iota3A, %add3A_376 : vector<16xi32>
      %gather3A_378 = tpu.vector_load_idx %arg7[%gather3A_374, %add3A_377] : memref<128x128xf32, #tpu.memory_space<vmem>>[vector<16xi32>, vector<16xi32>], vector<16xf32>,
      %add3A_379 = arith.constant 16 : i32
      %add3A_380 = vector.broadcast %add3A_379 : i32 to vector<16xi32>
      %add3A_381 = arith.addi %iota3A, %add3A_380 : vector<16xi32>
      %gather3A_382 = tpu.vector_load_idx %arg7[%gather3A_374, %add3A_381] : memref<128x128xf32, #tpu.memory_space<vmem>>[vector<16xi32>, vector<16xi32>], vector<16xf32>,
      %add3A_383 = arith.constant 32 : i32
      %add3A_384 = vector.broadcast %add3A_383 : i32 to vector<16xi32>
      %add3A_385 = arith.addi %iota3A, %add3A_384 : vector<16xi32>
      %gather3A_386 = tpu.vector_load_idx %arg7[%gather3A_374, %add3A_385] : memref<128x128xf32, #tpu.memory_space<vmem>>[vector<16xi32>, vector<16xi32>], vector<16xf32>,
      %add3A_387 = arith.constant 48 : i32
      %add3A_388 = vector.broadcast %add3A_387 : i32 to vector<16xi32>
      %add3A_389 = arith.addi %iota3A, %add3A_388 : vector<16xi32>
      %gather3A_390 = tpu.vector_load_idx %arg7[%gather3A_374, %add3A_389] : memref<128x128xf32, #tpu.memory_space<vmem>>[vector<16xi32>, vector<16xi32>], vector<16xf32>,
      %add3A_391 = arith.constant 64 : i32
      %add3A_392 = vector.broadcast %add3A_391 : i32 to vector<16xi32>
      %add3A_393 = arith.addi %iota3A, %add3A_392 : vector<16xi32>
      %add3A_394 = arith.constant 0 : i32
      %add3A_395 = vector.broadcast %add3A_394 : i32 to vector<16xi32>
      %add3A_396 = arith.addi %add3A_393, %add3A_395 : vector<16xi32>
      %gather3A_397 = tpu.vector_load_idx %arg7[%gather3A_374, %add3A_396] : memref<128x128xf32, #tpu.memory_space<vmem>>[vector<16xi32>, vector<16xi32>], vector<16xf32>,
      %add3A_398 = arith.constant 64 : i32
      %add3A_399 = vector.broadcast %add3A_398 : i32 to vector<16xi32>
      %add3A_400 = arith.addi %iota3A, %add3A_399 : vector<16xi32>
      %add3A_401 = arith.constant 16 : i32
      %add3A_402 = vector.broadcast %add3A_401 : i32 to vector<16xi32>
      %add3A_403 = arith.addi %add3A_400, %add3A_402 : vector<16xi32>
      %gather3A_404 = tpu.vector_load_idx %arg7[%gather3A_374, %add3A_403] : memref<128x128xf32, #tpu.memory_space<vmem>>[vector<16xi32>, vector<16xi32>], vector<16xf32>,
      %add3A_405 = arith.constant 64 : i32
      %add3A_406 = vector.broadcast %add3A_405 : i32 to vector<16xi32>
      %add3A_407 = arith.addi %iota3A, %add3A_406 : vector<16xi32>
      %add3A_408 = arith.constant 32 : i32
      %add3A_409 = vector.broadcast %add3A_408 : i32 to vector<16xi32>
      %add3A_410 = arith.addi %add3A_407, %add3A_409 : vector<16xi32>
      %gather3A_411 = tpu.vector_load_idx %arg7[%gather3A_374, %add3A_410] : memref<128x128xf32, #tpu.memory_space<vmem>>[vector<16xi32>, vector<16xi32>], vector<16xf32>,
      %add3A_412 = arith.constant 64 : i32
      %add3A_413 = vector.broadcast %add3A_412 : i32 to vector<16xi32>
      %add3A_414 = arith.addi %iota3A, %add3A_413 : vector<16xi32>
      %add3A_415 = arith.constant 48 : i32
      %add3A_416 = vector.broadcast %add3A_415 : i32 to vector<16xi32>
      %add3A_417 = arith.addi %add3A_414, %add3A_416 : vector<16xi32>
      %gather3A_418 = tpu.vector_load_idx %arg7[%gather3A_374, %add3A_417] : memref<128x128xf32, #tpu.memory_space<vmem>>[vector<16xi32>, vector<16xi32>], vector<16xf32>,
      %scan3A_419 = arith.constant 0 : i32
      %scan3A_420 = arith.constant 0 : i32
      %scan3A_421 = arith.constant 25 : i32
      %scan3A_422 = arith.addi %scan3A_420, %scan3A_421 : i32
      %scan3A_423 = arith.constant 1 : i32
      scf.for %scan3A_969 = %scan3A_420 to %scan3A_422 step %scan3A_423  : i32 {
        %mul3A_970 = arith.constant 128 : i32
        %mul3A_971 = arith.muli %scan3A_969, %mul3A_970 : i32
        %add3A_972 = arith.constant 0 : i32
        %add3A_973 = arith.addi %mul3A_971, %add3A_972 : i32
        %add3A_974 = arith.constant 0 : i32
        %add3A_975 = arith.addi %add3A_973, %add3A_974 : i32
        %get3A = arith.constant 6 : i32
        %get3A_976 = arith.index_cast %get3A : i32 to index
        %get3A_977 = arith.index_cast %add3A_975 : i32 to index
        %get3A_978 = tpu.vector_load %arg8[%get3A_976, %get3A_977] {strides = array<i32>} : memref<8x3200xf32, #tpu.memory_space<vmem>>, vector<16xf32>,
        %mul3A_979 = arith.mulf %get3A_978, %gather3A_378 : vector<16xf32>
        %add3A_980 = arith.addf %mul3A_979, %gather3A_397 : vector<16xf32>
        %swap3A = arith.constant 6 : i32
        %swap3A_981 = arith.index_cast %swap3A : i32 to index
        %swap3A_982 = arith.index_cast %add3A_975 : i32 to index
        %swap3A_983 = tpu.vector_load %arg10[%swap3A_981, %swap3A_982] {strides = array<i32>} : memref<8x3200xf32, #tpu.memory_space<vmem>>, vector<16xf32>,
        tpu.vector_store %arg10[%swap3A_981, %swap3A_982], %add3A_980 {strides = array<i32>} : memref<8x3200xf32, #tpu.memory_space<vmem>>, vector<16xf32>,
        %add3A_984 = arith.constant 0 : i32
        %add3A_985 = arith.addi %mul3A_971, %add3A_984 : i32
        %add3A_986 = arith.constant 16 : i32
        %add3A_987 = arith.addi %add3A_985, %add3A_986 : i32
        %get3A_988 = arith.constant 6 : i32
        %get3A_989 = arith.index_cast %get3A_988 : i32 to index
        %get3A_990 = arith.index_cast %add3A_987 : i32 to index
        %get3A_991 = tpu.vector_load %arg8[%get3A_989, %get3A_990] {strides = array<i32>} : memref<8x3200xf32, #tpu.memory_space<vmem>>, vector<16xf32>,
        %mul3A_992 = arith.mulf %get3A_991, %gather3A_382 : vector<16xf32>
        %add3A_993 = arith.addf %mul3A_992, %gather3A_404 : vector<16xf32>
        %swap3A_994 = arith.constant 6 : i32
        %swap3A_995 = arith.index_cast %swap3A_994 : i32 to index
        %swap3A_996 = arith.index_cast %add3A_987 : i32 to index
        %swap3A_997 = tpu.vector_load %arg10[%swap3A_995, %swap3A_996] {strides = array<i32>} : memref<8x3200xf32, #tpu.memory_space<vmem>>, vector<16xf32>,
        tpu.vector_store %arg10[%swap3A_995, %swap3A_996], %add3A_993 {strides = array<i32>} : memref<8x3200xf32, #tpu.memory_space<vmem>>, vector<16xf32>,
        %add3A_998 = arith.constant 0 : i32
        %add3A_999 = arith.addi %mul3A_971, %add3A_998 : i32
        %add3A_1000 = arith.constant 32 : i32
        %add3A_1001 = arith.addi %add3A_999, %add3A_1000 : i32
        %get3A_1002 = arith.constant 6 : i32
        %get3A_1003 = arith.index_cast %get3A_1002 : i32 to index
        %get3A_1004 = arith.index_cast %add3A_1001 : i32 to index
        %get3A_1005 = tpu.vector_load %arg8[%get3A_1003, %get3A_1004] {strides = array<i32>} : memref<8x3200xf32, #tpu.memory_space<vmem>>, vector<16xf32>,
        %mul3A_1006 = arith.mulf %get3A_1005, %gather3A_386 : vector<16xf32>
        %add3A_1007 = arith.addf %mul3A_1006, %gather3A_411 : vector<16xf32>
        %swap3A_1008 = arith.constant 6 : i32
        %swap3A_1009 = arith.index_cast %swap3A_1008 : i32 to index
        %swap3A_1010 = arith.index_cast %add3A_1001 : i32 to index
        %swap3A_1011 = tpu.vector_load %arg10[%swap3A_1009, %swap3A_1010] {strides = array<i32>} : memref<8x3200xf32, #tpu.memory_space<vmem>>, vector<16xf32>,
        tpu.vector_store %arg10[%swap3A_1009, %swap3A_1010], %add3A_1007 {strides = array<i32>} : memref<8x3200xf32, #tpu.memory_space<vmem>>, vector<16xf32>,
        %add3A_1012 = arith.constant 0 : i32
        %add3A_1013 = arith.addi %mul3A_971, %add3A_1012 : i32
        %add3A_1014 = arith.constant 48 : i32
        %add3A_1015 = arith.addi %add3A_1013, %add3A_1014 : i32
        %get3A_1016 = arith.constant 6 : i32
        %get3A_1017 = arith.index_cast %get3A_1016 : i32 to index
        %get3A_1018 = arith.index_cast %add3A_1015 : i32 to index
        %get3A_1019 = tpu.vector_load %arg8[%get3A_1017, %get3A_1018] {strides = array<i32>} : memref<8x3200xf32, #tpu.memory_space<vmem>>, vector<16xf32>,
        %mul3A_1020 = arith.mulf %get3A_1019, %gather3A_390 : vector<16xf32>
        %add3A_1021 = arith.addf %mul3A_1020, %gather3A_418 : vector<16xf32>
        %swap3A_1022 = arith.constant 6 : i32
        %swap3A_1023 = arith.index_cast %swap3A_1022 : i32 to index
        %swap3A_1024 = arith.index_cast %add3A_1015 : i32 to index
        %swap3A_1025 = tpu.vector_load %arg10[%swap3A_1023, %swap3A_1024] {strides = array<i32>} : memref<8x3200xf32, #tpu.memory_space<vmem>>, vector<16xf32>,
        tpu.vector_store %arg10[%swap3A_1023, %swap3A_1024], %add3A_1021 {strides = array<i32>} : memref<8x3200xf32, #tpu.memory_space<vmem>>, vector<16xf32>,
        %add3A_1026 = arith.constant 64 : i32
        %add3A_1027 = arith.addi %mul3A_971, %add3A_1026 : i32
        %add3A_1028 = arith.constant 0 : i32
        %add3A_1029 = arith.addi %add3A_1027, %add3A_1028 : i32
        %get3A_1030 = arith.constant 6 : i32
        %get3A_1031 = arith.index_cast %get3A_1030 : i32 to index
        %get3A_1032 = arith.index_cast %add3A_1029 : i32 to index
        %get3A_1033 = tpu.vector_load %arg8[%get3A_1031, %get3A_1032] {strides = array<i32>} : memref<8x3200xf32, #tpu.memory_space<vmem>>, vector<16xf32>,
        %mul3A_1034 = arith.mulf %get3A_1033, %gather3A_378 : vector<16xf32>
        %add3A_1035 = arith.addf %mul3A_1034, %gather3A_397 : vector<16xf32>
        %swap3A_1036 = arith.constant 6 : i32
        %swap3A_1037 = arith.index_cast %swap3A_1036 : i32 to index
        %swap3A_1038 = arith.index_cast %add3A_1029 : i32 to index
        %swap3A_1039 = tpu.vector_load %arg10[%swap3A_1037, %swap3A_1038] {strides = array<i32>} : memref<8x3200xf32, #tpu.memory_space<vmem>>, vector<16xf32>,
        tpu.vector_store %arg10[%swap3A_1037, %swap3A_1038], %add3A_1035 {strides = array<i32>} : memref<8x3200xf32, #tpu.memory_space<vmem>>, vector<16xf32>,
        %add3A_1040 = arith.constant 64 : i32
        %add3A_1041 = arith.addi %mul3A_971, %add3A_1040 : i32
        %add3A_1042 = arith.constant 16 : i32
        %add3A_1043 = arith.addi %add3A_1041, %add3A_1042 : i32
        %get3A_1044 = arith.constant 6 : i32
        %get3A_1045 = arith.index_cast %get3A_1044 : i32 to index
        %get3A_1046 = arith.index_cast %add3A_1043 : i32 to index
        %get3A_1047 = tpu.vector_load %arg8[%get3A_1045, %get3A_1046] {strides = array<i32>} : memref<8x3200xf32, #tpu.memory_space<vmem>>, vector<16xf32>,
        %mul3A_1048 = arith.mulf %get3A_1047, %gather3A_382 : vector<16xf32>
        %add3A_1049 = arith.addf %mul3A_1048, %gather3A_404 : vector<16xf32>
        %swap3A_1050 = arith.constant 6 : i32
        %swap3A_1051 = arith.index_cast %swap3A_1050 : i32 to index
        %swap3A_1052 = arith.index_cast %add3A_1043 : i32 to index
        %swap3A_1053 = tpu.vector_load %arg10[%swap3A_1051, %swap3A_1052] {strides = array<i32>} : memref<8x3200xf32, #tpu.memory_space<vmem>>, vector<16xf32>,
        tpu.vector_store %arg10[%swap3A_1051, %swap3A_1052], %add3A_1049 {strides = array<i32>} : memref<8x3200xf32, #tpu.memory_space<vmem>>, vector<16xf32>,
        %add3A_1054 = arith.constant 64 : i32
        %add3A_1055 = arith.addi %mul3A_971, %add3A_1054 : i32
        %add3A_1056 = arith.constant 32 : i32
        %add3A_1057 = arith.addi %add3A_1055, %add3A_1056 : i32
        %get3A_1058 = arith.constant 6 : i32
        %get3A_1059 = arith.index_cast %get3A_1058 : i32 to index
        %get3A_1060 = arith.index_cast %add3A_1057 : i32 to index
        %get3A_1061 = tpu.vector_load %arg8[%get3A_1059, %get3A_1060] {strides = array<i32>} : memref<8x3200xf32, #tpu.memory_space<vmem>>, vector<16xf32>,
        %mul3A_1062 = arith.mulf %get3A_1061, %gather3A_386 : vector<16xf32>
        %add3A_1063 = arith.addf %mul3A_1062, %gather3A_411 : vector<16xf32>
        %swap3A_1064 = arith.constant 6 : i32
        %swap3A_1065 = arith.index_cast %swap3A_1064 : i32 to index
        %swap3A_1066 = arith.index_cast %add3A_1057 : i32 to index
        %swap3A_1067 = tpu.vector_load %arg10[%swap3A_1065, %swap3A_1066] {strides = array<i32>} : memref<8x3200xf32, #tpu.memory_space<vmem>>, vector<16xf32>,
        tpu.vector_store %arg10[%swap3A_1065, %swap3A_1066], %add3A_1063 {strides = array<i32>} : memref<8x3200xf32, #tpu.memory_space<vmem>>, vector<16xf32>,
        %add3A_1068 = arith.constant 64 : i32
        %add3A_1069 = arith.addi %mul3A_971, %add3A_1068 : i32
        %add3A_1070 = arith.constant 48 : i32
        %add3A_1071 = arith.addi %add3A_1069, %add3A_1070 : i32
        %get3A_1072 = arith.constant 6 : i32
        %get3A_1073 = arith.index_cast %get3A_1072 : i32 to index
        %get3A_1074 = arith.index_cast %add3A_1071 : i32 to index
        %get3A_1075 = tpu.vector_load %arg8[%get3A_1073, %get3A_1074] {strides = array<i32>} : memref<8x3200xf32, #tpu.memory_space<vmem>>, vector<16xf32>,
        %mul3A_1076 = arith.mulf %get3A_1075, %gather3A_390 : vector<16xf32>
        %add3A_1077 = arith.addf %mul3A_1076, %gather3A_418 : vector<16xf32>
        %swap3A_1078 = arith.constant 6 : i32
        %swap3A_1079 = arith.index_cast %swap3A_1078 : i32 to index
        %swap3A_1080 = arith.index_cast %add3A_1071 : i32 to index
        %swap3A_1081 = tpu.vector_load %arg10[%swap3A_1079, %swap3A_1080] {strides = array<i32>} : memref<8x3200xf32, #tpu.memory_space<vmem>>, vector<16xf32>,
        tpu.vector_store %arg10[%swap3A_1079, %swap3A_1080], %add3A_1077 {strides = array<i32>} : memref<8x3200xf32, #tpu.memory_space<vmem>>, vector<16xf32>,
      }
      %scan3A_424 = arith.constant 25 : i32
      %mul3A_425 = arith.constant 8 : i32
      %mul3A_426 = arith.muli %add3A_28, %mul3A_425 : i32
      %add3A_427 = arith.constant 7 : i32
      %add3A_428 = arith.addi %mul3A_426, %add3A_427 : i32
      %broadcast_in_dim3A_429 = vector.broadcast %add3A_428 : i32 to vector<16xi32>
      %gather3A_430 = tpu.vector_load_idx %arg6[%broadcast_in_dim3A_429] : memref<512xi32, #tpu.memory_space<vmem>>[vector<16xi32>], vector<16xi32>,
      %add3A_431 = arith.constant 0 : i32
      %add3A_432 = vector.broadcast %add3A_431 : i32 to vector<16xi32>
      %add3A_433 = arith.addi %iota3A, %add3A_432 : vector<16xi32>
      %gather3A_434 = tpu.vector_load_idx %arg7[%gather3A_430, %add3A_433] : memref<128x128xf32, #tpu.memory_space<vmem>>[vector<16xi32>, vector<16xi32>], vector<16xf32>,
      %add3A_435 = arith.constant 16 : i32
      %add3A_436 = vector.broadcast %add3A_435 : i32 to vector<16xi32>
      %add3A_437 = arith.addi %iota3A, %add3A_436 : vector<16xi32>
      %gather3A_438 = tpu.vector_load_idx %arg7[%gather3A_430, %add3A_437] : memref<128x128xf32, #tpu.memory_space<vmem>>[vector<16xi32>, vector<16xi32>], vector<16xf32>,
      %add3A_439 = arith.constant 32 : i32
      %add3A_440 = vector.broadcast %add3A_439 : i32 to vector<16xi32>
      %add3A_441 = arith.addi %iota3A, %add3A_440 : vector<16xi32>
      %gather3A_442 = tpu.vector_load_idx %arg7[%gather3A_430, %add3A_441] : memref<128x128xf32, #tpu.memory_space<vmem>>[vector<16xi32>, vector<16xi32>], vector<16xf32>,
      %add3A_443 = arith.constant 48 : i32
      %add3A_444 = vector.broadcast %add3A_443 : i32 to vector<16xi32>
      %add3A_445 = arith.addi %iota3A, %add3A_444 : vector<16xi32>
      %gather3A_446 = tpu.vector_load_idx %arg7[%gather3A_430, %add3A_445] : memref<128x128xf32, #tpu.memory_space<vmem>>[vector<16xi32>, vector<16xi32>], vector<16xf32>,
      %add3A_447 = arith.constant 64 : i32
      %add3A_448 = vector.broadcast %add3A_447 : i32 to vector<16xi32>
      %add3A_449 = arith.addi %iota3A, %add3A_448 : vector<16xi32>
      %add3A_450 = arith.constant 0 : i32
      %add3A_451 = vector.broadcast %add3A_450 : i32 to vector<16xi32>
      %add3A_452 = arith.addi %add3A_449, %add3A_451 : vector<16xi32>
      %gather3A_453 = tpu.vector_load_idx %arg7[%gather3A_430, %add3A_452] : memref<128x128xf32, #tpu.memory_space<vmem>>[vector<16xi32>, vector<16xi32>], vector<16xf32>,
      %add3A_454 = arith.constant 64 : i32
      %add3A_455 = vector.broadcast %add3A_454 : i32 to vector<16xi32>
      %add3A_456 = arith.addi %iota3A, %add3A_455 : vector<16xi32>
      %add3A_457 = arith.constant 16 : i32
      %add3A_458 = vector.broadcast %add3A_457 : i32 to vector<16xi32>
      %add3A_459 = arith.addi %add3A_456, %add3A_458 : vector<16xi32>
      %gather3A_460 = tpu.vector_load_idx %arg7[%gather3A_430, %add3A_459] : memref<128x128xf32, #tpu.memory_space<vmem>>[vector<16xi32>, vector<16xi32>], vector<16xf32>,
      %add3A_461 = arith.constant 64 : i32
      %add3A_462 = vector.broadcast %add3A_461 : i32 to vector<16xi32>
      %add3A_463 = arith.addi %iota3A, %add3A_462 : vector<16xi32>
      %add3A_464 = arith.constant 32 : i32
      %add3A_465 = vector.broadcast %add3A_464 : i32 to vector<16xi32>
      %add3A_466 = arith.addi %add3A_463, %add3A_465 : vector<16xi32>
      %gather3A_467 = tpu.vector_load_idx %arg7[%gather3A_430, %add3A_466] : memref<128x128xf32, #tpu.memory_space<vmem>>[vector<16xi32>, vector<16xi32>], vector<16xf32>,
      %add3A_468 = arith.constant 64 : i32
      %add3A_469 = vector.broadcast %add3A_468 : i32 to vector<16xi32>
      %add3A_470 = arith.addi %iota3A, %add3A_469 : vector<16xi32>
      %add3A_471 = arith.constant 48 : i32
      %add3A_472 = vector.broadcast %add3A_471 : i32 to vector<16xi32>
      %add3A_473 = arith.addi %add3A_470, %add3A_472 : vector<16xi32>
      %gather3A_474 = tpu.vector_load_idx %arg7[%gather3A_430, %add3A_473] : memref<128x128xf32, #tpu.memory_space<vmem>>[vector<16xi32>, vector<16xi32>], vector<16xf32>,
      %scan3A_475 = arith.constant 0 : i32
      %scan3A_476 = arith.constant 0 : i32
      %scan3A_477 = arith.constant 25 : i32
      %scan3A_478 = arith.addi %scan3A_476, %scan3A_477 : i32
      %scan3A_479 = arith.constant 1 : i32
      scf.for %scan3A_969 = %scan3A_476 to %scan3A_478 step %scan3A_479  : i32 {
        %mul3A_970 = arith.constant 128 : i32
        %mul3A_971 = arith.muli %scan3A_969, %mul3A_970 : i32
        %add3A_972 = arith.constant 0 : i32
        %add3A_973 = arith.addi %mul3A_971, %add3A_972 : i32
        %add3A_974 = arith.constant 0 : i32
        %add3A_975 = arith.addi %add3A_973, %add3A_974 : i32
        %get3A = arith.constant 7 : i32
        %get3A_976 = arith.index_cast %get3A : i32 to index
        %get3A_977 = arith.index_cast %add3A_975 : i32 to index
        %get3A_978 = tpu.vector_load %arg8[%get3A_976, %get3A_977] {strides = array<i32>} : memref<8x3200xf32, #tpu.memory_space<vmem>>, vector<16xf32>,
        %mul3A_979 = arith.mulf %get3A_978, %gather3A_434 : vector<16xf32>
        %add3A_980 = arith.addf %mul3A_979, %gather3A_453 : vector<16xf32>
        %swap3A = arith.constant 7 : i32
        %swap3A_981 = arith.index_cast %swap3A : i32 to index
        %swap3A_982 = arith.index_cast %add3A_975 : i32 to index
        %swap3A_983 = tpu.vector_load %arg10[%swap3A_981, %swap3A_982] {strides = array<i32>} : memref<8x3200xf32, #tpu.memory_space<vmem>>, vector<16xf32>,
        tpu.vector_store %arg10[%swap3A_981, %swap3A_982], %add3A_980 {strides = array<i32>} : memref<8x3200xf32, #tpu.memory_space<vmem>>, vector<16xf32>,
        %add3A_984 = arith.constant 0 : i32
        %add3A_985 = arith.addi %mul3A_971, %add3A_984 : i32
        %add3A_986 = arith.constant 16 : i32
        %add3A_987 = arith.addi %add3A_985, %add3A_986 : i32
        %get3A_988 = arith.constant 7 : i32
        %get3A_989 = arith.index_cast %get3A_988 : i32 to index
        %get3A_990 = arith.index_cast %add3A_987 : i32 to index
        %get3A_991 = tpu.vector_load %arg8[%get3A_989, %get3A_990] {strides = array<i32>} : memref<8x3200xf32, #tpu.memory_space<vmem>>, vector<16xf32>,
        %mul3A_992 = arith.mulf %get3A_991, %gather3A_438 : vector<16xf32>
        %add3A_993 = arith.addf %mul3A_992, %gather3A_460 : vector<16xf32>
        %swap3A_994 = arith.constant 7 : i32
        %swap3A_995 = arith.index_cast %swap3A_994 : i32 to index
        %swap3A_996 = arith.index_cast %add3A_987 : i32 to index
        %swap3A_997 = tpu.vector_load %arg10[%swap3A_995, %swap3A_996] {strides = array<i32>} : memref<8x3200xf32, #tpu.memory_space<vmem>>, vector<16xf32>,
        tpu.vector_store %arg10[%swap3A_995, %swap3A_996], %add3A_993 {strides = array<i32>} : memref<8x3200xf32, #tpu.memory_space<vmem>>, vector<16xf32>,
        %add3A_998 = arith.constant 0 : i32
        %add3A_999 = arith.addi %mul3A_971, %add3A_998 : i32
        %add3A_1000 = arith.constant 32 : i32
        %add3A_1001 = arith.addi %add3A_999, %add3A_1000 : i32
        %get3A_1002 = arith.constant 7 : i32
        %get3A_1003 = arith.index_cast %get3A_1002 : i32 to index
        %get3A_1004 = arith.index_cast %add3A_1001 : i32 to index
        %get3A_1005 = tpu.vector_load %arg8[%get3A_1003, %get3A_1004] {strides = array<i32>} : memref<8x3200xf32, #tpu.memory_space<vmem>>, vector<16xf32>,
        %mul3A_1006 = arith.mulf %get3A_1005, %gather3A_442 : vector<16xf32>
        %add3A_1007 = arith.addf %mul3A_1006, %gather3A_467 : vector<16xf32>
        %swap3A_1008 = arith.constant 7 : i32
        %swap3A_1009 = arith.index_cast %swap3A_1008 : i32 to index
        %swap3A_1010 = arith.index_cast %add3A_1001 : i32 to index
        %swap3A_1011 = tpu.vector_load %arg10[%swap3A_1009, %swap3A_1010] {strides = array<i32>} : memref<8x3200xf32, #tpu.memory_space<vmem>>, vector<16xf32>,
        tpu.vector_store %arg10[%swap3A_1009, %swap3A_1010], %add3A_1007 {strides = array<i32>} : memref<8x3200xf32, #tpu.memory_space<vmem>>, vector<16xf32>,
        %add3A_1012 = arith.constant 0 : i32
        %add3A_1013 = arith.addi %mul3A_971, %add3A_1012 : i32
        %add3A_1014 = arith.constant 48 : i32
        %add3A_1015 = arith.addi %add3A_1013, %add3A_1014 : i32
        %get3A_1016 = arith.constant 7 : i32
        %get3A_1017 = arith.index_cast %get3A_1016 : i32 to index
        %get3A_1018 = arith.index_cast %add3A_1015 : i32 to index
        %get3A_1019 = tpu.vector_load %arg8[%get3A_1017, %get3A_1018] {strides = array<i32>} : memref<8x3200xf32, #tpu.memory_space<vmem>>, vector<16xf32>,
        %mul3A_1020 = arith.mulf %get3A_1019, %gather3A_446 : vector<16xf32>
        %add3A_1021 = arith.addf %mul3A_1020, %gather3A_474 : vector<16xf32>
        %swap3A_1022 = arith.constant 7 : i32
        %swap3A_1023 = arith.index_cast %swap3A_1022 : i32 to index
        %swap3A_1024 = arith.index_cast %add3A_1015 : i32 to index
        %swap3A_1025 = tpu.vector_load %arg10[%swap3A_1023, %swap3A_1024] {strides = array<i32>} : memref<8x3200xf32, #tpu.memory_space<vmem>>, vector<16xf32>,
        tpu.vector_store %arg10[%swap3A_1023, %swap3A_1024], %add3A_1021 {strides = array<i32>} : memref<8x3200xf32, #tpu.memory_space<vmem>>, vector<16xf32>,
        %add3A_1026 = arith.constant 64 : i32
        %add3A_1027 = arith.addi %mul3A_971, %add3A_1026 : i32
        %add3A_1028 = arith.constant 0 : i32
        %add3A_1029 = arith.addi %add3A_1027, %add3A_1028 : i32
        %get3A_1030 = arith.constant 7 : i32
        %get3A_1031 = arith.index_cast %get3A_1030 : i32 to index
        %get3A_1032 = arith.index_cast %add3A_1029 : i32 to index
        %get3A_1033 = tpu.vector_load %arg8[%get3A_1031, %get3A_1032] {strides = array<i32>} : memref<8x3200xf32, #tpu.memory_space<vmem>>, vector<16xf32>,
        %mul3A_1034 = arith.mulf %get3A_1033, %gather3A_434 : vector<16xf32>
        %add3A_1035 = arith.addf %mul3A_1034, %gather3A_453 : vector<16xf32>
        %swap3A_1036 = arith.constant 7 : i32
        %swap3A_1037 = arith.index_cast %swap3A_1036 : i32 to index
        %swap3A_1038 = arith.index_cast %add3A_1029 : i32 to index
        %swap3A_1039 = tpu.vector_load %arg10[%swap3A_1037, %swap3A_1038] {strides = array<i32>} : memref<8x3200xf32, #tpu.memory_space<vmem>>, vector<16xf32>,
        tpu.vector_store %arg10[%swap3A_1037, %swap3A_1038], %add3A_1035 {strides = array<i32>} : memref<8x3200xf32, #tpu.memory_space<vmem>>, vector<16xf32>,
        %add3A_1040 = arith.constant 64 : i32
        %add3A_1041 = arith.addi %mul3A_971, %add3A_1040 : i32
        %add3A_1042 = arith.constant 16 : i32
        %add3A_1043 = arith.addi %add3A_1041, %add3A_1042 : i32
        %get3A_1044 = arith.constant 7 : i32
        %get3A_1045 = arith.index_cast %get3A_1044 : i32 to index
        %get3A_1046 = arith.index_cast %add3A_1043 : i32 to index
        %get3A_1047 = tpu.vector_load %arg8[%get3A_1045, %get3A_1046] {strides = array<i32>} : memref<8x3200xf32, #tpu.memory_space<vmem>>, vector<16xf32>,
        %mul3A_1048 = arith.mulf %get3A_1047, %gather3A_438 : vector<16xf32>
        %add3A_1049 = arith.addf %mul3A_1048, %gather3A_460 : vector<16xf32>
        %swap3A_1050 = arith.constant 7 : i32
        %swap3A_1051 = arith.index_cast %swap3A_1050 : i32 to index
        %swap3A_1052 = arith.index_cast %add3A_1043 : i32 to index
        %swap3A_1053 = tpu.vector_load %arg10[%swap3A_1051, %swap3A_1052] {strides = array<i32>} : memref<8x3200xf32, #tpu.memory_space<vmem>>, vector<16xf32>,
        tpu.vector_store %arg10[%swap3A_1051, %swap3A_1052], %add3A_1049 {strides = array<i32>} : memref<8x3200xf32, #tpu.memory_space<vmem>>, vector<16xf32>,
        %add3A_1054 = arith.constant 64 : i32
        %add3A_1055 = arith.addi %mul3A_971, %add3A_1054 : i32
        %add3A_1056 = arith.constant 32 : i32
        %add3A_1057 = arith.addi %add3A_1055, %add3A_1056 : i32
        %get3A_1058 = arith.constant 7 : i32
        %get3A_1059 = arith.index_cast %get3A_1058 : i32 to index
        %get3A_1060 = arith.index_cast %add3A_1057 : i32 to index
        %get3A_1061 = tpu.vector_load %arg8[%get3A_1059, %get3A_1060] {strides = array<i32>} : memref<8x3200xf32, #tpu.memory_space<vmem>>, vector<16xf32>,
        %mul3A_1062 = arith.mulf %get3A_1061, %gather3A_442 : vector<16xf32>
        %add3A_1063 = arith.addf %mul3A_1062, %gather3A_467 : vector<16xf32>
        %swap3A_1064 = arith.constant 7 : i32
        %swap3A_1065 = arith.index_cast %swap3A_1064 : i32 to index
        %swap3A_1066 = arith.index_cast %add3A_1057 : i32 to index
        %swap3A_1067 = tpu.vector_load %arg10[%swap3A_1065, %swap3A_1066] {strides = array<i32>} : memref<8x3200xf32, #tpu.memory_space<vmem>>, vector<16xf32>,
        tpu.vector_store %arg10[%swap3A_1065, %swap3A_1066], %add3A_1063 {strides = array<i32>} : memref<8x3200xf32, #tpu.memory_space<vmem>>, vector<16xf32>,
        %add3A_1068 = arith.constant 64 : i32
        %add3A_1069 = arith.addi %mul3A_971, %add3A_1068 : i32
        %add3A_1070 = arith.constant 48 : i32
        %add3A_1071 = arith.addi %add3A_1069, %add3A_1070 : i32
        %get3A_1072 = arith.constant 7 : i32
        %get3A_1073 = arith.index_cast %get3A_1072 : i32 to index
        %get3A_1074 = arith.index_cast %add3A_1071 : i32 to index
        %get3A_1075 = tpu.vector_load %arg8[%get3A_1073, %get3A_1074] {strides = array<i32>} : memref<8x3200xf32, #tpu.memory_space<vmem>>, vector<16xf32>,
        %mul3A_1076 = arith.mulf %get3A_1075, %gather3A_446 : vector<16xf32>
        %add3A_1077 = arith.addf %mul3A_1076, %gather3A_474 : vector<16xf32>
        %swap3A_1078 = arith.constant 7 : i32
        %swap3A_1079 = arith.index_cast %swap3A_1078 : i32 to index
        %swap3A_1080 = arith.index_cast %add3A_1071 : i32 to index
        %swap3A_1081 = tpu.vector_load %arg10[%swap3A_1079, %swap3A_1080] {strides = array<i32>} : memref<8x3200xf32, #tpu.memory_space<vmem>>, vector<16xf32>,
        tpu.vector_store %arg10[%swap3A_1079, %swap3A_1080], %add3A_1077 {strides = array<i32>} : memref<8x3200xf32, #tpu.memory_space<vmem>>, vector<16xf32>,
      }
      %scan3A_480 = arith.constant 25 : i32
      %mul3A_481 = arith.constant 8 : i32
      %mul3A_482 = arith.muli %add3A_28, %mul3A_481 : i32
      %add3A_483 = arith.addi %mul3A_2, %mul3A_482 : i32
      %dma_start3A_484 = arith.constant 0 : i32
      %dma_start3A_485 = tpu.memref_slice %arg5[%add3A_483, %dma_start3A_484] : memref<16384x3200xf32, #tpu.memory_space<hbm>> -> memref<8x3200xf32, #tpu.memory_space<hbm>>
      %dma_start3A_486 = arith.constant 0 : i32
      %dma_start3A_487 = tpu.memref_slice %arg5[%add3A_483, %dma_start3A_486] : memref<16384x3200xf32, #tpu.memory_space<hbm>> -> memref<8x3200xf32, #tpu.memory_space<hbm>>
      tpu.enqueue_dma source(%arg10 : memref<8x3200xf32, #tpu.memory_space<vmem>>) target(%dma_start3A_487 : memref<8x3200xf32, #tpu.memory_space<hbm>>) target_semaphore(%arg14 : memref<!tpu.dma_semaphore, #tpu.memory_space<semaphore_mem>>)
      %add3A_488 = arith.constant 2 : i32
      %add3A_489 = arith.addi %add3A_28, %add3A_488 : i32
      %lt3A = arith.constant 64 : i32
      %lt3A_490 = arith.cmpi slt, %add3A_489, %lt3A : i32
      %convert_element_type3A_491 = arith.extui %lt3A_490 : i1 to i32
      %cond3A_492 = arith.constant 0 : i32
      %cond3A_493 = arith.cmpi ne, %convert_element_type3A_491, %cond3A_492 : i32
      scf.if %cond3A_493 {
        %add3A_969 = arith.constant 2 : i32
        %add3A_970 = arith.addi %add3A_28, %add3A_969 : i32
        %mul3A_971 = arith.constant 8 : i32
        %mul3A_972 = arith.muli %add3A_970, %mul3A_971 : i32
        %add3A_973 = arith.addi %mul3A_2, %mul3A_972 : i32
        %dma_start3A_974 = arith.constant 0 : i32
        %dma_start3A_975 = tpu.memref_slice %arg2[%add3A_973, %dma_start3A_974] : memref<16384x3200xf32, #tpu.memory_space<hbm>> -> memref<8x3200xf32, #tpu.memory_space<hbm>>
        %dma_start3A_976 = arith.constant 0 : i32
        %dma_start3A_977 = tpu.memref_slice %arg2[%add3A_973, %dma_start3A_976] : memref<16384x3200xf32, #tpu.memory_space<hbm>> -> memref<8x3200xf32, #tpu.memory_space<hbm>>
        tpu.enqueue_dma source(%dma_start3A_977 : memref<8x3200xf32, #tpu.memory_space<hbm>>) target(%arg8 : memref<8x3200xf32, #tpu.memory_space<vmem>>) target_semaphore(%arg12 : memref<!tpu.dma_semaphore, #tpu.memory_space<semaphore_mem>>)
      } else {
      }
      %mul3A_494 = arith.constant 2 : i32
      %mul3A_495 = arith.muli %scan3A_24, %mul3A_494 : i32
      %add3A_496 = arith.constant 1 : i32
      %add3A_497 = arith.addi %mul3A_495, %add3A_496 : i32
      %dma_wait3A_498 = arith.constant 0 : i32
      %dma_wait3A_499 = tpu.memref_slice %arg2[%mul3A_2, %dma_wait3A_498] : memref<16384x3200xf32, #tpu.memory_space<hbm>> -> memref<8x3200xf32, #tpu.memory_space<hbm>>
      %dma_wait3A_500 = arith.constant 0 : i32
      %dma_wait3A_501 = tpu.memref_slice %arg2[%mul3A_2, %dma_wait3A_500] : memref<16384x3200xf32, #tpu.memory_space<hbm>> -> memref<8x3200xf32, #tpu.memory_space<hbm>>
      tpu.wait_dma2 semaphore(%arg13 : memref<!tpu.dma_semaphore, #tpu.memory_space<semaphore_mem>>) src(%dma_wait3A_501 : memref<8x3200xf32, #tpu.memory_space<hbm>>) dst(%arg9 : memref<8x3200xf32, #tpu.memory_space<vmem>>)
      %ge3A_502 = arith.constant 2 : i32
      %ge3A_503 = arith.cmpi sge, %add3A_497, %ge3A_502 : i32
      %convert_element_type3A_504 = arith.extui %ge3A_503 : i1 to i32
      %cond3A_505 = arith.constant 0 : i32
      %cond3A_506 = arith.cmpi ne, %convert_element_type3A_504, %cond3A_505 : i32
      scf.if %cond3A_506 {
        %dma_wait3A_969 = arith.constant 0 : i32
        %dma_wait3A_970 = tpu.memref_slice %arg2[%mul3A_2, %dma_wait3A_969] : memref<16384x3200xf32, #tpu.memory_space<hbm>> -> memref<8x3200xf32, #tpu.memory_space<hbm>>
        %dma_wait3A_971 = arith.constant 0 : i32
        %dma_wait3A_972 = tpu.memref_slice %arg2[%mul3A_2, %dma_wait3A_971] : memref<16384x3200xf32, #tpu.memory_space<hbm>> -> memref<8x3200xf32, #tpu.memory_space<hbm>>
        tpu.wait_dma2 semaphore(%arg15 : memref<!tpu.dma_semaphore, #tpu.memory_space<semaphore_mem>>) src(%dma_wait3A_972 : memref<8x3200xf32, #tpu.memory_space<hbm>>) dst(%arg11 : memref<8x3200xf32, #tpu.memory_space<vmem>>)
      } else {
      }
      %mul3A_507 = arith.constant 8 : i32
      %mul3A_508 = arith.muli %add3A_497, %mul3A_507 : i32
      %add3A_509 = arith.constant 0 : i32
      %add3A_510 = arith.addi %mul3A_508, %add3A_509 : i32
      %broadcast_in_dim3A_511 = vector.broadcast %add3A_510 : i32 to vector<16xi32>
      %gather3A_512 = tpu.vector_load_idx %arg6[%broadcast_in_dim3A_511] : memref<512xi32, #tpu.memory_space<vmem>>[vector<16xi32>], vector<16xi32>,
      %add3A_513 = arith.constant 0 : i32
      %add3A_514 = vector.broadcast %add3A_513 : i32 to vector<16xi32>
      %add3A_515 = arith.addi %iota3A, %add3A_514 : vector<16xi32>
      %gather3A_516 = tpu.vector_load_idx %arg7[%gather3A_512, %add3A_515] : memref<128x128xf32, #tpu.memory_space<vmem>>[vector<16xi32>, vector<16xi32>], vector<16xf32>,
      %add3A_517 = arith.constant 16 : i32
      %add3A_518 = vector.broadcast %add3A_517 : i32 to vector<16xi32>
      %add3A_519 = arith.addi %iota3A, %add3A_518 : vector<16xi32>
      %gather3A_520 = tpu.vector_load_idx %arg7[%gather3A_512, %add3A_519] : memref<128x128xf32, #tpu.memory_space<vmem>>[vector<16xi32>, vector<16xi32>], vector<16xf32>,
      %add3A_521 = arith.constant 32 : i32
      %add3A_522 = vector.broadcast %add3A_521 : i32 to vector<16xi32>
      %add3A_523 = arith.addi %iota3A, %add3A_522 : vector<16xi32>
      %gather3A_524 = tpu.vector_load_idx %arg7[%gather3A_512, %add3A_523] : memref<128x128xf32, #tpu.memory_space<vmem>>[vector<16xi32>, vector<16xi32>], vector<16xf32>,
      %add3A_525 = arith.constant 48 : i32
      %add3A_526 = vector.broadcast %add3A_525 : i32 to vector<16xi32>
      %add3A_527 = arith.addi %iota3A, %add3A_526 : vector<16xi32>
      %gather3A_528 = tpu.vector_load_idx %arg7[%gather3A_512, %add3A_527] : memref<128x128xf32, #tpu.memory_space<vmem>>[vector<16xi32>, vector<16xi32>], vector<16xf32>,
      %add3A_529 = arith.constant 64 : i32
      %add3A_530 = vector.broadcast %add3A_529 : i32 to vector<16xi32>
      %add3A_531 = arith.addi %iota3A, %add3A_530 : vector<16xi32>
      %add3A_532 = arith.constant 0 : i32
      %add3A_533 = vector.broadcast %add3A_532 : i32 to vector<16xi32>
      %add3A_534 = arith.addi %add3A_531, %add3A_533 : vector<16xi32>
      %gather3A_535 = tpu.vector_load_idx %arg7[%gather3A_512, %add3A_534] : memref<128x128xf32, #tpu.memory_space<vmem>>[vector<16xi32>, vector<16xi32>], vector<16xf32>,
      %add3A_536 = arith.constant 64 : i32
      %add3A_537 = vector.broadcast %add3A_536 : i32 to vector<16xi32>
      %add3A_538 = arith.addi %iota3A, %add3A_537 : vector<16xi32>
      %add3A_539 = arith.constant 16 : i32
      %add3A_540 = vector.broadcast %add3A_539 : i32 to vector<16xi32>
      %add3A_541 = arith.addi %add3A_538, %add3A_540 : vector<16xi32>
      %gather3A_542 = tpu.vector_load_idx %arg7[%gather3A_512, %add3A_541] : memref<128x128xf32, #tpu.memory_space<vmem>>[vector<16xi32>, vector<16xi32>], vector<16xf32>,
      %add3A_543 = arith.constant 64 : i32
      %add3A_544 = vector.broadcast %add3A_543 : i32 to vector<16xi32>
      %add3A_545 = arith.addi %iota3A, %add3A_544 : vector<16xi32>
      %add3A_546 = arith.constant 32 : i32
      %add3A_547 = vector.broadcast %add3A_546 : i32 to vector<16xi32>
      %add3A_548 = arith.addi %add3A_545, %add3A_547 : vector<16xi32>
      %gather3A_549 = tpu.vector_load_idx %arg7[%gather3A_512, %add3A_548] : memref<128x128xf32, #tpu.memory_space<vmem>>[vector<16xi32>, vector<16xi32>], vector<16xf32>,
      %add3A_550 = arith.constant 64 : i32
      %add3A_551 = vector.broadcast %add3A_550 : i32 to vector<16xi32>
      %add3A_552 = arith.addi %iota3A, %add3A_551 : vector<16xi32>
      %add3A_553 = arith.constant 48 : i32
      %add3A_554 = vector.broadcast %add3A_553 : i32 to vector<16xi32>
      %add3A_555 = arith.addi %add3A_552, %add3A_554 : vector<16xi32>
      %gather3A_556 = tpu.vector_load_idx %arg7[%gather3A_512, %add3A_555] : memref<128x128xf32, #tpu.memory_space<vmem>>[vector<16xi32>, vector<16xi32>], vector<16xf32>,
      %scan3A_557 = arith.constant 0 : i32
      %scan3A_558 = arith.constant 0 : i32
      %scan3A_559 = arith.constant 25 : i32
      %scan3A_560 = arith.addi %scan3A_558, %scan3A_559 : i32
      %scan3A_561 = arith.constant 1 : i32
      scf.for %scan3A_969 = %scan3A_558 to %scan3A_560 step %scan3A_561  : i32 {
        %mul3A_970 = arith.constant 128 : i32
        %mul3A_971 = arith.muli %scan3A_969, %mul3A_970 : i32
        %add3A_972 = arith.constant 0 : i32
        %add3A_973 = arith.addi %mul3A_971, %add3A_972 : i32
        %add3A_974 = arith.constant 0 : i32
        %add3A_975 = arith.addi %add3A_973, %add3A_974 : i32
        %get3A = arith.constant 0 : i32
        %get3A_976 = arith.index_cast %get3A : i32 to index
        %get3A_977 = arith.index_cast %add3A_975 : i32 to index
        %get3A_978 = tpu.vector_load %arg9[%get3A_976, %get3A_977] {strides = array<i32>} : memref<8x3200xf32, #tpu.memory_space<vmem>>, vector<16xf32>,
        %mul3A_979 = arith.mulf %get3A_978, %gather3A_516 : vector<16xf32>
        %add3A_980 = arith.addf %mul3A_979, %gather3A_535 : vector<16xf32>
        %swap3A = arith.constant 0 : i32
        %swap3A_981 = arith.index_cast %swap3A : i32 to index
        %swap3A_982 = arith.index_cast %add3A_975 : i32 to index
        %swap3A_983 = tpu.vector_load %arg11[%swap3A_981, %swap3A_982] {strides = array<i32>} : memref<8x3200xf32, #tpu.memory_space<vmem>>, vector<16xf32>,
        tpu.vector_store %arg11[%swap3A_981, %swap3A_982], %add3A_980 {strides = array<i32>} : memref<8x3200xf32, #tpu.memory_space<vmem>>, vector<16xf32>,
        %add3A_984 = arith.constant 0 : i32
        %add3A_985 = arith.addi %mul3A_971, %add3A_984 : i32
        %add3A_986 = arith.constant 16 : i32
        %add3A_987 = arith.addi %add3A_985, %add3A_986 : i32
        %get3A_988 = arith.constant 0 : i32
        %get3A_989 = arith.index_cast %get3A_988 : i32 to index
        %get3A_990 = arith.index_cast %add3A_987 : i32 to index
        %get3A_991 = tpu.vector_load %arg9[%get3A_989, %get3A_990] {strides = array<i32>} : memref<8x3200xf32, #tpu.memory_space<vmem>>, vector<16xf32>,
        %mul3A_992 = arith.mulf %get3A_991, %gather3A_520 : vector<16xf32>
        %add3A_993 = arith.addf %mul3A_992, %gather3A_542 : vector<16xf32>
        %swap3A_994 = arith.constant 0 : i32
        %swap3A_995 = arith.index_cast %swap3A_994 : i32 to index
        %swap3A_996 = arith.index_cast %add3A_987 : i32 to index
        %swap3A_997 = tpu.vector_load %arg11[%swap3A_995, %swap3A_996] {strides = array<i32>} : memref<8x3200xf32, #tpu.memory_space<vmem>>, vector<16xf32>,
        tpu.vector_store %arg11[%swap3A_995, %swap3A_996], %add3A_993 {strides = array<i32>} : memref<8x3200xf32, #tpu.memory_space<vmem>>, vector<16xf32>,
        %add3A_998 = arith.constant 0 : i32
        %add3A_999 = arith.addi %mul3A_971, %add3A_998 : i32
        %add3A_1000 = arith.constant 32 : i32
        %add3A_1001 = arith.addi %add3A_999, %add3A_1000 : i32
        %get3A_1002 = arith.constant 0 : i32
        %get3A_1003 = arith.index_cast %get3A_1002 : i32 to index
        %get3A_1004 = arith.index_cast %add3A_1001 : i32 to index
        %get3A_1005 = tpu.vector_load %arg9[%get3A_1003, %get3A_1004] {strides = array<i32>} : memref<8x3200xf32, #tpu.memory_space<vmem>>, vector<16xf32>,
        %mul3A_1006 = arith.mulf %get3A_1005, %gather3A_524 : vector<16xf32>
        %add3A_1007 = arith.addf %mul3A_1006, %gather3A_549 : vector<16xf32>
        %swap3A_1008 = arith.constant 0 : i32
        %swap3A_1009 = arith.index_cast %swap3A_1008 : i32 to index
        %swap3A_1010 = arith.index_cast %add3A_1001 : i32 to index
        %swap3A_1011 = tpu.vector_load %arg11[%swap3A_1009, %swap3A_1010] {strides = array<i32>} : memref<8x3200xf32, #tpu.memory_space<vmem>>, vector<16xf32>,
        tpu.vector_store %arg11[%swap3A_1009, %swap3A_1010], %add3A_1007 {strides = array<i32>} : memref<8x3200xf32, #tpu.memory_space<vmem>>, vector<16xf32>,
        %add3A_1012 = arith.constant 0 : i32
        %add3A_1013 = arith.addi %mul3A_971, %add3A_1012 : i32
        %add3A_1014 = arith.constant 48 : i32
        %add3A_1015 = arith.addi %add3A_1013, %add3A_1014 : i32
        %get3A_1016 = arith.constant 0 : i32
        %get3A_1017 = arith.index_cast %get3A_1016 : i32 to index
        %get3A_1018 = arith.index_cast %add3A_1015 : i32 to index
        %get3A_1019 = tpu.vector_load %arg9[%get3A_1017, %get3A_1018] {strides = array<i32>} : memref<8x3200xf32, #tpu.memory_space<vmem>>, vector<16xf32>,
        %mul3A_1020 = arith.mulf %get3A_1019, %gather3A_528 : vector<16xf32>
        %add3A_1021 = arith.addf %mul3A_1020, %gather3A_556 : vector<16xf32>
        %swap3A_1022 = arith.constant 0 : i32
        %swap3A_1023 = arith.index_cast %swap3A_1022 : i32 to index
        %swap3A_1024 = arith.index_cast %add3A_1015 : i32 to index
        %swap3A_1025 = tpu.vector_load %arg11[%swap3A_1023, %swap3A_1024] {strides = array<i32>} : memref<8x3200xf32, #tpu.memory_space<vmem>>, vector<16xf32>,
        tpu.vector_store %arg11[%swap3A_1023, %swap3A_1024], %add3A_1021 {strides = array<i32>} : memref<8x3200xf32, #tpu.memory_space<vmem>>, vector<16xf32>,
        %add3A_1026 = arith.constant 64 : i32
        %add3A_1027 = arith.addi %mul3A_971, %add3A_1026 : i32
        %add3A_1028 = arith.constant 0 : i32
        %add3A_1029 = arith.addi %add3A_1027, %add3A_1028 : i32
        %get3A_1030 = arith.constant 0 : i32
        %get3A_1031 = arith.index_cast %get3A_1030 : i32 to index
        %get3A_1032 = arith.index_cast %add3A_1029 : i32 to index
        %get3A_1033 = tpu.vector_load %arg9[%get3A_1031, %get3A_1032] {strides = array<i32>} : memref<8x3200xf32, #tpu.memory_space<vmem>>, vector<16xf32>,
        %mul3A_1034 = arith.mulf %get3A_1033, %gather3A_516 : vector<16xf32>
        %add3A_1035 = arith.addf %mul3A_1034, %gather3A_535 : vector<16xf32>
        %swap3A_1036 = arith.constant 0 : i32
        %swap3A_1037 = arith.index_cast %swap3A_1036 : i32 to index
        %swap3A_1038 = arith.index_cast %add3A_1029 : i32 to index
        %swap3A_1039 = tpu.vector_load %arg11[%swap3A_1037, %swap3A_1038] {strides = array<i32>} : memref<8x3200xf32, #tpu.memory_space<vmem>>, vector<16xf32>,
        tpu.vector_store %arg11[%swap3A_1037, %swap3A_1038], %add3A_1035 {strides = array<i32>} : memref<8x3200xf32, #tpu.memory_space<vmem>>, vector<16xf32>,
        %add3A_1040 = arith.constant 64 : i32
        %add3A_1041 = arith.addi %mul3A_971, %add3A_1040 : i32
        %add3A_1042 = arith.constant 16 : i32
        %add3A_1043 = arith.addi %add3A_1041, %add3A_1042 : i32
        %get3A_1044 = arith.constant 0 : i32
        %get3A_1045 = arith.index_cast %get3A_1044 : i32 to index
        %get3A_1046 = arith.index_cast %add3A_1043 : i32 to index
        %get3A_1047 = tpu.vector_load %arg9[%get3A_1045, %get3A_1046] {strides = array<i32>} : memref<8x3200xf32, #tpu.memory_space<vmem>>, vector<16xf32>,
        %mul3A_1048 = arith.mulf %get3A_1047, %gather3A_520 : vector<16xf32>
        %add3A_1049 = arith.addf %mul3A_1048, %gather3A_542 : vector<16xf32>
        %swap3A_1050 = arith.constant 0 : i32
        %swap3A_1051 = arith.index_cast %swap3A_1050 : i32 to index
        %swap3A_1052 = arith.index_cast %add3A_1043 : i32 to index
        %swap3A_1053 = tpu.vector_load %arg11[%swap3A_1051, %swap3A_1052] {strides = array<i32>} : memref<8x3200xf32, #tpu.memory_space<vmem>>, vector<16xf32>,
        tpu.vector_store %arg11[%swap3A_1051, %swap3A_1052], %add3A_1049 {strides = array<i32>} : memref<8x3200xf32, #tpu.memory_space<vmem>>, vector<16xf32>,
        %add3A_1054 = arith.constant 64 : i32
        %add3A_1055 = arith.addi %mul3A_971, %add3A_1054 : i32
        %add3A_1056 = arith.constant 32 : i32
        %add3A_1057 = arith.addi %add3A_1055, %add3A_1056 : i32
        %get3A_1058 = arith.constant 0 : i32
        %get3A_1059 = arith.index_cast %get3A_1058 : i32 to index
        %get3A_1060 = arith.index_cast %add3A_1057 : i32 to index
        %get3A_1061 = tpu.vector_load %arg9[%get3A_1059, %get3A_1060] {strides = array<i32>} : memref<8x3200xf32, #tpu.memory_space<vmem>>, vector<16xf32>,
        %mul3A_1062 = arith.mulf %get3A_1061, %gather3A_524 : vector<16xf32>
        %add3A_1063 = arith.addf %mul3A_1062, %gather3A_549 : vector<16xf32>
        %swap3A_1064 = arith.constant 0 : i32
        %swap3A_1065 = arith.index_cast %swap3A_1064 : i32 to index
        %swap3A_1066 = arith.index_cast %add3A_1057 : i32 to index
        %swap3A_1067 = tpu.vector_load %arg11[%swap3A_1065, %swap3A_1066] {strides = array<i32>} : memref<8x3200xf32, #tpu.memory_space<vmem>>, vector<16xf32>,
        tpu.vector_store %arg11[%swap3A_1065, %swap3A_1066], %add3A_1063 {strides = array<i32>} : memref<8x3200xf32, #tpu.memory_space<vmem>>, vector<16xf32>,
        %add3A_1068 = arith.constant 64 : i32
        %add3A_1069 = arith.addi %mul3A_971, %add3A_1068 : i32
        %add3A_1070 = arith.constant 48 : i32
        %add3A_1071 = arith.addi %add3A_1069, %add3A_1070 : i32
        %get3A_1072 = arith.constant 0 : i32
        %get3A_1073 = arith.index_cast %get3A_1072 : i32 to index
        %get3A_1074 = arith.index_cast %add3A_1071 : i32 to index
        %get3A_1075 = tpu.vector_load %arg9[%get3A_1073, %get3A_1074] {strides = array<i32>} : memref<8x3200xf32, #tpu.memory_space<vmem>>, vector<16xf32>,
        %mul3A_1076 = arith.mulf %get3A_1075, %gather3A_528 : vector<16xf32>
        %add3A_1077 = arith.addf %mul3A_1076, %gather3A_556 : vector<16xf32>
        %swap3A_1078 = arith.constant 0 : i32
        %swap3A_1079 = arith.index_cast %swap3A_1078 : i32 to index
        %swap3A_1080 = arith.index_cast %add3A_1071 : i32 to index
        %swap3A_1081 = tpu.vector_load %arg11[%swap3A_1079, %swap3A_1080] {strides = array<i32>} : memref<8x3200xf32, #tpu.memory_space<vmem>>, vector<16xf32>,
        tpu.vector_store %arg11[%swap3A_1079, %swap3A_1080], %add3A_1077 {strides = array<i32>} : memref<8x3200xf32, #tpu.memory_space<vmem>>, vector<16xf32>,
      }
      %scan3A_562 = arith.constant 25 : i32
      %mul3A_563 = arith.constant 8 : i32
      %mul3A_564 = arith.muli %add3A_497, %mul3A_563 : i32
      %add3A_565 = arith.constant 1 : i32
      %add3A_566 = arith.addi %mul3A_564, %add3A_565 : i32
      %broadcast_in_dim3A_567 = vector.broadcast %add3A_566 : i32 to vector<16xi32>
      %gather3A_568 = tpu.vector_load_idx %arg6[%broadcast_in_dim3A_567] : memref<512xi32, #tpu.memory_space<vmem>>[vector<16xi32>], vector<16xi32>,
      %add3A_569 = arith.constant 0 : i32
      %add3A_570 = vector.broadcast %add3A_569 : i32 to vector<16xi32>
      %add3A_571 = arith.addi %iota3A, %add3A_570 : vector<16xi32>
      %gather3A_572 = tpu.vector_load_idx %arg7[%gather3A_568, %add3A_571] : memref<128x128xf32, #tpu.memory_space<vmem>>[vector<16xi32>, vector<16xi32>], vector<16xf32>,
      %add3A_573 = arith.constant 16 : i32
      %add3A_574 = vector.broadcast %add3A_573 : i32 to vector<16xi32>
      %add3A_575 = arith.addi %iota3A, %add3A_574 : vector<16xi32>
      %gather3A_576 = tpu.vector_load_idx %arg7[%gather3A_568, %add3A_575] : memref<128x128xf32, #tpu.memory_space<vmem>>[vector<16xi32>, vector<16xi32>], vector<16xf32>,
      %add3A_577 = arith.constant 32 : i32
      %add3A_578 = vector.broadcast %add3A_577 : i32 to vector<16xi32>
      %add3A_579 = arith.addi %iota3A, %add3A_578 : vector<16xi32>
      %gather3A_580 = tpu.vector_load_idx %arg7[%gather3A_568, %add3A_579] : memref<128x128xf32, #tpu.memory_space<vmem>>[vector<16xi32>, vector<16xi32>], vector<16xf32>,
      %add3A_581 = arith.constant 48 : i32
      %add3A_582 = vector.broadcast %add3A_581 : i32 to vector<16xi32>
      %add3A_583 = arith.addi %iota3A, %add3A_582 : vector<16xi32>
      %gather3A_584 = tpu.vector_load_idx %arg7[%gather3A_568, %add3A_583] : memref<128x128xf32, #tpu.memory_space<vmem>>[vector<16xi32>, vector<16xi32>], vector<16xf32>,
      %add3A_585 = arith.constant 64 : i32
      %add3A_586 = vector.broadcast %add3A_585 : i32 to vector<16xi32>
      %add3A_587 = arith.addi %iota3A, %add3A_586 : vector<16xi32>
      %add3A_588 = arith.constant 0 : i32
      %add3A_589 = vector.broadcast %add3A_588 : i32 to vector<16xi32>
      %add3A_590 = arith.addi %add3A_587, %add3A_589 : vector<16xi32>
      %gather3A_591 = tpu.vector_load_idx %arg7[%gather3A_568, %add3A_590] : memref<128x128xf32, #tpu.memory_space<vmem>>[vector<16xi32>, vector<16xi32>], vector<16xf32>,
      %add3A_592 = arith.constant 64 : i32
      %add3A_593 = vector.broadcast %add3A_592 : i32 to vector<16xi32>
      %add3A_594 = arith.addi %iota3A, %add3A_593 : vector<16xi32>
      %add3A_595 = arith.constant 16 : i32
      %add3A_596 = vector.broadcast %add3A_595 : i32 to vector<16xi32>
      %add3A_597 = arith.addi %add3A_594, %add3A_596 : vector<16xi32>
      %gather3A_598 = tpu.vector_load_idx %arg7[%gather3A_568, %add3A_597] : memref<128x128xf32, #tpu.memory_space<vmem>>[vector<16xi32>, vector<16xi32>], vector<16xf32>,
      %add3A_599 = arith.constant 64 : i32
      %add3A_600 = vector.broadcast %add3A_599 : i32 to vector<16xi32>
      %add3A_601 = arith.addi %iota3A, %add3A_600 : vector<16xi32>
      %add3A_602 = arith.constant 32 : i32
      %add3A_603 = vector.broadcast %add3A_602 : i32 to vector<16xi32>
      %add3A_604 = arith.addi %add3A_601, %add3A_603 : vector<16xi32>
      %gather3A_605 = tpu.vector_load_idx %arg7[%gather3A_568, %add3A_604] : memref<128x128xf32, #tpu.memory_space<vmem>>[vector<16xi32>, vector<16xi32>], vector<16xf32>,
      %add3A_606 = arith.constant 64 : i32
      %add3A_607 = vector.broadcast %add3A_606 : i32 to vector<16xi32>
      %add3A_608 = arith.addi %iota3A, %add3A_607 : vector<16xi32>
      %add3A_609 = arith.constant 48 : i32
      %add3A_610 = vector.broadcast %add3A_609 : i32 to vector<16xi32>
      %add3A_611 = arith.addi %add3A_608, %add3A_610 : vector<16xi32>
      %gather3A_612 = tpu.vector_load_idx %arg7[%gather3A_568, %add3A_611] : memref<128x128xf32, #tpu.memory_space<vmem>>[vector<16xi32>, vector<16xi32>], vector<16xf32>,
      %scan3A_613 = arith.constant 0 : i32
      %scan3A_614 = arith.constant 0 : i32
      %scan3A_615 = arith.constant 25 : i32
      %scan3A_616 = arith.addi %scan3A_614, %scan3A_615 : i32
      %scan3A_617 = arith.constant 1 : i32
      scf.for %scan3A_969 = %scan3A_614 to %scan3A_616 step %scan3A_617  : i32 {
        %mul3A_970 = arith.constant 128 : i32
        %mul3A_971 = arith.muli %scan3A_969, %mul3A_970 : i32
        %add3A_972 = arith.constant 0 : i32
        %add3A_973 = arith.addi %mul3A_971, %add3A_972 : i32
        %add3A_974 = arith.constant 0 : i32
        %add3A_975 = arith.addi %add3A_973, %add3A_974 : i32
        %get3A = arith.constant 1 : i32
        %get3A_976 = arith.index_cast %get3A : i32 to index
        %get3A_977 = arith.index_cast %add3A_975 : i32 to index
        %get3A_978 = tpu.vector_load %arg9[%get3A_976, %get3A_977] {strides = array<i32>} : memref<8x3200xf32, #tpu.memory_space<vmem>>, vector<16xf32>,
        %mul3A_979 = arith.mulf %get3A_978, %gather3A_572 : vector<16xf32>
        %add3A_980 = arith.addf %mul3A_979, %gather3A_591 : vector<16xf32>
        %swap3A = arith.constant 1 : i32
        %swap3A_981 = arith.index_cast %swap3A : i32 to index
        %swap3A_982 = arith.index_cast %add3A_975 : i32 to index
        %swap3A_983 = tpu.vector_load %arg11[%swap3A_981, %swap3A_982] {strides = array<i32>} : memref<8x3200xf32, #tpu.memory_space<vmem>>, vector<16xf32>,
        tpu.vector_store %arg11[%swap3A_981, %swap3A_982], %add3A_980 {strides = array<i32>} : memref<8x3200xf32, #tpu.memory_space<vmem>>, vector<16xf32>,
        %add3A_984 = arith.constant 0 : i32
        %add3A_985 = arith.addi %mul3A_971, %add3A_984 : i32
        %add3A_986 = arith.constant 16 : i32
        %add3A_987 = arith.addi %add3A_985, %add3A_986 : i32
        %get3A_988 = arith.constant 1 : i32
        %get3A_989 = arith.index_cast %get3A_988 : i32 to index
        %get3A_990 = arith.index_cast %add3A_987 : i32 to index
        %get3A_991 = tpu.vector_load %arg9[%get3A_989, %get3A_990] {strides = array<i32>} : memref<8x3200xf32, #tpu.memory_space<vmem>>, vector<16xf32>,
        %mul3A_992 = arith.mulf %get3A_991, %gather3A_576 : vector<16xf32>
        %add3A_993 = arith.addf %mul3A_992, %gather3A_598 : vector<16xf32>
        %swap3A_994 = arith.constant 1 : i32
        %swap3A_995 = arith.index_cast %swap3A_994 : i32 to index
        %swap3A_996 = arith.index_cast %add3A_987 : i32 to index
        %swap3A_997 = tpu.vector_load %arg11[%swap3A_995, %swap3A_996] {strides = array<i32>} : memref<8x3200xf32, #tpu.memory_space<vmem>>, vector<16xf32>,
        tpu.vector_store %arg11[%swap3A_995, %swap3A_996], %add3A_993 {strides = array<i32>} : memref<8x3200xf32, #tpu.memory_space<vmem>>, vector<16xf32>,
        %add3A_998 = arith.constant 0 : i32
        %add3A_999 = arith.addi %mul3A_971, %add3A_998 : i32
        %add3A_1000 = arith.constant 32 : i32
        %add3A_1001 = arith.addi %add3A_999, %add3A_1000 : i32
        %get3A_1002 = arith.constant 1 : i32
        %get3A_1003 = arith.index_cast %get3A_1002 : i32 to index
        %get3A_1004 = arith.index_cast %add3A_1001 : i32 to index
        %get3A_1005 = tpu.vector_load %arg9[%get3A_1003, %get3A_1004] {strides = array<i32>} : memref<8x3200xf32, #tpu.memory_space<vmem>>, vector<16xf32>,
        %mul3A_1006 = arith.mulf %get3A_1005, %gather3A_580 : vector<16xf32>
        %add3A_1007 = arith.addf %mul3A_1006, %gather3A_605 : vector<16xf32>
        %swap3A_1008 = arith.constant 1 : i32
        %swap3A_1009 = arith.index_cast %swap3A_1008 : i32 to index
        %swap3A_1010 = arith.index_cast %add3A_1001 : i32 to index
        %swap3A_1011 = tpu.vector_load %arg11[%swap3A_1009, %swap3A_1010] {strides = array<i32>} : memref<8x3200xf32, #tpu.memory_space<vmem>>, vector<16xf32>,
        tpu.vector_store %arg11[%swap3A_1009, %swap3A_1010], %add3A_1007 {strides = array<i32>} : memref<8x3200xf32, #tpu.memory_space<vmem>>, vector<16xf32>,
        %add3A_1012 = arith.constant 0 : i32
        %add3A_1013 = arith.addi %mul3A_971, %add3A_1012 : i32
        %add3A_1014 = arith.constant 48 : i32
        %add3A_1015 = arith.addi %add3A_1013, %add3A_1014 : i32
        %get3A_1016 = arith.constant 1 : i32
        %get3A_1017 = arith.index_cast %get3A_1016 : i32 to index
        %get3A_1018 = arith.index_cast %add3A_1015 : i32 to index
        %get3A_1019 = tpu.vector_load %arg9[%get3A_1017, %get3A_1018] {strides = array<i32>} : memref<8x3200xf32, #tpu.memory_space<vmem>>, vector<16xf32>,
        %mul3A_1020 = arith.mulf %get3A_1019, %gather3A_584 : vector<16xf32>
        %add3A_1021 = arith.addf %mul3A_1020, %gather3A_612 : vector<16xf32>
        %swap3A_1022 = arith.constant 1 : i32
        %swap3A_1023 = arith.index_cast %swap3A_1022 : i32 to index
        %swap3A_1024 = arith.index_cast %add3A_1015 : i32 to index
        %swap3A_1025 = tpu.vector_load %arg11[%swap3A_1023, %swap3A_1024] {strides = array<i32>} : memref<8x3200xf32, #tpu.memory_space<vmem>>, vector<16xf32>,
        tpu.vector_store %arg11[%swap3A_1023, %swap3A_1024], %add3A_1021 {strides = array<i32>} : memref<8x3200xf32, #tpu.memory_space<vmem>>, vector<16xf32>,
        %add3A_1026 = arith.constant 64 : i32
        %add3A_1027 = arith.addi %mul3A_971, %add3A_1026 : i32
        %add3A_1028 = arith.constant 0 : i32
        %add3A_1029 = arith.addi %add3A_1027, %add3A_1028 : i32
        %get3A_1030 = arith.constant 1 : i32
        %get3A_1031 = arith.index_cast %get3A_1030 : i32 to index
        %get3A_1032 = arith.index_cast %add3A_1029 : i32 to index
        %get3A_1033 = tpu.vector_load %arg9[%get3A_1031, %get3A_1032] {strides = array<i32>} : memref<8x3200xf32, #tpu.memory_space<vmem>>, vector<16xf32>,
        %mul3A_1034 = arith.mulf %get3A_1033, %gather3A_572 : vector<16xf32>
        %add3A_1035 = arith.addf %mul3A_1034, %gather3A_591 : vector<16xf32>
        %swap3A_1036 = arith.constant 1 : i32
        %swap3A_1037 = arith.index_cast %swap3A_1036 : i32 to index
        %swap3A_1038 = arith.index_cast %add3A_1029 : i32 to index
        %swap3A_1039 = tpu.vector_load %arg11[%swap3A_1037, %swap3A_1038] {strides = array<i32>} : memref<8x3200xf32, #tpu.memory_space<vmem>>, vector<16xf32>,
        tpu.vector_store %arg11[%swap3A_1037, %swap3A_1038], %add3A_1035 {strides = array<i32>} : memref<8x3200xf32, #tpu.memory_space<vmem>>, vector<16xf32>,
        %add3A_1040 = arith.constant 64 : i32
        %add3A_1041 = arith.addi %mul3A_971, %add3A_1040 : i32
        %add3A_1042 = arith.constant 16 : i32
        %add3A_1043 = arith.addi %add3A_1041, %add3A_1042 : i32
        %get3A_1044 = arith.constant 1 : i32
        %get3A_1045 = arith.index_cast %get3A_1044 : i32 to index
        %get3A_1046 = arith.index_cast %add3A_1043 : i32 to index
        %get3A_1047 = tpu.vector_load %arg9[%get3A_1045, %get3A_1046] {strides = array<i32>} : memref<8x3200xf32, #tpu.memory_space<vmem>>, vector<16xf32>,
        %mul3A_1048 = arith.mulf %get3A_1047, %gather3A_576 : vector<16xf32>
        %add3A_1049 = arith.addf %mul3A_1048, %gather3A_598 : vector<16xf32>
        %swap3A_1050 = arith.constant 1 : i32
        %swap3A_1051 = arith.index_cast %swap3A_1050 : i32 to index
        %swap3A_1052 = arith.index_cast %add3A_1043 : i32 to index
        %swap3A_1053 = tpu.vector_load %arg11[%swap3A_1051, %swap3A_1052] {strides = array<i32>} : memref<8x3200xf32, #tpu.memory_space<vmem>>, vector<16xf32>,
        tpu.vector_store %arg11[%swap3A_1051, %swap3A_1052], %add3A_1049 {strides = array<i32>} : memref<8x3200xf32, #tpu.memory_space<vmem>>, vector<16xf32>,
        %add3A_1054 = arith.constant 64 : i32
        %add3A_1055 = arith.addi %mul3A_971, %add3A_1054 : i32
        %add3A_1056 = arith.constant 32 : i32
        %add3A_1057 = arith.addi %add3A_1055, %add3A_1056 : i32
        %get3A_1058 = arith.constant 1 : i32
        %get3A_1059 = arith.index_cast %get3A_1058 : i32 to index
        %get3A_1060 = arith.index_cast %add3A_1057 : i32 to index
        %get3A_1061 = tpu.vector_load %arg9[%get3A_1059, %get3A_1060] {strides = array<i32>} : memref<8x3200xf32, #tpu.memory_space<vmem>>, vector<16xf32>,
        %mul3A_1062 = arith.mulf %get3A_1061, %gather3A_580 : vector<16xf32>
        %add3A_1063 = arith.addf %mul3A_1062, %gather3A_605 : vector<16xf32>
        %swap3A_1064 = arith.constant 1 : i32
        %swap3A_1065 = arith.index_cast %swap3A_1064 : i32 to index
        %swap3A_1066 = arith.index_cast %add3A_1057 : i32 to index
        %swap3A_1067 = tpu.vector_load %arg11[%swap3A_1065, %swap3A_1066] {strides = array<i32>} : memref<8x3200xf32, #tpu.memory_space<vmem>>, vector<16xf32>,
        tpu.vector_store %arg11[%swap3A_1065, %swap3A_1066], %add3A_1063 {strides = array<i32>} : memref<8x3200xf32, #tpu.memory_space<vmem>>, vector<16xf32>,
        %add3A_1068 = arith.constant 64 : i32
        %add3A_1069 = arith.addi %mul3A_971, %add3A_1068 : i32
        %add3A_1070 = arith.constant 48 : i32
        %add3A_1071 = arith.addi %add3A_1069, %add3A_1070 : i32
        %get3A_1072 = arith.constant 1 : i32
        %get3A_1073 = arith.index_cast %get3A_1072 : i32 to index
        %get3A_1074 = arith.index_cast %add3A_1071 : i32 to index
        %get3A_1075 = tpu.vector_load %arg9[%get3A_1073, %get3A_1074] {strides = array<i32>} : memref<8x3200xf32, #tpu.memory_space<vmem>>, vector<16xf32>,
        %mul3A_1076 = arith.mulf %get3A_1075, %gather3A_584 : vector<16xf32>
        %add3A_1077 = arith.addf %mul3A_1076, %gather3A_612 : vector<16xf32>
        %swap3A_1078 = arith.constant 1 : i32
        %swap3A_1079 = arith.index_cast %swap3A_1078 : i32 to index
        %swap3A_1080 = arith.index_cast %add3A_1071 : i32 to index
        %swap3A_1081 = tpu.vector_load %arg11[%swap3A_1079, %swap3A_1080] {strides = array<i32>} : memref<8x3200xf32, #tpu.memory_space<vmem>>, vector<16xf32>,
        tpu.vector_store %arg11[%swap3A_1079, %swap3A_1080], %add3A_1077 {strides = array<i32>} : memref<8x3200xf32, #tpu.memory_space<vmem>>, vector<16xf32>,
      }
      %scan3A_618 = arith.constant 25 : i32
      %mul3A_619 = arith.constant 8 : i32
      %mul3A_620 = arith.muli %add3A_497, %mul3A_619 : i32
      %add3A_621 = arith.constant 2 : i32
      %add3A_622 = arith.addi %mul3A_620, %add3A_621 : i32
      %broadcast_in_dim3A_623 = vector.broadcast %add3A_622 : i32 to vector<16xi32>
      %gather3A_624 = tpu.vector_load_idx %arg6[%broadcast_in_dim3A_623] : memref<512xi32, #tpu.memory_space<vmem>>[vector<16xi32>], vector<16xi32>,
      %add3A_625 = arith.constant 0 : i32
      %add3A_626 = vector.broadcast %add3A_625 : i32 to vector<16xi32>
      %add3A_627 = arith.addi %iota3A, %add3A_626 : vector<16xi32>
      %gather3A_628 = tpu.vector_load_idx %arg7[%gather3A_624, %add3A_627] : memref<128x128xf32, #tpu.memory_space<vmem>>[vector<16xi32>, vector<16xi32>], vector<16xf32>,
      %add3A_629 = arith.constant 16 : i32
      %add3A_630 = vector.broadcast %add3A_629 : i32 to vector<16xi32>
      %add3A_631 = arith.addi %iota3A, %add3A_630 : vector<16xi32>
      %gather3A_632 = tpu.vector_load_idx %arg7[%gather3A_624, %add3A_631] : memref<128x128xf32, #tpu.memory_space<vmem>>[vector<16xi32>, vector<16xi32>], vector<16xf32>,
      %add3A_633 = arith.constant 32 : i32
      %add3A_634 = vector.broadcast %add3A_633 : i32 to vector<16xi32>
      %add3A_635 = arith.addi %iota3A, %add3A_634 : vector<16xi32>
      %gather3A_636 = tpu.vector_load_idx %arg7[%gather3A_624, %add3A_635] : memref<128x128xf32, #tpu.memory_space<vmem>>[vector<16xi32>, vector<16xi32>], vector<16xf32>,
      %add3A_637 = arith.constant 48 : i32
      %add3A_638 = vector.broadcast %add3A_637 : i32 to vector<16xi32>
      %add3A_639 = arith.addi %iota3A, %add3A_638 : vector<16xi32>
      %gather3A_640 = tpu.vector_load_idx %arg7[%gather3A_624, %add3A_639] : memref<128x128xf32, #tpu.memory_space<vmem>>[vector<16xi32>, vector<16xi32>], vector<16xf32>,
      %add3A_641 = arith.constant 64 : i32
      %add3A_642 = vector.broadcast %add3A_641 : i32 to vector<16xi32>
      %add3A_643 = arith.addi %iota3A, %add3A_642 : vector<16xi32>
      %add3A_644 = arith.constant 0 : i32
      %add3A_645 = vector.broadcast %add3A_644 : i32 to vector<16xi32>
      %add3A_646 = arith.addi %add3A_643, %add3A_645 : vector<16xi32>
      %gather3A_647 = tpu.vector_load_idx %arg7[%gather3A_624, %add3A_646] : memref<128x128xf32, #tpu.memory_space<vmem>>[vector<16xi32>, vector<16xi32>], vector<16xf32>,
      %add3A_648 = arith.constant 64 : i32
      %add3A_649 = vector.broadcast %add3A_648 : i32 to vector<16xi32>
      %add3A_650 = arith.addi %iota3A, %add3A_649 : vector<16xi32>
      %add3A_651 = arith.constant 16 : i32
      %add3A_652 = vector.broadcast %add3A_651 : i32 to vector<16xi32>
      %add3A_653 = arith.addi %add3A_650, %add3A_652 : vector<16xi32>
      %gather3A_654 = tpu.vector_load_idx %arg7[%gather3A_624, %add3A_653] : memref<128x128xf32, #tpu.memory_space<vmem>>[vector<16xi32>, vector<16xi32>], vector<16xf32>,
      %add3A_655 = arith.constant 64 : i32
      %add3A_656 = vector.broadcast %add3A_655 : i32 to vector<16xi32>
      %add3A_657 = arith.addi %iota3A, %add3A_656 : vector<16xi32>
      %add3A_658 = arith.constant 32 : i32
      %add3A_659 = vector.broadcast %add3A_658 : i32 to vector<16xi32>
      %add3A_660 = arith.addi %add3A_657, %add3A_659 : vector<16xi32>
      %gather3A_661 = tpu.vector_load_idx %arg7[%gather3A_624, %add3A_660] : memref<128x128xf32, #tpu.memory_space<vmem>>[vector<16xi32>, vector<16xi32>], vector<16xf32>,
      %add3A_662 = arith.constant 64 : i32
      %add3A_663 = vector.broadcast %add3A_662 : i32 to vector<16xi32>
      %add3A_664 = arith.addi %iota3A, %add3A_663 : vector<16xi32>
      %add3A_665 = arith.constant 48 : i32
      %add3A_666 = vector.broadcast %add3A_665 : i32 to vector<16xi32>
      %add3A_667 = arith.addi %add3A_664, %add3A_666 : vector<16xi32>
      %gather3A_668 = tpu.vector_load_idx %arg7[%gather3A_624, %add3A_667] : memref<128x128xf32, #tpu.memory_space<vmem>>[vector<16xi32>, vector<16xi32>], vector<16xf32>,
      %scan3A_669 = arith.constant 0 : i32
      %scan3A_670 = arith.constant 0 : i32
      %scan3A_671 = arith.constant 25 : i32
      %scan3A_672 = arith.addi %scan3A_670, %scan3A_671 : i32
      %scan3A_673 = arith.constant 1 : i32
      scf.for %scan3A_969 = %scan3A_670 to %scan3A_672 step %scan3A_673  : i32 {
        %mul3A_970 = arith.constant 128 : i32
        %mul3A_971 = arith.muli %scan3A_969, %mul3A_970 : i32
        %add3A_972 = arith.constant 0 : i32
        %add3A_973 = arith.addi %mul3A_971, %add3A_972 : i32
        %add3A_974 = arith.constant 0 : i32
        %add3A_975 = arith.addi %add3A_973, %add3A_974 : i32
        %get3A = arith.constant 2 : i32
        %get3A_976 = arith.index_cast %get3A : i32 to index
        %get3A_977 = arith.index_cast %add3A_975 : i32 to index
        %get3A_978 = tpu.vector_load %arg9[%get3A_976, %get3A_977] {strides = array<i32>} : memref<8x3200xf32, #tpu.memory_space<vmem>>, vector<16xf32>,
        %mul3A_979 = arith.mulf %get3A_978, %gather3A_628 : vector<16xf32>
        %add3A_980 = arith.addf %mul3A_979, %gather3A_647 : vector<16xf32>
        %swap3A = arith.constant 2 : i32
        %swap3A_981 = arith.index_cast %swap3A : i32 to index
        %swap3A_982 = arith.index_cast %add3A_975 : i32 to index
        %swap3A_983 = tpu.vector_load %arg11[%swap3A_981, %swap3A_982] {strides = array<i32>} : memref<8x3200xf32, #tpu.memory_space<vmem>>, vector<16xf32>,
        tpu.vector_store %arg11[%swap3A_981, %swap3A_982], %add3A_980 {strides = array<i32>} : memref<8x3200xf32, #tpu.memory_space<vmem>>, vector<16xf32>,
        %add3A_984 = arith.constant 0 : i32
        %add3A_985 = arith.addi %mul3A_971, %add3A_984 : i32
        %add3A_986 = arith.constant 16 : i32
        %add3A_987 = arith.addi %add3A_985, %add3A_986 : i32
        %get3A_988 = arith.constant 2 : i32
        %get3A_989 = arith.index_cast %get3A_988 : i32 to index
        %get3A_990 = arith.index_cast %add3A_987 : i32 to index
        %get3A_991 = tpu.vector_load %arg9[%get3A_989, %get3A_990] {strides = array<i32>} : memref<8x3200xf32, #tpu.memory_space<vmem>>, vector<16xf32>,
        %mul3A_992 = arith.mulf %get3A_991, %gather3A_632 : vector<16xf32>
        %add3A_993 = arith.addf %mul3A_992, %gather3A_654 : vector<16xf32>
        %swap3A_994 = arith.constant 2 : i32
        %swap3A_995 = arith.index_cast %swap3A_994 : i32 to index
        %swap3A_996 = arith.index_cast %add3A_987 : i32 to index
        %swap3A_997 = tpu.vector_load %arg11[%swap3A_995, %swap3A_996] {strides = array<i32>} : memref<8x3200xf32, #tpu.memory_space<vmem>>, vector<16xf32>,
        tpu.vector_store %arg11[%swap3A_995, %swap3A_996], %add3A_993 {strides = array<i32>} : memref<8x3200xf32, #tpu.memory_space<vmem>>, vector<16xf32>,
        %add3A_998 = arith.constant 0 : i32
        %add3A_999 = arith.addi %mul3A_971, %add3A_998 : i32
        %add3A_1000 = arith.constant 32 : i32
        %add3A_1001 = arith.addi %add3A_999, %add3A_1000 : i32
        %get3A_1002 = arith.constant 2 : i32
        %get3A_1003 = arith.index_cast %get3A_1002 : i32 to index
        %get3A_1004 = arith.index_cast %add3A_1001 : i32 to index
        %get3A_1005 = tpu.vector_load %arg9[%get3A_1003, %get3A_1004] {strides = array<i32>} : memref<8x3200xf32, #tpu.memory_space<vmem>>, vector<16xf32>,
        %mul3A_1006 = arith.mulf %get3A_1005, %gather3A_636 : vector<16xf32>
        %add3A_1007 = arith.addf %mul3A_1006, %gather3A_661 : vector<16xf32>
        %swap3A_1008 = arith.constant 2 : i32
        %swap3A_1009 = arith.index_cast %swap3A_1008 : i32 to index
        %swap3A_1010 = arith.index_cast %add3A_1001 : i32 to index
        %swap3A_1011 = tpu.vector_load %arg11[%swap3A_1009, %swap3A_1010] {strides = array<i32>} : memref<8x3200xf32, #tpu.memory_space<vmem>>, vector<16xf32>,
        tpu.vector_store %arg11[%swap3A_1009, %swap3A_1010], %add3A_1007 {strides = array<i32>} : memref<8x3200xf32, #tpu.memory_space<vmem>>, vector<16xf32>,
        %add3A_1012 = arith.constant 0 : i32
        %add3A_1013 = arith.addi %mul3A_971, %add3A_1012 : i32
        %add3A_1014 = arith.constant 48 : i32
        %add3A_1015 = arith.addi %add3A_1013, %add3A_1014 : i32
        %get3A_1016 = arith.constant 2 : i32
        %get3A_1017 = arith.index_cast %get3A_1016 : i32 to index
        %get3A_1018 = arith.index_cast %add3A_1015 : i32 to index
        %get3A_1019 = tpu.vector_load %arg9[%get3A_1017, %get3A_1018] {strides = array<i32>} : memref<8x3200xf32, #tpu.memory_space<vmem>>, vector<16xf32>,
        %mul3A_1020 = arith.mulf %get3A_1019, %gather3A_640 : vector<16xf32>
        %add3A_1021 = arith.addf %mul3A_1020, %gather3A_668 : vector<16xf32>
        %swap3A_1022 = arith.constant 2 : i32
        %swap3A_1023 = arith.index_cast %swap3A_1022 : i32 to index
        %swap3A_1024 = arith.index_cast %add3A_1015 : i32 to index
        %swap3A_1025 = tpu.vector_load %arg11[%swap3A_1023, %swap3A_1024] {strides = array<i32>} : memref<8x3200xf32, #tpu.memory_space<vmem>>, vector<16xf32>,
        tpu.vector_store %arg11[%swap3A_1023, %swap3A_1024], %add3A_1021 {strides = array<i32>} : memref<8x3200xf32, #tpu.memory_space<vmem>>, vector<16xf32>,
        %add3A_1026 = arith.constant 64 : i32
        %add3A_1027 = arith.addi %mul3A_971, %add3A_1026 : i32
        %add3A_1028 = arith.constant 0 : i32
        %add3A_1029 = arith.addi %add3A_1027, %add3A_1028 : i32
        %get3A_1030 = arith.constant 2 : i32
        %get3A_1031 = arith.index_cast %get3A_1030 : i32 to index
        %get3A_1032 = arith.index_cast %add3A_1029 : i32 to index
        %get3A_1033 = tpu.vector_load %arg9[%get3A_1031, %get3A_1032] {strides = array<i32>} : memref<8x3200xf32, #tpu.memory_space<vmem>>, vector<16xf32>,
        %mul3A_1034 = arith.mulf %get3A_1033, %gather3A_628 : vector<16xf32>
        %add3A_1035 = arith.addf %mul3A_1034, %gather3A_647 : vector<16xf32>
        %swap3A_1036 = arith.constant 2 : i32
        %swap3A_1037 = arith.index_cast %swap3A_1036 : i32 to index
        %swap3A_1038 = arith.index_cast %add3A_1029 : i32 to index
        %swap3A_1039 = tpu.vector_load %arg11[%swap3A_1037, %swap3A_1038] {strides = array<i32>} : memref<8x3200xf32, #tpu.memory_space<vmem>>, vector<16xf32>,
        tpu.vector_store %arg11[%swap3A_1037, %swap3A_1038], %add3A_1035 {strides = array<i32>} : memref<8x3200xf32, #tpu.memory_space<vmem>>, vector<16xf32>,
        %add3A_1040 = arith.constant 64 : i32
        %add3A_1041 = arith.addi %mul3A_971, %add3A_1040 : i32
        %add3A_1042 = arith.constant 16 : i32
        %add3A_1043 = arith.addi %add3A_1041, %add3A_1042 : i32
        %get3A_1044 = arith.constant 2 : i32
        %get3A_1045 = arith.index_cast %get3A_1044 : i32 to index
        %get3A_1046 = arith.index_cast %add3A_1043 : i32 to index
        %get3A_1047 = tpu.vector_load %arg9[%get3A_1045, %get3A_1046] {strides = array<i32>} : memref<8x3200xf32, #tpu.memory_space<vmem>>, vector<16xf32>,
        %mul3A_1048 = arith.mulf %get3A_1047, %gather3A_632 : vector<16xf32>
        %add3A_1049 = arith.addf %mul3A_1048, %gather3A_654 : vector<16xf32>
        %swap3A_1050 = arith.constant 2 : i32
        %swap3A_1051 = arith.index_cast %swap3A_1050 : i32 to index
        %swap3A_1052 = arith.index_cast %add3A_1043 : i32 to index
        %swap3A_1053 = tpu.vector_load %arg11[%swap3A_1051, %swap3A_1052] {strides = array<i32>} : memref<8x3200xf32, #tpu.memory_space<vmem>>, vector<16xf32>,
        tpu.vector_store %arg11[%swap3A_1051, %swap3A_1052], %add3A_1049 {strides = array<i32>} : memref<8x3200xf32, #tpu.memory_space<vmem>>, vector<16xf32>,
        %add3A_1054 = arith.constant 64 : i32
        %add3A_1055 = arith.addi %mul3A_971, %add3A_1054 : i32
        %add3A_1056 = arith.constant 32 : i32
        %add3A_1057 = arith.addi %add3A_1055, %add3A_1056 : i32
        %get3A_1058 = arith.constant 2 : i32
        %get3A_1059 = arith.index_cast %get3A_1058 : i32 to index
        %get3A_1060 = arith.index_cast %add3A_1057 : i32 to index
        %get3A_1061 = tpu.vector_load %arg9[%get3A_1059, %get3A_1060] {strides = array<i32>} : memref<8x3200xf32, #tpu.memory_space<vmem>>, vector<16xf32>,
        %mul3A_1062 = arith.mulf %get3A_1061, %gather3A_636 : vector<16xf32>
        %add3A_1063 = arith.addf %mul3A_1062, %gather3A_661 : vector<16xf32>
        %swap3A_1064 = arith.constant 2 : i32
        %swap3A_1065 = arith.index_cast %swap3A_1064 : i32 to index
        %swap3A_1066 = arith.index_cast %add3A_1057 : i32 to index
        %swap3A_1067 = tpu.vector_load %arg11[%swap3A_1065, %swap3A_1066] {strides = array<i32>} : memref<8x3200xf32, #tpu.memory_space<vmem>>, vector<16xf32>,
        tpu.vector_store %arg11[%swap3A_1065, %swap3A_1066], %add3A_1063 {strides = array<i32>} : memref<8x3200xf32, #tpu.memory_space<vmem>>, vector<16xf32>,
        %add3A_1068 = arith.constant 64 : i32
        %add3A_1069 = arith.addi %mul3A_971, %add3A_1068 : i32
        %add3A_1070 = arith.constant 48 : i32
        %add3A_1071 = arith.addi %add3A_1069, %add3A_1070 : i32
        %get3A_1072 = arith.constant 2 : i32
        %get3A_1073 = arith.index_cast %get3A_1072 : i32 to index
        %get3A_1074 = arith.index_cast %add3A_1071 : i32 to index
        %get3A_1075 = tpu.vector_load %arg9[%get3A_1073, %get3A_1074] {strides = array<i32>} : memref<8x3200xf32, #tpu.memory_space<vmem>>, vector<16xf32>,
        %mul3A_1076 = arith.mulf %get3A_1075, %gather3A_640 : vector<16xf32>
        %add3A_1077 = arith.addf %mul3A_1076, %gather3A_668 : vector<16xf32>
        %swap3A_1078 = arith.constant 2 : i32
        %swap3A_1079 = arith.index_cast %swap3A_1078 : i32 to index
        %swap3A_1080 = arith.index_cast %add3A_1071 : i32 to index
        %swap3A_1081 = tpu.vector_load %arg11[%swap3A_1079, %swap3A_1080] {strides = array<i32>} : memref<8x3200xf32, #tpu.memory_space<vmem>>, vector<16xf32>,
        tpu.vector_store %arg11[%swap3A_1079, %swap3A_1080], %add3A_1077 {strides = array<i32>} : memref<8x3200xf32, #tpu.memory_space<vmem>>, vector<16xf32>,
      }
      %scan3A_674 = arith.constant 25 : i32
      %mul3A_675 = arith.constant 8 : i32
      %mul3A_676 = arith.muli %add3A_497, %mul3A_675 : i32
      %add3A_677 = arith.constant 3 : i32
      %add3A_678 = arith.addi %mul3A_676, %add3A_677 : i32
      %broadcast_in_dim3A_679 = vector.broadcast %add3A_678 : i32 to vector<16xi32>
      %gather3A_680 = tpu.vector_load_idx %arg6[%broadcast_in_dim3A_679] : memref<512xi32, #tpu.memory_space<vmem>>[vector<16xi32>], vector<16xi32>,
      %add3A_681 = arith.constant 0 : i32
      %add3A_682 = vector.broadcast %add3A_681 : i32 to vector<16xi32>
      %add3A_683 = arith.addi %iota3A, %add3A_682 : vector<16xi32>
      %gather3A_684 = tpu.vector_load_idx %arg7[%gather3A_680, %add3A_683] : memref<128x128xf32, #tpu.memory_space<vmem>>[vector<16xi32>, vector<16xi32>], vector<16xf32>,
      %add3A_685 = arith.constant 16 : i32
      %add3A_686 = vector.broadcast %add3A_685 : i32 to vector<16xi32>
      %add3A_687 = arith.addi %iota3A, %add3A_686 : vector<16xi32>
      %gather3A_688 = tpu.vector_load_idx %arg7[%gather3A_680, %add3A_687] : memref<128x128xf32, #tpu.memory_space<vmem>>[vector<16xi32>, vector<16xi32>], vector<16xf32>,
      %add3A_689 = arith.constant 32 : i32
      %add3A_690 = vector.broadcast %add3A_689 : i32 to vector<16xi32>
      %add3A_691 = arith.addi %iota3A, %add3A_690 : vector<16xi32>
      %gather3A_692 = tpu.vector_load_idx %arg7[%gather3A_680, %add3A_691] : memref<128x128xf32, #tpu.memory_space<vmem>>[vector<16xi32>, vector<16xi32>], vector<16xf32>,
      %add3A_693 = arith.constant 48 : i32
      %add3A_694 = vector.broadcast %add3A_693 : i32 to vector<16xi32>
      %add3A_695 = arith.addi %iota3A, %add3A_694 : vector<16xi32>
      %gather3A_696 = tpu.vector_load_idx %arg7[%gather3A_680, %add3A_695] : memref<128x128xf32, #tpu.memory_space<vmem>>[vector<16xi32>, vector<16xi32>], vector<16xf32>,
      %add3A_697 = arith.constant 64 : i32
      %add3A_698 = vector.broadcast %add3A_697 : i32 to vector<16xi32>
      %add3A_699 = arith.addi %iota3A, %add3A_698 : vector<16xi32>
      %add3A_700 = arith.constant 0 : i32
      %add3A_701 = vector.broadcast %add3A_700 : i32 to vector<16xi32>
      %add3A_702 = arith.addi %add3A_699, %add3A_701 : vector<16xi32>
      %gather3A_703 = tpu.vector_load_idx %arg7[%gather3A_680, %add3A_702] : memref<128x128xf32, #tpu.memory_space<vmem>>[vector<16xi32>, vector<16xi32>], vector<16xf32>,
      %add3A_704 = arith.constant 64 : i32
      %add3A_705 = vector.broadcast %add3A_704 : i32 to vector<16xi32>
      %add3A_706 = arith.addi %iota3A, %add3A_705 : vector<16xi32>
      %add3A_707 = arith.constant 16 : i32
      %add3A_708 = vector.broadcast %add3A_707 : i32 to vector<16xi32>
      %add3A_709 = arith.addi %add3A_706, %add3A_708 : vector<16xi32>
      %gather3A_710 = tpu.vector_load_idx %arg7[%gather3A_680, %add3A_709] : memref<128x128xf32, #tpu.memory_space<vmem>>[vector<16xi32>, vector<16xi32>], vector<16xf32>,
      %add3A_711 = arith.constant 64 : i32
      %add3A_712 = vector.broadcast %add3A_711 : i32 to vector<16xi32>
      %add3A_713 = arith.addi %iota3A, %add3A_712 : vector<16xi32>
      %add3A_714 = arith.constant 32 : i32
      %add3A_715 = vector.broadcast %add3A_714 : i32 to vector<16xi32>
      %add3A_716 = arith.addi %add3A_713, %add3A_715 : vector<16xi32>
      %gather3A_717 = tpu.vector_load_idx %arg7[%gather3A_680, %add3A_716] : memref<128x128xf32, #tpu.memory_space<vmem>>[vector<16xi32>, vector<16xi32>], vector<16xf32>,
      %add3A_718 = arith.constant 64 : i32
      %add3A_719 = vector.broadcast %add3A_718 : i32 to vector<16xi32>
      %add3A_720 = arith.addi %iota3A, %add3A_719 : vector<16xi32>
      %add3A_721 = arith.constant 48 : i32
      %add3A_722 = vector.broadcast %add3A_721 : i32 to vector<16xi32>
      %add3A_723 = arith.addi %add3A_720, %add3A_722 : vector<16xi32>
      %gather3A_724 = tpu.vector_load_idx %arg7[%gather3A_680, %add3A_723] : memref<128x128xf32, #tpu.memory_space<vmem>>[vector<16xi32>, vector<16xi32>], vector<16xf32>,
      %scan3A_725 = arith.constant 0 : i32
      %scan3A_726 = arith.constant 0 : i32
      %scan3A_727 = arith.constant 25 : i32
      %scan3A_728 = arith.addi %scan3A_726, %scan3A_727 : i32
      %scan3A_729 = arith.constant 1 : i32
      scf.for %scan3A_969 = %scan3A_726 to %scan3A_728 step %scan3A_729  : i32 {
        %mul3A_970 = arith.constant 128 : i32
        %mul3A_971 = arith.muli %scan3A_969, %mul3A_970 : i32
        %add3A_972 = arith.constant 0 : i32
        %add3A_973 = arith.addi %mul3A_971, %add3A_972 : i32
        %add3A_974 = arith.constant 0 : i32
        %add3A_975 = arith.addi %add3A_973, %add3A_974 : i32
        %get3A = arith.constant 3 : i32
        %get3A_976 = arith.index_cast %get3A : i32 to index
        %get3A_977 = arith.index_cast %add3A_975 : i32 to index
        %get3A_978 = tpu.vector_load %arg9[%get3A_976, %get3A_977] {strides = array<i32>} : memref<8x3200xf32, #tpu.memory_space<vmem>>, vector<16xf32>,
        %mul3A_979 = arith.mulf %get3A_978, %gather3A_684 : vector<16xf32>
        %add3A_980 = arith.addf %mul3A_979, %gather3A_703 : vector<16xf32>
        %swap3A = arith.constant 3 : i32
        %swap3A_981 = arith.index_cast %swap3A : i32 to index
        %swap3A_982 = arith.index_cast %add3A_975 : i32 to index
        %swap3A_983 = tpu.vector_load %arg11[%swap3A_981, %swap3A_982] {strides = array<i32>} : memref<8x3200xf32, #tpu.memory_space<vmem>>, vector<16xf32>,
        tpu.vector_store %arg11[%swap3A_981, %swap3A_982], %add3A_980 {strides = array<i32>} : memref<8x3200xf32, #tpu.memory_space<vmem>>, vector<16xf32>,
        %add3A_984 = arith.constant 0 : i32
        %add3A_985 = arith.addi %mul3A_971, %add3A_984 : i32
        %add3A_986 = arith.constant 16 : i32
        %add3A_987 = arith.addi %add3A_985, %add3A_986 : i32
        %get3A_988 = arith.constant 3 : i32
        %get3A_989 = arith.index_cast %get3A_988 : i32 to index
        %get3A_990 = arith.index_cast %add3A_987 : i32 to index
        %get3A_991 = tpu.vector_load %arg9[%get3A_989, %get3A_990] {strides = array<i32>} : memref<8x3200xf32, #tpu.memory_space<vmem>>, vector<16xf32>,
        %mul3A_992 = arith.mulf %get3A_991, %gather3A_688 : vector<16xf32>
        %add3A_993 = arith.addf %mul3A_992, %gather3A_710 : vector<16xf32>
        %swap3A_994 = arith.constant 3 : i32
        %swap3A_995 = arith.index_cast %swap3A_994 : i32 to index
        %swap3A_996 = arith.index_cast %add3A_987 : i32 to index
        %swap3A_997 = tpu.vector_load %arg11[%swap3A_995, %swap3A_996] {strides = array<i32>} : memref<8x3200xf32, #tpu.memory_space<vmem>>, vector<16xf32>,
        tpu.vector_store %arg11[%swap3A_995, %swap3A_996], %add3A_993 {strides = array<i32>} : memref<8x3200xf32, #tpu.memory_space<vmem>>, vector<16xf32>,
        %add3A_998 = arith.constant 0 : i32
        %add3A_999 = arith.addi %mul3A_971, %add3A_998 : i32
        %add3A_1000 = arith.constant 32 : i32
        %add3A_1001 = arith.addi %add3A_999, %add3A_1000 : i32
        %get3A_1002 = arith.constant 3 : i32
        %get3A_1003 = arith.index_cast %get3A_1002 : i32 to index
        %get3A_1004 = arith.index_cast %add3A_1001 : i32 to index
        %get3A_1005 = tpu.vector_load %arg9[%get3A_1003, %get3A_1004] {strides = array<i32>} : memref<8x3200xf32, #tpu.memory_space<vmem>>, vector<16xf32>,
        %mul3A_1006 = arith.mulf %get3A_1005, %gather3A_692 : vector<16xf32>
        %add3A_1007 = arith.addf %mul3A_1006, %gather3A_717 : vector<16xf32>
        %swap3A_1008 = arith.constant 3 : i32
        %swap3A_1009 = arith.index_cast %swap3A_1008 : i32 to index
        %swap3A_1010 = arith.index_cast %add3A_1001 : i32 to index
        %swap3A_1011 = tpu.vector_load %arg11[%swap3A_1009, %swap3A_1010] {strides = array<i32>} : memref<8x3200xf32, #tpu.memory_space<vmem>>, vector<16xf32>,
        tpu.vector_store %arg11[%swap3A_1009, %swap3A_1010], %add3A_1007 {strides = array<i32>} : memref<8x3200xf32, #tpu.memory_space<vmem>>, vector<16xf32>,
        %add3A_1012 = arith.constant 0 : i32
        %add3A_1013 = arith.addi %mul3A_971, %add3A_1012 : i32
        %add3A_1014 = arith.constant 48 : i32
        %add3A_1015 = arith.addi %add3A_1013, %add3A_1014 : i32
        %get3A_1016 = arith.constant 3 : i32
        %get3A_1017 = arith.index_cast %get3A_1016 : i32 to index
        %get3A_1018 = arith.index_cast %add3A_1015 : i32 to index
        %get3A_1019 = tpu.vector_load %arg9[%get3A_1017, %get3A_1018] {strides = array<i32>} : memref<8x3200xf32, #tpu.memory_space<vmem>>, vector<16xf32>,
        %mul3A_1020 = arith.mulf %get3A_1019, %gather3A_696 : vector<16xf32>
        %add3A_1021 = arith.addf %mul3A_1020, %gather3A_724 : vector<16xf32>
        %swap3A_1022 = arith.constant 3 : i32
        %swap3A_1023 = arith.index_cast %swap3A_1022 : i32 to index
        %swap3A_1024 = arith.index_cast %add3A_1015 : i32 to index
        %swap3A_1025 = tpu.vector_load %arg11[%swap3A_1023, %swap3A_1024] {strides = array<i32>} : memref<8x3200xf32, #tpu.memory_space<vmem>>, vector<16xf32>,
        tpu.vector_store %arg11[%swap3A_1023, %swap3A_1024], %add3A_1021 {strides = array<i32>} : memref<8x3200xf32, #tpu.memory_space<vmem>>, vector<16xf32>,
        %add3A_1026 = arith.constant 64 : i32
        %add3A_1027 = arith.addi %mul3A_971, %add3A_1026 : i32
        %add3A_1028 = arith.constant 0 : i32
        %add3A_1029 = arith.addi %add3A_1027, %add3A_1028 : i32
        %get3A_1030 = arith.constant 3 : i32
        %get3A_1031 = arith.index_cast %get3A_1030 : i32 to index
        %get3A_1032 = arith.index_cast %add3A_1029 : i32 to index
        %get3A_1033 = tpu.vector_load %arg9[%get3A_1031, %get3A_1032] {strides = array<i32>} : memref<8x3200xf32, #tpu.memory_space<vmem>>, vector<16xf32>,
        %mul3A_1034 = arith.mulf %get3A_1033, %gather3A_684 : vector<16xf32>
        %add3A_1035 = arith.addf %mul3A_1034, %gather3A_703 : vector<16xf32>
        %swap3A_1036 = arith.constant 3 : i32
        %swap3A_1037 = arith.index_cast %swap3A_1036 : i32 to index
        %swap3A_1038 = arith.index_cast %add3A_1029 : i32 to index
        %swap3A_1039 = tpu.vector_load %arg11[%swap3A_1037, %swap3A_1038] {strides = array<i32>} : memref<8x3200xf32, #tpu.memory_space<vmem>>, vector<16xf32>,
        tpu.vector_store %arg11[%swap3A_1037, %swap3A_1038], %add3A_1035 {strides = array<i32>} : memref<8x3200xf32, #tpu.memory_space<vmem>>, vector<16xf32>,
        %add3A_1040 = arith.constant 64 : i32
        %add3A_1041 = arith.addi %mul3A_971, %add3A_1040 : i32
        %add3A_1042 = arith.constant 16 : i32
        %add3A_1043 = arith.addi %add3A_1041, %add3A_1042 : i32
        %get3A_1044 = arith.constant 3 : i32
        %get3A_1045 = arith.index_cast %get3A_1044 : i32 to index
        %get3A_1046 = arith.index_cast %add3A_1043 : i32 to index
        %get3A_1047 = tpu.vector_load %arg9[%get3A_1045, %get3A_1046] {strides = array<i32>} : memref<8x3200xf32, #tpu.memory_space<vmem>>, vector<16xf32>,
        %mul3A_1048 = arith.mulf %get3A_1047, %gather3A_688 : vector<16xf32>
        %add3A_1049 = arith.addf %mul3A_1048, %gather3A_710 : vector<16xf32>
        %swap3A_1050 = arith.constant 3 : i32
        %swap3A_1051 = arith.index_cast %swap3A_1050 : i32 to index
        %swap3A_1052 = arith.index_cast %add3A_1043 : i32 to index
        %swap3A_1053 = tpu.vector_load %arg11[%swap3A_1051, %swap3A_1052] {strides = array<i32>} : memref<8x3200xf32, #tpu.memory_space<vmem>>, vector<16xf32>,
        tpu.vector_store %arg11[%swap3A_1051, %swap3A_1052], %add3A_1049 {strides = array<i32>} : memref<8x3200xf32, #tpu.memory_space<vmem>>, vector<16xf32>,
        %add3A_1054 = arith.constant 64 : i32
        %add3A_1055 = arith.addi %mul3A_971, %add3A_1054 : i32
        %add3A_1056 = arith.constant 32 : i32
        %add3A_1057 = arith.addi %add3A_1055, %add3A_1056 : i32
        %get3A_1058 = arith.constant 3 : i32
        %get3A_1059 = arith.index_cast %get3A_1058 : i32 to index
        %get3A_1060 = arith.index_cast %add3A_1057 : i32 to index
        %get3A_1061 = tpu.vector_load %arg9[%get3A_1059, %get3A_1060] {strides = array<i32>} : memref<8x3200xf32, #tpu.memory_space<vmem>>, vector<16xf32>,
        %mul3A_1062 = arith.mulf %get3A_1061, %gather3A_692 : vector<16xf32>
        %add3A_1063 = arith.addf %mul3A_1062, %gather3A_717 : vector<16xf32>
        %swap3A_1064 = arith.constant 3 : i32
        %swap3A_1065 = arith.index_cast %swap3A_1064 : i32 to index
        %swap3A_1066 = arith.index_cast %add3A_1057 : i32 to index
        %swap3A_1067 = tpu.vector_load %arg11[%swap3A_1065, %swap3A_1066] {strides = array<i32>} : memref<8x3200xf32, #tpu.memory_space<vmem>>, vector<16xf32>,
        tpu.vector_store %arg11[%swap3A_1065, %swap3A_1066], %add3A_1063 {strides = array<i32>} : memref<8x3200xf32, #tpu.memory_space<vmem>>, vector<16xf32>,
        %add3A_1068 = arith.constant 64 : i32
        %add3A_1069 = arith.addi %mul3A_971, %add3A_1068 : i32
        %add3A_1070 = arith.constant 48 : i32
        %add3A_1071 = arith.addi %add3A_1069, %add3A_1070 : i32
        %get3A_1072 = arith.constant 3 : i32
        %get3A_1073 = arith.index_cast %get3A_1072 : i32 to index
        %get3A_1074 = arith.index_cast %add3A_1071 : i32 to index
        %get3A_1075 = tpu.vector_load %arg9[%get3A_1073, %get3A_1074] {strides = array<i32>} : memref<8x3200xf32, #tpu.memory_space<vmem>>, vector<16xf32>,
        %mul3A_1076 = arith.mulf %get3A_1075, %gather3A_696 : vector<16xf32>
        %add3A_1077 = arith.addf %mul3A_1076, %gather3A_724 : vector<16xf32>
        %swap3A_1078 = arith.constant 3 : i32
        %swap3A_1079 = arith.index_cast %swap3A_1078 : i32 to index
        %swap3A_1080 = arith.index_cast %add3A_1071 : i32 to index
        %swap3A_1081 = tpu.vector_load %arg11[%swap3A_1079, %swap3A_1080] {strides = array<i32>} : memref<8x3200xf32, #tpu.memory_space<vmem>>, vector<16xf32>,
        tpu.vector_store %arg11[%swap3A_1079, %swap3A_1080], %add3A_1077 {strides = array<i32>} : memref<8x3200xf32, #tpu.memory_space<vmem>>, vector<16xf32>,
      }
      %scan3A_730 = arith.constant 25 : i32
      %mul3A_731 = arith.constant 8 : i32
      %mul3A_732 = arith.muli %add3A_497, %mul3A_731 : i32
      %add3A_733 = arith.constant 4 : i32
      %add3A_734 = arith.addi %mul3A_732, %add3A_733 : i32
      %broadcast_in_dim3A_735 = vector.broadcast %add3A_734 : i32 to vector<16xi32>
      %gather3A_736 = tpu.vector_load_idx %arg6[%broadcast_in_dim3A_735] : memref<512xi32, #tpu.memory_space<vmem>>[vector<16xi32>], vector<16xi32>,
      %add3A_737 = arith.constant 0 : i32
      %add3A_738 = vector.broadcast %add3A_737 : i32 to vector<16xi32>
      %add3A_739 = arith.addi %iota3A, %add3A_738 : vector<16xi32>
      %gather3A_740 = tpu.vector_load_idx %arg7[%gather3A_736, %add3A_739] : memref<128x128xf32, #tpu.memory_space<vmem>>[vector<16xi32>, vector<16xi32>], vector<16xf32>,
      %add3A_741 = arith.constant 16 : i32
      %add3A_742 = vector.broadcast %add3A_741 : i32 to vector<16xi32>
      %add3A_743 = arith.addi %iota3A, %add3A_742 : vector<16xi32>
      %gather3A_744 = tpu.vector_load_idx %arg7[%gather3A_736, %add3A_743] : memref<128x128xf32, #tpu.memory_space<vmem>>[vector<16xi32>, vector<16xi32>], vector<16xf32>,
      %add3A_745 = arith.constant 32 : i32
      %add3A_746 = vector.broadcast %add3A_745 : i32 to vector<16xi32>
      %add3A_747 = arith.addi %iota3A, %add3A_746 : vector<16xi32>
      %gather3A_748 = tpu.vector_load_idx %arg7[%gather3A_736, %add3A_747] : memref<128x128xf32, #tpu.memory_space<vmem>>[vector<16xi32>, vector<16xi32>], vector<16xf32>,
      %add3A_749 = arith.constant 48 : i32
      %add3A_750 = vector.broadcast %add3A_749 : i32 to vector<16xi32>
      %add3A_751 = arith.addi %iota3A, %add3A_750 : vector<16xi32>
      %gather3A_752 = tpu.vector_load_idx %arg7[%gather3A_736, %add3A_751] : memref<128x128xf32, #tpu.memory_space<vmem>>[vector<16xi32>, vector<16xi32>], vector<16xf32>,
      %add3A_753 = arith.constant 64 : i32
      %add3A_754 = vector.broadcast %add3A_753 : i32 to vector<16xi32>
      %add3A_755 = arith.addi %iota3A, %add3A_754 : vector<16xi32>
      %add3A_756 = arith.constant 0 : i32
      %add3A_757 = vector.broadcast %add3A_756 : i32 to vector<16xi32>
      %add3A_758 = arith.addi %add3A_755, %add3A_757 : vector<16xi32>
      %gather3A_759 = tpu.vector_load_idx %arg7[%gather3A_736, %add3A_758] : memref<128x128xf32, #tpu.memory_space<vmem>>[vector<16xi32>, vector<16xi32>], vector<16xf32>,
      %add3A_760 = arith.constant 64 : i32
      %add3A_761 = vector.broadcast %add3A_760 : i32 to vector<16xi32>
      %add3A_762 = arith.addi %iota3A, %add3A_761 : vector<16xi32>
      %add3A_763 = arith.constant 16 : i32
      %add3A_764 = vector.broadcast %add3A_763 : i32 to vector<16xi32>
      %add3A_765 = arith.addi %add3A_762, %add3A_764 : vector<16xi32>
      %gather3A_766 = tpu.vector_load_idx %arg7[%gather3A_736, %add3A_765] : memref<128x128xf32, #tpu.memory_space<vmem>>[vector<16xi32>, vector<16xi32>], vector<16xf32>,
      %add3A_767 = arith.constant 64 : i32
      %add3A_768 = vector.broadcast %add3A_767 : i32 to vector<16xi32>
      %add3A_769 = arith.addi %iota3A, %add3A_768 : vector<16xi32>
      %add3A_770 = arith.constant 32 : i32
      %add3A_771 = vector.broadcast %add3A_770 : i32 to vector<16xi32>
      %add3A_772 = arith.addi %add3A_769, %add3A_771 : vector<16xi32>
      %gather3A_773 = tpu.vector_load_idx %arg7[%gather3A_736, %add3A_772] : memref<128x128xf32, #tpu.memory_space<vmem>>[vector<16xi32>, vector<16xi32>], vector<16xf32>,
      %add3A_774 = arith.constant 64 : i32
      %add3A_775 = vector.broadcast %add3A_774 : i32 to vector<16xi32>
      %add3A_776 = arith.addi %iota3A, %add3A_775 : vector<16xi32>
      %add3A_777 = arith.constant 48 : i32
      %add3A_778 = vector.broadcast %add3A_777 : i32 to vector<16xi32>
      %add3A_779 = arith.addi %add3A_776, %add3A_778 : vector<16xi32>
      %gather3A_780 = tpu.vector_load_idx %arg7[%gather3A_736, %add3A_779] : memref<128x128xf32, #tpu.memory_space<vmem>>[vector<16xi32>, vector<16xi32>], vector<16xf32>,
      %scan3A_781 = arith.constant 0 : i32
      %scan3A_782 = arith.constant 0 : i32
      %scan3A_783 = arith.constant 25 : i32
      %scan3A_784 = arith.addi %scan3A_782, %scan3A_783 : i32
      %scan3A_785 = arith.constant 1 : i32
      scf.for %scan3A_969 = %scan3A_782 to %scan3A_784 step %scan3A_785  : i32 {
        %mul3A_970 = arith.constant 128 : i32
        %mul3A_971 = arith.muli %scan3A_969, %mul3A_970 : i32
        %add3A_972 = arith.constant 0 : i32
        %add3A_973 = arith.addi %mul3A_971, %add3A_972 : i32
        %add3A_974 = arith.constant 0 : i32
        %add3A_975 = arith.addi %add3A_973, %add3A_974 : i32
        %get3A = arith.constant 4 : i32
        %get3A_976 = arith.index_cast %get3A : i32 to index
        %get3A_977 = arith.index_cast %add3A_975 : i32 to index
        %get3A_978 = tpu.vector_load %arg9[%get3A_976, %get3A_977] {strides = array<i32>} : memref<8x3200xf32, #tpu.memory_space<vmem>>, vector<16xf32>,
        %mul3A_979 = arith.mulf %get3A_978, %gather3A_740 : vector<16xf32>
        %add3A_980 = arith.addf %mul3A_979, %gather3A_759 : vector<16xf32>
        %swap3A = arith.constant 4 : i32
        %swap3A_981 = arith.index_cast %swap3A : i32 to index
        %swap3A_982 = arith.index_cast %add3A_975 : i32 to index
        %swap3A_983 = tpu.vector_load %arg11[%swap3A_981, %swap3A_982] {strides = array<i32>} : memref<8x3200xf32, #tpu.memory_space<vmem>>, vector<16xf32>,
        tpu.vector_store %arg11[%swap3A_981, %swap3A_982], %add3A_980 {strides = array<i32>} : memref<8x3200xf32, #tpu.memory_space<vmem>>, vector<16xf32>,
        %add3A_984 = arith.constant 0 : i32
        %add3A_985 = arith.addi %mul3A_971, %add3A_984 : i32
        %add3A_986 = arith.constant 16 : i32
        %add3A_987 = arith.addi %add3A_985, %add3A_986 : i32
        %get3A_988 = arith.constant 4 : i32
        %get3A_989 = arith.index_cast %get3A_988 : i32 to index
        %get3A_990 = arith.index_cast %add3A_987 : i32 to index
        %get3A_991 = tpu.vector_load %arg9[%get3A_989, %get3A_990] {strides = array<i32>} : memref<8x3200xf32, #tpu.memory_space<vmem>>, vector<16xf32>,
        %mul3A_992 = arith.mulf %get3A_991, %gather3A_744 : vector<16xf32>
        %add3A_993 = arith.addf %mul3A_992, %gather3A_766 : vector<16xf32>
        %swap3A_994 = arith.constant 4 : i32
        %swap3A_995 = arith.index_cast %swap3A_994 : i32 to index
        %swap3A_996 = arith.index_cast %add3A_987 : i32 to index
        %swap3A_997 = tpu.vector_load %arg11[%swap3A_995, %swap3A_996] {strides = array<i32>} : memref<8x3200xf32, #tpu.memory_space<vmem>>, vector<16xf32>,
        tpu.vector_store %arg11[%swap3A_995, %swap3A_996], %add3A_993 {strides = array<i32>} : memref<8x3200xf32, #tpu.memory_space<vmem>>, vector<16xf32>,
        %add3A_998 = arith.constant 0 : i32
        %add3A_999 = arith.addi %mul3A_971, %add3A_998 : i32
        %add3A_1000 = arith.constant 32 : i32
        %add3A_1001 = arith.addi %add3A_999, %add3A_1000 : i32
        %get3A_1002 = arith.constant 4 : i32
        %get3A_1003 = arith.index_cast %get3A_1002 : i32 to index
        %get3A_1004 = arith.index_cast %add3A_1001 : i32 to index
        %get3A_1005 = tpu.vector_load %arg9[%get3A_1003, %get3A_1004] {strides = array<i32>} : memref<8x3200xf32, #tpu.memory_space<vmem>>, vector<16xf32>,
        %mul3A_1006 = arith.mulf %get3A_1005, %gather3A_748 : vector<16xf32>
        %add3A_1007 = arith.addf %mul3A_1006, %gather3A_773 : vector<16xf32>
        %swap3A_1008 = arith.constant 4 : i32
        %swap3A_1009 = arith.index_cast %swap3A_1008 : i32 to index
        %swap3A_1010 = arith.index_cast %add3A_1001 : i32 to index
        %swap3A_1011 = tpu.vector_load %arg11[%swap3A_1009, %swap3A_1010] {strides = array<i32>} : memref<8x3200xf32, #tpu.memory_space<vmem>>, vector<16xf32>,
        tpu.vector_store %arg11[%swap3A_1009, %swap3A_1010], %add3A_1007 {strides = array<i32>} : memref<8x3200xf32, #tpu.memory_space<vmem>>, vector<16xf32>,
        %add3A_1012 = arith.constant 0 : i32
        %add3A_1013 = arith.addi %mul3A_971, %add3A_1012 : i32
        %add3A_1014 = arith.constant 48 : i32
        %add3A_1015 = arith.addi %add3A_1013, %add3A_1014 : i32
        %get3A_1016 = arith.constant 4 : i32
        %get3A_1017 = arith.index_cast %get3A_1016 : i32 to index
        %get3A_1018 = arith.index_cast %add3A_1015 : i32 to index
        %get3A_1019 = tpu.vector_load %arg9[%get3A_1017, %get3A_1018] {strides = array<i32>} : memref<8x3200xf32, #tpu.memory_space<vmem>>, vector<16xf32>,
        %mul3A_1020 = arith.mulf %get3A_1019, %gather3A_752 : vector<16xf32>
        %add3A_1021 = arith.addf %mul3A_1020, %gather3A_780 : vector<16xf32>
        %swap3A_1022 = arith.constant 4 : i32
        %swap3A_1023 = arith.index_cast %swap3A_1022 : i32 to index
        %swap3A_1024 = arith.index_cast %add3A_1015 : i32 to index
        %swap3A_1025 = tpu.vector_load %arg11[%swap3A_1023, %swap3A_1024] {strides = array<i32>} : memref<8x3200xf32, #tpu.memory_space<vmem>>, vector<16xf32>,
        tpu.vector_store %arg11[%swap3A_1023, %swap3A_1024], %add3A_1021 {strides = array<i32>} : memref<8x3200xf32, #tpu.memory_space<vmem>>, vector<16xf32>,
        %add3A_1026 = arith.constant 64 : i32
        %add3A_1027 = arith.addi %mul3A_971, %add3A_1026 : i32
        %add3A_1028 = arith.constant 0 : i32
        %add3A_1029 = arith.addi %add3A_1027, %add3A_1028 : i32
        %get3A_1030 = arith.constant 4 : i32
        %get3A_1031 = arith.index_cast %get3A_1030 : i32 to index
        %get3A_1032 = arith.index_cast %add3A_1029 : i32 to index
        %get3A_1033 = tpu.vector_load %arg9[%get3A_1031, %get3A_1032] {strides = array<i32>} : memref<8x3200xf32, #tpu.memory_space<vmem>>, vector<16xf32>,
        %mul3A_1034 = arith.mulf %get3A_1033, %gather3A_740 : vector<16xf32>
        %add3A_1035 = arith.addf %mul3A_1034, %gather3A_759 : vector<16xf32>
        %swap3A_1036 = arith.constant 4 : i32
        %swap3A_1037 = arith.index_cast %swap3A_1036 : i32 to index
        %swap3A_1038 = arith.index_cast %add3A_1029 : i32 to index
        %swap3A_1039 = tpu.vector_load %arg11[%swap3A_1037, %swap3A_1038] {strides = array<i32>} : memref<8x3200xf32, #tpu.memory_space<vmem>>, vector<16xf32>,
        tpu.vector_store %arg11[%swap3A_1037, %swap3A_1038], %add3A_1035 {strides = array<i32>} : memref<8x3200xf32, #tpu.memory_space<vmem>>, vector<16xf32>,
        %add3A_1040 = arith.constant 64 : i32
        %add3A_1041 = arith.addi %mul3A_971, %add3A_1040 : i32
        %add3A_1042 = arith.constant 16 : i32
        %add3A_1043 = arith.addi %add3A_1041, %add3A_1042 : i32
        %get3A_1044 = arith.constant 4 : i32
        %get3A_1045 = arith.index_cast %get3A_1044 : i32 to index
        %get3A_1046 = arith.index_cast %add3A_1043 : i32 to index
        %get3A_1047 = tpu.vector_load %arg9[%get3A_1045, %get3A_1046] {strides = array<i32>} : memref<8x3200xf32, #tpu.memory_space<vmem>>, vector<16xf32>,
        %mul3A_1048 = arith.mulf %get3A_1047, %gather3A_744 : vector<16xf32>
        %add3A_1049 = arith.addf %mul3A_1048, %gather3A_766 : vector<16xf32>
        %swap3A_1050 = arith.constant 4 : i32
        %swap3A_1051 = arith.index_cast %swap3A_1050 : i32 to index
        %swap3A_1052 = arith.index_cast %add3A_1043 : i32 to index
        %swap3A_1053 = tpu.vector_load %arg11[%swap3A_1051, %swap3A_1052] {strides = array<i32>} : memref<8x3200xf32, #tpu.memory_space<vmem>>, vector<16xf32>,
        tpu.vector_store %arg11[%swap3A_1051, %swap3A_1052], %add3A_1049 {strides = array<i32>} : memref<8x3200xf32, #tpu.memory_space<vmem>>, vector<16xf32>,
        %add3A_1054 = arith.constant 64 : i32
        %add3A_1055 = arith.addi %mul3A_971, %add3A_1054 : i32
        %add3A_1056 = arith.constant 32 : i32
        %add3A_1057 = arith.addi %add3A_1055, %add3A_1056 : i32
        %get3A_1058 = arith.constant 4 : i32
        %get3A_1059 = arith.index_cast %get3A_1058 : i32 to index
        %get3A_1060 = arith.index_cast %add3A_1057 : i32 to index
        %get3A_1061 = tpu.vector_load %arg9[%get3A_1059, %get3A_1060] {strides = array<i32>} : memref<8x3200xf32, #tpu.memory_space<vmem>>, vector<16xf32>,
        %mul3A_1062 = arith.mulf %get3A_1061, %gather3A_748 : vector<16xf32>
        %add3A_1063 = arith.addf %mul3A_1062, %gather3A_773 : vector<16xf32>
        %swap3A_1064 = arith.constant 4 : i32
        %swap3A_1065 = arith.index_cast %swap3A_1064 : i32 to index
        %swap3A_1066 = arith.index_cast %add3A_1057 : i32 to index
        %swap3A_1067 = tpu.vector_load %arg11[%swap3A_1065, %swap3A_1066] {strides = array<i32>} : memref<8x3200xf32, #tpu.memory_space<vmem>>, vector<16xf32>,
        tpu.vector_store %arg11[%swap3A_1065, %swap3A_1066], %add3A_1063 {strides = array<i32>} : memref<8x3200xf32, #tpu.memory_space<vmem>>, vector<16xf32>,
        %add3A_1068 = arith.constant 64 : i32
        %add3A_1069 = arith.addi %mul3A_971, %add3A_1068 : i32
        %add3A_1070 = arith.constant 48 : i32
        %add3A_1071 = arith.addi %add3A_1069, %add3A_1070 : i32
        %get3A_1072 = arith.constant 4 : i32
        %get3A_1073 = arith.index_cast %get3A_1072 : i32 to index
        %get3A_1074 = arith.index_cast %add3A_1071 : i32 to index
        %get3A_1075 = tpu.vector_load %arg9[%get3A_1073, %get3A_1074] {strides = array<i32>} : memref<8x3200xf32, #tpu.memory_space<vmem>>, vector<16xf32>,
        %mul3A_1076 = arith.mulf %get3A_1075, %gather3A_752 : vector<16xf32>
        %add3A_1077 = arith.addf %mul3A_1076, %gather3A_780 : vector<16xf32>
        %swap3A_1078 = arith.constant 4 : i32
        %swap3A_1079 = arith.index_cast %swap3A_1078 : i32 to index
        %swap3A_1080 = arith.index_cast %add3A_1071 : i32 to index
        %swap3A_1081 = tpu.vector_load %arg11[%swap3A_1079, %swap3A_1080] {strides = array<i32>} : memref<8x3200xf32, #tpu.memory_space<vmem>>, vector<16xf32>,
        tpu.vector_store %arg11[%swap3A_1079, %swap3A_1080], %add3A_1077 {strides = array<i32>} : memref<8x3200xf32, #tpu.memory_space<vmem>>, vector<16xf32>,
      }
      %scan3A_786 = arith.constant 25 : i32
      %mul3A_787 = arith.constant 8 : i32
      %mul3A_788 = arith.muli %add3A_497, %mul3A_787 : i32
      %add3A_789 = arith.constant 5 : i32
      %add3A_790 = arith.addi %mul3A_788, %add3A_789 : i32
      %broadcast_in_dim3A_791 = vector.broadcast %add3A_790 : i32 to vector<16xi32>
      %gather3A_792 = tpu.vector_load_idx %arg6[%broadcast_in_dim3A_791] : memref<512xi32, #tpu.memory_space<vmem>>[vector<16xi32>], vector<16xi32>,
      %add3A_793 = arith.constant 0 : i32
      %add3A_794 = vector.broadcast %add3A_793 : i32 to vector<16xi32>
      %add3A_795 = arith.addi %iota3A, %add3A_794 : vector<16xi32>
      %gather3A_796 = tpu.vector_load_idx %arg7[%gather3A_792, %add3A_795] : memref<128x128xf32, #tpu.memory_space<vmem>>[vector<16xi32>, vector<16xi32>], vector<16xf32>,
      %add3A_797 = arith.constant 16 : i32
      %add3A_798 = vector.broadcast %add3A_797 : i32 to vector<16xi32>
      %add3A_799 = arith.addi %iota3A, %add3A_798 : vector<16xi32>
      %gather3A_800 = tpu.vector_load_idx %arg7[%gather3A_792, %add3A_799] : memref<128x128xf32, #tpu.memory_space<vmem>>[vector<16xi32>, vector<16xi32>], vector<16xf32>,
      %add3A_801 = arith.constant 32 : i32
      %add3A_802 = vector.broadcast %add3A_801 : i32 to vector<16xi32>
      %add3A_803 = arith.addi %iota3A, %add3A_802 : vector<16xi32>
      %gather3A_804 = tpu.vector_load_idx %arg7[%gather3A_792, %add3A_803] : memref<128x128xf32, #tpu.memory_space<vmem>>[vector<16xi32>, vector<16xi32>], vector<16xf32>,
      %add3A_805 = arith.constant 48 : i32
      %add3A_806 = vector.broadcast %add3A_805 : i32 to vector<16xi32>
      %add3A_807 = arith.addi %iota3A, %add3A_806 : vector<16xi32>
      %gather3A_808 = tpu.vector_load_idx %arg7[%gather3A_792, %add3A_807] : memref<128x128xf32, #tpu.memory_space<vmem>>[vector<16xi32>, vector<16xi32>], vector<16xf32>,
      %add3A_809 = arith.constant 64 : i32
      %add3A_810 = vector.broadcast %add3A_809 : i32 to vector<16xi32>
      %add3A_811 = arith.addi %iota3A, %add3A_810 : vector<16xi32>
      %add3A_812 = arith.constant 0 : i32
      %add3A_813 = vector.broadcast %add3A_812 : i32 to vector<16xi32>
      %add3A_814 = arith.addi %add3A_811, %add3A_813 : vector<16xi32>
      %gather3A_815 = tpu.vector_load_idx %arg7[%gather3A_792, %add3A_814] : memref<128x128xf32, #tpu.memory_space<vmem>>[vector<16xi32>, vector<16xi32>], vector<16xf32>,
      %add3A_816 = arith.constant 64 : i32
      %add3A_817 = vector.broadcast %add3A_816 : i32 to vector<16xi32>
      %add3A_818 = arith.addi %iota3A, %add3A_817 : vector<16xi32>
      %add3A_819 = arith.constant 16 : i32
      %add3A_820 = vector.broadcast %add3A_819 : i32 to vector<16xi32>
      %add3A_821 = arith.addi %add3A_818, %add3A_820 : vector<16xi32>
      %gather3A_822 = tpu.vector_load_idx %arg7[%gather3A_792, %add3A_821] : memref<128x128xf32, #tpu.memory_space<vmem>>[vector<16xi32>, vector<16xi32>], vector<16xf32>,
      %add3A_823 = arith.constant 64 : i32
      %add3A_824 = vector.broadcast %add3A_823 : i32 to vector<16xi32>
      %add3A_825 = arith.addi %iota3A, %add3A_824 : vector<16xi32>
      %add3A_826 = arith.constant 32 : i32
      %add3A_827 = vector.broadcast %add3A_826 : i32 to vector<16xi32>
      %add3A_828 = arith.addi %add3A_825, %add3A_827 : vector<16xi32>
      %gather3A_829 = tpu.vector_load_idx %arg7[%gather3A_792, %add3A_828] : memref<128x128xf32, #tpu.memory_space<vmem>>[vector<16xi32>, vector<16xi32>], vector<16xf32>,
      %add3A_830 = arith.constant 64 : i32
      %add3A_831 = vector.broadcast %add3A_830 : i32 to vector<16xi32>
      %add3A_832 = arith.addi %iota3A, %add3A_831 : vector<16xi32>
      %add3A_833 = arith.constant 48 : i32
      %add3A_834 = vector.broadcast %add3A_833 : i32 to vector<16xi32>
      %add3A_835 = arith.addi %add3A_832, %add3A_834 : vector<16xi32>
      %gather3A_836 = tpu.vector_load_idx %arg7[%gather3A_792, %add3A_835] : memref<128x128xf32, #tpu.memory_space<vmem>>[vector<16xi32>, vector<16xi32>], vector<16xf32>,
      %scan3A_837 = arith.constant 0 : i32
      %scan3A_838 = arith.constant 0 : i32
      %scan3A_839 = arith.constant 25 : i32
      %scan3A_840 = arith.addi %scan3A_838, %scan3A_839 : i32
      %scan3A_841 = arith.constant 1 : i32
      scf.for %scan3A_969 = %scan3A_838 to %scan3A_840 step %scan3A_841  : i32 {
        %mul3A_970 = arith.constant 128 : i32
        %mul3A_971 = arith.muli %scan3A_969, %mul3A_970 : i32
        %add3A_972 = arith.constant 0 : i32
        %add3A_973 = arith.addi %mul3A_971, %add3A_972 : i32
        %add3A_974 = arith.constant 0 : i32
        %add3A_975 = arith.addi %add3A_973, %add3A_974 : i32
        %get3A = arith.constant 5 : i32
        %get3A_976 = arith.index_cast %get3A : i32 to index
        %get3A_977 = arith.index_cast %add3A_975 : i32 to index
        %get3A_978 = tpu.vector_load %arg9[%get3A_976, %get3A_977] {strides = array<i32>} : memref<8x3200xf32, #tpu.memory_space<vmem>>, vector<16xf32>,
        %mul3A_979 = arith.mulf %get3A_978, %gather3A_796 : vector<16xf32>
        %add3A_980 = arith.addf %mul3A_979, %gather3A_815 : vector<16xf32>
        %swap3A = arith.constant 5 : i32
        %swap3A_981 = arith.index_cast %swap3A : i32 to index
        %swap3A_982 = arith.index_cast %add3A_975 : i32 to index
        %swap3A_983 = tpu.vector_load %arg11[%swap3A_981, %swap3A_982] {strides = array<i32>} : memref<8x3200xf32, #tpu.memory_space<vmem>>, vector<16xf32>,
        tpu.vector_store %arg11[%swap3A_981, %swap3A_982], %add3A_980 {strides = array<i32>} : memref<8x3200xf32, #tpu.memory_space<vmem>>, vector<16xf32>,
        %add3A_984 = arith.constant 0 : i32
        %add3A_985 = arith.addi %mul3A_971, %add3A_984 : i32
        %add3A_986 = arith.constant 16 : i32
        %add3A_987 = arith.addi %add3A_985, %add3A_986 : i32
        %get3A_988 = arith.constant 5 : i32
        %get3A_989 = arith.index_cast %get3A_988 : i32 to index
        %get3A_990 = arith.index_cast %add3A_987 : i32 to index
        %get3A_991 = tpu.vector_load %arg9[%get3A_989, %get3A_990] {strides = array<i32>} : memref<8x3200xf32, #tpu.memory_space<vmem>>, vector<16xf32>,
        %mul3A_992 = arith.mulf %get3A_991, %gather3A_800 : vector<16xf32>
        %add3A_993 = arith.addf %mul3A_992, %gather3A_822 : vector<16xf32>
        %swap3A_994 = arith.constant 5 : i32
        %swap3A_995 = arith.index_cast %swap3A_994 : i32 to index
        %swap3A_996 = arith.index_cast %add3A_987 : i32 to index
        %swap3A_997 = tpu.vector_load %arg11[%swap3A_995, %swap3A_996] {strides = array<i32>} : memref<8x3200xf32, #tpu.memory_space<vmem>>, vector<16xf32>,
        tpu.vector_store %arg11[%swap3A_995, %swap3A_996], %add3A_993 {strides = array<i32>} : memref<8x3200xf32, #tpu.memory_space<vmem>>, vector<16xf32>,
        %add3A_998 = arith.constant 0 : i32
        %add3A_999 = arith.addi %mul3A_971, %add3A_998 : i32
        %add3A_1000 = arith.constant 32 : i32
        %add3A_1001 = arith.addi %add3A_999, %add3A_1000 : i32
        %get3A_1002 = arith.constant 5 : i32
        %get3A_1003 = arith.index_cast %get3A_1002 : i32 to index
        %get3A_1004 = arith.index_cast %add3A_1001 : i32 to index
        %get3A_1005 = tpu.vector_load %arg9[%get3A_1003, %get3A_1004] {strides = array<i32>} : memref<8x3200xf32, #tpu.memory_space<vmem>>, vector<16xf32>,
        %mul3A_1006 = arith.mulf %get3A_1005, %gather3A_804 : vector<16xf32>
        %add3A_1007 = arith.addf %mul3A_1006, %gather3A_829 : vector<16xf32>
        %swap3A_1008 = arith.constant 5 : i32
        %swap3A_1009 = arith.index_cast %swap3A_1008 : i32 to index
        %swap3A_1010 = arith.index_cast %add3A_1001 : i32 to index
        %swap3A_1011 = tpu.vector_load %arg11[%swap3A_1009, %swap3A_1010] {strides = array<i32>} : memref<8x3200xf32, #tpu.memory_space<vmem>>, vector<16xf32>,
        tpu.vector_store %arg11[%swap3A_1009, %swap3A_1010], %add3A_1007 {strides = array<i32>} : memref<8x3200xf32, #tpu.memory_space<vmem>>, vector<16xf32>,
        %add3A_1012 = arith.constant 0 : i32
        %add3A_1013 = arith.addi %mul3A_971, %add3A_1012 : i32
        %add3A_1014 = arith.constant 48 : i32
        %add3A_1015 = arith.addi %add3A_1013, %add3A_1014 : i32
        %get3A_1016 = arith.constant 5 : i32
        %get3A_1017 = arith.index_cast %get3A_1016 : i32 to index
        %get3A_1018 = arith.index_cast %add3A_1015 : i32 to index
        %get3A_1019 = tpu.vector_load %arg9[%get3A_1017, %get3A_1018] {strides = array<i32>} : memref<8x3200xf32, #tpu.memory_space<vmem>>, vector<16xf32>,
        %mul3A_1020 = arith.mulf %get3A_1019, %gather3A_808 : vector<16xf32>
        %add3A_1021 = arith.addf %mul3A_1020, %gather3A_836 : vector<16xf32>
        %swap3A_1022 = arith.constant 5 : i32
        %swap3A_1023 = arith.index_cast %swap3A_1022 : i32 to index
        %swap3A_1024 = arith.index_cast %add3A_1015 : i32 to index
        %swap3A_1025 = tpu.vector_load %arg11[%swap3A_1023, %swap3A_1024] {strides = array<i32>} : memref<8x3200xf32, #tpu.memory_space<vmem>>, vector<16xf32>,
        tpu.vector_store %arg11[%swap3A_1023, %swap3A_1024], %add3A_1021 {strides = array<i32>} : memref<8x3200xf32, #tpu.memory_space<vmem>>, vector<16xf32>,
        %add3A_1026 = arith.constant 64 : i32
        %add3A_1027 = arith.addi %mul3A_971, %add3A_1026 : i32
        %add3A_1028 = arith.constant 0 : i32
        %add3A_1029 = arith.addi %add3A_1027, %add3A_1028 : i32
        %get3A_1030 = arith.constant 5 : i32
        %get3A_1031 = arith.index_cast %get3A_1030 : i32 to index
        %get3A_1032 = arith.index_cast %add3A_1029 : i32 to index
        %get3A_1033 = tpu.vector_load %arg9[%get3A_1031, %get3A_1032] {strides = array<i32>} : memref<8x3200xf32, #tpu.memory_space<vmem>>, vector<16xf32>,
        %mul3A_1034 = arith.mulf %get3A_1033, %gather3A_796 : vector<16xf32>
        %add3A_1035 = arith.addf %mul3A_1034, %gather3A_815 : vector<16xf32>
        %swap3A_1036 = arith.constant 5 : i32
        %swap3A_1037 = arith.index_cast %swap3A_1036 : i32 to index
        %swap3A_1038 = arith.index_cast %add3A_1029 : i32 to index
        %swap3A_1039 = tpu.vector_load %arg11[%swap3A_1037, %swap3A_1038] {strides = array<i32>} : memref<8x3200xf32, #tpu.memory_space<vmem>>, vector<16xf32>,
        tpu.vector_store %arg11[%swap3A_1037, %swap3A_1038], %add3A_1035 {strides = array<i32>} : memref<8x3200xf32, #tpu.memory_space<vmem>>, vector<16xf32>,
        %add3A_1040 = arith.constant 64 : i32
        %add3A_1041 = arith.addi %mul3A_971, %add3A_1040 : i32
        %add3A_1042 = arith.constant 16 : i32
        %add3A_1043 = arith.addi %add3A_1041, %add3A_1042 : i32
        %get3A_1044 = arith.constant 5 : i32
        %get3A_1045 = arith.index_cast %get3A_1044 : i32 to index
        %get3A_1046 = arith.index_cast %add3A_1043 : i32 to index
        %get3A_1047 = tpu.vector_load %arg9[%get3A_1045, %get3A_1046] {strides = array<i32>} : memref<8x3200xf32, #tpu.memory_space<vmem>>, vector<16xf32>,
        %mul3A_1048 = arith.mulf %get3A_1047, %gather3A_800 : vector<16xf32>
        %add3A_1049 = arith.addf %mul3A_1048, %gather3A_822 : vector<16xf32>
        %swap3A_1050 = arith.constant 5 : i32
        %swap3A_1051 = arith.index_cast %swap3A_1050 : i32 to index
        %swap3A_1052 = arith.index_cast %add3A_1043 : i32 to index
        %swap3A_1053 = tpu.vector_load %arg11[%swap3A_1051, %swap3A_1052] {strides = array<i32>} : memref<8x3200xf32, #tpu.memory_space<vmem>>, vector<16xf32>,
        tpu.vector_store %arg11[%swap3A_1051, %swap3A_1052], %add3A_1049 {strides = array<i32>} : memref<8x3200xf32, #tpu.memory_space<vmem>>, vector<16xf32>,
        %add3A_1054 = arith.constant 64 : i32
        %add3A_1055 = arith.addi %mul3A_971, %add3A_1054 : i32
        %add3A_1056 = arith.constant 32 : i32
        %add3A_1057 = arith.addi %add3A_1055, %add3A_1056 : i32
        %get3A_1058 = arith.constant 5 : i32
        %get3A_1059 = arith.index_cast %get3A_1058 : i32 to index
        %get3A_1060 = arith.index_cast %add3A_1057 : i32 to index
        %get3A_1061 = tpu.vector_load %arg9[%get3A_1059, %get3A_1060] {strides = array<i32>} : memref<8x3200xf32, #tpu.memory_space<vmem>>, vector<16xf32>,
        %mul3A_1062 = arith.mulf %get3A_1061, %gather3A_804 : vector<16xf32>
        %add3A_1063 = arith.addf %mul3A_1062, %gather3A_829 : vector<16xf32>
        %swap3A_1064 = arith.constant 5 : i32
        %swap3A_1065 = arith.index_cast %swap3A_1064 : i32 to index
        %swap3A_1066 = arith.index_cast %add3A_1057 : i32 to index
        %swap3A_1067 = tpu.vector_load %arg11[%swap3A_1065, %swap3A_1066] {strides = array<i32>} : memref<8x3200xf32, #tpu.memory_space<vmem>>, vector<16xf32>,
        tpu.vector_store %arg11[%swap3A_1065, %swap3A_1066], %add3A_1063 {strides = array<i32>} : memref<8x3200xf32, #tpu.memory_space<vmem>>, vector<16xf32>,
        %add3A_1068 = arith.constant 64 : i32
        %add3A_1069 = arith.addi %mul3A_971, %add3A_1068 : i32
        %add3A_1070 = arith.constant 48 : i32
        %add3A_1071 = arith.addi %add3A_1069, %add3A_1070 : i32
        %get3A_1072 = arith.constant 5 : i32
        %get3A_1073 = arith.index_cast %get3A_1072 : i32 to index
        %get3A_1074 = arith.index_cast %add3A_1071 : i32 to index
        %get3A_1075 = tpu.vector_load %arg9[%get3A_1073, %get3A_1074] {strides = array<i32>} : memref<8x3200xf32, #tpu.memory_space<vmem>>, vector<16xf32>,
        %mul3A_1076 = arith.mulf %get3A_1075, %gather3A_808 : vector<16xf32>
        %add3A_1077 = arith.addf %mul3A_1076, %gather3A_836 : vector<16xf32>
        %swap3A_1078 = arith.constant 5 : i32
        %swap3A_1079 = arith.index_cast %swap3A_1078 : i32 to index
        %swap3A_1080 = arith.index_cast %add3A_1071 : i32 to index
        %swap3A_1081 = tpu.vector_load %arg11[%swap3A_1079, %swap3A_1080] {strides = array<i32>} : memref<8x3200xf32, #tpu.memory_space<vmem>>, vector<16xf32>,
        tpu.vector_store %arg11[%swap3A_1079, %swap3A_1080], %add3A_1077 {strides = array<i32>} : memref<8x3200xf32, #tpu.memory_space<vmem>>, vector<16xf32>,
      }
      %scan3A_842 = arith.constant 25 : i32
      %mul3A_843 = arith.constant 8 : i32
      %mul3A_844 = arith.muli %add3A_497, %mul3A_843 : i32
      %add3A_845 = arith.constant 6 : i32
      %add3A_846 = arith.addi %mul3A_844, %add3A_845 : i32
      %broadcast_in_dim3A_847 = vector.broadcast %add3A_846 : i32 to vector<16xi32>
      %gather3A_848 = tpu.vector_load_idx %arg6[%broadcast_in_dim3A_847] : memref<512xi32, #tpu.memory_space<vmem>>[vector<16xi32>], vector<16xi32>,
      %add3A_849 = arith.constant 0 : i32
      %add3A_850 = vector.broadcast %add3A_849 : i32 to vector<16xi32>
      %add3A_851 = arith.addi %iota3A, %add3A_850 : vector<16xi32>
      %gather3A_852 = tpu.vector_load_idx %arg7[%gather3A_848, %add3A_851] : memref<128x128xf32, #tpu.memory_space<vmem>>[vector<16xi32>, vector<16xi32>], vector<16xf32>,
      %add3A_853 = arith.constant 16 : i32
      %add3A_854 = vector.broadcast %add3A_853 : i32 to vector<16xi32>
      %add3A_855 = arith.addi %iota3A, %add3A_854 : vector<16xi32>
      %gather3A_856 = tpu.vector_load_idx %arg7[%gather3A_848, %add3A_855] : memref<128x128xf32, #tpu.memory_space<vmem>>[vector<16xi32>, vector<16xi32>], vector<16xf32>,
      %add3A_857 = arith.constant 32 : i32
      %add3A_858 = vector.broadcast %add3A_857 : i32 to vector<16xi32>
      %add3A_859 = arith.addi %iota3A, %add3A_858 : vector<16xi32>
      %gather3A_860 = tpu.vector_load_idx %arg7[%gather3A_848, %add3A_859] : memref<128x128xf32, #tpu.memory_space<vmem>>[vector<16xi32>, vector<16xi32>], vector<16xf32>,
      %add3A_861 = arith.constant 48 : i32
      %add3A_862 = vector.broadcast %add3A_861 : i32 to vector<16xi32>
      %add3A_863 = arith.addi %iota3A, %add3A_862 : vector<16xi32>
      %gather3A_864 = tpu.vector_load_idx %arg7[%gather3A_848, %add3A_863] : memref<128x128xf32, #tpu.memory_space<vmem>>[vector<16xi32>, vector<16xi32>], vector<16xf32>,
      %add3A_865 = arith.constant 64 : i32
      %add3A_866 = vector.broadcast %add3A_865 : i32 to vector<16xi32>
      %add3A_867 = arith.addi %iota3A, %add3A_866 : vector<16xi32>
      %add3A_868 = arith.constant 0 : i32
      %add3A_869 = vector.broadcast %add3A_868 : i32 to vector<16xi32>
      %add3A_870 = arith.addi %add3A_867, %add3A_869 : vector<16xi32>
      %gather3A_871 = tpu.vector_load_idx %arg7[%gather3A_848, %add3A_870] : memref<128x128xf32, #tpu.memory_space<vmem>>[vector<16xi32>, vector<16xi32>], vector<16xf32>,
      %add3A_872 = arith.constant 64 : i32
      %add3A_873 = vector.broadcast %add3A_872 : i32 to vector<16xi32>
      %add3A_874 = arith.addi %iota3A, %add3A_873 : vector<16xi32>
      %add3A_875 = arith.constant 16 : i32
      %add3A_876 = vector.broadcast %add3A_875 : i32 to vector<16xi32>
      %add3A_877 = arith.addi %add3A_874, %add3A_876 : vector<16xi32>
      %gather3A_878 = tpu.vector_load_idx %arg7[%gather3A_848, %add3A_877] : memref<128x128xf32, #tpu.memory_space<vmem>>[vector<16xi32>, vector<16xi32>], vector<16xf32>,
      %add3A_879 = arith.constant 64 : i32
      %add3A_880 = vector.broadcast %add3A_879 : i32 to vector<16xi32>
      %add3A_881 = arith.addi %iota3A, %add3A_880 : vector<16xi32>
      %add3A_882 = arith.constant 32 : i32
      %add3A_883 = vector.broadcast %add3A_882 : i32 to vector<16xi32>
      %add3A_884 = arith.addi %add3A_881, %add3A_883 : vector<16xi32>
      %gather3A_885 = tpu.vector_load_idx %arg7[%gather3A_848, %add3A_884] : memref<128x128xf32, #tpu.memory_space<vmem>>[vector<16xi32>, vector<16xi32>], vector<16xf32>,
      %add3A_886 = arith.constant 64 : i32
      %add3A_887 = vector.broadcast %add3A_886 : i32 to vector<16xi32>
      %add3A_888 = arith.addi %iota3A, %add3A_887 : vector<16xi32>
      %add3A_889 = arith.constant 48 : i32
      %add3A_890 = vector.broadcast %add3A_889 : i32 to vector<16xi32>
      %add3A_891 = arith.addi %add3A_888, %add3A_890 : vector<16xi32>
      %gather3A_892 = tpu.vector_load_idx %arg7[%gather3A_848, %add3A_891] : memref<128x128xf32, #tpu.memory_space<vmem>>[vector<16xi32>, vector<16xi32>], vector<16xf32>,
      %scan3A_893 = arith.constant 0 : i32
      %scan3A_894 = arith.constant 0 : i32
      %scan3A_895 = arith.constant 25 : i32
      %scan3A_896 = arith.addi %scan3A_894, %scan3A_895 : i32
      %scan3A_897 = arith.constant 1 : i32
      scf.for %scan3A_969 = %scan3A_894 to %scan3A_896 step %scan3A_897  : i32 {
        %mul3A_970 = arith.constant 128 : i32
        %mul3A_971 = arith.muli %scan3A_969, %mul3A_970 : i32
        %add3A_972 = arith.constant 0 : i32
        %add3A_973 = arith.addi %mul3A_971, %add3A_972 : i32
        %add3A_974 = arith.constant 0 : i32
        %add3A_975 = arith.addi %add3A_973, %add3A_974 : i32
        %get3A = arith.constant 6 : i32
        %get3A_976 = arith.index_cast %get3A : i32 to index
        %get3A_977 = arith.index_cast %add3A_975 : i32 to index
        %get3A_978 = tpu.vector_load %arg9[%get3A_976, %get3A_977] {strides = array<i32>} : memref<8x3200xf32, #tpu.memory_space<vmem>>, vector<16xf32>,
        %mul3A_979 = arith.mulf %get3A_978, %gather3A_852 : vector<16xf32>
        %add3A_980 = arith.addf %mul3A_979, %gather3A_871 : vector<16xf32>
        %swap3A = arith.constant 6 : i32
        %swap3A_981 = arith.index_cast %swap3A : i32 to index
        %swap3A_982 = arith.index_cast %add3A_975 : i32 to index
        %swap3A_983 = tpu.vector_load %arg11[%swap3A_981, %swap3A_982] {strides = array<i32>} : memref<8x3200xf32, #tpu.memory_space<vmem>>, vector<16xf32>,
        tpu.vector_store %arg11[%swap3A_981, %swap3A_982], %add3A_980 {strides = array<i32>} : memref<8x3200xf32, #tpu.memory_space<vmem>>, vector<16xf32>,
        %add3A_984 = arith.constant 0 : i32
        %add3A_985 = arith.addi %mul3A_971, %add3A_984 : i32
        %add3A_986 = arith.constant 16 : i32
        %add3A_987 = arith.addi %add3A_985, %add3A_986 : i32
        %get3A_988 = arith.constant 6 : i32
        %get3A_989 = arith.index_cast %get3A_988 : i32 to index
        %get3A_990 = arith.index_cast %add3A_987 : i32 to index
        %get3A_991 = tpu.vector_load %arg9[%get3A_989, %get3A_990] {strides = array<i32>} : memref<8x3200xf32, #tpu.memory_space<vmem>>, vector<16xf32>,
        %mul3A_992 = arith.mulf %get3A_991, %gather3A_856 : vector<16xf32>
        %add3A_993 = arith.addf %mul3A_992, %gather3A_878 : vector<16xf32>
        %swap3A_994 = arith.constant 6 : i32
        %swap3A_995 = arith.index_cast %swap3A_994 : i32 to index
        %swap3A_996 = arith.index_cast %add3A_987 : i32 to index
        %swap3A_997 = tpu.vector_load %arg11[%swap3A_995, %swap3A_996] {strides = array<i32>} : memref<8x3200xf32, #tpu.memory_space<vmem>>, vector<16xf32>,
        tpu.vector_store %arg11[%swap3A_995, %swap3A_996], %add3A_993 {strides = array<i32>} : memref<8x3200xf32, #tpu.memory_space<vmem>>, vector<16xf32>,
        %add3A_998 = arith.constant 0 : i32
        %add3A_999 = arith.addi %mul3A_971, %add3A_998 : i32
        %add3A_1000 = arith.constant 32 : i32
        %add3A_1001 = arith.addi %add3A_999, %add3A_1000 : i32
        %get3A_1002 = arith.constant 6 : i32
        %get3A_1003 = arith.index_cast %get3A_1002 : i32 to index
        %get3A_1004 = arith.index_cast %add3A_1001 : i32 to index
        %get3A_1005 = tpu.vector_load %arg9[%get3A_1003, %get3A_1004] {strides = array<i32>} : memref<8x3200xf32, #tpu.memory_space<vmem>>, vector<16xf32>,
        %mul3A_1006 = arith.mulf %get3A_1005, %gather3A_860 : vector<16xf32>
        %add3A_1007 = arith.addf %mul3A_1006, %gather3A_885 : vector<16xf32>
        %swap3A_1008 = arith.constant 6 : i32
        %swap3A_1009 = arith.index_cast %swap3A_1008 : i32 to index
        %swap3A_1010 = arith.index_cast %add3A_1001 : i32 to index
        %swap3A_1011 = tpu.vector_load %arg11[%swap3A_1009, %swap3A_1010] {strides = array<i32>} : memref<8x3200xf32, #tpu.memory_space<vmem>>, vector<16xf32>,
        tpu.vector_store %arg11[%swap3A_1009, %swap3A_1010], %add3A_1007 {strides = array<i32>} : memref<8x3200xf32, #tpu.memory_space<vmem>>, vector<16xf32>,
        %add3A_1012 = arith.constant 0 : i32
        %add3A_1013 = arith.addi %mul3A_971, %add3A_1012 : i32
        %add3A_1014 = arith.constant 48 : i32
        %add3A_1015 = arith.addi %add3A_1013, %add3A_1014 : i32
        %get3A_1016 = arith.constant 6 : i32
        %get3A_1017 = arith.index_cast %get3A_1016 : i32 to index
        %get3A_1018 = arith.index_cast %add3A_1015 : i32 to index
        %get3A_1019 = tpu.vector_load %arg9[%get3A_1017, %get3A_1018] {strides = array<i32>} : memref<8x3200xf32, #tpu.memory_space<vmem>>, vector<16xf32>,
        %mul3A_1020 = arith.mulf %get3A_1019, %gather3A_864 : vector<16xf32>
        %add3A_1021 = arith.addf %mul3A_1020, %gather3A_892 : vector<16xf32>
        %swap3A_1022 = arith.constant 6 : i32
        %swap3A_1023 = arith.index_cast %swap3A_1022 : i32 to index
        %swap3A_1024 = arith.index_cast %add3A_1015 : i32 to index
        %swap3A_1025 = tpu.vector_load %arg11[%swap3A_1023, %swap3A_1024] {strides = array<i32>} : memref<8x3200xf32, #tpu.memory_space<vmem>>, vector<16xf32>,
        tpu.vector_store %arg11[%swap3A_1023, %swap3A_1024], %add3A_1021 {strides = array<i32>} : memref<8x3200xf32, #tpu.memory_space<vmem>>, vector<16xf32>,
        %add3A_1026 = arith.constant 64 : i32
        %add3A_1027 = arith.addi %mul3A_971, %add3A_1026 : i32
        %add3A_1028 = arith.constant 0 : i32
        %add3A_1029 = arith.addi %add3A_1027, %add3A_1028 : i32
        %get3A_1030 = arith.constant 6 : i32
        %get3A_1031 = arith.index_cast %get3A_1030 : i32 to index
        %get3A_1032 = arith.index_cast %add3A_1029 : i32 to index
        %get3A_1033 = tpu.vector_load %arg9[%get3A_1031, %get3A_1032] {strides = array<i32>} : memref<8x3200xf32, #tpu.memory_space<vmem>>, vector<16xf32>,
        %mul3A_1034 = arith.mulf %get3A_1033, %gather3A_852 : vector<16xf32>
        %add3A_1035 = arith.addf %mul3A_1034, %gather3A_871 : vector<16xf32>
        %swap3A_1036 = arith.constant 6 : i32
        %swap3A_1037 = arith.index_cast %swap3A_1036 : i32 to index
        %swap3A_1038 = arith.index_cast %add3A_1029 : i32 to index
        %swap3A_1039 = tpu.vector_load %arg11[%swap3A_1037, %swap3A_1038] {strides = array<i32>} : memref<8x3200xf32, #tpu.memory_space<vmem>>, vector<16xf32>,
        tpu.vector_store %arg11[%swap3A_1037, %swap3A_1038], %add3A_1035 {strides = array<i32>} : memref<8x3200xf32, #tpu.memory_space<vmem>>, vector<16xf32>,
        %add3A_1040 = arith.constant 64 : i32
        %add3A_1041 = arith.addi %mul3A_971, %add3A_1040 : i32
        %add3A_1042 = arith.constant 16 : i32
        %add3A_1043 = arith.addi %add3A_1041, %add3A_1042 : i32
        %get3A_1044 = arith.constant 6 : i32
        %get3A_1045 = arith.index_cast %get3A_1044 : i32 to index
        %get3A_1046 = arith.index_cast %add3A_1043 : i32 to index
        %get3A_1047 = tpu.vector_load %arg9[%get3A_1045, %get3A_1046] {strides = array<i32>} : memref<8x3200xf32, #tpu.memory_space<vmem>>, vector<16xf32>,
        %mul3A_1048 = arith.mulf %get3A_1047, %gather3A_856 : vector<16xf32>
        %add3A_1049 = arith.addf %mul3A_1048, %gather3A_878 : vector<16xf32>
        %swap3A_1050 = arith.constant 6 : i32
        %swap3A_1051 = arith.index_cast %swap3A_1050 : i32 to index
        %swap3A_1052 = arith.index_cast %add3A_1043 : i32 to index
        %swap3A_1053 = tpu.vector_load %arg11[%swap3A_1051, %swap3A_1052] {strides = array<i32>} : memref<8x3200xf32, #tpu.memory_space<vmem>>, vector<16xf32>,
        tpu.vector_store %arg11[%swap3A_1051, %swap3A_1052], %add3A_1049 {strides = array<i32>} : memref<8x3200xf32, #tpu.memory_space<vmem>>, vector<16xf32>,
        %add3A_1054 = arith.constant 64 : i32
        %add3A_1055 = arith.addi %mul3A_971, %add3A_1054 : i32
        %add3A_1056 = arith.constant 32 : i32
        %add3A_1057 = arith.addi %add3A_1055, %add3A_1056 : i32
        %get3A_1058 = arith.constant 6 : i32
        %get3A_1059 = arith.index_cast %get3A_1058 : i32 to index
        %get3A_1060 = arith.index_cast %add3A_1057 : i32 to index
        %get3A_1061 = tpu.vector_load %arg9[%get3A_1059, %get3A_1060] {strides = array<i32>} : memref<8x3200xf32, #tpu.memory_space<vmem>>, vector<16xf32>,
        %mul3A_1062 = arith.mulf %get3A_1061, %gather3A_860 : vector<16xf32>
        %add3A_1063 = arith.addf %mul3A_1062, %gather3A_885 : vector<16xf32>
        %swap3A_1064 = arith.constant 6 : i32
        %swap3A_1065 = arith.index_cast %swap3A_1064 : i32 to index
        %swap3A_1066 = arith.index_cast %add3A_1057 : i32 to index
        %swap3A_1067 = tpu.vector_load %arg11[%swap3A_1065, %swap3A_1066] {strides = array<i32>} : memref<8x3200xf32, #tpu.memory_space<vmem>>, vector<16xf32>,
        tpu.vector_store %arg11[%swap3A_1065, %swap3A_1066], %add3A_1063 {strides = array<i32>} : memref<8x3200xf32, #tpu.memory_space<vmem>>, vector<16xf32>,
        %add3A_1068 = arith.constant 64 : i32
        %add3A_1069 = arith.addi %mul3A_971, %add3A_1068 : i32
        %add3A_1070 = arith.constant 48 : i32
        %add3A_1071 = arith.addi %add3A_1069, %add3A_1070 : i32
        %get3A_1072 = arith.constant 6 : i32
        %get3A_1073 = arith.index_cast %get3A_1072 : i32 to index
        %get3A_1074 = arith.index_cast %add3A_1071 : i32 to index
        %get3A_1075 = tpu.vector_load %arg9[%get3A_1073, %get3A_1074] {strides = array<i32>} : memref<8x3200xf32, #tpu.memory_space<vmem>>, vector<16xf32>,
        %mul3A_1076 = arith.mulf %get3A_1075, %gather3A_864 : vector<16xf32>
        %add3A_1077 = arith.addf %mul3A_1076, %gather3A_892 : vector<16xf32>
        %swap3A_1078 = arith.constant 6 : i32
        %swap3A_1079 = arith.index_cast %swap3A_1078 : i32 to index
        %swap3A_1080 = arith.index_cast %add3A_1071 : i32 to index
        %swap3A_1081 = tpu.vector_load %arg11[%swap3A_1079, %swap3A_1080] {strides = array<i32>} : memref<8x3200xf32, #tpu.memory_space<vmem>>, vector<16xf32>,
        tpu.vector_store %arg11[%swap3A_1079, %swap3A_1080], %add3A_1077 {strides = array<i32>} : memref<8x3200xf32, #tpu.memory_space<vmem>>, vector<16xf32>,
      }
      %scan3A_898 = arith.constant 25 : i32
      %mul3A_899 = arith.constant 8 : i32
      %mul3A_900 = arith.muli %add3A_497, %mul3A_899 : i32
      %add3A_901 = arith.constant 7 : i32
      %add3A_902 = arith.addi %mul3A_900, %add3A_901 : i32
      %broadcast_in_dim3A_903 = vector.broadcast %add3A_902 : i32 to vector<16xi32>
      %gather3A_904 = tpu.vector_load_idx %arg6[%broadcast_in_dim3A_903] : memref<512xi32, #tpu.memory_space<vmem>>[vector<16xi32>], vector<16xi32>,
      %add3A_905 = arith.constant 0 : i32
      %add3A_906 = vector.broadcast %add3A_905 : i32 to vector<16xi32>
      %add3A_907 = arith.addi %iota3A, %add3A_906 : vector<16xi32>
      %gather3A_908 = tpu.vector_load_idx %arg7[%gather3A_904, %add3A_907] : memref<128x128xf32, #tpu.memory_space<vmem>>[vector<16xi32>, vector<16xi32>], vector<16xf32>,
      %add3A_909 = arith.constant 16 : i32
      %add3A_910 = vector.broadcast %add3A_909 : i32 to vector<16xi32>
      %add3A_911 = arith.addi %iota3A, %add3A_910 : vector<16xi32>
      %gather3A_912 = tpu.vector_load_idx %arg7[%gather3A_904, %add3A_911] : memref<128x128xf32, #tpu.memory_space<vmem>>[vector<16xi32>, vector<16xi32>], vector<16xf32>,
      %add3A_913 = arith.constant 32 : i32
      %add3A_914 = vector.broadcast %add3A_913 : i32 to vector<16xi32>
      %add3A_915 = arith.addi %iota3A, %add3A_914 : vector<16xi32>
      %gather3A_916 = tpu.vector_load_idx %arg7[%gather3A_904, %add3A_915] : memref<128x128xf32, #tpu.memory_space<vmem>>[vector<16xi32>, vector<16xi32>], vector<16xf32>,
      %add3A_917 = arith.constant 48 : i32
      %add3A_918 = vector.broadcast %add3A_917 : i32 to vector<16xi32>
      %add3A_919 = arith.addi %iota3A, %add3A_918 : vector<16xi32>
      %gather3A_920 = tpu.vector_load_idx %arg7[%gather3A_904, %add3A_919] : memref<128x128xf32, #tpu.memory_space<vmem>>[vector<16xi32>, vector<16xi32>], vector<16xf32>,
      %add3A_921 = arith.constant 64 : i32
      %add3A_922 = vector.broadcast %add3A_921 : i32 to vector<16xi32>
      %add3A_923 = arith.addi %iota3A, %add3A_922 : vector<16xi32>
      %add3A_924 = arith.constant 0 : i32
      %add3A_925 = vector.broadcast %add3A_924 : i32 to vector<16xi32>
      %add3A_926 = arith.addi %add3A_923, %add3A_925 : vector<16xi32>
      %gather3A_927 = tpu.vector_load_idx %arg7[%gather3A_904, %add3A_926] : memref<128x128xf32, #tpu.memory_space<vmem>>[vector<16xi32>, vector<16xi32>], vector<16xf32>,
      %add3A_928 = arith.constant 64 : i32
      %add3A_929 = vector.broadcast %add3A_928 : i32 to vector<16xi32>
      %add3A_930 = arith.addi %iota3A, %add3A_929 : vector<16xi32>
      %add3A_931 = arith.constant 16 : i32
      %add3A_932 = vector.broadcast %add3A_931 : i32 to vector<16xi32>
      %add3A_933 = arith.addi %add3A_930, %add3A_932 : vector<16xi32>
      %gather3A_934 = tpu.vector_load_idx %arg7[%gather3A_904, %add3A_933] : memref<128x128xf32, #tpu.memory_space<vmem>>[vector<16xi32>, vector<16xi32>], vector<16xf32>,
      %add3A_935 = arith.constant 64 : i32
      %add3A_936 = vector.broadcast %add3A_935 : i32 to vector<16xi32>
      %add3A_937 = arith.addi %iota3A, %add3A_936 : vector<16xi32>
      %add3A_938 = arith.constant 32 : i32
      %add3A_939 = vector.broadcast %add3A_938 : i32 to vector<16xi32>
      %add3A_940 = arith.addi %add3A_937, %add3A_939 : vector<16xi32>
      %gather3A_941 = tpu.vector_load_idx %arg7[%gather3A_904, %add3A_940] : memref<128x128xf32, #tpu.memory_space<vmem>>[vector<16xi32>, vector<16xi32>], vector<16xf32>,
      %add3A_942 = arith.constant 64 : i32
      %add3A_943 = vector.broadcast %add3A_942 : i32 to vector<16xi32>
      %add3A_944 = arith.addi %iota3A, %add3A_943 : vector<16xi32>
      %add3A_945 = arith.constant 48 : i32
      %add3A_946 = vector.broadcast %add3A_945 : i32 to vector<16xi32>
      %add3A_947 = arith.addi %add3A_944, %add3A_946 : vector<16xi32>
      %gather3A_948 = tpu.vector_load_idx %arg7[%gather3A_904, %add3A_947] : memref<128x128xf32, #tpu.memory_space<vmem>>[vector<16xi32>, vector<16xi32>], vector<16xf32>,
      %scan3A_949 = arith.constant 0 : i32
      %scan3A_950 = arith.constant 0 : i32
      %scan3A_951 = arith.constant 25 : i32
      %scan3A_952 = arith.addi %scan3A_950, %scan3A_951 : i32
      %scan3A_953 = arith.constant 1 : i32
      scf.for %scan3A_969 = %scan3A_950 to %scan3A_952 step %scan3A_953  : i32 {
        %mul3A_970 = arith.constant 128 : i32
        %mul3A_971 = arith.muli %scan3A_969, %mul3A_970 : i32
        %add3A_972 = arith.constant 0 : i32
        %add3A_973 = arith.addi %mul3A_971, %add3A_972 : i32
        %add3A_974 = arith.constant 0 : i32
        %add3A_975 = arith.addi %add3A_973, %add3A_974 : i32
        %get3A = arith.constant 7 : i32
        %get3A_976 = arith.index_cast %get3A : i32 to index
        %get3A_977 = arith.index_cast %add3A_975 : i32 to index
        %get3A_978 = tpu.vector_load %arg9[%get3A_976, %get3A_977] {strides = array<i32>} : memref<8x3200xf32, #tpu.memory_space<vmem>>, vector<16xf32>,
        %mul3A_979 = arith.mulf %get3A_978, %gather3A_908 : vector<16xf32>
        %add3A_980 = arith.addf %mul3A_979, %gather3A_927 : vector<16xf32>
        %swap3A = arith.constant 7 : i32
        %swap3A_981 = arith.index_cast %swap3A : i32 to index
        %swap3A_982 = arith.index_cast %add3A_975 : i32 to index
        %swap3A_983 = tpu.vector_load %arg11[%swap3A_981, %swap3A_982] {strides = array<i32>} : memref<8x3200xf32, #tpu.memory_space<vmem>>, vector<16xf32>,
        tpu.vector_store %arg11[%swap3A_981, %swap3A_982], %add3A_980 {strides = array<i32>} : memref<8x3200xf32, #tpu.memory_space<vmem>>, vector<16xf32>,
        %add3A_984 = arith.constant 0 : i32
        %add3A_985 = arith.addi %mul3A_971, %add3A_984 : i32
        %add3A_986 = arith.constant 16 : i32
        %add3A_987 = arith.addi %add3A_985, %add3A_986 : i32
        %get3A_988 = arith.constant 7 : i32
        %get3A_989 = arith.index_cast %get3A_988 : i32 to index
        %get3A_990 = arith.index_cast %add3A_987 : i32 to index
        %get3A_991 = tpu.vector_load %arg9[%get3A_989, %get3A_990] {strides = array<i32>} : memref<8x3200xf32, #tpu.memory_space<vmem>>, vector<16xf32>,
        %mul3A_992 = arith.mulf %get3A_991, %gather3A_912 : vector<16xf32>
        %add3A_993 = arith.addf %mul3A_992, %gather3A_934 : vector<16xf32>
        %swap3A_994 = arith.constant 7 : i32
        %swap3A_995 = arith.index_cast %swap3A_994 : i32 to index
        %swap3A_996 = arith.index_cast %add3A_987 : i32 to index
        %swap3A_997 = tpu.vector_load %arg11[%swap3A_995, %swap3A_996] {strides = array<i32>} : memref<8x3200xf32, #tpu.memory_space<vmem>>, vector<16xf32>,
        tpu.vector_store %arg11[%swap3A_995, %swap3A_996], %add3A_993 {strides = array<i32>} : memref<8x3200xf32, #tpu.memory_space<vmem>>, vector<16xf32>,
        %add3A_998 = arith.constant 0 : i32
        %add3A_999 = arith.addi %mul3A_971, %add3A_998 : i32
        %add3A_1000 = arith.constant 32 : i32
        %add3A_1001 = arith.addi %add3A_999, %add3A_1000 : i32
        %get3A_1002 = arith.constant 7 : i32
        %get3A_1003 = arith.index_cast %get3A_1002 : i32 to index
        %get3A_1004 = arith.index_cast %add3A_1001 : i32 to index
        %get3A_1005 = tpu.vector_load %arg9[%get3A_1003, %get3A_1004] {strides = array<i32>} : memref<8x3200xf32, #tpu.memory_space<vmem>>, vector<16xf32>,
        %mul3A_1006 = arith.mulf %get3A_1005, %gather3A_916 : vector<16xf32>
        %add3A_1007 = arith.addf %mul3A_1006, %gather3A_941 : vector<16xf32>
        %swap3A_1008 = arith.constant 7 : i32
        %swap3A_1009 = arith.index_cast %swap3A_1008 : i32 to index
        %swap3A_1010 = arith.index_cast %add3A_1001 : i32 to index
        %swap3A_1011 = tpu.vector_load %arg11[%swap3A_1009, %swap3A_1010] {strides = array<i32>} : memref<8x3200xf32, #tpu.memory_space<vmem>>, vector<16xf32>,
        tpu.vector_store %arg11[%swap3A_1009, %swap3A_1010], %add3A_1007 {strides = array<i32>} : memref<8x3200xf32, #tpu.memory_space<vmem>>, vector<16xf32>,
        %add3A_1012 = arith.constant 0 : i32
        %add3A_1013 = arith.addi %mul3A_971, %add3A_1012 : i32
        %add3A_1014 = arith.constant 48 : i32
        %add3A_1015 = arith.addi %add3A_1013, %add3A_1014 : i32
        %get3A_1016 = arith.constant 7 : i32
        %get3A_1017 = arith.index_cast %get3A_1016 : i32 to index
        %get3A_1018 = arith.index_cast %add3A_1015 : i32 to index
        %get3A_1019 = tpu.vector_load %arg9[%get3A_1017, %get3A_1018] {strides = array<i32>} : memref<8x3200xf32, #tpu.memory_space<vmem>>, vector<16xf32>,
        %mul3A_1020 = arith.mulf %get3A_1019, %gather3A_920 : vector<16xf32>
        %add3A_1021 = arith.addf %mul3A_1020, %gather3A_948 : vector<16xf32>
        %swap3A_1022 = arith.constant 7 : i32
        %swap3A_1023 = arith.index_cast %swap3A_1022 : i32 to index
        %swap3A_1024 = arith.index_cast %add3A_1015 : i32 to index
        %swap3A_1025 = tpu.vector_load %arg11[%swap3A_1023, %swap3A_1024] {strides = array<i32>} : memref<8x3200xf32, #tpu.memory_space<vmem>>, vector<16xf32>,
        tpu.vector_store %arg11[%swap3A_1023, %swap3A_1024], %add3A_1021 {strides = array<i32>} : memref<8x3200xf32, #tpu.memory_space<vmem>>, vector<16xf32>,
        %add3A_1026 = arith.constant 64 : i32
        %add3A_1027 = arith.addi %mul3A_971, %add3A_1026 : i32
        %add3A_1028 = arith.constant 0 : i32
        %add3A_1029 = arith.addi %add3A_1027, %add3A_1028 : i32
        %get3A_1030 = arith.constant 7 : i32
        %get3A_1031 = arith.index_cast %get3A_1030 : i32 to index
        %get3A_1032 = arith.index_cast %add3A_1029 : i32 to index
        %get3A_1033 = tpu.vector_load %arg9[%get3A_1031, %get3A_1032] {strides = array<i32>} : memref<8x3200xf32, #tpu.memory_space<vmem>>, vector<16xf32>,
        %mul3A_1034 = arith.mulf %get3A_1033, %gather3A_908 : vector<16xf32>
        %add3A_1035 = arith.addf %mul3A_1034, %gather3A_927 : vector<16xf32>
        %swap3A_1036 = arith.constant 7 : i32
        %swap3A_1037 = arith.index_cast %swap3A_1036 : i32 to index
        %swap3A_1038 = arith.index_cast %add3A_1029 : i32 to index
        %swap3A_1039 = tpu.vector_load %arg11[%swap3A_1037, %swap3A_1038] {strides = array<i32>} : memref<8x3200xf32, #tpu.memory_space<vmem>>, vector<16xf32>,
        tpu.vector_store %arg11[%swap3A_1037, %swap3A_1038], %add3A_1035 {strides = array<i32>} : memref<8x3200xf32, #tpu.memory_space<vmem>>, vector<16xf32>,
        %add3A_1040 = arith.constant 64 : i32
        %add3A_1041 = arith.addi %mul3A_971, %add3A_1040 : i32
        %add3A_1042 = arith.constant 16 : i32
        %add3A_1043 = arith.addi %add3A_1041, %add3A_1042 : i32
        %get3A_1044 = arith.constant 7 : i32
        %get3A_1045 = arith.index_cast %get3A_1044 : i32 to index
        %get3A_1046 = arith.index_cast %add3A_1043 : i32 to index
        %get3A_1047 = tpu.vector_load %arg9[%get3A_1045, %get3A_1046] {strides = array<i32>} : memref<8x3200xf32, #tpu.memory_space<vmem>>, vector<16xf32>,
        %mul3A_1048 = arith.mulf %get3A_1047, %gather3A_912 : vector<16xf32>
        %add3A_1049 = arith.addf %mul3A_1048, %gather3A_934 : vector<16xf32>
        %swap3A_1050 = arith.constant 7 : i32
        %swap3A_1051 = arith.index_cast %swap3A_1050 : i32 to index
        %swap3A_1052 = arith.index_cast %add3A_1043 : i32 to index
        %swap3A_1053 = tpu.vector_load %arg11[%swap3A_1051, %swap3A_1052] {strides = array<i32>} : memref<8x3200xf32, #tpu.memory_space<vmem>>, vector<16xf32>,
        tpu.vector_store %arg11[%swap3A_1051, %swap3A_1052], %add3A_1049 {strides = array<i32>} : memref<8x3200xf32, #tpu.memory_space<vmem>>, vector<16xf32>,
        %add3A_1054 = arith.constant 64 : i32
        %add3A_1055 = arith.addi %mul3A_971, %add3A_1054 : i32
        %add3A_1056 = arith.constant 32 : i32
        %add3A_1057 = arith.addi %add3A_1055, %add3A_1056 : i32
        %get3A_1058 = arith.constant 7 : i32
        %get3A_1059 = arith.index_cast %get3A_1058 : i32 to index
        %get3A_1060 = arith.index_cast %add3A_1057 : i32 to index
        %get3A_1061 = tpu.vector_load %arg9[%get3A_1059, %get3A_1060] {strides = array<i32>} : memref<8x3200xf32, #tpu.memory_space<vmem>>, vector<16xf32>,
        %mul3A_1062 = arith.mulf %get3A_1061, %gather3A_916 : vector<16xf32>
        %add3A_1063 = arith.addf %mul3A_1062, %gather3A_941 : vector<16xf32>
        %swap3A_1064 = arith.constant 7 : i32
        %swap3A_1065 = arith.index_cast %swap3A_1064 : i32 to index
        %swap3A_1066 = arith.index_cast %add3A_1057 : i32 to index
        %swap3A_1067 = tpu.vector_load %arg11[%swap3A_1065, %swap3A_1066] {strides = array<i32>} : memref<8x3200xf32, #tpu.memory_space<vmem>>, vector<16xf32>,
        tpu.vector_store %arg11[%swap3A_1065, %swap3A_1066], %add3A_1063 {strides = array<i32>} : memref<8x3200xf32, #tpu.memory_space<vmem>>, vector<16xf32>,
        %add3A_1068 = arith.constant 64 : i32
        %add3A_1069 = arith.addi %mul3A_971, %add3A_1068 : i32
        %add3A_1070 = arith.constant 48 : i32
        %add3A_1071 = arith.addi %add3A_1069, %add3A_1070 : i32
        %get3A_1072 = arith.constant 7 : i32
        %get3A_1073 = arith.index_cast %get3A_1072 : i32 to index
        %get3A_1074 = arith.index_cast %add3A_1071 : i32 to index
        %get3A_1075 = tpu.vector_load %arg9[%get3A_1073, %get3A_1074] {strides = array<i32>} : memref<8x3200xf32, #tpu.memory_space<vmem>>, vector<16xf32>,
        %mul3A_1076 = arith.mulf %get3A_1075, %gather3A_920 : vector<16xf32>
        %add3A_1077 = arith.addf %mul3A_1076, %gather3A_948 : vector<16xf32>
        %swap3A_1078 = arith.constant 7 : i32
        %swap3A_1079 = arith.index_cast %swap3A_1078 : i32 to index
        %swap3A_1080 = arith.index_cast %add3A_1071 : i32 to index
        %swap3A_1081 = tpu.vector_load %arg11[%swap3A_1079, %swap3A_1080] {strides = array<i32>} : memref<8x3200xf32, #tpu.memory_space<vmem>>, vector<16xf32>,
        tpu.vector_store %arg11[%swap3A_1079, %swap3A_1080], %add3A_1077 {strides = array<i32>} : memref<8x3200xf32, #tpu.memory_space<vmem>>, vector<16xf32>,
      }
      %scan3A_954 = arith.constant 25 : i32
      %mul3A_955 = arith.constant 8 : i32
      %mul3A_956 = arith.muli %add3A_497, %mul3A_955 : i32
      %add3A_957 = arith.addi %mul3A_2, %mul3A_956 : i32
      %dma_start3A_958 = arith.constant 0 : i32
      %dma_start3A_959 = tpu.memref_slice %arg5[%add3A_957, %dma_start3A_958] : memref<16384x3200xf32, #tpu.memory_space<hbm>> -> memref<8x3200xf32, #tpu.memory_space<hbm>>
      %dma_start3A_960 = arith.constant 0 : i32
      %dma_start3A_961 = tpu.memref_slice %arg5[%add3A_957, %dma_start3A_960] : memref<16384x3200xf32, #tpu.memory_space<hbm>> -> memref<8x3200xf32, #tpu.memory_space<hbm>>
      tpu.enqueue_dma source(%arg11 : memref<8x3200xf32, #tpu.memory_space<vmem>>) target(%dma_start3A_961 : memref<8x3200xf32, #tpu.memory_space<hbm>>) target_semaphore(%arg15 : memref<!tpu.dma_semaphore, #tpu.memory_space<semaphore_mem>>)
      %add3A_962 = arith.constant 2 : i32
      %add3A_963 = arith.addi %add3A_497, %add3A_962 : i32
      %lt3A_964 = arith.constant 64 : i32
      %lt3A_965 = arith.cmpi slt, %add3A_963, %lt3A_964 : i32
      %convert_element_type3A_966 = arith.extui %lt3A_965 : i1 to i32
      %cond3A_967 = arith.constant 0 : i32
      %cond3A_968 = arith.cmpi ne, %convert_element_type3A_966, %cond3A_967 : i32
      scf.if %cond3A_968 {
        %add3A_969 = arith.constant 2 : i32
        %add3A_970 = arith.addi %add3A_497, %add3A_969 : i32
        %mul3A_971 = arith.constant 8 : i32
        %mul3A_972 = arith.muli %add3A_970, %mul3A_971 : i32
        %add3A_973 = arith.addi %mul3A_2, %mul3A_972 : i32
        %dma_start3A_974 = arith.constant 0 : i32
        %dma_start3A_975 = tpu.memref_slice %arg2[%add3A_973, %dma_start3A_974] : memref<16384x3200xf32, #tpu.memory_space<hbm>> -> memref<8x3200xf32, #tpu.memory_space<hbm>>
        %dma_start3A_976 = arith.constant 0 : i32
        %dma_start3A_977 = tpu.memref_slice %arg2[%add3A_973, %dma_start3A_976] : memref<16384x3200xf32, #tpu.memory_space<hbm>> -> memref<8x3200xf32, #tpu.memory_space<hbm>>
        tpu.enqueue_dma source(%dma_start3A_977 : memref<8x3200xf32, #tpu.memory_space<hbm>>) target(%arg9 : memref<8x3200xf32, #tpu.memory_space<vmem>>) target_semaphore(%arg13 : memref<!tpu.dma_semaphore, #tpu.memory_space<semaphore_mem>>)
      } else {
      }
    }
    %scan3A_16 = arith.constant 32 : i32
    %dma_wait3A = arith.constant 0 : i32
    %dma_wait3A_17 = tpu.memref_slice %arg2[%mul3A_2, %dma_wait3A] : memref<16384x3200xf32, #tpu.memory_space<hbm>> -> memref<8x3200xf32, #tpu.memory_space<hbm>>
    %dma_wait3A_18 = arith.constant 0 : i32
    %dma_wait3A_19 = tpu.memref_slice %arg2[%mul3A_2, %dma_wait3A_18] : memref<16384x3200xf32, #tpu.memory_space<hbm>> -> memref<8x3200xf32, #tpu.memory_space<hbm>>
    tpu.wait_dma2 semaphore(%arg14 : memref<!tpu.dma_semaphore, #tpu.memory_space<semaphore_mem>>) src(%dma_wait3A_19 : memref<8x3200xf32, #tpu.memory_space<hbm>>) dst(%arg10 : memref<8x3200xf32, #tpu.memory_space<vmem>>)
    %dma_wait3A_20 = arith.constant 0 : i32
    %dma_wait3A_21 = tpu.memref_slice %arg2[%mul3A_2, %dma_wait3A_20] : memref<16384x3200xf32, #tpu.memory_space<hbm>> -> memref<8x3200xf32, #tpu.memory_space<hbm>>
    %dma_wait3A_22 = arith.constant 0 : i32
    %dma_wait3A_23 = tpu.memref_slice %arg2[%mul3A_2, %dma_wait3A_22] : memref<16384x3200xf32, #tpu.memory_space<hbm>> -> memref<8x3200xf32, #tpu.memory_space<hbm>>
    tpu.wait_dma2 semaphore(%arg15 : memref<!tpu.dma_semaphore, #tpu.memory_space<semaphore_mem>>) src(%dma_wait3A_23 : memref<8x3200xf32, #tpu.memory_space<hbm>>) dst(%arg11 : memref<8x3200xf32, #tpu.memory_space<vmem>>)
    return
  }
}

</mosaic_0001>

<sc_bundles>
// kernel: kernel.3.cloned.1.call-start
scs
__scs_entry_jumppad:
0x0: {  	(pc) =	sbr.rel $0x88, $3  }
0x1: {  	(tag) =	ssettag $0x0;
	lr =	simm.s32 $0x1  }
0x2: {  	[smem:$0x3F9D] =	sst lr;
	_ =	strace $0xD0000000  }
0x3: {  	_ = 	snop  }
0x4: {  	_ = 	snop  }
0x5: {  	_ = 	snop  }
0x6: {  	_ = 	snop  }
0x7: {  	_ = 	snop  }
__scs_overlays_trampoline_lowered:
0x8: {  	[smem:$0x3FAC] =	sst s0  }
0x9: {  	[smem:$0x3FAD] =	sst s1  }
0xa: {  	[smem:$0x3FAE] =	sst s2  }
0xb: {  	[smem:$0x3FAF] =	sst s3  }
0xc: {  	[smem:$0x3FB0] =	sst s4  }
0xd: {  	[smem:$0x3FB1] =	sst s5  }
0xe: {  	[smem:$0x3FB2] =	sst s6  }
0xf: {  	[smem:$0x3FB3] =	sst s7  }
0x10: {  	[smem:$0x3FB4] =	sst s8  }
0x11: {  	[smem:$0x3FB5] =	sst s9;
	s0 =	simm.s32 @!p0 $0x0  }
0x12: {  	s1 =	sld [smem:$0x3F9B];
	s0 =	simm.s32 @p0 $0x1  }
0x13: {  	[smem:$0x3FB6] =	sst s0;
	s0 =	simm.s32 @!p1 $0x0  }
0x14: {  	s2 =	sld [smem:$0x3F9A];
	s0 =	simm.s32 @p1 $0x1  }
0x15: {  	[smem:$0x3FB7] =	sst s0;
	s0 =	simm.s32 @!p2 $0x0  }
0x16: {  	s3 =	sld [smem:$0x3FDB];
	s0 =	simm.s32 @p2 $0x1  }
0x17: {  	s4 =	simm.s32 $0x1BF5;
	[smem:$0x3FB9] =	sst s0  }
0x18: {  	s0 =	sld [smem:$0x3F9C];
	_ =	swait.ge [sflag:s4], $0x0  }
0x19: {  	s7 =	sld [smem:$0x3F9D]  }
0x1a: {  	s8 =	sadd.s32 $0xFFFFE003, lr  }
0x1b: {  	s9 =	sadd.s32 $0xFFFFFEF7, lr;
	s5 =	simm.s32 $0xFFFFFFFF;
	p2 =	slt.u32 s8, $0xFFFFF086  }
0x1c: {  	p1 =	slt.u32 s9, $0xF7A;
	s5 =	simm.s32 @!p2 $0x0  }
0x1d: {  	s5 =	simm.s32 @p1 $0x1;
	p0 =	seq.s32 s7, s2  }
0x1e: {  	s7 =	smul.u32 @!p0 $0xF7A, s2;
	p2 =	seq.s32 @!p0 s5, $0x0  }
0x1f: {  	s9 =	smul.u32 $0xF7A, s1;
	s8 =	simm.s32 @!p0 $0x1BF5;
	p2 =	por !p2, p0  }
0x20: {  	[sflag:s8] =	ssyncset.s32 @!p0 $0xFFFFF086;
	s6 =	sadd.s32 @!p0 s3, s7;
	s7 =	simm.s32 @!p0 $0x108  }
0x21: {  	s3 =	sadd.s32 s3, s9;
	s6 =	sadd.s32 @!p0 $0x88, s6;
	s7 =	simm.s32 @p2 $0x1082  }
0x22: {  	[simem:s7], [sflag:s8] =	dma.local @!p0 [hbm:s6], $0xF7A  }
0x23: {  	s9 =	sor.u32 $0xD0000000, s2;
	s6 =	simm.s32 $0x108;
	_ =	swait.ge @!p0 [sflag:s8], $0x0  }
0x24: {  	s3 =	sadd.s32 $0x88, s3;
	s6 =	simm.s32 @!p1 $0x1082;
	[sflag:s4] =	ssyncset.s32 $0xFFFFF086  }
0x25: {  	[simem:s6], [sflag:s4] =	dma.local [hbm:s3], $0xF7A  }
0x26: {  	[smem:$0x3F9D] =	sst s1;
	(tag) =	ssettag s2;
	_ =	strace s9  }
0x27: {  	s1 =	sld [smem:$0x3FAD]  }
0x28: {  	s2 =	sld [smem:$0x3FAE]  }
0x29: {  	s4 =	sld [smem:$0x3FB0]  }
0x2a: {  	p0 =	seq.s32 s5, $0x0;
	s5 =	sld [smem:$0x3FB1]  }
0x2b: {  	s6 =	sld [smem:$0x3FB2]  }
0x2c: {  	s7 =	sld [smem:$0x3FB3]  }
0x2d: {  	s3 =	simm.s32 $0x108;
	s8 =	sld [smem:$0x3FB4]  }
0x2e: {  	s3 =	simm.s32 @!p0 $0x1082;
	s9 =	sld [smem:$0x3FB5]  }
0x2f: {  	lr =	sadd.s32 s0, s3;
	s0 =	sld [smem:$0x3FAC]  }
0x30: {  	s3 =	sld [smem:$0x3FAF]  }
0x31: {  	[smem:$0x3FB8] =	sst s10  }
0x32: {  	s10 =	sld [smem:$0x3FB6];
	_ =	sdelay $0x3  }
0x33: {  	p0 =	seq.s32 s10, $0x1;
	s10 =	sld [smem:$0x3FB8];
	_ =	sdelay $0x3  }
0x34: {  	[smem:$0x3FB8] =	sst s10  }
0x35: {  	s10 =	sld [smem:$0x3FB7];
	_ =	sdelay $0x3  }
0x36: {  	p1 =	seq.s32 s10, $0x1;
	s10 =	sld [smem:$0x3FB8];
	_ =	sdelay $0x3  }
0x37: {  	[smem:$0x3FB8] =	sst s10  }
0x38: {  	s10 =	sld [smem:$0x3FB9]  }
0x39: {  	_ = 	snop;
	(pc) =	sbr.ind lr, $3  }
0x3a: {  	_ = 	snop  }
0x3b: {  	_ = 	snop  }
0x3c: {  	p2 =	seq.s32 s10, $0x1;
	s10 =	sld [smem:$0x3FB8]  }
0x3d: {  	_ =	shalt  }
0x3e: {  	_ =	shalt  }
0x3f: {  	_ =	shalt  }
0x40: {  	_ =	shalt  }
0x41: {  	_ =	shalt  }
0x42: {  	_ =	shalt  }
0x43: {  	_ =	shalt  }
0x44: {  	_ =	shalt  }
0x45: {  	_ =	shalt  }
0x46: {  	_ =	shalt  }
0x47: {  	_ =	shalt  }
0x48: {  	_ =	shalt  }
0x49: {  	_ =	shalt  }
0x4a: {  	_ =	shalt  }
0x4b: {  	_ =	shalt  }
0x4c: {  	_ =	shalt  }
0x4d: {  	_ =	shalt  }
0x4e: {  	_ =	shalt  }
0x4f: {  	_ =	shalt  }
0x50: {  	_ =	shalt  }
0x51: {  	_ =	shalt  }
0x52: {  	_ =	shalt  }
0x53: {  	_ =	shalt  }
0x54: {  	_ =	shalt  }
0x55: {  	_ =	shalt  }
0x56: {  	_ =	shalt  }
0x57: {  	_ =	shalt  }
0x58: {  	_ =	shalt  }
0x59: {  	_ =	shalt  }
0x5a: {  	_ =	shalt  }
0x5b: {  	_ =	shalt  }
0x5c: {  	_ =	shalt  }
0x5d: {  	_ =	shalt  }
0x5e: {  	_ =	shalt  }
0x5f: {  	_ =	shalt  }
0x60: {  	_ =	shalt  }
0x61: {  	_ =	shalt  }
0x62: {  	_ =	shalt  }
0x63: {  	_ =	shalt  }
0x64: {  	_ =	shalt  }
0x65: {  	_ =	shalt  }
0x66: {  	_ =	shalt  }
0x67: {  	_ =	shalt  }
0x68: {  	_ =	shalt  }
0x69: {  	_ =	shalt  }
0x6a: {  	_ =	shalt  }
0x6b: {  	_ =	shalt  }
0x6c: {  	_ =	shalt  }
0x6d: {  	_ =	shalt  }
0x6e: {  	_ =	shalt  }
0x6f: {  	_ =	shalt  }
0x70: {  	_ =	shalt  }
0x71: {  	_ =	shalt  }
0x72: {  	_ =	shalt  }
0x73: {  	_ =	shalt  }
0x74: {  	_ =	shalt  }
0x75: {  	_ =	shalt  }
0x76: {  	_ =	shalt  }
0x77: {  	_ =	shalt  }
0x78: {  	_ =	shalt  }
0x79: {  	_ =	shalt  }
0x7a: {  	_ =	shalt  }
0x7b: {  	_ =	shalt  }
0x7c: {  	_ =	shalt  }
0x7d: {  	_ =	shalt  }
0x7e: {  	_ =	shalt  }
0x7f: {  	_ =	shalt  }
0x80: {  	_ =	shalt  }
0x81: {  	_ =	shalt  }
0x82: {  	_ =	shalt  }
0x83: {  	_ =	shalt  }
0x84: {  	_ =	shalt  }
0x85: {  	_ =	shalt  }
0x86: {  	_ =	shalt  }
0x87: {  	_ =	shalt  }
.Lfunc_end0:
.L_simem_size_0:
called_computation_lowered:
.L_overlay_start_0:
0x88: {  	s2 =	sld [smem:$0x3FD9]  }
0x89: {  	s3 =	sld [smem:$0x3FFE];
	_ =	sdelay $0x1  }
0x8a: {  	s1 =	srdreg.scid  }
0x8b: {  	s0 =	sand.u32 $0x1, s1  }
0x8c: {  	s17 =	sshll.u32 s0, $0xA;
	s2 =	sadd.s32 s3, s2  }
0x8d: {  	s2 =	sadd.s32 s2, s17  }
0x8e: {  	[smem:$0x3FC4] =	sst s2  }
0x8f: {  	_ = 	snop  }
0x90: {  	s2 =	sld [smem:$0x3FD0];
	(tm) =	ssettm $0x1  }
0x91: {  	s18 =	sld [smem:$0x3FFB];
	_ =	sdelay $0x3  }
0x92: {  	_ =	strace s18  }
0x93: {  	s3 =	sld [smem:$0x3FFC];
	_ =	sdelay $0x3  }
0x94: {  	_ =	strace s3  }
0x95: {  	s3 =	sld [smem:$0x3FFD];
	_ =	sdelay $0x3  }
0x96: {  	_ =	strace s3  }
0x97: {  	_ =	strace $0x8FFFFFFF  }
0x98: {  	s19 =	sld [smem:$0x3FDB];
	_ =	sdelay $0x1  }
0x99: {  	s4 =	simm.s32 $_scs_section_size  }
0x9a: {  	s5 =	simm.s32 $_size__tile_overlayer_lowered;
	s6 =	simm.s32 $_tile_overlayer_lowered  }
0x9b: {  	s22 =	simm.s32 $0x1BFF;
	s21 =	sshll.u32 s6, $0x1;
	s3 =	sadd.s32 s4, s19  }
0x9c: {  	s7 =	simm.s32 $0x0;
	s20 =	sshll.u32 s5, $0x1;
	s5 =	sadd.s32 s21, s3  }
0x9d: {  	[timem:s7], [sflag:s22] =	dma.local [hbm:s5], s20  }
0x9e: {  	_ =	swait.ge [sflag:s22], s20  }
0x9f: {  	s4 =	ssub.s32 $0x0, s20;
	[sflag:s22] =	ssyncset.done $0x0  }
0xa0: {  	[sflag:s22] =	ssyncadd.s32 s4;
	_ =	sdelay $0x1  }
0xa1: {  	s23 =	simm.s32 $0x1B8B  }
0xa2: {  	_ =	swait.ge [sflag:s23], $0x1  }
0xa3: {  	[sflag:s23] =	ssyncset.done $0x0  }
0xa4: {  	s25 =	simm.s32 $0x1B8E;
	s24 =	sld [smem:$0x3FFE];
	[sflag:s23] =	ssyncadd.s32 $0xFFFFFFFF  }
0xa5: {  	s26 =	simm.s32 $execute0_lowered;
	[smem:$0x3FD2] =	sst s25  }
0xa6: {  	s5 =	sshll.u32 s26, $0x1;
	_ =	strace $0x80000046;
	[dreg:$0x1] =	wrdreg $0xFFFFFFFF  }
0xa7: {  	s28 =	simm.s32 $_size_execute0_lowered;
	s3 =	sadd.s32 s3, s5;
	[dreg:$0x0] =	wrdreg $0x0  }
0xa8: {  	s5 =	sshll.u32 s28, $0x1;
	[dreg:$0x2] =	wrdreg s3  }
0xa9: {  	[dreg:$0x3] =	wrdreg s5  }
0xaa: {  	[dreg:$0x4] =	wrdreg $0xC0  }
0xab: {  	_ =	task [dreg:s7], $0x5FFFF  }
0xac: {  	[dreg:$0x1] =	wrdreg $0xFFFFFFFF  }
0xad: {  	[dreg:$0x0] =	wrdreg $0x60  }
0xae: {  	[dreg:$0x2] =	wrdreg s2  }
0xaf: {  	[dreg:$0x3] =	wrdreg s24  }
0xb0: {  	[dreg:$0x4] =	wrdreg $0x9  }
0xb1: {  	_ =	task.clear_ibuf [dreg:s7], $0x5FFFF;
	_ =	strace $0x90000046  }
0xb2: {  	s29 =	simm.s32 $0x9;
	_ =	strace $0x80000048  }
0xb3: {  	_ =	swait.ge [sflag:s29], $0x1  }
0xb4: {  	[sflag:s29] =	ssyncadd.s32 $0xFFFFFFFF  }
0xb5: {  	_ =	strace $0x90000048  }
0xb6: {  	_ =	sfence  }
0xb7: {  	s30 =	sld [smem:$0x0];
	_ =	sdelay $0x2  }
0xb8: {  	s31 =	sshll.u32 s1, $0xD;
	s1 =	sshrl.u32 s1, $0x2  }
0xb9: {  	s3 =	sand.u32 $0x4000, s31;
	s1 =	sadd.s32 s1, s30  }
0xba: {  	s0 =	sor.u32 s3, s0;
	s1 =	sshll.u32 s1, $0x11  }
0xbb: {  	s0 =	sor.u32 s1, s0  }
0xbc: {  	s0 =	sadd.s32 $0x8F2B, s0  }
0xbd: {  	[sflag:s0] =	ssyncadd.remote.s32 $0x1  }
0xbe: {  	_ =	sfence.sel $0xFFFF  }
0xbf: {  	[dreg:$0x0] =	wrdreg $0xFFFFFFFF;
	(pc) =	sbr.abs _section_cstart, $3  }
0xc0: {  	[dreg:$0x1] =	wrdreg $0xFFFFFFFF  }
0xc1: {  	_ =	task.clear_ibuf [dreg:s7], $0x2FFFF;
	_ =	strace $0x9FFFFFFF  }
0xc2: {  	(tm) =	ssettm $0x7FFFFFFF  }
0xc3: {  	_ =	shalt  }
tec
execute0_lowered:
.L_overlay_start_1:
0x0: {  	(tag) =	ssettag $0x1  }
0x1: {  	s0 =	srdreg.scid;
	s2 =	rddreg [dreg:$0x0]  }
0x2: {  	s1 =	stileid.u32;
	s6 =	rddreg [dreg:$0x1]  }
0x3: {  	s4 =	simm.s32 $0x0;
	s14 =	simm.s32 $0x400;
	s15 =	simm.s32 $0x5  }
0x4: {  	s16 =	simm.s32 $0x200;
	s17 =	simm.s32 $0x4200;
	s18 =	simm.s32 $0xA600  }
0x5: {  	s19 =	simm.s32 $0x1;
	s20 =	simm.s32 $0x10A00;
	s21 =	simm.s32 $0x2  }
0x6: {  	s22 =	simm.s32 $0x4;
	s23 =	simm.s32 $0x16E00;
	s24 =	simm.s32 $0x3  }
0x7: {  	s0 =	sand.u32 $0x1, s0;
	s1 =	sshll.u32 s1, $0x1;
	[smem:$0x7FF] =	sst s4  }
0x8: {  	s25 =	simm.s32 $0x0;
	s1 =	sor.u32 s0, s1;
	_ =	strace $0x80000047  }
0x9: {  	s0 =	ssub.s32 $0x2, s0;
	s3 =	sshll.u32 s1, $0x9;
	s5 =	sshll.u32 s1, $0x7  }
0xa: {  	s31 =	smul.u32 $0x32000, s1;
	s9 =	sshrl.u32 s0, $0x1;
	s1 =	sshll.u32 s1, $0x6  }
.Ltmp0:
0xb: {  	s7 =	sand.u32 $0x3000, s3;
	s5 =	sand.u32 $0x380, s5;
	(pc) =	sbr.rel .LBB2_1-.Ltmp0, $4  }
0xc: {  	v0 =	vlaneseq.u32;
	s0 =	ssub.s32 s0, s9;
	s10 =	sor.u32 $0x2, s1;
	s5 =	sor.u32 s5, s7  }
0xd: {  	v1 =	vor.u32 $0x10, v0;
	s11 =	sor.u32 $0x3, s1;
	s7 =	sadd.s32 s2, s31;
	s5 =	sshrl.u32 s5, $0x3  }
0xe: {  	v2 =	vor.u32 $0x20, v0;
	v3 =	vor.u32 $0x30, v0;
	v4 =	vor.u32 $0x40, v0;
	s12 =	smax.u32 s0, $0x1;
	s9 =	sadd.s32 $0xC80, s7;
	s8 =	sadd.s32 s5, s6  }
0xf: {  	v5 =	vor.u32 $0x50, v0;
	v6 =	vor.u32 $0x60, v0;
	v7 =	vor.u32 $0x70, v0;
	s5 =	sadd.s32 $0xC00, s6;
	s6 =	sadd.s32 $0x1400, s6;
	s8 =	sadd.s32 $0x400, s8  }
.LBB2_40:
0x10: {  	s25 =	sadd.s32 $0x1, s25  }
0x11: {  	_ =	swait.ge [sflag:s24], $0x6400;
	p0 =	sne.s32 s25, s12  }
.Ltmp1:
0x12: {  	[sflag:s24] =	ssyncset.done $0x0;
	(pc) =	sbr.rel @!p0 .LBB2_41-.Ltmp1, $4  }
0x13: {  	[sflag:s24] =	ssyncadd.s32 $0xFFFF9C00  }
0x14: {  	_ =	swait.ge [sflag:s22], $0x6400  }
0x15: {  	[sflag:s22] =	ssyncset.done $0x0  }
0x16: {  	[sflag:s22] =	ssyncadd.s32 $0xFFFF9C00  }
.LBB2_1:
0x17: {  	s0 =	simm.s32 $0x80  }
0x18: {  	[tilespmem:s4], [sflag:$0x5] =	stream.strided.gather [hbm4b:s8+s0], $0x200, s14, s0, $0x38;
	[tilespmem:$0x1D200] =	vst v63  }
0x19: {  	_ =	swait.ge [sflag:s15], $0x200  }
0x1a: {  	[sflag:s15] =	ssyncset.done $0x0  }
0x1b: {  	[sflag:s15] =	ssyncadd.s32 $0xFFFFFE00  }
0x1c: {  	[tilespmem:s16], [sflag:$0x5] =	stream.linear.gather [hbm4b:s5+s4], $0x4000, $0x38;
	[tilespmem:$0x1D200] =	vst v63  }
0x1d: {  	_ =	swait.ge [sflag:s15], $0x4000  }
0x1e: {  	[sflag:s15] =	ssyncset.done $0x0  }
0x1f: {  	[sflag:s15] =	ssyncadd.s32 $0xFFFFC000  }
0x20: {  	[tilespmem:s17], [sflag:$0x1] =	stream.linear.gather [hbm4b:s7+s4], $0x6400, $0x38;
	[tilespmem:$0x1D200] =	vst v63  }
0x21: {  	s26 =	simm.s32 $0x0  }
0x22: {  	[tilespmem:s18], [sflag:$0x2] =	stream.linear.gather [hbm4b:s9+s4], $0x6400, $0x38;
	[tilespmem:$0x1D200] =	vst v63  }
.LBB2_2:
0x23: {  	s29 =	sshll.u32 s26, $0x4  }
0x24: {  	v8 =	vmov s29  }
0x25: {  	_ =	swait.ge [sflag:s19], $0x6400;
	v8 =	vbroadcast v8, $0x0  }
0x26: {  	p0 =	seq.s32 s26, $0x0;
	[sflag:s19] =	ssyncset.done $0x0  }
0x27: {  	s0 =	simm.s32 @!p0 $0x3;
	[sflag:s19] =	ssyncadd.s32 $0xFFFF9C00  }
0x28: {  	_ =	swait.ge @!p0 [sflag:s0], $0x6400  }
0x29: {  	[sflag:s0] =	ssyncset.done @!p0 $0x0  }
0x2a: {  	s13 =	simm.s32 $0x0;
	[sflag:s0] =	ssyncadd.s32 @!p0 $0xFFFF9C00  }
0x2b: {  	v8 =	vld.idx.msk [tilespmem:v8+s13+$0x0], $0xffff;
	_ =	sdelay $0x4  }
0x2c: {  	v9 =	vshll.u32 v8, $0x7  }
0x2d: {  	v8 =	vor.u32 v0, v9  }
0x2e: {  	v10 =	vor.u32 v1, v9  }
0x2f: {  	v11 =	vor.u32 v2, v9  }
0x30: {  	v13 =	vor.u32 v3, v9  }
0x31: {  	v14 =	vor.u32 v4, v9  }
0x32: {  	v16 =	vor.u32 v5, v9;
	v12 =	vld.idx.msk [tilespmem:v8+s16+$0x0], $0xffff  }
0x33: {  	v17 =	vor.u32 v6, v9;
	v10 =	vld.idx.msk [tilespmem:v10+s16+$0x0], $0xffff  }
0x34: {  	v18 =	vor.u32 v7, v9;
	v8 =	vld.idx.msk [tilespmem:v11+s16+$0x0], $0xffff  }
0x35: {  	v15 =	vld.idx.msk [tilespmem:v13+s16+$0x0], $0xffff  }
0x36: {  	v13 =	vld.idx.msk [tilespmem:v14+s16+$0x0], $0xffff  }
0x37: {  	v11 =	vld.idx.msk [tilespmem:v16+s16+$0x0], $0xffff  }
0x38: {  	v9 =	vld.idx.msk [tilespmem:v17+s16+$0x0], $0xffff  }
0x39: {  	s31 =	simm.s32 $0x0;
	v14 =	vld.idx.msk [tilespmem:v18+s16+$0x0], $0xffff  }
0x3a: {  	v16 =	vld [tilespmem:s31+$0x4270]  }
0x3b: {  	v17 =	vld [tilespmem:s31+$0x4200]  }
0x3c: {  	v18 =	vld [tilespmem:s31+$0x4210]  }
0x3d: {  	v19 =	vld [tilespmem:s31+$0x4220]  }
0x3e: {  	v20 =	vld [tilespmem:s31+$0x4230]  }
0x3f: {  	v21 =	vld [tilespmem:s31+$0x4240];
	v16 =	vmul.f32 v16, v15  }
0x40: {  	v22 =	vld [tilespmem:s31+$0x4250];
	v17 =	vmul.f32 v17, v12  }
0x41: {  	s30 =	simm.s32 $0x400;
	v23 =	vld [tilespmem:s31+$0x4260];
	v18 =	vmul.f32 v18, v10;
	v16 =	vadd.f32 v16, v14  }
0x42: {  	v24 =	vld [tilespmem:s30+$0x4270];
	v17 =	vadd.f32 v17, v13  }
0x43: {  	v25 =	vld [tilespmem:s30+$0x4200];
	v18 =	vadd.f32 v18, v11;
	[tilespmem:s31+$0x10A70] =	vst v16;
	v16 =	vmul.f32 v19, v8  }
0x44: {  	v20 =	vmul.f32 v20, v15;
	v26 =	vld [tilespmem:s30+$0x4210];
	[tilespmem:s31+$0x10A00] =	vst v17  }
0x45: {  	v19 =	vld [tilespmem:s30+$0x4220];
	v16 =	vadd.f32 v16, v9;
	[tilespmem:s31+$0x10A10] =	vst v18;
	v18 =	vmul.f32 v21, v12  }
0x46: {  	v20 =	vadd.f32 v20, v14;
	v21 =	vmul.f32 v22, v10  }
0x47: {  	v23 =	vmul.f32 v23, v8;
	v17 =	vld [tilespmem:s30+$0x4230];
	[tilespmem:s31+$0x10A20] =	vst v16;
	v22 =	vadd.f32 v18, v13  }
0x48: {  	v24 =	vmul.f32 v24, v15;
	v27 =	vadd.f32 v21, v11;
	v16 =	vld [tilespmem:s30+$0x4240];
	[tilespmem:s31+$0x10A30] =	vst v20  }
0x49: {  	v23 =	vadd.f32 v23, v9;
	v21 =	vmul.f32 v25, v12;
	v18 =	vld [tilespmem:s30+$0x4250];
	[tilespmem:s31+$0x10A40] =	vst v22  }
0x4a: {  	s28 =	sshll.u32 s26, $0x1;
	s1 =	simm.s32 $0x800;
	s0 =	simm.s32 $0x3000;
	v24 =	vadd.f32 v24, v14;
	v22 =	vmul.f32 v26, v10;
	v20 =	vld [tilespmem:s30+$0x4260];
	[tilespmem:s31+$0x10A50] =	vst v27  }
.LBB2_3:
0x4b: {  	p1 =	sne.s32 s0, $0x18000;
	v25 =	vld [tilespmem:s1+$0x4270];
	v21 =	vadd.f32 v21, v13;
	v19 =	vmul.f32 v19, v8;
	[tilespmem:s31+$0x10A60] =	vst v23;
	s31 =	smov.u32 s30;
	s30 =	smov.u32 s1  }
0x4c: {  	v23 =	vld [tilespmem:s30+$0x4200];
	v22 =	vadd.f32 v22, v11;
	v17 =	vmul.f32 v17, v15;
	[tilespmem:s31+$0x10A70] =	vst v24  }
0x4d: {  	v24 =	vld [tilespmem:s30+$0x4210];
	[tilespmem:s31+$0x10A00] =	vst v21;
	v21 =	vadd.f32 v19, v9;
	v16 =	vmul.f32 v16, v12  }
.Ltmp2:
0x4e: {  	v19 =	vld [tilespmem:s30+$0x4220];
	[tilespmem:s31+$0x10A10] =	vst v22;
	v22 =	vadd.f32 v17, v14;
	v18 =	vmul.f32 v18, v10;
	(pc) =	sbr.rel @p1 .LBB2_3-.Ltmp2, $4  }
0x4f: {  	v17 =	vld [tilespmem:s30+$0x4230];
	[tilespmem:s31+$0x10A20] =	vst v21;
	v26 =	vadd.f32 v16, v13;
	v20 =	vmul.f32 v20, v8  }
0x50: {  	v16 =	vld [tilespmem:s30+$0x4240];
	v25 =	vmul.f32 v25, v15;
	[tilespmem:s31+$0x10A30] =	vst v22;
	v27 =	vadd.f32 v18, v11  }
0x51: {  	v21 =	vmul.f32 v23, v12;
	v18 =	vld [tilespmem:s30+$0x4250];
	[tilespmem:s31+$0x10A40] =	vst v26;
	v23 =	vadd.f32 v20, v9  }
0x52: {  	s1 =	sshra.s32 s0, $0x2;
	s0 =	sadd.s32 $0x1000, s0;
	v22 =	vmul.f32 v24, v10;
	v20 =	vld [tilespmem:s30+$0x4260];
	v24 =	vadd.f32 v25, v14;
	[tilespmem:s31+$0x10A50] =	vst v27  }
0x53: {  	v25 =	vld [tilespmem:s1+$0x4270];
	[tilespmem:s31+$0x10A60] =	vst v23;
	v21 =	vadd.f32 v21, v13;
	v19 =	vmul.f32 v19, v8  }
0x54: {  	v23 =	vld [tilespmem:s1+$0x4200];
	[tilespmem:s30+$0x10A70] =	vst v24;
	v22 =	vadd.f32 v22, v11;
	v17 =	vmul.f32 v17, v15  }
0x55: {  	v24 =	vld [tilespmem:s1+$0x4210];
	[tilespmem:s30+$0x10A00] =	vst v21;
	v19 =	vadd.f32 v19, v9  }
0x56: {  	v16 =	vmul.f32 v16, v12;
	v21 =	vld [tilespmem:s1+$0x4220];
	[tilespmem:s30+$0x10A10] =	vst v22;
	v17 =	vadd.f32 v17, v14  }
0x57: {  	v18 =	vmul.f32 v18, v10;
	v22 =	vld [tilespmem:s1+$0x4230];
	[tilespmem:s30+$0x10A20] =	vst v19  }
0x58: {  	v16 =	vadd.f32 v16, v13;
	v19 =	vld [tilespmem:s1+$0x4240];
	[tilespmem:s30+$0x10A30] =	vst v17;
	v17 =	vmul.f32 v20, v8  }
0x59: {  	v25 =	vmul.f32 v25, v15;
	v18 =	vadd.f32 v18, v11  }
0x5a: {  	v20 =	vld [tilespmem:s1+$0x4250];
	[tilespmem:s30+$0x10A40] =	vst v16;
	v16 =	vmul.f32 v23, v12;
	v17 =	vadd.f32 v17, v9  }
0x5b: {  	v23 =	vld [tilespmem:s1+$0x4260];
	v24 =	vmul.f32 v24, v10;
	v25 =	vadd.f32 v25, v14;
	[tilespmem:s30+$0x10A50] =	vst v18  }
0x5c: {  	s0 =	sor.u32 $0x1, s29;
	v16 =	vadd.f32 v16, v13;
	v18 =	vmul.f32 v21, v8;
	[tilespmem:s30+$0x10A60] =	vst v17  }
0x5d: {  	v21 =	vmov s0;
	v17 =	vadd.f32 v24, v11;
	v15 =	vmul.f32 v22, v15;
	[tilespmem:s1+$0x10A70] =	vst v25  }
0x5e: {  	[tilespmem:s1+$0x10A00] =	vst v16;
	v16 =	vadd.f32 v18, v9;
	v12 =	vmul.f32 v19, v12;
	v18 =	vand.u32 $0xFFFFFFF1, v21  }
0x5f: {  	[tilespmem:s1+$0x10A10] =	vst v17;
	v14 =	vadd.f32 v15, v14;
	v10 =	vmul.f32 v20, v10;
	v15 =	vbroadcast v18, $0x0  }
0x60: {  	[tilespmem:s1+$0x10A20] =	vst v16;
	v12 =	vadd.f32 v12, v13;
	v8 =	vmul.f32 v23, v8  }
0x61: {  	[tilespmem:s1+$0x10A30] =	vst v14;
	v10 =	vadd.f32 v10, v11  }
0x62: {  	[tilespmem:s1+$0x10A40] =	vst v12;
	v8 =	vadd.f32 v8, v9  }
0x63: {  	[tilespmem:s1+$0x10A50] =	vst v10  }
0x64: {  	s13 =	simm.s32 $0x0;
	[tilespmem:s1+$0x10A60] =	vst v8  }
0x65: {  	v8 =	vld.idx.msk [tilespmem:v15+s13+$0x0], $0xffff;
	_ =	sdelay $0x4  }
0x66: {  	v9 =	vshll.u32 v8, $0x7  }
0x67: {  	v8 =	vor.u32 v0, v9  }
0x68: {  	v10 =	vor.u32 v1, v9  }
0x69: {  	v11 =	vor.u32 v2, v9  }
0x6a: {  	v13 =	vor.u32 v3, v9  }
0x6b: {  	v14 =	vor.u32 v4, v9  }
0x6c: {  	v16 =	vor.u32 v5, v9;
	v12 =	vld.idx.msk [tilespmem:v8+s16+$0x0], $0xffff  }
0x6d: {  	v17 =	vor.u32 v6, v9;
	v10 =	vld.idx.msk [tilespmem:v10+s16+$0x0], $0xffff  }
0x6e: {  	v18 =	vor.u32 v7, v9;
	v8 =	vld.idx.msk [tilespmem:v11+s16+$0x0], $0xffff  }
0x6f: {  	v15 =	vld.idx.msk [tilespmem:v13+s16+$0x0], $0xffff  }
0x70: {  	v13 =	vld.idx.msk [tilespmem:v14+s16+$0x0], $0xffff  }
0x71: {  	v11 =	vld.idx.msk [tilespmem:v16+s16+$0x0], $0xffff  }
0x72: {  	v9 =	vld.idx.msk [tilespmem:v17+s16+$0x0], $0xffff  }
0x73: {  	s31 =	simm.s32 $0x0;
	v14 =	vld.idx.msk [tilespmem:v18+s16+$0x0], $0xffff  }
0x74: {  	v16 =	vld [tilespmem:s31+$0x42F0]  }
0x75: {  	v17 =	vld [tilespmem:s31+$0x4280]  }
0x76: {  	v18 =	vld [tilespmem:s31+$0x4290]  }
0x77: {  	v19 =	vld [tilespmem:s31+$0x42A0]  }
0x78: {  	v20 =	vld [tilespmem:s31+$0x42B0]  }
0x79: {  	v21 =	vld [tilespmem:s31+$0x42C0];
	v16 =	vmul.f32 v16, v15  }
0x7a: {  	v22 =	vld [tilespmem:s31+$0x42D0];
	v17 =	vmul.f32 v17, v12  }
0x7b: {  	s30 =	simm.s32 $0x400;
	v23 =	vld [tilespmem:s31+$0x42E0];
	v18 =	vmul.f32 v18, v10;
	v16 =	vadd.f32 v16, v14  }
0x7c: {  	v24 =	vld [tilespmem:s30+$0x42F0];
	v17 =	vadd.f32 v17, v13  }
0x7d: {  	v25 =	vld [tilespmem:s30+$0x4280];
	v18 =	vadd.f32 v18, v11;
	[tilespmem:s31+$0x10AF0] =	vst v16;
	v16 =	vmul.f32 v19, v8  }
0x7e: {  	v20 =	vmul.f32 v20, v15;
	v26 =	vld [tilespmem:s30+$0x4290];
	[tilespmem:s31+$0x10A80] =	vst v17  }
0x7f: {  	v19 =	vld [tilespmem:s30+$0x42A0];
	v16 =	vadd.f32 v16, v9;
	[tilespmem:s31+$0x10A90] =	vst v18;
	v18 =	vmul.f32 v21, v12  }
0x80: {  	v20 =	vadd.f32 v20, v14;
	v21 =	vmul.f32 v22, v10  }
0x81: {  	v23 =	vmul.f32 v23, v8;
	v17 =	vld [tilespmem:s30+$0x42B0];
	[tilespmem:s31+$0x10AA0] =	vst v16;
	v22 =	vadd.f32 v18, v13  }
0x82: {  	v24 =	vmul.f32 v24, v15;
	v27 =	vadd.f32 v21, v11;
	v16 =	vld [tilespmem:s30+$0x42C0];
	[tilespmem:s31+$0x10AB0] =	vst v20  }
0x83: {  	v23 =	vadd.f32 v23, v9;
	v21 =	vmul.f32 v25, v12;
	v18 =	vld [tilespmem:s30+$0x42D0];
	[tilespmem:s31+$0x10AC0] =	vst v22  }
0x84: {  	s0 =	simm.s32 $0x3000;
	s1 =	simm.s32 $0x800;
	v24 =	vadd.f32 v24, v14;
	v22 =	vmul.f32 v26, v10;
	v20 =	vld [tilespmem:s30+$0x42E0];
	[tilespmem:s31+$0x10AD0] =	vst v27  }
.LBB2_5:
0x85: {  	p1 =	sne.s32 s0, $0x18000;
	v25 =	vld [tilespmem:s1+$0x42F0];
	v21 =	vadd.f32 v21, v13;
	v19 =	vmul.f32 v19, v8;
	[tilespmem:s31+$0x10AE0] =	vst v23;
	s31 =	smov.u32 s30;
	s30 =	smov.u32 s1  }
0x86: {  	v23 =	vld [tilespmem:s30+$0x4280];
	v22 =	vadd.f32 v22, v11;
	v17 =	vmul.f32 v17, v15;
	[tilespmem:s31+$0x10AF0] =	vst v24  }
0x87: {  	v24 =	vld [tilespmem:s30+$0x4290];
	[tilespmem:s31+$0x10A80] =	vst v21;
	v21 =	vadd.f32 v19, v9;
	v16 =	vmul.f32 v16, v12  }
.Ltmp3:
0x88: {  	v19 =	vld [tilespmem:s30+$0x42A0];
	[tilespmem:s31+$0x10A90] =	vst v22;
	v22 =	vadd.f32 v17, v14;
	v18 =	vmul.f32 v18, v10;
	(pc) =	sbr.rel @p1 .LBB2_5-.Ltmp3, $4  }
0x89: {  	v17 =	vld [tilespmem:s30+$0x42B0];
	[tilespmem:s31+$0x10AA0] =	vst v21;
	v26 =	vadd.f32 v16, v13;
	v20 =	vmul.f32 v20, v8  }
0x8a: {  	v16 =	vld [tilespmem:s30+$0x42C0];
	v25 =	vmul.f32 v25, v15;
	[tilespmem:s31+$0x10AB0] =	vst v22;
	v27 =	vadd.f32 v18, v11  }
0x8b: {  	v21 =	vmul.f32 v23, v12;
	v18 =	vld [tilespmem:s30+$0x42D0];
	[tilespmem:s31+$0x10AC0] =	vst v26;
	v23 =	vadd.f32 v20, v9  }
0x8c: {  	s1 =	sshra.s32 s0, $0x2;
	s0 =	sadd.s32 $0x1000, s0;
	v22 =	vmul.f32 v24, v10;
	v20 =	vld [tilespmem:s30+$0x42E0];
	v24 =	vadd.f32 v25, v14;
	[tilespmem:s31+$0x10AD0] =	vst v27  }
0x8d: {  	v25 =	vld [tilespmem:s1+$0x42F0];
	[tilespmem:s31+$0x10AE0] =	vst v23;
	v21 =	vadd.f32 v21, v13;
	v19 =	vmul.f32 v19, v8  }
0x8e: {  	v23 =	vld [tilespmem:s1+$0x4280];
	[tilespmem:s30+$0x10AF0] =	vst v24;
	v22 =	vadd.f32 v22, v11;
	v17 =	vmul.f32 v17, v15  }
0x8f: {  	v24 =	vld [tilespmem:s1+$0x4290];
	[tilespmem:s30+$0x10A80] =	vst v21;
	v19 =	vadd.f32 v19, v9  }
0x90: {  	v16 =	vmul.f32 v16, v12;
	v21 =	vld [tilespmem:s1+$0x42A0];
	[tilespmem:s30+$0x10A90] =	vst v22;
	v17 =	vadd.f32 v17, v14  }
0x91: {  	v18 =	vmul.f32 v18, v10;
	v22 =	vld [tilespmem:s1+$0x42B0];
	[tilespmem:s30+$0x10AA0] =	vst v19  }
0x92: {  	v16 =	vadd.f32 v16, v13;
	v19 =	vld [tilespmem:s1+$0x42C0];
	[tilespmem:s30+$0x10AB0] =	vst v17;
	v17 =	vmul.f32 v20, v8  }
0x93: {  	v25 =	vmul.f32 v25, v15;
	v18 =	vadd.f32 v18, v11  }
0x94: {  	v20 =	vld [tilespmem:s1+$0x42D0];
	[tilespmem:s30+$0x10AC0] =	vst v16;
	v16 =	vmul.f32 v23, v12;
	v17 =	vadd.f32 v17, v9  }
0x95: {  	v23 =	vld [tilespmem:s1+$0x42E0];
	v24 =	vmul.f32 v24, v10;
	v25 =	vadd.f32 v25, v14;
	[tilespmem:s30+$0x10AD0] =	vst v18  }
0x96: {  	s0 =	sor.u32 $0x2, s29;
	v16 =	vadd.f32 v16, v13;
	v18 =	vmul.f32 v21, v8;
	[tilespmem:s30+$0x10AE0] =	vst v17  }
0x97: {  	v21 =	vmov s0;
	v17 =	vadd.f32 v24, v11;
	v15 =	vmul.f32 v22, v15;
	[tilespmem:s1+$0x10AF0] =	vst v25  }
0x98: {  	[tilespmem:s1+$0x10A80] =	vst v16;
	v16 =	vadd.f32 v18, v9;
	v12 =	vmul.f32 v19, v12;
	v18 =	vand.u32 $0xFFFFFFF2, v21  }
0x99: {  	[tilespmem:s1+$0x10A90] =	vst v17;
	v14 =	vadd.f32 v15, v14;
	v10 =	vmul.f32 v20, v10;
	v15 =	vbroadcast v18, $0x0  }
0x9a: {  	[tilespmem:s1+$0x10AA0] =	vst v16;
	v12 =	vadd.f32 v12, v13;
	v8 =	vmul.f32 v23, v8  }
0x9b: {  	[tilespmem:s1+$0x10AB0] =	vst v14;
	v10 =	vadd.f32 v10, v11  }
0x9c: {  	[tilespmem:s1+$0x10AC0] =	vst v12;
	v8 =	vadd.f32 v8, v9  }
0x9d: {  	[tilespmem:s1+$0x10AD0] =	vst v10  }
0x9e: {  	s13 =	simm.s32 $0x0;
	[tilespmem:s1+$0x10AE0] =	vst v8  }
0x9f: {  	v8 =	vld.idx.msk [tilespmem:v15+s13+$0x0], $0xffff;
	_ =	sdelay $0x4  }
0xa0: {  	v9 =	vshll.u32 v8, $0x7  }
0xa1: {  	v8 =	vor.u32 v0, v9  }
0xa2: {  	v10 =	vor.u32 v1, v9  }
0xa3: {  	v11 =	vor.u32 v2, v9  }
0xa4: {  	v13 =	vor.u32 v3, v9  }
0xa5: {  	v14 =	vor.u32 v4, v9  }
0xa6: {  	v16 =	vor.u32 v5, v9;
	v12 =	vld.idx.msk [tilespmem:v8+s16+$0x0], $0xffff  }
0xa7: {  	v17 =	vor.u32 v6, v9;
	v10 =	vld.idx.msk [tilespmem:v10+s16+$0x0], $0xffff  }
0xa8: {  	v18 =	vor.u32 v7, v9;
	v8 =	vld.idx.msk [tilespmem:v11+s16+$0x0], $0xffff  }
0xa9: {  	v15 =	vld.idx.msk [tilespmem:v13+s16+$0x0], $0xffff  }
0xaa: {  	v13 =	vld.idx.msk [tilespmem:v14+s16+$0x0], $0xffff  }
0xab: {  	v11 =	vld.idx.msk [tilespmem:v16+s16+$0x0], $0xffff  }
0xac: {  	v9 =	vld.idx.msk [tilespmem:v17+s16+$0x0], $0xffff  }
0xad: {  	s31 =	simm.s32 $0x0;
	v14 =	vld.idx.msk [tilespmem:v18+s16+$0x0], $0xffff  }
0xae: {  	v16 =	vld [tilespmem:s31+$0x4370]  }
0xaf: {  	v17 =	vld [tilespmem:s31+$0x4300]  }
0xb0: {  	v18 =	vld [tilespmem:s31+$0x4310]  }
0xb1: {  	v19 =	vld [tilespmem:s31+$0x4320]  }
0xb2: {  	v20 =	vld [tilespmem:s31+$0x4330]  }
0xb3: {  	v21 =	vld [tilespmem:s31+$0x4340];
	v16 =	vmul.f32 v16, v15  }
0xb4: {  	v22 =	vld [tilespmem:s31+$0x4350];
	v17 =	vmul.f32 v17, v12  }
0xb5: {  	s30 =	simm.s32 $0x400;
	v23 =	vld [tilespmem:s31+$0x4360];
	v18 =	vmul.f32 v18, v10;
	v16 =	vadd.f32 v16, v14  }
0xb6: {  	v24 =	vld [tilespmem:s30+$0x4370];
	v17 =	vadd.f32 v17, v13  }
0xb7: {  	v25 =	vld [tilespmem:s30+$0x4300];
	v18 =	vadd.f32 v18, v11;
	[tilespmem:s31+$0x10B70] =	vst v16;
	v16 =	vmul.f32 v19, v8  }
0xb8: {  	v20 =	vmul.f32 v20, v15;
	v26 =	vld [tilespmem:s30+$0x4310];
	[tilespmem:s31+$0x10B00] =	vst v17  }
0xb9: {  	v19 =	vld [tilespmem:s30+$0x4320];
	v16 =	vadd.f32 v16, v9;
	[tilespmem:s31+$0x10B10] =	vst v18;
	v18 =	vmul.f32 v21, v12  }
0xba: {  	v20 =	vadd.f32 v20, v14;
	v21 =	vmul.f32 v22, v10  }
0xbb: {  	v23 =	vmul.f32 v23, v8;
	v17 =	vld [tilespmem:s30+$0x4330];
	[tilespmem:s31+$0x10B20] =	vst v16;
	v22 =	vadd.f32 v18, v13  }
0xbc: {  	v24 =	vmul.f32 v24, v15;
	v27 =	vadd.f32 v21, v11;
	v16 =	vld [tilespmem:s30+$0x4340];
	[tilespmem:s31+$0x10B30] =	vst v20  }
0xbd: {  	v23 =	vadd.f32 v23, v9;
	v21 =	vmul.f32 v25, v12;
	v18 =	vld [tilespmem:s30+$0x4350];
	[tilespmem:s31+$0x10B40] =	vst v22  }
0xbe: {  	s0 =	simm.s32 $0x3000;
	s1 =	simm.s32 $0x800;
	v24 =	vadd.f32 v24, v14;
	v22 =	vmul.f32 v26, v10;
	v20 =	vld [tilespmem:s30+$0x4360];
	[tilespmem:s31+$0x10B50] =	vst v27  }
.LBB2_7:
0xbf: {  	p1 =	sne.s32 s0, $0x18000;
	v25 =	vld [tilespmem:s1+$0x4370];
	v21 =	vadd.f32 v21, v13;
	v19 =	vmul.f32 v19, v8;
	[tilespmem:s31+$0x10B60] =	vst v23;
	s31 =	smov.u32 s30;
	s30 =	smov.u32 s1  }
0xc0: {  	v23 =	vld [tilespmem:s30+$0x4300];
	v22 =	vadd.f32 v22, v11;
	v17 =	vmul.f32 v17, v15;
	[tilespmem:s31+$0x10B70] =	vst v24  }
0xc1: {  	v24 =	vld [tilespmem:s30+$0x4310];
	[tilespmem:s31+$0x10B00] =	vst v21;
	v21 =	vadd.f32 v19, v9;
	v16 =	vmul.f32 v16, v12  }
.Ltmp4:
0xc2: {  	v19 =	vld [tilespmem:s30+$0x4320];
	[tilespmem:s31+$0x10B10] =	vst v22;
	v22 =	vadd.f32 v17, v14;
	v18 =	vmul.f32 v18, v10;
	(pc) =	sbr.rel @p1 .LBB2_7-.Ltmp4, $4  }
0xc3: {  	v17 =	vld [tilespmem:s30+$0x4330];
	[tilespmem:s31+$0x10B20] =	vst v21;
	v26 =	vadd.f32 v16, v13;
	v20 =	vmul.f32 v20, v8  }
0xc4: {  	v16 =	vld [tilespmem:s30+$0x4340];
	v25 =	vmul.f32 v25, v15;
	[tilespmem:s31+$0x10B30] =	vst v22;
	v27 =	vadd.f32 v18, v11  }
0xc5: {  	v21 =	vmul.f32 v23, v12;
	v18 =	vld [tilespmem:s30+$0x4350];
	[tilespmem:s31+$0x10B40] =	vst v26;
	v23 =	vadd.f32 v20, v9  }
0xc6: {  	s1 =	sshra.s32 s0, $0x2;
	s0 =	sadd.s32 $0x1000, s0;
	v22 =	vmul.f32 v24, v10;
	v20 =	vld [tilespmem:s30+$0x4360];
	v24 =	vadd.f32 v25, v14;
	[tilespmem:s31+$0x10B50] =	vst v27  }
0xc7: {  	v25 =	vld [tilespmem:s1+$0x4370];
	[tilespmem:s31+$0x10B60] =	vst v23;
	v21 =	vadd.f32 v21, v13;
	v19 =	vmul.f32 v19, v8  }
0xc8: {  	v23 =	vld [tilespmem:s1+$0x4300];
	[tilespmem:s30+$0x10B70] =	vst v24;
	v22 =	vadd.f32 v22, v11;
	v17 =	vmul.f32 v17, v15  }
0xc9: {  	v24 =	vld [tilespmem:s1+$0x4310];
	[tilespmem:s30+$0x10B00] =	vst v21;
	v19 =	vadd.f32 v19, v9  }
0xca: {  	v16 =	vmul.f32 v16, v12;
	v21 =	vld [tilespmem:s1+$0x4320];
	[tilespmem:s30+$0x10B10] =	vst v22;
	v17 =	vadd.f32 v17, v14  }
0xcb: {  	v18 =	vmul.f32 v18, v10;
	v22 =	vld [tilespmem:s1+$0x4330];
	[tilespmem:s30+$0x10B20] =	vst v19  }
0xcc: {  	v16 =	vadd.f32 v16, v13;
	v19 =	vld [tilespmem:s1+$0x4340];
	[tilespmem:s30+$0x10B30] =	vst v17;
	v17 =	vmul.f32 v20, v8  }
0xcd: {  	v25 =	vmul.f32 v25, v15;
	v18 =	vadd.f32 v18, v11  }
0xce: {  	v20 =	vld [tilespmem:s1+$0x4350];
	[tilespmem:s30+$0x10B40] =	vst v16;
	v16 =	vmul.f32 v23, v12;
	v17 =	vadd.f32 v17, v9  }
0xcf: {  	v23 =	vld [tilespmem:s1+$0x4360];
	v24 =	vmul.f32 v24, v10;
	v25 =	vadd.f32 v25, v14;
	[tilespmem:s30+$0x10B50] =	vst v18  }
0xd0: {  	s0 =	sor.u32 $0x3, s29;
	v16 =	vadd.f32 v16, v13;
	v18 =	vmul.f32 v21, v8;
	[tilespmem:s30+$0x10B60] =	vst v17  }
0xd1: {  	v21 =	vmov s0;
	v17 =	vadd.f32 v24, v11;
	v15 =	vmul.f32 v22, v15;
	[tilespmem:s1+$0x10B70] =	vst v25  }
0xd2: {  	[tilespmem:s1+$0x10B00] =	vst v16;
	v16 =	vadd.f32 v18, v9;
	v12 =	vmul.f32 v19, v12;
	v18 =	vand.u32 $0xFFFFFFF3, v21  }
0xd3: {  	[tilespmem:s1+$0x10B10] =	vst v17;
	v14 =	vadd.f32 v15, v14;
	v10 =	vmul.f32 v20, v10;
	v15 =	vbroadcast v18, $0x0  }
0xd4: {  	[tilespmem:s1+$0x10B20] =	vst v16;
	v12 =	vadd.f32 v12, v13;
	v8 =	vmul.f32 v23, v8  }
0xd5: {  	[tilespmem:s1+$0x10B30] =	vst v14;
	v10 =	vadd.f32 v10, v11  }
0xd6: {  	[tilespmem:s1+$0x10B40] =	vst v12;
	v8 =	vadd.f32 v8, v9  }
0xd7: {  	[tilespmem:s1+$0x10B50] =	vst v10  }
0xd8: {  	s13 =	simm.s32 $0x0;
	[tilespmem:s1+$0x10B60] =	vst v8  }
0xd9: {  	v8 =	vld.idx.msk [tilespmem:v15+s13+$0x0], $0xffff;
	_ =	sdelay $0x4  }
0xda: {  	v9 =	vshll.u32 v8, $0x7  }
0xdb: {  	v8 =	vor.u32 v0, v9  }
0xdc: {  	v10 =	vor.u32 v1, v9  }
0xdd: {  	v11 =	vor.u32 v2, v9  }
0xde: {  	v13 =	vor.u32 v3, v9  }
0xdf: {  	v14 =	vor.u32 v4, v9  }
0xe0: {  	v16 =	vor.u32 v5, v9;
	v12 =	vld.idx.msk [tilespmem:v8+s16+$0x0], $0xffff  }
0xe1: {  	v17 =	vor.u32 v6, v9;
	v10 =	vld.idx.msk [tilespmem:v10+s16+$0x0], $0xffff  }
0xe2: {  	v18 =	vor.u32 v7, v9;
	v8 =	vld.idx.msk [tilespmem:v11+s16+$0x0], $0xffff  }
0xe3: {  	v15 =	vld.idx.msk [tilespmem:v13+s16+$0x0], $0xffff  }
0xe4: {  	v13 =	vld.idx.msk [tilespmem:v14+s16+$0x0], $0xffff  }
0xe5: {  	v11 =	vld.idx.msk [tilespmem:v16+s16+$0x0], $0xffff  }
0xe6: {  	v9 =	vld.idx.msk [tilespmem:v17+s16+$0x0], $0xffff  }
0xe7: {  	s31 =	simm.s32 $0x0;
	v14 =	vld.idx.msk [tilespmem:v18+s16+$0x0], $0xffff  }
0xe8: {  	v16 =	vld [tilespmem:s31+$0x43F0]  }
0xe9: {  	v17 =	vld [tilespmem:s31+$0x4380]  }
0xea: {  	v18 =	vld [tilespmem:s31+$0x4390]  }
0xeb: {  	v19 =	vld [tilespmem:s31+$0x43A0]  }
0xec: {  	v20 =	vld [tilespmem:s31+$0x43B0]  }
0xed: {  	v21 =	vld [tilespmem:s31+$0x43C0];
	v16 =	vmul.f32 v16, v15  }
0xee: {  	v22 =	vld [tilespmem:s31+$0x43D0];
	v17 =	vmul.f32 v17, v12  }
0xef: {  	s30 =	simm.s32 $0x400;
	v23 =	vld [tilespmem:s31+$0x43E0];
	v18 =	vmul.f32 v18, v10;
	v16 =	vadd.f32 v16, v14  }
0xf0: {  	v24 =	vld [tilespmem:s30+$0x43F0];
	v17 =	vadd.f32 v17, v13  }
0xf1: {  	v25 =	vld [tilespmem:s30+$0x4380];
	v18 =	vadd.f32 v18, v11;
	[tilespmem:s31+$0x10BF0] =	vst v16;
	v16 =	vmul.f32 v19, v8  }
0xf2: {  	v20 =	vmul.f32 v20, v15;
	v26 =	vld [tilespmem:s30+$0x4390];
	[tilespmem:s31+$0x10B80] =	vst v17  }
0xf3: {  	v19 =	vld [tilespmem:s30+$0x43A0];
	v16 =	vadd.f32 v16, v9;
	[tilespmem:s31+$0x10B90] =	vst v18;
	v18 =	vmul.f32 v21, v12  }
0xf4: {  	v20 =	vadd.f32 v20, v14;
	v21 =	vmul.f32 v22, v10  }
0xf5: {  	v23 =	vmul.f32 v23, v8;
	v17 =	vld [tilespmem:s30+$0x43B0];
	[tilespmem:s31+$0x10BA0] =	vst v16;
	v22 =	vadd.f32 v18, v13  }
0xf6: {  	v24 =	vmul.f32 v24, v15;
	v27 =	vadd.f32 v21, v11;
	v16 =	vld [tilespmem:s30+$0x43C0];
	[tilespmem:s31+$0x10BB0] =	vst v20  }
0xf7: {  	v23 =	vadd.f32 v23, v9;
	v21 =	vmul.f32 v25, v12;
	v18 =	vld [tilespmem:s30+$0x43D0];
	[tilespmem:s31+$0x10BC0] =	vst v22  }
0xf8: {  	s0 =	simm.s32 $0x3000;
	s1 =	simm.s32 $0x800;
	v24 =	vadd.f32 v24, v14;
	v22 =	vmul.f32 v26, v10;
	v20 =	vld [tilespmem:s30+$0x43E0];
	[tilespmem:s31+$0x10BD0] =	vst v27  }
.LBB2_9:
0xf9: {  	p1 =	sne.s32 s0, $0x18000;
	v25 =	vld [tilespmem:s1+$0x43F0];
	v21 =	vadd.f32 v21, v13;
	v19 =	vmul.f32 v19, v8;
	[tilespmem:s31+$0x10BE0] =	vst v23;
	s31 =	smov.u32 s30;
	s30 =	smov.u32 s1  }
0xfa: {  	v23 =	vld [tilespmem:s30+$0x4380];
	v22 =	vadd.f32 v22, v11;
	v17 =	vmul.f32 v17, v15;
	[tilespmem:s31+$0x10BF0] =	vst v24  }
0xfb: {  	v24 =	vld [tilespmem:s30+$0x4390];
	[tilespmem:s31+$0x10B80] =	vst v21;
	v21 =	vadd.f32 v19, v9;
	v16 =	vmul.f32 v16, v12  }
.Ltmp5:
0xfc: {  	v19 =	vld [tilespmem:s30+$0x43A0];
	[tilespmem:s31+$0x10B90] =	vst v22;
	v22 =	vadd.f32 v17, v14;
	v18 =	vmul.f32 v18, v10;
	(pc) =	sbr.rel @p1 .LBB2_9-.Ltmp5, $4  }
0xfd: {  	v17 =	vld [tilespmem:s30+$0x43B0];
	[tilespmem:s31+$0x10BA0] =	vst v21;
	v26 =	vadd.f32 v16, v13;
	v20 =	vmul.f32 v20, v8  }
0xfe: {  	v16 =	vld [tilespmem:s30+$0x43C0];
	v25 =	vmul.f32 v25, v15;
	[tilespmem:s31+$0x10BB0] =	vst v22;
	v27 =	vadd.f32 v18, v11  }
0xff: {  	v21 =	vmul.f32 v23, v12;
	v18 =	vld [tilespmem:s30+$0x43D0];
	[tilespmem:s31+$0x10BC0] =	vst v26;
	v23 =	vadd.f32 v20, v9  }
0x100: {  	s1 =	sshra.s32 s0, $0x2;
	s0 =	sadd.s32 $0x1000, s0;
	v22 =	vmul.f32 v24, v10;
	v20 =	vld [tilespmem:s30+$0x43E0];
	v24 =	vadd.f32 v25, v14;
	[tilespmem:s31+$0x10BD0] =	vst v27  }
0x101: {  	v25 =	vld [tilespmem:s1+$0x43F0];
	[tilespmem:s31+$0x10BE0] =	vst v23;
	v21 =	vadd.f32 v21, v13;
	v19 =	vmul.f32 v19, v8  }
0x102: {  	v23 =	vld [tilespmem:s1+$0x4380];
	[tilespmem:s30+$0x10BF0] =	vst v24;
	v22 =	vadd.f32 v22, v11;
	v17 =	vmul.f32 v17, v15  }
0x103: {  	v24 =	vld [tilespmem:s1+$0x4390];
	[tilespmem:s30+$0x10B80] =	vst v21;
	v19 =	vadd.f32 v19, v9  }
0x104: {  	v16 =	vmul.f32 v16, v12;
	v21 =	vld [tilespmem:s1+$0x43A0];
	[tilespmem:s30+$0x10B90] =	vst v22;
	v17 =	vadd.f32 v17, v14  }
0x105: {  	v18 =	vmul.f32 v18, v10;
	v22 =	vld [tilespmem:s1+$0x43B0];
	[tilespmem:s30+$0x10BA0] =	vst v19  }
0x106: {  	v16 =	vadd.f32 v16, v13;
	v19 =	vld [tilespmem:s1+$0x43C0];
	[tilespmem:s30+$0x10BB0] =	vst v17;
	v17 =	vmul.f32 v20, v8  }
0x107: {  	v25 =	vmul.f32 v25, v15;
	v18 =	vadd.f32 v18, v11  }
0x108: {  	v20 =	vld [tilespmem:s1+$0x43D0];
	[tilespmem:s30+$0x10BC0] =	vst v16;
	v16 =	vmul.f32 v23, v12;
	v17 =	vadd.f32 v17, v9  }
0x109: {  	v23 =	vld [tilespmem:s1+$0x43E0];
	v24 =	vmul.f32 v24, v10;
	v25 =	vadd.f32 v25, v14;
	[tilespmem:s30+$0x10BD0] =	vst v18  }
0x10a: {  	s0 =	sor.u32 $0x4, s29;
	v16 =	vadd.f32 v16, v13;
	v18 =	vmul.f32 v21, v8;
	[tilespmem:s30+$0x10BE0] =	vst v17  }
0x10b: {  	v21 =	vmov s0;
	v17 =	vadd.f32 v24, v11;
	v15 =	vmul.f32 v22, v15;
	[tilespmem:s1+$0x10BF0] =	vst v25  }
0x10c: {  	[tilespmem:s1+$0x10B80] =	vst v16;
	v16 =	vadd.f32 v18, v9;
	v12 =	vmul.f32 v19, v12;
	v18 =	vand.u32 $0xFFFFFFF4, v21  }
0x10d: {  	[tilespmem:s1+$0x10B90] =	vst v17;
	v14 =	vadd.f32 v15, v14;
	v10 =	vmul.f32 v20, v10;
	v15 =	vbroadcast v18, $0x0  }
0x10e: {  	[tilespmem:s1+$0x10BA0] =	vst v16;
	v12 =	vadd.f32 v12, v13;
	v8 =	vmul.f32 v23, v8  }
0x10f: {  	[tilespmem:s1+$0x10BB0] =	vst v14;
	v10 =	vadd.f32 v10, v11  }
0x110: {  	[tilespmem:s1+$0x10BC0] =	vst v12;
	v8 =	vadd.f32 v8, v9  }
0x111: {  	[tilespmem:s1+$0x10BD0] =	vst v10  }
0x112: {  	s13 =	simm.s32 $0x0;
	[tilespmem:s1+$0x10BE0] =	vst v8  }
0x113: {  	v8 =	vld.idx.msk [tilespmem:v15+s13+$0x0], $0xffff;
	_ =	sdelay $0x4  }
0x114: {  	v9 =	vshll.u32 v8, $0x7  }
0x115: {  	v8 =	vor.u32 v0, v9  }
0x116: {  	v10 =	vor.u32 v1, v9  }
0x117: {  	v11 =	vor.u32 v2, v9  }
0x118: {  	v13 =	vor.u32 v3, v9  }
0x119: {  	v14 =	vor.u32 v4, v9  }
0x11a: {  	v16 =	vor.u32 v5, v9;
	v12 =	vld.idx.msk [tilespmem:v8+s16+$0x0], $0xffff  }
0x11b: {  	v17 =	vor.u32 v6, v9;
	v10 =	vld.idx.msk [tilespmem:v10+s16+$0x0], $0xffff  }
0x11c: {  	v18 =	vor.u32 v7, v9;
	v8 =	vld.idx.msk [tilespmem:v11+s16+$0x0], $0xffff  }
0x11d: {  	v15 =	vld.idx.msk [tilespmem:v13+s16+$0x0], $0xffff  }
0x11e: {  	v13 =	vld.idx.msk [tilespmem:v14+s16+$0x0], $0xffff  }
0x11f: {  	v11 =	vld.idx.msk [tilespmem:v16+s16+$0x0], $0xffff  }
0x120: {  	v9 =	vld.idx.msk [tilespmem:v17+s16+$0x0], $0xffff  }
0x121: {  	s31 =	simm.s32 $0x0;
	v14 =	vld.idx.msk [tilespmem:v18+s16+$0x0], $0xffff  }
0x122: {  	v16 =	vld [tilespmem:s31+$0x4470]  }
0x123: {  	v17 =	vld [tilespmem:s31+$0x4400]  }
0x124: {  	v18 =	vld [tilespmem:s31+$0x4410]  }
0x125: {  	v19 =	vld [tilespmem:s31+$0x4420]  }
0x126: {  	v20 =	vld [tilespmem:s31+$0x4430]  }
0x127: {  	v21 =	vld [tilespmem:s31+$0x4440];
	v16 =	vmul.f32 v16, v15  }
0x128: {  	v22 =	vld [tilespmem:s31+$0x4450];
	v17 =	vmul.f32 v17, v12  }
0x129: {  	s30 =	simm.s32 $0x400;
	v23 =	vld [tilespmem:s31+$0x4460];
	v18 =	vmul.f32 v18, v10;
	v16 =	vadd.f32 v16, v14  }
0x12a: {  	v24 =	vld [tilespmem:s30+$0x4470];
	v17 =	vadd.f32 v17, v13  }
0x12b: {  	v25 =	vld [tilespmem:s30+$0x4400];
	v18 =	vadd.f32 v18, v11;
	[tilespmem:s31+$0x10C70] =	vst v16;
	v16 =	vmul.f32 v19, v8  }
0x12c: {  	v20 =	vmul.f32 v20, v15;
	v26 =	vld [tilespmem:s30+$0x4410];
	[tilespmem:s31+$0x10C00] =	vst v17  }
0x12d: {  	v19 =	vld [tilespmem:s30+$0x4420];
	v16 =	vadd.f32 v16, v9;
	[tilespmem:s31+$0x10C10] =	vst v18;
	v18 =	vmul.f32 v21, v12  }
0x12e: {  	v20 =	vadd.f32 v20, v14;
	v21 =	vmul.f32 v22, v10  }
0x12f: {  	v23 =	vmul.f32 v23, v8;
	v17 =	vld [tilespmem:s30+$0x4430];
	[tilespmem:s31+$0x10C20] =	vst v16;
	v22 =	vadd.f32 v18, v13  }
0x130: {  	v24 =	vmul.f32 v24, v15;
	v27 =	vadd.f32 v21, v11;
	v16 =	vld [tilespmem:s30+$0x4440];
	[tilespmem:s31+$0x10C30] =	vst v20  }
0x131: {  	v23 =	vadd.f32 v23, v9;
	v21 =	vmul.f32 v25, v12;
	v18 =	vld [tilespmem:s30+$0x4450];
	[tilespmem:s31+$0x10C40] =	vst v22  }
0x132: {  	s0 =	simm.s32 $0x3000;
	s1 =	simm.s32 $0x800;
	v24 =	vadd.f32 v24, v14;
	v22 =	vmul.f32 v26, v10;
	v20 =	vld [tilespmem:s30+$0x4460];
	[tilespmem:s31+$0x10C50] =	vst v27  }
.LBB2_11:
0x133: {  	p1 =	sne.s32 s0, $0x18000;
	v25 =	vld [tilespmem:s1+$0x4470];
	v21 =	vadd.f32 v21, v13;
	v19 =	vmul.f32 v19, v8;
	[tilespmem:s31+$0x10C60] =	vst v23;
	s31 =	smov.u32 s30;
	s30 =	smov.u32 s1  }
0x134: {  	v23 =	vld [tilespmem:s30+$0x4400];
	v22 =	vadd.f32 v22, v11;
	v17 =	vmul.f32 v17, v15;
	[tilespmem:s31+$0x10C70] =	vst v24  }
0x135: {  	v24 =	vld [tilespmem:s30+$0x4410];
	[tilespmem:s31+$0x10C00] =	vst v21;
	v21 =	vadd.f32 v19, v9;
	v16 =	vmul.f32 v16, v12  }
.Ltmp6:
0x136: {  	v19 =	vld [tilespmem:s30+$0x4420];
	[tilespmem:s31+$0x10C10] =	vst v22;
	v22 =	vadd.f32 v17, v14;
	v18 =	vmul.f32 v18, v10;
	(pc) =	sbr.rel @p1 .LBB2_11-.Ltmp6, $4  }
0x137: {  	v17 =	vld [tilespmem:s30+$0x4430];
	[tilespmem:s31+$0x10C20] =	vst v21;
	v26 =	vadd.f32 v16, v13;
	v20 =	vmul.f32 v20, v8  }
0x138: {  	v16 =	vld [tilespmem:s30+$0x4440];
	v25 =	vmul.f32 v25, v15;
	[tilespmem:s31+$0x10C30] =	vst v22;
	v27 =	vadd.f32 v18, v11  }
0x139: {  	v21 =	vmul.f32 v23, v12;
	v18 =	vld [tilespmem:s30+$0x4450];
	[tilespmem:s31+$0x10C40] =	vst v26;
	v23 =	vadd.f32 v20, v9  }
0x13a: {  	s1 =	sshra.s32 s0, $0x2;
	s0 =	sadd.s32 $0x1000, s0;
	v22 =	vmul.f32 v24, v10;
	v20 =	vld [tilespmem:s30+$0x4460];
	v24 =	vadd.f32 v25, v14;
	[tilespmem:s31+$0x10C50] =	vst v27  }
0x13b: {  	v25 =	vld [tilespmem:s1+$0x4470];
	[tilespmem:s31+$0x10C60] =	vst v23;
	v21 =	vadd.f32 v21, v13;
	v19 =	vmul.f32 v19, v8  }
0x13c: {  	v23 =	vld [tilespmem:s1+$0x4400];
	[tilespmem:s30+$0x10C70] =	vst v24;
	v22 =	vadd.f32 v22, v11;
	v17 =	vmul.f32 v17, v15  }
0x13d: {  	v24 =	vld [tilespmem:s1+$0x4410];
	[tilespmem:s30+$0x10C00] =	vst v21;
	v19 =	vadd.f32 v19, v9  }
0x13e: {  	v16 =	vmul.f32 v16, v12;
	v21 =	vld [tilespmem:s1+$0x4420];
	[tilespmem:s30+$0x10C10] =	vst v22;
	v17 =	vadd.f32 v17, v14  }
0x13f: {  	v18 =	vmul.f32 v18, v10;
	v22 =	vld [tilespmem:s1+$0x4430];
	[tilespmem:s30+$0x10C20] =	vst v19  }
0x140: {  	v16 =	vadd.f32 v16, v13;
	v19 =	vld [tilespmem:s1+$0x4440];
	[tilespmem:s30+$0x10C30] =	vst v17;
	v17 =	vmul.f32 v20, v8  }
0x141: {  	v25 =	vmul.f32 v25, v15;
	v18 =	vadd.f32 v18, v11  }
0x142: {  	v20 =	vld [tilespmem:s1+$0x4450];
	[tilespmem:s30+$0x10C40] =	vst v16;
	v16 =	vmul.f32 v23, v12;
	v17 =	vadd.f32 v17, v9  }
0x143: {  	v23 =	vld [tilespmem:s1+$0x4460];
	v24 =	vmul.f32 v24, v10;
	v25 =	vadd.f32 v25, v14;
	[tilespmem:s30+$0x10C50] =	vst v18  }
0x144: {  	s0 =	sor.u32 $0x5, s29;
	v16 =	vadd.f32 v16, v13;
	v18 =	vmul.f32 v21, v8;
	[tilespmem:s30+$0x10C60] =	vst v17  }
0x145: {  	v21 =	vmov s0;
	v17 =	vadd.f32 v24, v11;
	v15 =	vmul.f32 v22, v15;
	[tilespmem:s1+$0x10C70] =	vst v25  }
0x146: {  	[tilespmem:s1+$0x10C00] =	vst v16;
	v16 =	vadd.f32 v18, v9;
	v12 =	vmul.f32 v19, v12;
	v18 =	vand.u32 $0xFFFFFFF5, v21  }
0x147: {  	[tilespmem:s1+$0x10C10] =	vst v17;
	v14 =	vadd.f32 v15, v14;
	v10 =	vmul.f32 v20, v10;
	v15 =	vbroadcast v18, $0x0  }
0x148: {  	[tilespmem:s1+$0x10C20] =	vst v16;
	v12 =	vadd.f32 v12, v13;
	v8 =	vmul.f32 v23, v8  }
0x149: {  	[tilespmem:s1+$0x10C30] =	vst v14;
	v10 =	vadd.f32 v10, v11  }
0x14a: {  	[tilespmem:s1+$0x10C40] =	vst v12;
	v8 =	vadd.f32 v8, v9  }
0x14b: {  	[tilespmem:s1+$0x10C50] =	vst v10  }
0x14c: {  	s13 =	simm.s32 $0x0;
	[tilespmem:s1+$0x10C60] =	vst v8  }
0x14d: {  	v8 =	vld.idx.msk [tilespmem:v15+s13+$0x0], $0xffff;
	_ =	sdelay $0x4  }
0x14e: {  	v9 =	vshll.u32 v8, $0x7  }
0x14f: {  	v8 =	vor.u32 v0, v9  }
0x150: {  	v10 =	vor.u32 v1, v9  }
0x151: {  	v11 =	vor.u32 v2, v9  }
0x152: {  	v13 =	vor.u32 v3, v9  }
0x153: {  	v14 =	vor.u32 v4, v9  }
0x154: {  	v16 =	vor.u32 v5, v9;
	v12 =	vld.idx.msk [tilespmem:v8+s16+$0x0], $0xffff  }
0x155: {  	v17 =	vor.u32 v6, v9;
	v10 =	vld.idx.msk [tilespmem:v10+s16+$0x0], $0xffff  }
0x156: {  	v18 =	vor.u32 v7, v9;
	v8 =	vld.idx.msk [tilespmem:v11+s16+$0x0], $0xffff  }
0x157: {  	v15 =	vld.idx.msk [tilespmem:v13+s16+$0x0], $0xffff  }
0x158: {  	v13 =	vld.idx.msk [tilespmem:v14+s16+$0x0], $0xffff  }
0x159: {  	v11 =	vld.idx.msk [tilespmem:v16+s16+$0x0], $0xffff  }
0x15a: {  	v9 =	vld.idx.msk [tilespmem:v17+s16+$0x0], $0xffff  }
0x15b: {  	s31 =	simm.s32 $0x0;
	v14 =	vld.idx.msk [tilespmem:v18+s16+$0x0], $0xffff  }
0x15c: {  	v16 =	vld [tilespmem:s31+$0x44F0]  }
0x15d: {  	v17 =	vld [tilespmem:s31+$0x4480]  }
0x15e: {  	v18 =	vld [tilespmem:s31+$0x4490]  }
0x15f: {  	v19 =	vld [tilespmem:s31+$0x44A0]  }
0x160: {  	v20 =	vld [tilespmem:s31+$0x44B0]  }
0x161: {  	v21 =	vld [tilespmem:s31+$0x44C0];
	v16 =	vmul.f32 v16, v15  }
0x162: {  	v22 =	vld [tilespmem:s31+$0x44D0];
	v17 =	vmul.f32 v17, v12  }
0x163: {  	s30 =	simm.s32 $0x400;
	v23 =	vld [tilespmem:s31+$0x44E0];
	v18 =	vmul.f32 v18, v10;
	v16 =	vadd.f32 v16, v14  }
0x164: {  	v24 =	vld [tilespmem:s30+$0x44F0];
	v17 =	vadd.f32 v17, v13  }
0x165: {  	v25 =	vld [tilespmem:s30+$0x4480];
	v18 =	vadd.f32 v18, v11;
	[tilespmem:s31+$0x10CF0] =	vst v16;
	v16 =	vmul.f32 v19, v8  }
0x166: {  	v20 =	vmul.f32 v20, v15;
	v26 =	vld [tilespmem:s30+$0x4490];
	[tilespmem:s31+$0x10C80] =	vst v17  }
0x167: {  	v19 =	vld [tilespmem:s30+$0x44A0];
	v16 =	vadd.f32 v16, v9;
	[tilespmem:s31+$0x10C90] =	vst v18;
	v18 =	vmul.f32 v21, v12  }
0x168: {  	v20 =	vadd.f32 v20, v14;
	v21 =	vmul.f32 v22, v10  }
0x169: {  	v23 =	vmul.f32 v23, v8;
	v17 =	vld [tilespmem:s30+$0x44B0];
	[tilespmem:s31+$0x10CA0] =	vst v16;
	v22 =	vadd.f32 v18, v13  }
0x16a: {  	v24 =	vmul.f32 v24, v15;
	v27 =	vadd.f32 v21, v11;
	v16 =	vld [tilespmem:s30+$0x44C0];
	[tilespmem:s31+$0x10CB0] =	vst v20  }
0x16b: {  	v23 =	vadd.f32 v23, v9;
	v21 =	vmul.f32 v25, v12;
	v18 =	vld [tilespmem:s30+$0x44D0];
	[tilespmem:s31+$0x10CC0] =	vst v22  }
0x16c: {  	s0 =	simm.s32 $0x3000;
	s1 =	simm.s32 $0x800;
	v24 =	vadd.f32 v24, v14;
	v22 =	vmul.f32 v26, v10;
	v20 =	vld [tilespmem:s30+$0x44E0];
	[tilespmem:s31+$0x10CD0] =	vst v27  }
.LBB2_13:
0x16d: {  	p1 =	sne.s32 s0, $0x18000;
	v25 =	vld [tilespmem:s1+$0x44F0];
	v21 =	vadd.f32 v21, v13;
	v19 =	vmul.f32 v19, v8;
	[tilespmem:s31+$0x10CE0] =	vst v23;
	s31 =	smov.u32 s30;
	s30 =	smov.u32 s1  }
0x16e: {  	v23 =	vld [tilespmem:s30+$0x4480];
	v22 =	vadd.f32 v22, v11;
	v17 =	vmul.f32 v17, v15;
	[tilespmem:s31+$0x10CF0] =	vst v24  }
0x16f: {  	v24 =	vld [tilespmem:s30+$0x4490];
	[tilespmem:s31+$0x10C80] =	vst v21;
	v21 =	vadd.f32 v19, v9;
	v16 =	vmul.f32 v16, v12  }
.Ltmp7:
0x170: {  	v19 =	vld [tilespmem:s30+$0x44A0];
	[tilespmem:s31+$0x10C90] =	vst v22;
	v22 =	vadd.f32 v17, v14;
	v18 =	vmul.f32 v18, v10;
	(pc) =	sbr.rel @p1 .LBB2_13-.Ltmp7, $4  }
0x171: {  	v17 =	vld [tilespmem:s30+$0x44B0];
	[tilespmem:s31+$0x10CA0] =	vst v21;
	v26 =	vadd.f32 v16, v13;
	v20 =	vmul.f32 v20, v8  }
0x172: {  	v16 =	vld [tilespmem:s30+$0x44C0];
	v25 =	vmul.f32 v25, v15;
	[tilespmem:s31+$0x10CB0] =	vst v22;
	v27 =	vadd.f32 v18, v11  }
0x173: {  	v21 =	vmul.f32 v23, v12;
	v18 =	vld [tilespmem:s30+$0x44D0];
	[tilespmem:s31+$0x10CC0] =	vst v26;
	v23 =	vadd.f32 v20, v9  }
0x174: {  	s1 =	sshra.s32 s0, $0x2;
	s0 =	sadd.s32 $0x1000, s0;
	v22 =	vmul.f32 v24, v10;
	v20 =	vld [tilespmem:s30+$0x44E0];
	v24 =	vadd.f32 v25, v14;
	[tilespmem:s31+$0x10CD0] =	vst v27  }
0x175: {  	v25 =	vld [tilespmem:s1+$0x44F0];
	[tilespmem:s31+$0x10CE0] =	vst v23;
	v21 =	vadd.f32 v21, v13;
	v19 =	vmul.f32 v19, v8  }
0x176: {  	v23 =	vld [tilespmem:s1+$0x4480];
	[tilespmem:s30+$0x10CF0] =	vst v24;
	v22 =	vadd.f32 v22, v11;
	v17 =	vmul.f32 v17, v15  }
0x177: {  	v24 =	vld [tilespmem:s1+$0x4490];
	[tilespmem:s30+$0x10C80] =	vst v21;
	v19 =	vadd.f32 v19, v9  }
0x178: {  	v16 =	vmul.f32 v16, v12;
	v21 =	vld [tilespmem:s1+$0x44A0];
	[tilespmem:s30+$0x10C90] =	vst v22;
	v17 =	vadd.f32 v17, v14  }
0x179: {  	v18 =	vmul.f32 v18, v10;
	v22 =	vld [tilespmem:s1+$0x44B0];
	[tilespmem:s30+$0x10CA0] =	vst v19  }
0x17a: {  	v16 =	vadd.f32 v16, v13;
	v19 =	vld [tilespmem:s1+$0x44C0];
	[tilespmem:s30+$0x10CB0] =	vst v17;
	v17 =	vmul.f32 v20, v8  }
0x17b: {  	v25 =	vmul.f32 v25, v15;
	v18 =	vadd.f32 v18, v11  }
0x17c: {  	v20 =	vld [tilespmem:s1+$0x44D0];
	[tilespmem:s30+$0x10CC0] =	vst v16;
	v16 =	vmul.f32 v23, v12;
	v17 =	vadd.f32 v17, v9  }
0x17d: {  	v23 =	vld [tilespmem:s1+$0x44E0];
	v24 =	vmul.f32 v24, v10;
	v25 =	vadd.f32 v25, v14;
	[tilespmem:s30+$0x10CD0] =	vst v18  }
0x17e: {  	s0 =	sor.u32 $0x6, s29;
	v16 =	vadd.f32 v16, v13;
	v18 =	vmul.f32 v21, v8;
	[tilespmem:s30+$0x10CE0] =	vst v17  }
0x17f: {  	v21 =	vmov s0;
	v17 =	vadd.f32 v24, v11;
	v15 =	vmul.f32 v22, v15;
	[tilespmem:s1+$0x10CF0] =	vst v25  }
0x180: {  	[tilespmem:s1+$0x10C80] =	vst v16;
	v16 =	vadd.f32 v18, v9;
	v12 =	vmul.f32 v19, v12;
	v18 =	vand.u32 $0xFFFFFFF6, v21  }
0x181: {  	[tilespmem:s1+$0x10C90] =	vst v17;
	v14 =	vadd.f32 v15, v14;
	v10 =	vmul.f32 v20, v10;
	v15 =	vbroadcast v18, $0x0  }
0x182: {  	[tilespmem:s1+$0x10CA0] =	vst v16;
	v12 =	vadd.f32 v12, v13;
	v8 =	vmul.f32 v23, v8  }
0x183: {  	[tilespmem:s1+$0x10CB0] =	vst v14;
	v10 =	vadd.f32 v10, v11  }
0x184: {  	[tilespmem:s1+$0x10CC0] =	vst v12;
	v8 =	vadd.f32 v8, v9  }
0x185: {  	[tilespmem:s1+$0x10CD0] =	vst v10  }
0x186: {  	s13 =	simm.s32 $0x0;
	[tilespmem:s1+$0x10CE0] =	vst v8  }
0x187: {  	v8 =	vld.idx.msk [tilespmem:v15+s13+$0x0], $0xffff;
	_ =	sdelay $0x4  }
0x188: {  	v9 =	vshll.u32 v8, $0x7  }
0x189: {  	v8 =	vor.u32 v0, v9  }
0x18a: {  	v10 =	vor.u32 v1, v9  }
0x18b: {  	v11 =	vor.u32 v2, v9  }
0x18c: {  	v13 =	vor.u32 v3, v9  }
0x18d: {  	v14 =	vor.u32 v4, v9  }
0x18e: {  	v16 =	vor.u32 v5, v9;
	v12 =	vld.idx.msk [tilespmem:v8+s16+$0x0], $0xffff  }
0x18f: {  	v17 =	vor.u32 v6, v9;
	v10 =	vld.idx.msk [tilespmem:v10+s16+$0x0], $0xffff  }
0x190: {  	v18 =	vor.u32 v7, v9;
	v8 =	vld.idx.msk [tilespmem:v11+s16+$0x0], $0xffff  }
0x191: {  	v15 =	vld.idx.msk [tilespmem:v13+s16+$0x0], $0xffff  }
0x192: {  	v13 =	vld.idx.msk [tilespmem:v14+s16+$0x0], $0xffff  }
0x193: {  	v11 =	vld.idx.msk [tilespmem:v16+s16+$0x0], $0xffff  }
0x194: {  	v9 =	vld.idx.msk [tilespmem:v17+s16+$0x0], $0xffff  }
0x195: {  	s31 =	simm.s32 $0x0;
	v14 =	vld.idx.msk [tilespmem:v18+s16+$0x0], $0xffff  }
0x196: {  	v16 =	vld [tilespmem:s31+$0x4570]  }
0x197: {  	v17 =	vld [tilespmem:s31+$0x4500]  }
0x198: {  	v18 =	vld [tilespmem:s31+$0x4510]  }
0x199: {  	v19 =	vld [tilespmem:s31+$0x4520]  }
0x19a: {  	v20 =	vld [tilespmem:s31+$0x4530]  }
0x19b: {  	v21 =	vld [tilespmem:s31+$0x4540];
	v16 =	vmul.f32 v16, v15  }
0x19c: {  	v22 =	vld [tilespmem:s31+$0x4550];
	v17 =	vmul.f32 v17, v12  }
0x19d: {  	s30 =	simm.s32 $0x400;
	v23 =	vld [tilespmem:s31+$0x4560];
	v18 =	vmul.f32 v18, v10;
	v16 =	vadd.f32 v16, v14  }
0x19e: {  	v24 =	vld [tilespmem:s30+$0x4570];
	v17 =	vadd.f32 v17, v13  }
0x19f: {  	v25 =	vld [tilespmem:s30+$0x4500];
	v18 =	vadd.f32 v18, v11;
	[tilespmem:s31+$0x10D70] =	vst v16;
	v16 =	vmul.f32 v19, v8  }
0x1a0: {  	v20 =	vmul.f32 v20, v15;
	v26 =	vld [tilespmem:s30+$0x4510];
	[tilespmem:s31+$0x10D00] =	vst v17  }
0x1a1: {  	v19 =	vld [tilespmem:s30+$0x4520];
	v16 =	vadd.f32 v16, v9;
	[tilespmem:s31+$0x10D10] =	vst v18;
	v18 =	vmul.f32 v21, v12  }
0x1a2: {  	v20 =	vadd.f32 v20, v14;
	v21 =	vmul.f32 v22, v10  }
0x1a3: {  	v23 =	vmul.f32 v23, v8;
	v17 =	vld [tilespmem:s30+$0x4530];
	[tilespmem:s31+$0x10D20] =	vst v16;
	v22 =	vadd.f32 v18, v13  }
0x1a4: {  	v24 =	vmul.f32 v24, v15;
	v27 =	vadd.f32 v21, v11;
	v16 =	vld [tilespmem:s30+$0x4540];
	[tilespmem:s31+$0x10D30] =	vst v20  }
0x1a5: {  	v23 =	vadd.f32 v23, v9;
	v21 =	vmul.f32 v25, v12;
	v18 =	vld [tilespmem:s30+$0x4550];
	[tilespmem:s31+$0x10D40] =	vst v22  }
0x1a6: {  	s0 =	simm.s32 $0x3000;
	s1 =	simm.s32 $0x800;
	v24 =	vadd.f32 v24, v14;
	v22 =	vmul.f32 v26, v10;
	v20 =	vld [tilespmem:s30+$0x4560];
	[tilespmem:s31+$0x10D50] =	vst v27  }
.LBB2_15:
0x1a7: {  	p1 =	sne.s32 s0, $0x18000;
	v25 =	vld [tilespmem:s1+$0x4570];
	v21 =	vadd.f32 v21, v13;
	v19 =	vmul.f32 v19, v8;
	[tilespmem:s31+$0x10D60] =	vst v23;
	s31 =	smov.u32 s30;
	s30 =	smov.u32 s1  }
0x1a8: {  	v23 =	vld [tilespmem:s30+$0x4500];
	v22 =	vadd.f32 v22, v11;
	v17 =	vmul.f32 v17, v15;
	[tilespmem:s31+$0x10D70] =	vst v24  }
0x1a9: {  	v24 =	vld [tilespmem:s30+$0x4510];
	[tilespmem:s31+$0x10D00] =	vst v21;
	v21 =	vadd.f32 v19, v9;
	v16 =	vmul.f32 v16, v12  }
.Ltmp8:
0x1aa: {  	v19 =	vld [tilespmem:s30+$0x4520];
	[tilespmem:s31+$0x10D10] =	vst v22;
	v22 =	vadd.f32 v17, v14;
	v18 =	vmul.f32 v18, v10;
	(pc) =	sbr.rel @p1 .LBB2_15-.Ltmp8, $4  }
0x1ab: {  	v17 =	vld [tilespmem:s30+$0x4530];
	[tilespmem:s31+$0x10D20] =	vst v21;
	v26 =	vadd.f32 v16, v13;
	v20 =	vmul.f32 v20, v8  }
0x1ac: {  	v16 =	vld [tilespmem:s30+$0x4540];
	v25 =	vmul.f32 v25, v15;
	[tilespmem:s31+$0x10D30] =	vst v22;
	v27 =	vadd.f32 v18, v11  }
0x1ad: {  	v21 =	vmul.f32 v23, v12;
	v18 =	vld [tilespmem:s30+$0x4550];
	[tilespmem:s31+$0x10D40] =	vst v26;
	v23 =	vadd.f32 v20, v9  }
0x1ae: {  	s1 =	sshra.s32 s0, $0x2;
	s0 =	sadd.s32 $0x1000, s0;
	v22 =	vmul.f32 v24, v10;
	v20 =	vld [tilespmem:s30+$0x4560];
	v24 =	vadd.f32 v25, v14;
	[tilespmem:s31+$0x10D50] =	vst v27  }
0x1af: {  	v25 =	vld [tilespmem:s1+$0x4570];
	[tilespmem:s31+$0x10D60] =	vst v23;
	v21 =	vadd.f32 v21, v13;
	v19 =	vmul.f32 v19, v8  }
0x1b0: {  	v23 =	vld [tilespmem:s1+$0x4500];
	[tilespmem:s30+$0x10D70] =	vst v24;
	v22 =	vadd.f32 v22, v11;
	v17 =	vmul.f32 v17, v15  }
0x1b1: {  	v24 =	vld [tilespmem:s1+$0x4510];
	[tilespmem:s30+$0x10D00] =	vst v21;
	v19 =	vadd.f32 v19, v9  }
0x1b2: {  	v16 =	vmul.f32 v16, v12;
	v21 =	vld [tilespmem:s1+$0x4520];
	[tilespmem:s30+$0x10D10] =	vst v22;
	v17 =	vadd.f32 v17, v14  }
0x1b3: {  	v18 =	vmul.f32 v18, v10;
	v22 =	vld [tilespmem:s1+$0x4530];
	[tilespmem:s30+$0x10D20] =	vst v19  }
0x1b4: {  	v16 =	vadd.f32 v16, v13;
	v19 =	vld [tilespmem:s1+$0x4540];
	[tilespmem:s30+$0x10D30] =	vst v17;
	v17 =	vmul.f32 v20, v8  }
0x1b5: {  	v25 =	vmul.f32 v25, v15;
	v18 =	vadd.f32 v18, v11  }
0x1b6: {  	v20 =	vld [tilespmem:s1+$0x4550];
	[tilespmem:s30+$0x10D40] =	vst v16;
	v16 =	vmul.f32 v23, v12;
	v17 =	vadd.f32 v17, v9  }
0x1b7: {  	v23 =	vld [tilespmem:s1+$0x4560];
	v24 =	vmul.f32 v24, v10;
	v25 =	vadd.f32 v25, v14;
	[tilespmem:s30+$0x10D50] =	vst v18  }
0x1b8: {  	s0 =	sor.u32 $0x7, s29;
	v16 =	vadd.f32 v16, v13;
	v18 =	vmul.f32 v21, v8;
	[tilespmem:s30+$0x10D60] =	vst v17  }
0x1b9: {  	v21 =	vmov s0;
	v17 =	vadd.f32 v24, v11;
	v15 =	vmul.f32 v22, v15;
	[tilespmem:s1+$0x10D70] =	vst v25  }
0x1ba: {  	[tilespmem:s1+$0x10D00] =	vst v16;
	v16 =	vadd.f32 v18, v9;
	v12 =	vmul.f32 v19, v12;
	v18 =	vand.u32 $0xFFFFFFF7, v21  }
0x1bb: {  	[tilespmem:s1+$0x10D10] =	vst v17;
	v14 =	vadd.f32 v15, v14;
	v10 =	vmul.f32 v20, v10;
	v15 =	vbroadcast v18, $0x0  }
0x1bc: {  	[tilespmem:s1+$0x10D20] =	vst v16;
	v12 =	vadd.f32 v12, v13;
	v8 =	vmul.f32 v23, v8  }
0x1bd: {  	[tilespmem:s1+$0x10D30] =	vst v14;
	v10 =	vadd.f32 v10, v11  }
0x1be: {  	[tilespmem:s1+$0x10D40] =	vst v12;
	v8 =	vadd.f32 v8, v9  }
0x1bf: {  	[tilespmem:s1+$0x10D50] =	vst v10  }
0x1c0: {  	s13 =	simm.s32 $0x0;
	[tilespmem:s1+$0x10D60] =	vst v8  }
0x1c1: {  	v8 =	vld.idx.msk [tilespmem:v15+s13+$0x0], $0xffff;
	_ =	sdelay $0x4  }
0x1c2: {  	v8 =	vshll.u32 v8, $0x7  }
0x1c3: {  	v9 =	vor.u32 v0, v8  }
0x1c4: {  	v10 =	vor.u32 v1, v8  }
0x1c5: {  	v11 =	vor.u32 v2, v8  }
0x1c6: {  	v13 =	vor.u32 v3, v8  }
0x1c7: {  	v14 =	vor.u32 v4, v8  }
0x1c8: {  	v16 =	vor.u32 v5, v8;
	v12 =	vld.idx.msk [tilespmem:v9+s16+$0x0], $0xffff  }
0x1c9: {  	v17 =	vor.u32 v6, v8;
	v10 =	vld.idx.msk [tilespmem:v10+s16+$0x0], $0xffff  }
0x1ca: {  	v18 =	vor.u32 v7, v8;
	v9 =	vld.idx.msk [tilespmem:v11+s16+$0x0], $0xffff  }
0x1cb: {  	v15 =	vld.idx.msk [tilespmem:v13+s16+$0x0], $0xffff  }
0x1cc: {  	v13 =	vld.idx.msk [tilespmem:v14+s16+$0x0], $0xffff  }
0x1cd: {  	v11 =	vld.idx.msk [tilespmem:v16+s16+$0x0], $0xffff  }
0x1ce: {  	v8 =	vld.idx.msk [tilespmem:v17+s16+$0x0], $0xffff  }
0x1cf: {  	s31 =	simm.s32 $0x0;
	v14 =	vld.idx.msk [tilespmem:v18+s16+$0x0], $0xffff  }
0x1d0: {  	v16 =	vld [tilespmem:s31+$0x45F0]  }
0x1d1: {  	v17 =	vld [tilespmem:s31+$0x4580]  }
0x1d2: {  	v18 =	vld [tilespmem:s31+$0x4590]  }
0x1d3: {  	v19 =	vld [tilespmem:s31+$0x45A0]  }
0x1d4: {  	v20 =	vld [tilespmem:s31+$0x45B0]  }
0x1d5: {  	v21 =	vld [tilespmem:s31+$0x45C0];
	v16 =	vmul.f32 v16, v15  }
0x1d6: {  	v22 =	vld [tilespmem:s31+$0x45D0];
	v17 =	vmul.f32 v17, v12  }
0x1d7: {  	s30 =	simm.s32 $0x400;
	v23 =	vld [tilespmem:s31+$0x45E0];
	v18 =	vmul.f32 v18, v10;
	v16 =	vadd.f32 v16, v14  }
0x1d8: {  	v24 =	vld [tilespmem:s30+$0x45F0];
	v17 =	vadd.f32 v17, v13  }
0x1d9: {  	v25 =	vld [tilespmem:s30+$0x4580];
	v18 =	vadd.f32 v18, v11;
	[tilespmem:s31+$0x10DF0] =	vst v16;
	v16 =	vmul.f32 v19, v9  }
0x1da: {  	v20 =	vmul.f32 v20, v15;
	v26 =	vld [tilespmem:s30+$0x4590];
	[tilespmem:s31+$0x10D80] =	vst v17  }
0x1db: {  	v19 =	vld [tilespmem:s30+$0x45A0];
	v16 =	vadd.f32 v16, v8;
	[tilespmem:s31+$0x10D90] =	vst v18;
	v18 =	vmul.f32 v21, v12  }
0x1dc: {  	v20 =	vadd.f32 v20, v14;
	v21 =	vmul.f32 v22, v10  }
0x1dd: {  	v23 =	vmul.f32 v23, v9;
	v17 =	vld [tilespmem:s30+$0x45B0];
	[tilespmem:s31+$0x10DA0] =	vst v16;
	v22 =	vadd.f32 v18, v13  }
0x1de: {  	v24 =	vmul.f32 v24, v15;
	v27 =	vadd.f32 v21, v11;
	v16 =	vld [tilespmem:s30+$0x45C0];
	[tilespmem:s31+$0x10DB0] =	vst v20  }
0x1df: {  	v23 =	vadd.f32 v23, v8;
	v21 =	vmul.f32 v25, v12;
	v18 =	vld [tilespmem:s30+$0x45D0];
	[tilespmem:s31+$0x10DC0] =	vst v22  }
0x1e0: {  	s0 =	simm.s32 $0x800;
	s1 =	simm.s32 $0x3000;
	v24 =	vadd.f32 v24, v14;
	v22 =	vmul.f32 v26, v10;
	v20 =	vld [tilespmem:s30+$0x45E0];
	[tilespmem:s31+$0x10DD0] =	vst v27  }
.LBB2_17:
0x1e1: {  	p1 =	sne.s32 s1, $0x18000;
	v25 =	vld [tilespmem:s0+$0x45F0];
	v21 =	vadd.f32 v21, v13;
	v19 =	vmul.f32 v19, v9;
	[tilespmem:s31+$0x10DE0] =	vst v23;
	s31 =	smov.u32 s30;
	s30 =	smov.u32 s0  }
0x1e2: {  	v23 =	vld [tilespmem:s30+$0x4580];
	v22 =	vadd.f32 v22, v11;
	v17 =	vmul.f32 v17, v15;
	[tilespmem:s31+$0x10DF0] =	vst v24  }
0x1e3: {  	v24 =	vld [tilespmem:s30+$0x4590];
	[tilespmem:s31+$0x10D80] =	vst v21;
	v21 =	vadd.f32 v19, v8;
	v16 =	vmul.f32 v16, v12  }
.Ltmp9:
0x1e4: {  	v19 =	vld [tilespmem:s30+$0x45A0];
	[tilespmem:s31+$0x10D90] =	vst v22;
	v22 =	vadd.f32 v17, v14;
	v18 =	vmul.f32 v18, v10;
	(pc) =	sbr.rel @p1 .LBB2_17-.Ltmp9, $4  }
0x1e5: {  	v17 =	vld [tilespmem:s30+$0x45B0];
	[tilespmem:s31+$0x10DA0] =	vst v21;
	v26 =	vadd.f32 v16, v13;
	v20 =	vmul.f32 v20, v9  }
0x1e6: {  	v16 =	vld [tilespmem:s30+$0x45C0];
	v25 =	vmul.f32 v25, v15;
	[tilespmem:s31+$0x10DB0] =	vst v22;
	v27 =	vadd.f32 v18, v11  }
0x1e7: {  	v21 =	vmul.f32 v23, v12;
	v18 =	vld [tilespmem:s30+$0x45D0];
	[tilespmem:s31+$0x10DC0] =	vst v26;
	v23 =	vadd.f32 v20, v8  }
0x1e8: {  	s0 =	sshra.s32 s1, $0x2;
	s1 =	sadd.s32 $0x1000, s1;
	v22 =	vmul.f32 v24, v10;
	v20 =	vld [tilespmem:s30+$0x45E0];
	v24 =	vadd.f32 v25, v14;
	[tilespmem:s31+$0x10DD0] =	vst v27  }
0x1e9: {  	v25 =	vld [tilespmem:s0+$0x45F0];
	[tilespmem:s31+$0x10DE0] =	vst v23;
	v21 =	vadd.f32 v21, v13;
	v19 =	vmul.f32 v19, v9  }
0x1ea: {  	v23 =	vld [tilespmem:s0+$0x4580];
	[tilespmem:s30+$0x10DF0] =	vst v24;
	v22 =	vadd.f32 v22, v11;
	v17 =	vmul.f32 v17, v15  }
0x1eb: {  	v24 =	vld [tilespmem:s0+$0x4590];
	[tilespmem:s30+$0x10D80] =	vst v21;
	v19 =	vadd.f32 v19, v8;
	v16 =	vmul.f32 v16, v12  }
0x1ec: {  	v21 =	vld [tilespmem:s0+$0x45A0];
	[tilespmem:s30+$0x10D90] =	vst v22;
	v17 =	vadd.f32 v17, v14;
	v18 =	vmul.f32 v18, v10  }
0x1ed: {  	v22 =	vld [tilespmem:s0+$0x45B0];
	[tilespmem:s30+$0x10DA0] =	vst v19;
	v16 =	vadd.f32 v16, v13;
	v52 =	vmul.f32 v20, v9  }
0x1ee: {  	v19 =	vld [tilespmem:s0+$0x45C0];
	[tilespmem:s30+$0x10DB0] =	vst v17;
	v25 =	vmul.f32 v25, v15;
	v18 =	vadd.f32 v18, v11  }
0x1ef: {  	v53 =	vld [tilespmem:s0+$0x45D0];
	[tilespmem:s30+$0x10DC0] =	vst v16;
	v54 =	vmul.f32 v23, v12;
	v17 =	vadd.f32 v52, v8  }
0x1f0: {  	v55 =	vld [tilespmem:s0+$0x45E0];
	v24 =	vmul.f32 v24, v10;
	v25 =	vadd.f32 v25, v14;
	[tilespmem:s30+$0x10DD0] =	vst v18  }
0x1f1: {  	v16 =	vadd.f32 v54, v13;
	v56 =	vmul.f32 v21, v9;
	[tilespmem:s30+$0x10DE0] =	vst v17  }
0x1f2: {  	v57 =	vadd.f32 v24, v11;
	v58 =	vmul.f32 v22, v15;
	[tilespmem:s0+$0x10DF0] =	vst v25  }
0x1f3: {  	[tilespmem:s0+$0x10D80] =	vst v16;
	v59 =	vadd.f32 v56, v8;
	v60 =	vmul.f32 v19, v12  }
0x1f4: {  	[tilespmem:s0+$0x10D90] =	vst v57;
	v61 =	vadd.f32 v58, v14;
	v62 =	vmul.f32 v53, v10  }
0x1f5: {  	s1 =	sor.u32 s3, s29;
	p1 =	sne.s32 s26, $0x1F;
	[tilespmem:s0+$0x10DA0] =	vst v59;
	v12 =	vadd.f32 v60, v13;
	v63 =	vmul.f32 v55, v9  }
.Ltmp10:
0x1f6: {  	s1 =	sshrl.u32 s1, $0x3;
	[tilespmem:s0+$0x10DB0] =	vst v61;
	v10 =	vadd.f32 v62, v11;
	(pc) =	sbr.rel @p1 .LBB2_20-.Ltmp10, $4  }
0x1f7: {  	s1 =	smul.u32 $0xC80, s1;
	[tilespmem:s0+$0x10DC0] =	vst v12;
	v8 =	vadd.f32 v63, v8  }
0x1f8: {  	[tilespmem:s0+$0x10DD0] =	vst v10  }
0x1f9: {  	s31 =	sadd.s32 s6, s1;
	[tilespmem:s0+$0x10DE0] =	vst v8  }
0x1fa: {  	[hbm4b:s31+s4] =	stream.linear.scatter [tilespmem:s20], [sflag:$0x3], $0x6400, $0x38;
	[tilespmem:$0x1D200] =	vst v63  }
.Ltmp11:
0x1fb: {  	(pc) =	sbr.rel .LBB2_21-.Ltmp11, $4  }
0x1fc: {  	_ = 	snop  }
0x1fd: {  	_ =	swait.ge [sflag:s21], $0x6400  }
0x1fe: {  	[sflag:s21] =	ssyncset.done $0x0  }
0x1ff: {  	[sflag:s21] =	ssyncadd.s32 $0xFFFF9C00  }
.LBB2_20:
0x200: {  	s0 =	sadd.s32 s28, s10  }
0x201: {  	s0 =	smul.u32 $0xC80, s0;
	_ =	sdelay $0x1  }
.Ltmp12:
0x202: {  	s0 =	sadd.s32 s2, s0;
	(pc) =	sbr.rel @p0 .LBB2_22-.Ltmp12, $4  }
0x203: {  	[tilespmem:s17], [sflag:$0x1] =	stream.linear.gather [hbm4b:s0+s4], $0x6400, $0x38;
	[tilespmem:$0x1D200] =	vst v63  }
0x204: {  	_ =	swait.ge [sflag:s21], $0x6400  }
0x205: {  	[sflag:s21] =	ssyncset.done $0x0  }
0x206: {  	[sflag:s21] =	ssyncadd.s32 $0xFFFF9C00  }
.LBB2_21:
0x207: {  	_ =	swait.ge [sflag:s22], $0x6400  }
0x208: {  	[sflag:s22] =	ssyncset.done $0x0  }
0x209: {  	[sflag:s22] =	ssyncadd.s32 $0xFFFF9C00  }
.LBB2_22:
0x20a: {  	s30 =	sor.u32 $0x8, s29  }
0x20b: {  	v8 =	vmov s30  }
0x20c: {  	v8 =	vand.u32 $0xFFFFFFF8, v8  }
0x20d: {  	v8 =	vbroadcast v8, $0x0;
	_ =	sdelay $0x4  }
0x20e: {  	s0 =	simm.s32 $0x0  }
0x20f: {  	v8 =	vld.idx.msk [tilespmem:v8+s0+$0x0], $0xffff;
	_ =	sdelay $0x4  }
0x210: {  	v9 =	vshll.u32 v8, $0x7  }
0x211: {  	v8 =	vor.u32 v0, v9  }
0x212: {  	v10 =	vor.u32 v1, v9  }
0x213: {  	v11 =	vor.u32 v2, v9  }
0x214: {  	v13 =	vor.u32 v3, v9  }
0x215: {  	v14 =	vor.u32 v4, v9  }
0x216: {  	v16 =	vor.u32 v5, v9;
	v12 =	vld.idx.msk [tilespmem:v8+s16+$0x0], $0xffff  }
0x217: {  	v17 =	vor.u32 v6, v9;
	v10 =	vld.idx.msk [tilespmem:v10+s16+$0x0], $0xffff  }
0x218: {  	v18 =	vor.u32 v7, v9;
	v8 =	vld.idx.msk [tilespmem:v11+s16+$0x0], $0xffff  }
0x219: {  	v15 =	vld.idx.msk [tilespmem:v13+s16+$0x0], $0xffff  }
0x21a: {  	v13 =	vld.idx.msk [tilespmem:v14+s16+$0x0], $0xffff  }
0x21b: {  	v11 =	vld.idx.msk [tilespmem:v16+s16+$0x0], $0xffff  }
0x21c: {  	v9 =	vld.idx.msk [tilespmem:v17+s16+$0x0], $0xffff  }
0x21d: {  	s1 =	simm.s32 $0x0;
	v14 =	vld.idx.msk [tilespmem:v18+s16+$0x0], $0xffff  }
0x21e: {  	v16 =	vld [tilespmem:s1+$0xA670]  }
0x21f: {  	v17 =	vld [tilespmem:s1+$0xA600]  }
0x220: {  	v18 =	vld [tilespmem:s1+$0xA610]  }
0x221: {  	v19 =	vld [tilespmem:s1+$0xA620]  }
0x222: {  	v20 =	vld [tilespmem:s1+$0xA630]  }
0x223: {  	v21 =	vld [tilespmem:s1+$0xA640];
	v16 =	vmul.f32 v16, v15  }
0x224: {  	v22 =	vld [tilespmem:s1+$0xA650];
	v17 =	vmul.f32 v17, v12  }
0x225: {  	s31 =	simm.s32 $0x400;
	v23 =	vld [tilespmem:s1+$0xA660];
	v18 =	vmul.f32 v18, v10;
	v16 =	vadd.f32 v16, v14  }
0x226: {  	v24 =	vld [tilespmem:s31+$0xA670];
	v17 =	vadd.f32 v17, v13  }
0x227: {  	v25 =	vld [tilespmem:s31+$0xA600];
	v18 =	vadd.f32 v18, v11;
	[tilespmem:s1+$0x16E70] =	vst v16;
	v16 =	vmul.f32 v19, v8  }
0x228: {  	v20 =	vmul.f32 v20, v15;
	v26 =	vld [tilespmem:s31+$0xA610];
	[tilespmem:s1+$0x16E00] =	vst v17  }
0x229: {  	v19 =	vld [tilespmem:s31+$0xA620];
	v16 =	vadd.f32 v16, v9;
	[tilespmem:s1+$0x16E10] =	vst v18;
	v18 =	vmul.f32 v21, v12  }
0x22a: {  	v20 =	vadd.f32 v20, v14;
	v21 =	vmul.f32 v22, v10  }
0x22b: {  	v23 =	vmul.f32 v23, v8;
	v17 =	vld [tilespmem:s31+$0xA630];
	[tilespmem:s1+$0x16E20] =	vst v16;
	v22 =	vadd.f32 v18, v13  }
0x22c: {  	v24 =	vmul.f32 v24, v15;
	v27 =	vadd.f32 v21, v11;
	v16 =	vld [tilespmem:s31+$0xA640];
	[tilespmem:s1+$0x16E30] =	vst v20  }
0x22d: {  	v23 =	vadd.f32 v23, v9;
	v21 =	vmul.f32 v25, v12;
	v18 =	vld [tilespmem:s31+$0xA650];
	[tilespmem:s1+$0x16E40] =	vst v22  }
0x22e: {  	s13 =	simm.s32 $0x3000;
	s0 =	simm.s32 $0x800;
	v24 =	vadd.f32 v24, v14;
	v22 =	vmul.f32 v26, v10;
	v20 =	vld [tilespmem:s31+$0xA660];
	[tilespmem:s1+$0x16E50] =	vst v27  }
.LBB2_23:
0x22f: {  	p0 =	sne.s32 s13, $0x18000;
	v25 =	vld [tilespmem:s0+$0xA670];
	v21 =	vadd.f32 v21, v13;
	v19 =	vmul.f32 v19, v8;
	[tilespmem:s1+$0x16E60] =	vst v23;
	s1 =	smov.u32 s31;
	s31 =	smov.u32 s0  }
0x230: {  	v23 =	vld [tilespmem:s31+$0xA600];
	v22 =	vadd.f32 v22, v11;
	v17 =	vmul.f32 v17, v15;
	[tilespmem:s1+$0x16E70] =	vst v24  }
0x231: {  	v24 =	vld [tilespmem:s31+$0xA610];
	[tilespmem:s1+$0x16E00] =	vst v21;
	v21 =	vadd.f32 v19, v9;
	v16 =	vmul.f32 v16, v12  }
.Ltmp13:
0x232: {  	v19 =	vld [tilespmem:s31+$0xA620];
	[tilespmem:s1+$0x16E10] =	vst v22;
	v22 =	vadd.f32 v17, v14;
	v18 =	vmul.f32 v18, v10;
	(pc) =	sbr.rel @p0 .LBB2_23-.Ltmp13, $4  }
0x233: {  	v17 =	vld [tilespmem:s31+$0xA630];
	[tilespmem:s1+$0x16E20] =	vst v21;
	v26 =	vadd.f32 v16, v13;
	v20 =	vmul.f32 v20, v8  }
0x234: {  	v16 =	vld [tilespmem:s31+$0xA640];
	v25 =	vmul.f32 v25, v15;
	[tilespmem:s1+$0x16E30] =	vst v22;
	v27 =	vadd.f32 v18, v11  }
0x235: {  	v21 =	vmul.f32 v23, v12;
	v18 =	vld [tilespmem:s31+$0xA650];
	[tilespmem:s1+$0x16E40] =	vst v26;
	v23 =	vadd.f32 v20, v9  }
0x236: {  	s0 =	sshra.s32 s13, $0x2;
	s13 =	sadd.s32 $0x1000, s13;
	v22 =	vmul.f32 v24, v10;
	v20 =	vld [tilespmem:s31+$0xA660];
	v24 =	vadd.f32 v25, v14;
	[tilespmem:s1+$0x16E50] =	vst v27  }
0x237: {  	v25 =	vld [tilespmem:s0+$0xA670];
	[tilespmem:s1+$0x16E60] =	vst v23;
	v21 =	vadd.f32 v21, v13;
	v19 =	vmul.f32 v19, v8  }
0x238: {  	v23 =	vld [tilespmem:s0+$0xA600];
	[tilespmem:s31+$0x16E70] =	vst v24;
	v22 =	vadd.f32 v22, v11;
	v17 =	vmul.f32 v17, v15  }
0x239: {  	v24 =	vld [tilespmem:s0+$0xA610];
	[tilespmem:s31+$0x16E00] =	vst v21;
	v19 =	vadd.f32 v19, v9  }
0x23a: {  	v16 =	vmul.f32 v16, v12;
	v21 =	vld [tilespmem:s0+$0xA620];
	[tilespmem:s31+$0x16E10] =	vst v22;
	v17 =	vadd.f32 v17, v14  }
0x23b: {  	v18 =	vmul.f32 v18, v10;
	v22 =	vld [tilespmem:s0+$0xA630];
	[tilespmem:s31+$0x16E20] =	vst v19  }
0x23c: {  	v16 =	vadd.f32 v16, v13;
	v19 =	vld [tilespmem:s0+$0xA640];
	[tilespmem:s31+$0x16E30] =	vst v17;
	v17 =	vmul.f32 v20, v8  }
0x23d: {  	v25 =	vmul.f32 v25, v15;
	v18 =	vadd.f32 v18, v11  }
0x23e: {  	v20 =	vld [tilespmem:s0+$0xA650];
	[tilespmem:s31+$0x16E40] =	vst v16;
	v16 =	vmul.f32 v23, v12;
	v17 =	vadd.f32 v17, v9  }
0x23f: {  	v23 =	vld [tilespmem:s0+$0xA660];
	v24 =	vmul.f32 v24, v10;
	v25 =	vadd.f32 v25, v14;
	[tilespmem:s31+$0x16E50] =	vst v18  }
0x240: {  	s13 =	sor.u32 $0x9, s29;
	v16 =	vadd.f32 v16, v13;
	v18 =	vmul.f32 v21, v8;
	[tilespmem:s31+$0x16E60] =	vst v17  }
0x241: {  	v21 =	vmov s13;
	v17 =	vadd.f32 v24, v11;
	v15 =	vmul.f32 v22, v15;
	[tilespmem:s0+$0x16E70] =	vst v25  }
0x242: {  	[tilespmem:s0+$0x16E00] =	vst v16;
	v16 =	vadd.f32 v18, v9;
	v12 =	vmul.f32 v19, v12;
	v18 =	vand.u32 $0xFFFFFFF9, v21  }
0x243: {  	[tilespmem:s0+$0x16E10] =	vst v17;
	v14 =	vadd.f32 v15, v14;
	v10 =	vmul.f32 v20, v10;
	v15 =	vbroadcast v18, $0x0  }
0x244: {  	[tilespmem:s0+$0x16E20] =	vst v16;
	v12 =	vadd.f32 v12, v13;
	v8 =	vmul.f32 v23, v8  }
0x245: {  	[tilespmem:s0+$0x16E30] =	vst v14;
	v10 =	vadd.f32 v10, v11  }
0x246: {  	[tilespmem:s0+$0x16E40] =	vst v12;
	v8 =	vadd.f32 v8, v9  }
0x247: {  	[tilespmem:s0+$0x16E50] =	vst v10  }
0x248: {  	s13 =	simm.s32 $0x0;
	[tilespmem:s0+$0x16E60] =	vst v8  }
0x249: {  	v8 =	vld.idx.msk [tilespmem:v15+s13+$0x0], $0xffff;
	_ =	sdelay $0x4  }
0x24a: {  	v9 =	vshll.u32 v8, $0x7  }
0x24b: {  	v8 =	vor.u32 v0, v9  }
0x24c: {  	v10 =	vor.u32 v1, v9  }
0x24d: {  	v11 =	vor.u32 v2, v9  }
0x24e: {  	v13 =	vor.u32 v3, v9  }
0x24f: {  	v14 =	vor.u32 v4, v9  }
0x250: {  	v16 =	vor.u32 v5, v9;
	v12 =	vld.idx.msk [tilespmem:v8+s16+$0x0], $0xffff  }
0x251: {  	v17 =	vor.u32 v6, v9;
	v10 =	vld.idx.msk [tilespmem:v10+s16+$0x0], $0xffff  }
0x252: {  	v18 =	vor.u32 v7, v9;
	v8 =	vld.idx.msk [tilespmem:v11+s16+$0x0], $0xffff  }
0x253: {  	v15 =	vld.idx.msk [tilespmem:v13+s16+$0x0], $0xffff  }
0x254: {  	v13 =	vld.idx.msk [tilespmem:v14+s16+$0x0], $0xffff  }
0x255: {  	v11 =	vld.idx.msk [tilespmem:v16+s16+$0x0], $0xffff  }
0x256: {  	v9 =	vld.idx.msk [tilespmem:v17+s16+$0x0], $0xffff  }
0x257: {  	s1 =	simm.s32 $0x0;
	v14 =	vld.idx.msk [tilespmem:v18+s16+$0x0], $0xffff  }
0x258: {  	v16 =	vld [tilespmem:s1+$0xA6F0]  }
0x259: {  	v17 =	vld [tilespmem:s1+$0xA680]  }
0x25a: {  	v18 =	vld [tilespmem:s1+$0xA690]  }
0x25b: {  	v19 =	vld [tilespmem:s1+$0xA6A0]  }
0x25c: {  	v20 =	vld [tilespmem:s1+$0xA6B0]  }
0x25d: {  	v21 =	vld [tilespmem:s1+$0xA6C0];
	v16 =	vmul.f32 v16, v15  }
0x25e: {  	v22 =	vld [tilespmem:s1+$0xA6D0];
	v17 =	vmul.f32 v17, v12  }
0x25f: {  	s31 =	simm.s32 $0x400;
	v23 =	vld [tilespmem:s1+$0xA6E0];
	v18 =	vmul.f32 v18, v10;
	v16 =	vadd.f32 v16, v14  }
0x260: {  	v24 =	vld [tilespmem:s31+$0xA6F0];
	v17 =	vadd.f32 v17, v13  }
0x261: {  	v25 =	vld [tilespmem:s31+$0xA680];
	v18 =	vadd.f32 v18, v11;
	[tilespmem:s1+$0x16EF0] =	vst v16;
	v16 =	vmul.f32 v19, v8  }
0x262: {  	v20 =	vmul.f32 v20, v15;
	v26 =	vld [tilespmem:s31+$0xA690];
	[tilespmem:s1+$0x16E80] =	vst v17  }
0x263: {  	v19 =	vld [tilespmem:s31+$0xA6A0];
	v16 =	vadd.f32 v16, v9;
	[tilespmem:s1+$0x16E90] =	vst v18;
	v18 =	vmul.f32 v21, v12  }
0x264: {  	v20 =	vadd.f32 v20, v14;
	v21 =	vmul.f32 v22, v10  }
0x265: {  	v23 =	vmul.f32 v23, v8;
	v17 =	vld [tilespmem:s31+$0xA6B0];
	[tilespmem:s1+$0x16EA0] =	vst v16;
	v22 =	vadd.f32 v18, v13  }
0x266: {  	v24 =	vmul.f32 v24, v15;
	v27 =	vadd.f32 v21, v11;
	v16 =	vld [tilespmem:s31+$0xA6C0];
	[tilespmem:s1+$0x16EB0] =	vst v20  }
0x267: {  	v23 =	vadd.f32 v23, v9;
	v21 =	vmul.f32 v25, v12;
	v18 =	vld [tilespmem:s31+$0xA6D0];
	[tilespmem:s1+$0x16EC0] =	vst v22  }
0x268: {  	s0 =	simm.s32 $0x800;
	s13 =	simm.s32 $0x3000;
	v24 =	vadd.f32 v24, v14;
	v22 =	vmul.f32 v26, v10;
	v20 =	vld [tilespmem:s31+$0xA6E0];
	[tilespmem:s1+$0x16ED0] =	vst v27  }
.LBB2_25:
0x269: {  	p0 =	sne.s32 s13, $0x18000;
	v25 =	vld [tilespmem:s0+$0xA6F0];
	v21 =	vadd.f32 v21, v13;
	v19 =	vmul.f32 v19, v8;
	[tilespmem:s1+$0x16EE0] =	vst v23;
	s1 =	smov.u32 s31;
	s31 =	smov.u32 s0  }
0x26a: {  	v23 =	vld [tilespmem:s31+$0xA680];
	v22 =	vadd.f32 v22, v11;
	v17 =	vmul.f32 v17, v15;
	[tilespmem:s1+$0x16EF0] =	vst v24  }
0x26b: {  	v24 =	vld [tilespmem:s31+$0xA690];
	[tilespmem:s1+$0x16E80] =	vst v21;
	v21 =	vadd.f32 v19, v9;
	v16 =	vmul.f32 v16, v12  }
.Ltmp14:
0x26c: {  	v19 =	vld [tilespmem:s31+$0xA6A0];
	[tilespmem:s1+$0x16E90] =	vst v22;
	v22 =	vadd.f32 v17, v14;
	v18 =	vmul.f32 v18, v10;
	(pc) =	sbr.rel @p0 .LBB2_25-.Ltmp14, $4  }
0x26d: {  	v17 =	vld [tilespmem:s31+$0xA6B0];
	[tilespmem:s1+$0x16EA0] =	vst v21;
	v26 =	vadd.f32 v16, v13;
	v20 =	vmul.f32 v20, v8  }
0x26e: {  	v16 =	vld [tilespmem:s31+$0xA6C0];
	v25 =	vmul.f32 v25, v15;
	[tilespmem:s1+$0x16EB0] =	vst v22;
	v27 =	vadd.f32 v18, v11  }
0x26f: {  	v21 =	vmul.f32 v23, v12;
	v18 =	vld [tilespmem:s31+$0xA6D0];
	[tilespmem:s1+$0x16EC0] =	vst v26;
	v23 =	vadd.f32 v20, v9  }
0x270: {  	s0 =	sshra.s32 s13, $0x2;
	s13 =	sadd.s32 $0x1000, s13;
	v22 =	vmul.f32 v24, v10;
	v20 =	vld [tilespmem:s31+$0xA6E0];
	v24 =	vadd.f32 v25, v14;
	[tilespmem:s1+$0x16ED0] =	vst v27  }
0x271: {  	v25 =	vld [tilespmem:s0+$0xA6F0];
	[tilespmem:s1+$0x16EE0] =	vst v23;
	v21 =	vadd.f32 v21, v13;
	v19 =	vmul.f32 v19, v8  }
0x272: {  	v23 =	vld [tilespmem:s0+$0xA680];
	[tilespmem:s31+$0x16EF0] =	vst v24;
	v22 =	vadd.f32 v22, v11;
	v17 =	vmul.f32 v17, v15  }
0x273: {  	v24 =	vld [tilespmem:s0+$0xA690];
	[tilespmem:s31+$0x16E80] =	vst v21;
	v19 =	vadd.f32 v19, v9  }
0x274: {  	v16 =	vmul.f32 v16, v12;
	v21 =	vld [tilespmem:s0+$0xA6A0];
	[tilespmem:s31+$0x16E90] =	vst v22;
	v17 =	vadd.f32 v17, v14  }
0x275: {  	v18 =	vmul.f32 v18, v10;
	v22 =	vld [tilespmem:s0+$0xA6B0];
	[tilespmem:s31+$0x16EA0] =	vst v19  }
0x276: {  	v16 =	vadd.f32 v16, v13;
	v19 =	vld [tilespmem:s0+$0xA6C0];
	[tilespmem:s31+$0x16EB0] =	vst v17;
	v17 =	vmul.f32 v20, v8  }
0x277: {  	v25 =	vmul.f32 v25, v15;
	v18 =	vadd.f32 v18, v11  }
0x278: {  	v20 =	vld [tilespmem:s0+$0xA6D0];
	[tilespmem:s31+$0x16EC0] =	vst v16;
	v16 =	vmul.f32 v23, v12;
	v17 =	vadd.f32 v17, v9  }
0x279: {  	v23 =	vld [tilespmem:s0+$0xA6E0];
	v24 =	vmul.f32 v24, v10;
	v25 =	vadd.f32 v25, v14;
	[tilespmem:s31+$0x16ED0] =	vst v18  }
0x27a: {  	s13 =	sor.u32 $0xA, s29;
	v16 =	vadd.f32 v16, v13;
	v18 =	vmul.f32 v21, v8;
	[tilespmem:s31+$0x16EE0] =	vst v17  }
0x27b: {  	v21 =	vmov s13;
	v17 =	vadd.f32 v24, v11;
	v15 =	vmul.f32 v22, v15;
	[tilespmem:s0+$0x16EF0] =	vst v25  }
0x27c: {  	[tilespmem:s0+$0x16E80] =	vst v16;
	v16 =	vadd.f32 v18, v9;
	v12 =	vmul.f32 v19, v12;
	v18 =	vand.u32 $0xFFFFFFFA, v21  }
0x27d: {  	[tilespmem:s0+$0x16E90] =	vst v17;
	v14 =	vadd.f32 v15, v14;
	v10 =	vmul.f32 v20, v10;
	v15 =	vbroadcast v18, $0x0  }
0x27e: {  	[tilespmem:s0+$0x16EA0] =	vst v16;
	v12 =	vadd.f32 v12, v13;
	v8 =	vmul.f32 v23, v8  }
0x27f: {  	[tilespmem:s0+$0x16EB0] =	vst v14;
	v10 =	vadd.f32 v10, v11  }
0x280: {  	[tilespmem:s0+$0x16EC0] =	vst v12;
	v8 =	vadd.f32 v8, v9  }
0x281: {  	[tilespmem:s0+$0x16ED0] =	vst v10  }
0x282: {  	s13 =	simm.s32 $0x0;
	[tilespmem:s0+$0x16EE0] =	vst v8  }
0x283: {  	v8 =	vld.idx.msk [tilespmem:v15+s13+$0x0], $0xffff;
	_ =	sdelay $0x4  }
0x284: {  	v9 =	vshll.u32 v8, $0x7  }
0x285: {  	v8 =	vor.u32 v0, v9  }
0x286: {  	v10 =	vor.u32 v1, v9  }
0x287: {  	v11 =	vor.u32 v2, v9  }
0x288: {  	v13 =	vor.u32 v3, v9  }
0x289: {  	v14 =	vor.u32 v4, v9  }
0x28a: {  	v16 =	vor.u32 v5, v9;
	v12 =	vld.idx.msk [tilespmem:v8+s16+$0x0], $0xffff  }
0x28b: {  	v17 =	vor.u32 v6, v9;
	v10 =	vld.idx.msk [tilespmem:v10+s16+$0x0], $0xffff  }
0x28c: {  	v18 =	vor.u32 v7, v9;
	v8 =	vld.idx.msk [tilespmem:v11+s16+$0x0], $0xffff  }
0x28d: {  	v15 =	vld.idx.msk [tilespmem:v13+s16+$0x0], $0xffff  }
0x28e: {  	v13 =	vld.idx.msk [tilespmem:v14+s16+$0x0], $0xffff  }
0x28f: {  	v11 =	vld.idx.msk [tilespmem:v16+s16+$0x0], $0xffff  }
0x290: {  	v9 =	vld.idx.msk [tilespmem:v17+s16+$0x0], $0xffff  }
0x291: {  	s1 =	simm.s32 $0x0;
	v14 =	vld.idx.msk [tilespmem:v18+s16+$0x0], $0xffff  }
0x292: {  	v16 =	vld [tilespmem:s1+$0xA770]  }
0x293: {  	v17 =	vld [tilespmem:s1+$0xA700]  }
0x294: {  	v18 =	vld [tilespmem:s1+$0xA710]  }
0x295: {  	v19 =	vld [tilespmem:s1+$0xA720]  }
0x296: {  	v20 =	vld [tilespmem:s1+$0xA730]  }
0x297: {  	v21 =	vld [tilespmem:s1+$0xA740];
	v16 =	vmul.f32 v16, v15  }
0x298: {  	v22 =	vld [tilespmem:s1+$0xA750];
	v17 =	vmul.f32 v17, v12  }
0x299: {  	s31 =	simm.s32 $0x400;
	v23 =	vld [tilespmem:s1+$0xA760];
	v18 =	vmul.f32 v18, v10;
	v16 =	vadd.f32 v16, v14  }
0x29a: {  	v24 =	vld [tilespmem:s31+$0xA770];
	v17 =	vadd.f32 v17, v13  }
0x29b: {  	v25 =	vld [tilespmem:s31+$0xA700];
	v18 =	vadd.f32 v18, v11;
	[tilespmem:s1+$0x16F70] =	vst v16;
	v16 =	vmul.f32 v19, v8  }
0x29c: {  	v20 =	vmul.f32 v20, v15;
	v26 =	vld [tilespmem:s31+$0xA710];
	[tilespmem:s1+$0x16F00] =	vst v17  }
0x29d: {  	v19 =	vld [tilespmem:s31+$0xA720];
	v16 =	vadd.f32 v16, v9;
	[tilespmem:s1+$0x16F10] =	vst v18;
	v18 =	vmul.f32 v21, v12  }
0x29e: {  	v20 =	vadd.f32 v20, v14;
	v21 =	vmul.f32 v22, v10  }
0x29f: {  	v23 =	vmul.f32 v23, v8;
	v17 =	vld [tilespmem:s31+$0xA730];
	[tilespmem:s1+$0x16F20] =	vst v16;
	v22 =	vadd.f32 v18, v13  }
0x2a0: {  	v24 =	vmul.f32 v24, v15;
	v27 =	vadd.f32 v21, v11;
	v16 =	vld [tilespmem:s31+$0xA740];
	[tilespmem:s1+$0x16F30] =	vst v20  }
0x2a1: {  	v23 =	vadd.f32 v23, v9;
	v21 =	vmul.f32 v25, v12;
	v18 =	vld [tilespmem:s31+$0xA750];
	[tilespmem:s1+$0x16F40] =	vst v22  }
0x2a2: {  	s0 =	simm.s32 $0x800;
	s13 =	simm.s32 $0x3000;
	v24 =	vadd.f32 v24, v14;
	v22 =	vmul.f32 v26, v10;
	v20 =	vld [tilespmem:s31+$0xA760];
	[tilespmem:s1+$0x16F50] =	vst v27  }
.LBB2_27:
0x2a3: {  	p0 =	sne.s32 s13, $0x18000;
	v25 =	vld [tilespmem:s0+$0xA770];
	v21 =	vadd.f32 v21, v13;
	v19 =	vmul.f32 v19, v8;
	[tilespmem:s1+$0x16F60] =	vst v23;
	s1 =	smov.u32 s31;
	s31 =	smov.u32 s0  }
0x2a4: {  	v23 =	vld [tilespmem:s31+$0xA700];
	v22 =	vadd.f32 v22, v11;
	v17 =	vmul.f32 v17, v15;
	[tilespmem:s1+$0x16F70] =	vst v24  }
0x2a5: {  	v24 =	vld [tilespmem:s31+$0xA710];
	[tilespmem:s1+$0x16F00] =	vst v21;
	v21 =	vadd.f32 v19, v9;
	v16 =	vmul.f32 v16, v12  }
.Ltmp15:
0x2a6: {  	v19 =	vld [tilespmem:s31+$0xA720];
	[tilespmem:s1+$0x16F10] =	vst v22;
	v22 =	vadd.f32 v17, v14;
	v18 =	vmul.f32 v18, v10;
	(pc) =	sbr.rel @p0 .LBB2_27-.Ltmp15, $4  }
0x2a7: {  	v17 =	vld [tilespmem:s31+$0xA730];
	[tilespmem:s1+$0x16F20] =	vst v21;
	v26 =	vadd.f32 v16, v13;
	v20 =	vmul.f32 v20, v8  }
0x2a8: {  	v16 =	vld [tilespmem:s31+$0xA740];
	v25 =	vmul.f32 v25, v15;
	[tilespmem:s1+$0x16F30] =	vst v22;
	v27 =	vadd.f32 v18, v11  }
0x2a9: {  	v21 =	vmul.f32 v23, v12;
	v18 =	vld [tilespmem:s31+$0xA750];
	[tilespmem:s1+$0x16F40] =	vst v26;
	v23 =	vadd.f32 v20, v9  }
0x2aa: {  	s0 =	sshra.s32 s13, $0x2;
	s13 =	sadd.s32 $0x1000, s13;
	v22 =	vmul.f32 v24, v10;
	v20 =	vld [tilespmem:s31+$0xA760];
	v24 =	vadd.f32 v25, v14;
	[tilespmem:s1+$0x16F50] =	vst v27  }
0x2ab: {  	v25 =	vld [tilespmem:s0+$0xA770];
	[tilespmem:s1+$0x16F60] =	vst v23;
	v21 =	vadd.f32 v21, v13;
	v19 =	vmul.f32 v19, v8  }
0x2ac: {  	v23 =	vld [tilespmem:s0+$0xA700];
	[tilespmem:s31+$0x16F70] =	vst v24;
	v22 =	vadd.f32 v22, v11;
	v17 =	vmul.f32 v17, v15  }
0x2ad: {  	v24 =	vld [tilespmem:s0+$0xA710];
	[tilespmem:s31+$0x16F00] =	vst v21;
	v19 =	vadd.f32 v19, v9  }
0x2ae: {  	v16 =	vmul.f32 v16, v12;
	v21 =	vld [tilespmem:s0+$0xA720];
	[tilespmem:s31+$0x16F10] =	vst v22;
	v17 =	vadd.f32 v17, v14  }
0x2af: {  	v18 =	vmul.f32 v18, v10;
	v22 =	vld [tilespmem:s0+$0xA730];
	[tilespmem:s31+$0x16F20] =	vst v19  }
0x2b0: {  	v16 =	vadd.f32 v16, v13;
	v19 =	vld [tilespmem:s0+$0xA740];
	[tilespmem:s31+$0x16F30] =	vst v17;
	v17 =	vmul.f32 v20, v8  }
0x2b1: {  	v25 =	vmul.f32 v25, v15;
	v18 =	vadd.f32 v18, v11  }
0x2b2: {  	v20 =	vld [tilespmem:s0+$0xA750];
	[tilespmem:s31+$0x16F40] =	vst v16;
	v16 =	vmul.f32 v23, v12;
	v17 =	vadd.f32 v17, v9  }
0x2b3: {  	v23 =	vld [tilespmem:s0+$0xA760];
	v24 =	vmul.f32 v24, v10;
	v25 =	vadd.f32 v25, v14;
	[tilespmem:s31+$0x16F50] =	vst v18  }
0x2b4: {  	s13 =	sor.u32 $0xB, s29;
	v16 =	vadd.f32 v16, v13;
	v18 =	vmul.f32 v21, v8;
	[tilespmem:s31+$0x16F60] =	vst v17  }
0x2b5: {  	v21 =	vmov s13;
	v17 =	vadd.f32 v24, v11;
	v15 =	vmul.f32 v22, v15;
	[tilespmem:s0+$0x16F70] =	vst v25  }
0x2b6: {  	[tilespmem:s0+$0x16F00] =	vst v16;
	v16 =	vadd.f32 v18, v9;
	v12 =	vmul.f32 v19, v12;
	v18 =	vand.u32 $0xFFFFFFFB, v21  }
0x2b7: {  	[tilespmem:s0+$0x16F10] =	vst v17;
	v14 =	vadd.f32 v15, v14;
	v10 =	vmul.f32 v20, v10;
	v15 =	vbroadcast v18, $0x0  }
0x2b8: {  	[tilespmem:s0+$0x16F20] =	vst v16;
	v12 =	vadd.f32 v12, v13;
	v8 =	vmul.f32 v23, v8  }
0x2b9: {  	[tilespmem:s0+$0x16F30] =	vst v14;
	v10 =	vadd.f32 v10, v11  }
0x2ba: {  	[tilespmem:s0+$0x16F40] =	vst v12;
	v8 =	vadd.f32 v8, v9  }
0x2bb: {  	[tilespmem:s0+$0x16F50] =	vst v10  }
0x2bc: {  	s13 =	simm.s32 $0x0;
	[tilespmem:s0+$0x16F60] =	vst v8  }
0x2bd: {  	v8 =	vld.idx.msk [tilespmem:v15+s13+$0x0], $0xffff;
	_ =	sdelay $0x4  }
0x2be: {  	v9 =	vshll.u32 v8, $0x7  }
0x2bf: {  	v8 =	vor.u32 v0, v9  }
0x2c0: {  	v10 =	vor.u32 v1, v9  }
0x2c1: {  	v11 =	vor.u32 v2, v9  }
0x2c2: {  	v13 =	vor.u32 v3, v9  }
0x2c3: {  	v14 =	vor.u32 v4, v9  }
0x2c4: {  	v16 =	vor.u32 v5, v9;
	v12 =	vld.idx.msk [tilespmem:v8+s16+$0x0], $0xffff  }
0x2c5: {  	v17 =	vor.u32 v6, v9;
	v10 =	vld.idx.msk [tilespmem:v10+s16+$0x0], $0xffff  }
0x2c6: {  	v18 =	vor.u32 v7, v9;
	v8 =	vld.idx.msk [tilespmem:v11+s16+$0x0], $0xffff  }
0x2c7: {  	v15 =	vld.idx.msk [tilespmem:v13+s16+$0x0], $0xffff  }
0x2c8: {  	v13 =	vld.idx.msk [tilespmem:v14+s16+$0x0], $0xffff  }
0x2c9: {  	v11 =	vld.idx.msk [tilespmem:v16+s16+$0x0], $0xffff  }
0x2ca: {  	v9 =	vld.idx.msk [tilespmem:v17+s16+$0x0], $0xffff  }
0x2cb: {  	s1 =	simm.s32 $0x0;
	v14 =	vld.idx.msk [tilespmem:v18+s16+$0x0], $0xffff  }
0x2cc: {  	v16 =	vld [tilespmem:s1+$0xA7F0]  }
0x2cd: {  	v17 =	vld [tilespmem:s1+$0xA780]  }
0x2ce: {  	v18 =	vld [tilespmem:s1+$0xA790]  }
0x2cf: {  	v19 =	vld [tilespmem:s1+$0xA7A0]  }
0x2d0: {  	v20 =	vld [tilespmem:s1+$0xA7B0]  }
0x2d1: {  	v21 =	vld [tilespmem:s1+$0xA7C0];
	v16 =	vmul.f32 v16, v15  }
0x2d2: {  	v22 =	vld [tilespmem:s1+$0xA7D0];
	v17 =	vmul.f32 v17, v12  }
0x2d3: {  	s31 =	simm.s32 $0x400;
	v23 =	vld [tilespmem:s1+$0xA7E0];
	v18 =	vmul.f32 v18, v10;
	v16 =	vadd.f32 v16, v14  }
0x2d4: {  	v24 =	vld [tilespmem:s31+$0xA7F0];
	v17 =	vadd.f32 v17, v13  }
0x2d5: {  	v25 =	vld [tilespmem:s31+$0xA780];
	v18 =	vadd.f32 v18, v11;
	[tilespmem:s1+$0x16FF0] =	vst v16;
	v16 =	vmul.f32 v19, v8  }
0x2d6: {  	v20 =	vmul.f32 v20, v15;
	v26 =	vld [tilespmem:s31+$0xA790];
	[tilespmem:s1+$0x16F80] =	vst v17  }
0x2d7: {  	v19 =	vld [tilespmem:s31+$0xA7A0];
	v16 =	vadd.f32 v16, v9;
	[tilespmem:s1+$0x16F90] =	vst v18;
	v18 =	vmul.f32 v21, v12  }
0x2d8: {  	v20 =	vadd.f32 v20, v14;
	v21 =	vmul.f32 v22, v10  }
0x2d9: {  	v23 =	vmul.f32 v23, v8;
	v17 =	vld [tilespmem:s31+$0xA7B0];
	[tilespmem:s1+$0x16FA0] =	vst v16;
	v22 =	vadd.f32 v18, v13  }
0x2da: {  	v24 =	vmul.f32 v24, v15;
	v27 =	vadd.f32 v21, v11;
	v16 =	vld [tilespmem:s31+$0xA7C0];
	[tilespmem:s1+$0x16FB0] =	vst v20  }
0x2db: {  	v23 =	vadd.f32 v23, v9;
	v21 =	vmul.f32 v25, v12;
	v18 =	vld [tilespmem:s31+$0xA7D0];
	[tilespmem:s1+$0x16FC0] =	vst v22  }
0x2dc: {  	s0 =	simm.s32 $0x800;
	s13 =	simm.s32 $0x3000;
	v24 =	vadd.f32 v24, v14;
	v22 =	vmul.f32 v26, v10;
	v20 =	vld [tilespmem:s31+$0xA7E0];
	[tilespmem:s1+$0x16FD0] =	vst v27  }
.LBB2_29:
0x2dd: {  	p0 =	sne.s32 s13, $0x18000;
	v25 =	vld [tilespmem:s0+$0xA7F0];
	v21 =	vadd.f32 v21, v13;
	v19 =	vmul.f32 v19, v8;
	[tilespmem:s1+$0x16FE0] =	vst v23;
	s1 =	smov.u32 s31;
	s31 =	smov.u32 s0  }
0x2de: {  	v23 =	vld [tilespmem:s31+$0xA780];
	v22 =	vadd.f32 v22, v11;
	v17 =	vmul.f32 v17, v15;
	[tilespmem:s1+$0x16FF0] =	vst v24  }
0x2df: {  	v24 =	vld [tilespmem:s31+$0xA790];
	[tilespmem:s1+$0x16F80] =	vst v21;
	v21 =	vadd.f32 v19, v9;
	v16 =	vmul.f32 v16, v12  }
.Ltmp16:
0x2e0: {  	v19 =	vld [tilespmem:s31+$0xA7A0];
	[tilespmem:s1+$0x16F90] =	vst v22;
	v22 =	vadd.f32 v17, v14;
	v18 =	vmul.f32 v18, v10;
	(pc) =	sbr.rel @p0 .LBB2_29-.Ltmp16, $4  }
0x2e1: {  	v17 =	vld [tilespmem:s31+$0xA7B0];
	[tilespmem:s1+$0x16FA0] =	vst v21;
	v26 =	vadd.f32 v16, v13;
	v20 =	vmul.f32 v20, v8  }
0x2e2: {  	v16 =	vld [tilespmem:s31+$0xA7C0];
	v25 =	vmul.f32 v25, v15;
	[tilespmem:s1+$0x16FB0] =	vst v22;
	v27 =	vadd.f32 v18, v11  }
0x2e3: {  	v21 =	vmul.f32 v23, v12;
	v18 =	vld [tilespmem:s31+$0xA7D0];
	[tilespmem:s1+$0x16FC0] =	vst v26;
	v23 =	vadd.f32 v20, v9  }
0x2e4: {  	s0 =	sshra.s32 s13, $0x2;
	s13 =	sadd.s32 $0x1000, s13;
	v22 =	vmul.f32 v24, v10;
	v20 =	vld [tilespmem:s31+$0xA7E0];
	v24 =	vadd.f32 v25, v14;
	[tilespmem:s1+$0x16FD0] =	vst v27  }
0x2e5: {  	v25 =	vld [tilespmem:s0+$0xA7F0];
	[tilespmem:s1+$0x16FE0] =	vst v23;
	v21 =	vadd.f32 v21, v13;
	v19 =	vmul.f32 v19, v8  }
0x2e6: {  	v23 =	vld [tilespmem:s0+$0xA780];
	[tilespmem:s31+$0x16FF0] =	vst v24;
	v22 =	vadd.f32 v22, v11;
	v17 =	vmul.f32 v17, v15  }
0x2e7: {  	v24 =	vld [tilespmem:s0+$0xA790];
	[tilespmem:s31+$0x16F80] =	vst v21;
	v19 =	vadd.f32 v19, v9  }
0x2e8: {  	v16 =	vmul.f32 v16, v12;
	v21 =	vld [tilespmem:s0+$0xA7A0];
	[tilespmem:s31+$0x16F90] =	vst v22;
	v17 =	vadd.f32 v17, v14  }
0x2e9: {  	v18 =	vmul.f32 v18, v10;
	v22 =	vld [tilespmem:s0+$0xA7B0];
	[tilespmem:s31+$0x16FA0] =	vst v19  }
0x2ea: {  	v16 =	vadd.f32 v16, v13;
	v19 =	vld [tilespmem:s0+$0xA7C0];
	[tilespmem:s31+$0x16FB0] =	vst v17;
	v17 =	vmul.f32 v20, v8  }
0x2eb: {  	v25 =	vmul.f32 v25, v15;
	v18 =	vadd.f32 v18, v11  }
0x2ec: {  	v20 =	vld [tilespmem:s0+$0xA7D0];
	[tilespmem:s31+$0x16FC0] =	vst v16;
	v16 =	vmul.f32 v23, v12;
	v17 =	vadd.f32 v17, v9  }
0x2ed: {  	v23 =	vld [tilespmem:s0+$0xA7E0];
	v24 =	vmul.f32 v24, v10;
	v25 =	vadd.f32 v25, v14;
	[tilespmem:s31+$0x16FD0] =	vst v18  }
0x2ee: {  	s13 =	sor.u32 $0xC, s29;
	v16 =	vadd.f32 v16, v13;
	v18 =	vmul.f32 v21, v8;
	[tilespmem:s31+$0x16FE0] =	vst v17  }
0x2ef: {  	v21 =	vmov s13;
	v17 =	vadd.f32 v24, v11;
	v15 =	vmul.f32 v22, v15;
	[tilespmem:s0+$0x16FF0] =	vst v25  }
0x2f0: {  	[tilespmem:s0+$0x16F80] =	vst v16;
	v16 =	vadd.f32 v18, v9;
	v12 =	vmul.f32 v19, v12;
	v18 =	vand.u32 $0xFFFFFFFC, v21  }
0x2f1: {  	[tilespmem:s0+$0x16F90] =	vst v17;
	v14 =	vadd.f32 v15, v14;
	v10 =	vmul.f32 v20, v10;
	v15 =	vbroadcast v18, $0x0  }
0x2f2: {  	[tilespmem:s0+$0x16FA0] =	vst v16;
	v12 =	vadd.f32 v12, v13;
	v8 =	vmul.f32 v23, v8  }
0x2f3: {  	[tilespmem:s0+$0x16FB0] =	vst v14;
	v10 =	vadd.f32 v10, v11  }
0x2f4: {  	[tilespmem:s0+$0x16FC0] =	vst v12;
	v8 =	vadd.f32 v8, v9  }
0x2f5: {  	[tilespmem:s0+$0x16FD0] =	vst v10  }
0x2f6: {  	s13 =	simm.s32 $0x0;
	[tilespmem:s0+$0x16FE0] =	vst v8  }
0x2f7: {  	v8 =	vld.idx.msk [tilespmem:v15+s13+$0x0], $0xffff;
	_ =	sdelay $0x4  }
0x2f8: {  	v9 =	vshll.u32 v8, $0x7  }
0x2f9: {  	v8 =	vor.u32 v0, v9  }
0x2fa: {  	v10 =	vor.u32 v1, v9  }
0x2fb: {  	v11 =	vor.u32 v2, v9  }
0x2fc: {  	v13 =	vor.u32 v3, v9  }
0x2fd: {  	v14 =	vor.u32 v4, v9  }
0x2fe: {  	v16 =	vor.u32 v5, v9;
	v12 =	vld.idx.msk [tilespmem:v8+s16+$0x0], $0xffff  }
0x2ff: {  	v17 =	vor.u32 v6, v9;
	v10 =	vld.idx.msk [tilespmem:v10+s16+$0x0], $0xffff  }
0x300: {  	v18 =	vor.u32 v7, v9;
	v8 =	vld.idx.msk [tilespmem:v11+s16+$0x0], $0xffff  }
0x301: {  	v15 =	vld.idx.msk [tilespmem:v13+s16+$0x0], $0xffff  }
0x302: {  	v13 =	vld.idx.msk [tilespmem:v14+s16+$0x0], $0xffff  }
0x303: {  	v11 =	vld.idx.msk [tilespmem:v16+s16+$0x0], $0xffff  }
0x304: {  	v9 =	vld.idx.msk [tilespmem:v17+s16+$0x0], $0xffff  }
0x305: {  	s1 =	simm.s32 $0x0;
	v14 =	vld.idx.msk [tilespmem:v18+s16+$0x0], $0xffff  }
0x306: {  	v16 =	vld [tilespmem:s1+$0xA870]  }
0x307: {  	v17 =	vld [tilespmem:s1+$0xA800]  }
0x308: {  	v18 =	vld [tilespmem:s1+$0xA810]  }
0x309: {  	v19 =	vld [tilespmem:s1+$0xA820]  }
0x30a: {  	v20 =	vld [tilespmem:s1+$0xA830]  }
0x30b: {  	v21 =	vld [tilespmem:s1+$0xA840];
	v16 =	vmul.f32 v16, v15  }
0x30c: {  	v22 =	vld [tilespmem:s1+$0xA850];
	v17 =	vmul.f32 v17, v12  }
0x30d: {  	s31 =	simm.s32 $0x400;
	v23 =	vld [tilespmem:s1+$0xA860];
	v18 =	vmul.f32 v18, v10;
	v16 =	vadd.f32 v16, v14  }
0x30e: {  	v24 =	vld [tilespmem:s31+$0xA870];
	v17 =	vadd.f32 v17, v13  }
0x30f: {  	v25 =	vld [tilespmem:s31+$0xA800];
	v18 =	vadd.f32 v18, v11;
	[tilespmem:s1+$0x17070] =	vst v16;
	v16 =	vmul.f32 v19, v8  }
0x310: {  	v20 =	vmul.f32 v20, v15;
	v26 =	vld [tilespmem:s31+$0xA810];
	[tilespmem:s1+$0x17000] =	vst v17  }
0x311: {  	v19 =	vld [tilespmem:s31+$0xA820];
	v16 =	vadd.f32 v16, v9;
	[tilespmem:s1+$0x17010] =	vst v18;
	v18 =	vmul.f32 v21, v12  }
0x312: {  	v20 =	vadd.f32 v20, v14;
	v21 =	vmul.f32 v22, v10  }
0x313: {  	v23 =	vmul.f32 v23, v8;
	v17 =	vld [tilespmem:s31+$0xA830];
	[tilespmem:s1+$0x17020] =	vst v16;
	v22 =	vadd.f32 v18, v13  }
0x314: {  	v24 =	vmul.f32 v24, v15;
	v27 =	vadd.f32 v21, v11;
	v16 =	vld [tilespmem:s31+$0xA840];
	[tilespmem:s1+$0x17030] =	vst v20  }
0x315: {  	v23 =	vadd.f32 v23, v9;
	v21 =	vmul.f32 v25, v12;
	v18 =	vld [tilespmem:s31+$0xA850];
	[tilespmem:s1+$0x17040] =	vst v22  }
0x316: {  	s0 =	simm.s32 $0x800;
	s13 =	simm.s32 $0x3000;
	v24 =	vadd.f32 v24, v14;
	v22 =	vmul.f32 v26, v10;
	v20 =	vld [tilespmem:s31+$0xA860];
	[tilespmem:s1+$0x17050] =	vst v27  }
.LBB2_31:
0x317: {  	p0 =	sne.s32 s13, $0x18000;
	v25 =	vld [tilespmem:s0+$0xA870];
	v21 =	vadd.f32 v21, v13;
	v19 =	vmul.f32 v19, v8;
	[tilespmem:s1+$0x17060] =	vst v23;
	s1 =	smov.u32 s31;
	s31 =	smov.u32 s0  }
0x318: {  	v23 =	vld [tilespmem:s31+$0xA800];
	v22 =	vadd.f32 v22, v11;
	v17 =	vmul.f32 v17, v15;
	[tilespmem:s1+$0x17070] =	vst v24  }
0x319: {  	v24 =	vld [tilespmem:s31+$0xA810];
	[tilespmem:s1+$0x17000] =	vst v21;
	v21 =	vadd.f32 v19, v9;
	v16 =	vmul.f32 v16, v12  }
.Ltmp17:
0x31a: {  	v19 =	vld [tilespmem:s31+$0xA820];
	[tilespmem:s1+$0x17010] =	vst v22;
	v22 =	vadd.f32 v17, v14;
	v18 =	vmul.f32 v18, v10;
	(pc) =	sbr.rel @p0 .LBB2_31-.Ltmp17, $4  }
0x31b: {  	v17 =	vld [tilespmem:s31+$0xA830];
	[tilespmem:s1+$0x17020] =	vst v21;
	v26 =	vadd.f32 v16, v13;
	v20 =	vmul.f32 v20, v8  }
0x31c: {  	v16 =	vld [tilespmem:s31+$0xA840];
	v25 =	vmul.f32 v25, v15;
	[tilespmem:s1+$0x17030] =	vst v22;
	v27 =	vadd.f32 v18, v11  }
0x31d: {  	v21 =	vmul.f32 v23, v12;
	v18 =	vld [tilespmem:s31+$0xA850];
	[tilespmem:s1+$0x17040] =	vst v26;
	v23 =	vadd.f32 v20, v9  }
0x31e: {  	s0 =	sshra.s32 s13, $0x2;
	s13 =	sadd.s32 $0x1000, s13;
	v22 =	vmul.f32 v24, v10;
	v20 =	vld [tilespmem:s31+$0xA860];
	v24 =	vadd.f32 v25, v14;
	[tilespmem:s1+$0x17050] =	vst v27  }
0x31f: {  	v25 =	vld [tilespmem:s0+$0xA870];
	[tilespmem:s1+$0x17060] =	vst v23;
	v21 =	vadd.f32 v21, v13;
	v19 =	vmul.f32 v19, v8  }
0x320: {  	v23 =	vld [tilespmem:s0+$0xA800];
	[tilespmem:s31+$0x17070] =	vst v24;
	v22 =	vadd.f32 v22, v11;
	v17 =	vmul.f32 v17, v15  }
0x321: {  	v24 =	vld [tilespmem:s0+$0xA810];
	[tilespmem:s31+$0x17000] =	vst v21;
	v19 =	vadd.f32 v19, v9  }
0x322: {  	v16 =	vmul.f32 v16, v12;
	v21 =	vld [tilespmem:s0+$0xA820];
	[tilespmem:s31+$0x17010] =	vst v22;
	v17 =	vadd.f32 v17, v14  }
0x323: {  	v18 =	vmul.f32 v18, v10;
	v22 =	vld [tilespmem:s0+$0xA830];
	[tilespmem:s31+$0x17020] =	vst v19  }
0x324: {  	v16 =	vadd.f32 v16, v13;
	v19 =	vld [tilespmem:s0+$0xA840];
	[tilespmem:s31+$0x17030] =	vst v17;
	v17 =	vmul.f32 v20, v8  }
0x325: {  	v25 =	vmul.f32 v25, v15;
	v18 =	vadd.f32 v18, v11  }
0x326: {  	v20 =	vld [tilespmem:s0+$0xA850];
	[tilespmem:s31+$0x17040] =	vst v16;
	v16 =	vmul.f32 v23, v12;
	v17 =	vadd.f32 v17, v9  }
0x327: {  	v23 =	vld [tilespmem:s0+$0xA860];
	v24 =	vmul.f32 v24, v10;
	v25 =	vadd.f32 v25, v14;
	[tilespmem:s31+$0x17050] =	vst v18  }
0x328: {  	s13 =	sor.u32 $0xD, s29;
	v16 =	vadd.f32 v16, v13;
	v18 =	vmul.f32 v21, v8;
	[tilespmem:s31+$0x17060] =	vst v17  }
0x329: {  	v21 =	vmov s13;
	v17 =	vadd.f32 v24, v11;
	v15 =	vmul.f32 v22, v15;
	[tilespmem:s0+$0x17070] =	vst v25  }
0x32a: {  	[tilespmem:s0+$0x17000] =	vst v16;
	v16 =	vadd.f32 v18, v9;
	v12 =	vmul.f32 v19, v12;
	v18 =	vand.u32 $0xFFFFFFFD, v21  }
0x32b: {  	[tilespmem:s0+$0x17010] =	vst v17;
	v14 =	vadd.f32 v15, v14;
	v10 =	vmul.f32 v20, v10;
	v15 =	vbroadcast v18, $0x0  }
0x32c: {  	[tilespmem:s0+$0x17020] =	vst v16;
	v12 =	vadd.f32 v12, v13;
	v8 =	vmul.f32 v23, v8  }
0x32d: {  	[tilespmem:s0+$0x17030] =	vst v14;
	v10 =	vadd.f32 v10, v11  }
0x32e: {  	[tilespmem:s0+$0x17040] =	vst v12;
	v8 =	vadd.f32 v8, v9  }
0x32f: {  	[tilespmem:s0+$0x17050] =	vst v10  }
0x330: {  	s13 =	simm.s32 $0x0;
	[tilespmem:s0+$0x17060] =	vst v8  }
0x331: {  	v8 =	vld.idx.msk [tilespmem:v15+s13+$0x0], $0xffff;
	_ =	sdelay $0x4  }
0x332: {  	v9 =	vshll.u32 v8, $0x7  }
0x333: {  	v8 =	vor.u32 v0, v9  }
0x334: {  	v10 =	vor.u32 v1, v9  }
0x335: {  	v11 =	vor.u32 v2, v9  }
0x336: {  	v13 =	vor.u32 v3, v9  }
0x337: {  	v14 =	vor.u32 v4, v9  }
0x338: {  	v16 =	vor.u32 v5, v9;
	v12 =	vld.idx.msk [tilespmem:v8+s16+$0x0], $0xffff  }
0x339: {  	v17 =	vor.u32 v6, v9;
	v10 =	vld.idx.msk [tilespmem:v10+s16+$0x0], $0xffff  }
0x33a: {  	v18 =	vor.u32 v7, v9;
	v8 =	vld.idx.msk [tilespmem:v11+s16+$0x0], $0xffff  }
0x33b: {  	v15 =	vld.idx.msk [tilespmem:v13+s16+$0x0], $0xffff  }
0x33c: {  	v13 =	vld.idx.msk [tilespmem:v14+s16+$0x0], $0xffff  }
0x33d: {  	v11 =	vld.idx.msk [tilespmem:v16+s16+$0x0], $0xffff  }
0x33e: {  	v9 =	vld.idx.msk [tilespmem:v17+s16+$0x0], $0xffff  }
0x33f: {  	s1 =	simm.s32 $0x0;
	v14 =	vld.idx.msk [tilespmem:v18+s16+$0x0], $0xffff  }
0x340: {  	v16 =	vld [tilespmem:s1+$0xA8F0]  }
0x341: {  	v17 =	vld [tilespmem:s1+$0xA880]  }
0x342: {  	v18 =	vld [tilespmem:s1+$0xA890]  }
0x343: {  	v19 =	vld [tilespmem:s1+$0xA8A0]  }
0x344: {  	v20 =	vld [tilespmem:s1+$0xA8B0]  }
0x345: {  	v21 =	vld [tilespmem:s1+$0xA8C0];
	v16 =	vmul.f32 v16, v15  }
0x346: {  	v22 =	vld [tilespmem:s1+$0xA8D0];
	v17 =	vmul.f32 v17, v12  }
0x347: {  	s31 =	simm.s32 $0x400;
	v23 =	vld [tilespmem:s1+$0xA8E0];
	v18 =	vmul.f32 v18, v10;
	v16 =	vadd.f32 v16, v14  }
0x348: {  	v24 =	vld [tilespmem:s31+$0xA8F0];
	v17 =	vadd.f32 v17, v13  }
0x349: {  	v25 =	vld [tilespmem:s31+$0xA880];
	v18 =	vadd.f32 v18, v11;
	[tilespmem:s1+$0x170F0] =	vst v16;
	v16 =	vmul.f32 v19, v8  }
0x34a: {  	v20 =	vmul.f32 v20, v15;
	v26 =	vld [tilespmem:s31+$0xA890];
	[tilespmem:s1+$0x17080] =	vst v17  }
0x34b: {  	v19 =	vld [tilespmem:s31+$0xA8A0];
	v16 =	vadd.f32 v16, v9;
	[tilespmem:s1+$0x17090] =	vst v18;
	v18 =	vmul.f32 v21, v12  }
0x34c: {  	v20 =	vadd.f32 v20, v14;
	v21 =	vmul.f32 v22, v10  }
0x34d: {  	v23 =	vmul.f32 v23, v8;
	v17 =	vld [tilespmem:s31+$0xA8B0];
	[tilespmem:s1+$0x170A0] =	vst v16;
	v22 =	vadd.f32 v18, v13  }
0x34e: {  	v24 =	vmul.f32 v24, v15;
	v27 =	vadd.f32 v21, v11;
	v16 =	vld [tilespmem:s31+$0xA8C0];
	[tilespmem:s1+$0x170B0] =	vst v20  }
0x34f: {  	v23 =	vadd.f32 v23, v9;
	v21 =	vmul.f32 v25, v12;
	v18 =	vld [tilespmem:s31+$0xA8D0];
	[tilespmem:s1+$0x170C0] =	vst v22  }
0x350: {  	s0 =	simm.s32 $0x800;
	s13 =	simm.s32 $0x3000;
	v24 =	vadd.f32 v24, v14;
	v22 =	vmul.f32 v26, v10;
	v20 =	vld [tilespmem:s31+$0xA8E0];
	[tilespmem:s1+$0x170D0] =	vst v27  }
.LBB2_33:
0x351: {  	p0 =	sne.s32 s13, $0x18000;
	v25 =	vld [tilespmem:s0+$0xA8F0];
	v21 =	vadd.f32 v21, v13;
	v19 =	vmul.f32 v19, v8;
	[tilespmem:s1+$0x170E0] =	vst v23;
	s1 =	smov.u32 s31;
	s31 =	smov.u32 s0  }
0x352: {  	v23 =	vld [tilespmem:s31+$0xA880];
	v22 =	vadd.f32 v22, v11;
	v17 =	vmul.f32 v17, v15;
	[tilespmem:s1+$0x170F0] =	vst v24  }
0x353: {  	v24 =	vld [tilespmem:s31+$0xA890];
	[tilespmem:s1+$0x17080] =	vst v21;
	v21 =	vadd.f32 v19, v9;
	v16 =	vmul.f32 v16, v12  }
.Ltmp18:
0x354: {  	v19 =	vld [tilespmem:s31+$0xA8A0];
	[tilespmem:s1+$0x17090] =	vst v22;
	v22 =	vadd.f32 v17, v14;
	v18 =	vmul.f32 v18, v10;
	(pc) =	sbr.rel @p0 .LBB2_33-.Ltmp18, $4  }
0x355: {  	v17 =	vld [tilespmem:s31+$0xA8B0];
	[tilespmem:s1+$0x170A0] =	vst v21;
	v26 =	vadd.f32 v16, v13;
	v20 =	vmul.f32 v20, v8  }
0x356: {  	v16 =	vld [tilespmem:s31+$0xA8C0];
	v25 =	vmul.f32 v25, v15;
	[tilespmem:s1+$0x170B0] =	vst v22;
	v27 =	vadd.f32 v18, v11  }
0x357: {  	v21 =	vmul.f32 v23, v12;
	v18 =	vld [tilespmem:s31+$0xA8D0];
	[tilespmem:s1+$0x170C0] =	vst v26;
	v23 =	vadd.f32 v20, v9  }
0x358: {  	s0 =	sshra.s32 s13, $0x2;
	s13 =	sadd.s32 $0x1000, s13;
	v22 =	vmul.f32 v24, v10;
	v20 =	vld [tilespmem:s31+$0xA8E0];
	v24 =	vadd.f32 v25, v14;
	[tilespmem:s1+$0x170D0] =	vst v27  }
0x359: {  	v25 =	vld [tilespmem:s0+$0xA8F0];
	[tilespmem:s1+$0x170E0] =	vst v23;
	v21 =	vadd.f32 v21, v13;
	v19 =	vmul.f32 v19, v8  }
0x35a: {  	v23 =	vld [tilespmem:s0+$0xA880];
	[tilespmem:s31+$0x170F0] =	vst v24;
	v22 =	vadd.f32 v22, v11;
	v17 =	vmul.f32 v17, v15  }
0x35b: {  	v24 =	vld [tilespmem:s0+$0xA890];
	[tilespmem:s31+$0x17080] =	vst v21;
	v19 =	vadd.f32 v19, v9  }
0x35c: {  	v16 =	vmul.f32 v16, v12;
	v21 =	vld [tilespmem:s0+$0xA8A0];
	[tilespmem:s31+$0x17090] =	vst v22;
	v17 =	vadd.f32 v17, v14  }
0x35d: {  	v18 =	vmul.f32 v18, v10;
	v22 =	vld [tilespmem:s0+$0xA8B0];
	[tilespmem:s31+$0x170A0] =	vst v19  }
0x35e: {  	v16 =	vadd.f32 v16, v13;
	v19 =	vld [tilespmem:s0+$0xA8C0];
	[tilespmem:s31+$0x170B0] =	vst v17;
	v17 =	vmul.f32 v20, v8  }
0x35f: {  	v25 =	vmul.f32 v25, v15;
	v18 =	vadd.f32 v18, v11  }
0x360: {  	v20 =	vld [tilespmem:s0+$0xA8D0];
	[tilespmem:s31+$0x170C0] =	vst v16;
	v16 =	vmul.f32 v23, v12;
	v17 =	vadd.f32 v17, v9  }
0x361: {  	v23 =	vld [tilespmem:s0+$0xA8E0];
	v24 =	vmul.f32 v24, v10;
	v25 =	vadd.f32 v25, v14;
	[tilespmem:s31+$0x170D0] =	vst v18  }
0x362: {  	s13 =	sor.u32 $0xE, s29;
	v16 =	vadd.f32 v16, v13;
	v18 =	vmul.f32 v21, v8;
	[tilespmem:s31+$0x170E0] =	vst v17  }
0x363: {  	v21 =	vmov s13;
	v17 =	vadd.f32 v24, v11;
	v15 =	vmul.f32 v22, v15;
	[tilespmem:s0+$0x170F0] =	vst v25  }
0x364: {  	[tilespmem:s0+$0x17080] =	vst v16;
	v16 =	vadd.f32 v18, v9;
	v12 =	vmul.f32 v19, v12;
	v18 =	vand.u32 $0xFFFFFFFE, v21  }
0x365: {  	[tilespmem:s0+$0x17090] =	vst v17;
	v14 =	vadd.f32 v15, v14;
	v10 =	vmul.f32 v20, v10;
	v15 =	vbroadcast v18, $0x0  }
0x366: {  	[tilespmem:s0+$0x170A0] =	vst v16;
	v12 =	vadd.f32 v12, v13;
	v8 =	vmul.f32 v23, v8  }
0x367: {  	[tilespmem:s0+$0x170B0] =	vst v14;
	v10 =	vadd.f32 v10, v11  }
0x368: {  	[tilespmem:s0+$0x170C0] =	vst v12;
	v8 =	vadd.f32 v8, v9  }
0x369: {  	[tilespmem:s0+$0x170D0] =	vst v10  }
0x36a: {  	s13 =	simm.s32 $0x0;
	[tilespmem:s0+$0x170E0] =	vst v8  }
0x36b: {  	v8 =	vld.idx.msk [tilespmem:v15+s13+$0x0], $0xffff;
	_ =	sdelay $0x4  }
0x36c: {  	v9 =	vshll.u32 v8, $0x7  }
0x36d: {  	v8 =	vor.u32 v0, v9  }
0x36e: {  	v10 =	vor.u32 v1, v9  }
0x36f: {  	v13 =	vor.u32 v2, v9  }
0x370: {  	v14 =	vor.u32 v3, v9  }
0x371: {  	v16 =	vor.u32 v4, v9  }
0x372: {  	v17 =	vor.u32 v5, v9;
	v12 =	vld.idx.msk [tilespmem:v8+s16+$0x0], $0xffff  }
0x373: {  	v18 =	vor.u32 v6, v9;
	v11 =	vld.idx.msk [tilespmem:v10+s16+$0x0], $0xffff  }
0x374: {  	v19 =	vor.u32 v7, v9;
	v8 =	vld.idx.msk [tilespmem:v13+s16+$0x0], $0xffff  }
0x375: {  	v15 =	vld.idx.msk [tilespmem:v14+s16+$0x0], $0xffff  }
0x376: {  	v13 =	vld.idx.msk [tilespmem:v16+s16+$0x0], $0xffff  }
0x377: {  	v10 =	vld.idx.msk [tilespmem:v17+s16+$0x0], $0xffff  }
0x378: {  	v9 =	vld.idx.msk [tilespmem:v18+s16+$0x0], $0xffff  }
0x379: {  	s1 =	simm.s32 $0x0;
	v14 =	vld.idx.msk [tilespmem:v19+s16+$0x0], $0xffff  }
0x37a: {  	v16 =	vld [tilespmem:s1+$0xA970]  }
0x37b: {  	v17 =	vld [tilespmem:s1+$0xA900]  }
0x37c: {  	v18 =	vld [tilespmem:s1+$0xA910]  }
0x37d: {  	v20 =	vld [tilespmem:s1+$0xA930]  }
0x37e: {  	v19 =	vld [tilespmem:s1+$0xA920]  }
0x37f: {  	v21 =	vld [tilespmem:s1+$0xA940];
	v16 =	vmul.f32 v16, v15  }
0x380: {  	v22 =	vld [tilespmem:s1+$0xA950];
	v17 =	vmul.f32 v17, v12  }
0x381: {  	s31 =	simm.s32 $0x400;
	v23 =	vld [tilespmem:s1+$0xA960];
	v18 =	vmul.f32 v18, v11;
	v16 =	vadd.f32 v16, v14  }
0x382: {  	v24 =	vld [tilespmem:s31+$0xA970];
	v17 =	vadd.f32 v17, v13  }
0x383: {  	v25 =	vld [tilespmem:s31+$0xA900];
	v18 =	vadd.f32 v18, v10;
	[tilespmem:s1+$0x17170] =	vst v16;
	v16 =	vmul.f32 v19, v8  }
0x384: {  	v20 =	vmul.f32 v20, v15;
	v26 =	vld [tilespmem:s31+$0xA910];
	[tilespmem:s1+$0x17100] =	vst v17  }
0x385: {  	v19 =	vld [tilespmem:s31+$0xA920];
	v16 =	vadd.f32 v16, v9;
	[tilespmem:s1+$0x17110] =	vst v18;
	v18 =	vmul.f32 v21, v12  }
0x386: {  	v20 =	vadd.f32 v20, v14;
	v21 =	vmul.f32 v22, v11  }
0x387: {  	v23 =	vmul.f32 v23, v8;
	v17 =	vld [tilespmem:s31+$0xA930];
	[tilespmem:s1+$0x17120] =	vst v16;
	v22 =	vadd.f32 v18, v13  }
0x388: {  	v24 =	vmul.f32 v24, v15;
	v27 =	vadd.f32 v21, v10;
	v16 =	vld [tilespmem:s31+$0xA940];
	[tilespmem:s1+$0x17130] =	vst v20  }
0x389: {  	v23 =	vadd.f32 v23, v9;
	v21 =	vmul.f32 v25, v12;
	v18 =	vld [tilespmem:s31+$0xA950];
	[tilespmem:s1+$0x17140] =	vst v22  }
0x38a: {  	s0 =	simm.s32 $0x800;
	s13 =	simm.s32 $0x3000;
	v24 =	vadd.f32 v24, v14;
	v22 =	vmul.f32 v26, v11;
	v20 =	vld [tilespmem:s31+$0xA960];
	[tilespmem:s1+$0x17150] =	vst v27  }
.LBB2_35:
0x38b: {  	p0 =	sne.s32 s13, $0x18000;
	v25 =	vld [tilespmem:s0+$0xA970];
	v21 =	vadd.f32 v21, v13;
	v19 =	vmul.f32 v19, v8;
	[tilespmem:s1+$0x17160] =	vst v23;
	s1 =	smov.u32 s31;
	s31 =	smov.u32 s0  }
0x38c: {  	v23 =	vld [tilespmem:s31+$0xA900];
	v22 =	vadd.f32 v22, v10;
	v17 =	vmul.f32 v17, v15;
	[tilespmem:s1+$0x17170] =	vst v24  }
0x38d: {  	v24 =	vld [tilespmem:s31+$0xA910];
	[tilespmem:s1+$0x17100] =	vst v21;
	v21 =	vadd.f32 v19, v9;
	v16 =	vmul.f32 v16, v12  }
.Ltmp19:
0x38e: {  	v19 =	vld [tilespmem:s31+$0xA920];
	[tilespmem:s1+$0x17110] =	vst v22;
	v22 =	vadd.f32 v17, v14;
	v18 =	vmul.f32 v18, v11;
	(pc) =	sbr.rel @p0 .LBB2_35-.Ltmp19, $4  }
0x38f: {  	v17 =	vld [tilespmem:s31+$0xA930];
	[tilespmem:s1+$0x17120] =	vst v21;
	v26 =	vadd.f32 v16, v13;
	v20 =	vmul.f32 v20, v8  }
0x390: {  	v16 =	vld [tilespmem:s31+$0xA940];
	v25 =	vmul.f32 v25, v15;
	[tilespmem:s1+$0x17130] =	vst v22;
	v27 =	vadd.f32 v18, v10  }
0x391: {  	v21 =	vmul.f32 v23, v12;
	v18 =	vld [tilespmem:s31+$0xA950];
	[tilespmem:s1+$0x17140] =	vst v26;
	v23 =	vadd.f32 v20, v9  }
0x392: {  	s0 =	sshra.s32 s13, $0x2;
	s13 =	sadd.s32 $0x1000, s13;
	v22 =	vmul.f32 v24, v11;
	v20 =	vld [tilespmem:s31+$0xA960];
	v24 =	vadd.f32 v25, v14;
	[tilespmem:s1+$0x17150] =	vst v27  }
0x393: {  	v25 =	vld [tilespmem:s0+$0xA970];
	[tilespmem:s1+$0x17160] =	vst v23;
	v21 =	vadd.f32 v21, v13;
	v19 =	vmul.f32 v19, v8  }
0x394: {  	v23 =	vld [tilespmem:s0+$0xA900];
	[tilespmem:s31+$0x17170] =	vst v24;
	v22 =	vadd.f32 v22, v10;
	v17 =	vmul.f32 v17, v15  }
0x395: {  	v24 =	vld [tilespmem:s0+$0xA910];
	[tilespmem:s31+$0x17100] =	vst v21;
	v19 =	vadd.f32 v19, v9  }
0x396: {  	v16 =	vmul.f32 v16, v12;
	v21 =	vld [tilespmem:s0+$0xA920];
	[tilespmem:s31+$0x17110] =	vst v22;
	v17 =	vadd.f32 v17, v14  }
0x397: {  	v18 =	vmul.f32 v18, v11;
	v22 =	vld [tilespmem:s0+$0xA930];
	[tilespmem:s31+$0x17120] =	vst v19  }
0x398: {  	v16 =	vadd.f32 v16, v13;
	v19 =	vld [tilespmem:s0+$0xA940];
	[tilespmem:s31+$0x17130] =	vst v17;
	v17 =	vmul.f32 v20, v8  }
0x399: {  	v25 =	vmul.f32 v25, v15;
	v18 =	vadd.f32 v18, v10  }
0x39a: {  	v20 =	vld [tilespmem:s0+$0xA950];
	[tilespmem:s31+$0x17140] =	vst v16;
	v16 =	vmul.f32 v23, v12;
	v17 =	vadd.f32 v17, v9  }
0x39b: {  	v23 =	vld [tilespmem:s0+$0xA960];
	v24 =	vmul.f32 v24, v11;
	v25 =	vadd.f32 v25, v14;
	[tilespmem:s31+$0x17150] =	vst v18  }
0x39c: {  	v16 =	vadd.f32 v16, v13;
	v18 =	vmul.f32 v21, v8;
	[tilespmem:s31+$0x17160] =	vst v17  }
0x39d: {  	v17 =	vadd.f32 v24, v10;
	v15 =	vmul.f32 v22, v15;
	[tilespmem:s0+$0x17170] =	vst v25  }
0x39e: {  	[tilespmem:s0+$0x17100] =	vst v16;
	v16 =	vadd.f32 v18, v9;
	v12 =	vmul.f32 v19, v12  }
0x39f: {  	s13 =	sor.u32 $0xF, s29;
	[tilespmem:s0+$0x17110] =	vst v17;
	v14 =	vadd.f32 v15, v14;
	v11 =	vmul.f32 v20, v11  }
0x3a0: {  	[tilespmem:s0+$0x17120] =	vst v16;
	v12 =	vadd.f32 v12, v13;
	v8 =	vmul.f32 v23, v8;
	v13 =	vmov s13  }
0x3a1: {  	[tilespmem:s0+$0x17130] =	vst v14;
	v10 =	vadd.f32 v11, v10  }
0x3a2: {  	[tilespmem:s0+$0x17140] =	vst v12;
	v8 =	vadd.f32 v8, v9  }
0x3a3: {  	[tilespmem:s0+$0x17150] =	vst v10  }
0x3a4: {  	s31 =	simm.s32 $0x0;
	[tilespmem:s0+$0x17160] =	vst v8  }
0x3a5: {  	v8 =	vld.idx.msk [tilespmem:v13+s31+$0x0], $0xffff;
	_ =	sdelay $0x4  }
0x3a6: {  	v8 =	vshll.u32 v8, $0x7  }
0x3a7: {  	v9 =	vor.u32 v0, v8  }
0x3a8: {  	v10 =	vor.u32 v1, v8  }
0x3a9: {  	v11 =	vor.u32 v2, v8  }
0x3aa: {  	v13 =	vor.u32 v3, v8  }
0x3ab: {  	v14 =	vor.u32 v4, v8  }
0x3ac: {  	v16 =	vor.u32 v5, v8;
	v12 =	vld.idx.msk [tilespmem:v9+s16+$0x0], $0xffff  }
0x3ad: {  	v17 =	vor.u32 v6, v8;
	v10 =	vld.idx.msk [tilespmem:v10+s16+$0x0], $0xffff  }
0x3ae: {  	v18 =	vor.u32 v7, v8;
	v9 =	vld.idx.msk [tilespmem:v11+s16+$0x0], $0xffff  }
0x3af: {  	v15 =	vld.idx.msk [tilespmem:v13+s16+$0x0], $0xffff  }
0x3b0: {  	v13 =	vld.idx.msk [tilespmem:v14+s16+$0x0], $0xffff  }
0x3b1: {  	v11 =	vld.idx.msk [tilespmem:v16+s16+$0x0], $0xffff  }
0x3b2: {  	v8 =	vld.idx.msk [tilespmem:v17+s16+$0x0], $0xffff  }
0x3b3: {  	s1 =	simm.s32 $0x0;
	v14 =	vld.idx.msk [tilespmem:v18+s16+$0x0], $0xffff  }
0x3b4: {  	v16 =	vld [tilespmem:s1+$0xA9F0]  }
0x3b5: {  	v17 =	vld [tilespmem:s1+$0xA980]  }
0x3b6: {  	v18 =	vld [tilespmem:s1+$0xA990]  }
0x3b7: {  	v19 =	vld [tilespmem:s1+$0xA9A0]  }
0x3b8: {  	v20 =	vld [tilespmem:s1+$0xA9B0]  }
0x3b9: {  	v21 =	vld [tilespmem:s1+$0xA9C0];
	v16 =	vmul.f32 v16, v15  }
0x3ba: {  	v22 =	vld [tilespmem:s1+$0xA9D0];
	v17 =	vmul.f32 v17, v12  }
0x3bb: {  	s29 =	simm.s32 $0x400;
	v23 =	vld [tilespmem:s1+$0xA9E0];
	v18 =	vmul.f32 v18, v10;
	v16 =	vadd.f32 v16, v14  }
0x3bc: {  	v24 =	vld [tilespmem:s29+$0xA9F0];
	v17 =	vadd.f32 v17, v13  }
0x3bd: {  	v25 =	vld [tilespmem:s29+$0xA980];
	v18 =	vadd.f32 v18, v11;
	[tilespmem:s1+$0x171F0] =	vst v16;
	v16 =	vmul.f32 v19, v9  }
0x3be: {  	v20 =	vmul.f32 v20, v15;
	v26 =	vld [tilespmem:s29+$0xA990];
	[tilespmem:s1+$0x17180] =	vst v17  }
0x3bf: {  	v19 =	vld [tilespmem:s29+$0xA9A0];
	v16 =	vadd.f32 v16, v8;
	[tilespmem:s1+$0x17190] =	vst v18;
	v18 =	vmul.f32 v21, v12  }
0x3c0: {  	v20 =	vadd.f32 v20, v14;
	v21 =	vmul.f32 v22, v10  }
0x3c1: {  	v23 =	vmul.f32 v23, v9;
	v17 =	vld [tilespmem:s29+$0xA9B0];
	[tilespmem:s1+$0x171A0] =	vst v16;
	v22 =	vadd.f32 v18, v13  }
0x3c2: {  	v24 =	vmul.f32 v24, v15;
	v27 =	vadd.f32 v21, v11;
	v16 =	vld [tilespmem:s29+$0xA9C0];
	[tilespmem:s1+$0x171B0] =	vst v20  }
0x3c3: {  	v23 =	vadd.f32 v23, v8;
	v21 =	vmul.f32 v25, v12;
	v18 =	vld [tilespmem:s29+$0xA9D0];
	[tilespmem:s1+$0x171C0] =	vst v22  }
0x3c4: {  	s13 =	simm.s32 $0x3000;
	s0 =	simm.s32 $0x800;
	v24 =	vadd.f32 v24, v14;
	v22 =	vmul.f32 v26, v10;
	v20 =	vld [tilespmem:s29+$0xA9E0];
	[tilespmem:s1+$0x171D0] =	vst v27  }
.LBB2_37:
0x3c5: {  	p0 =	sne.s32 s13, $0x18000;
	v25 =	vld [tilespmem:s0+$0xA9F0];
	v21 =	vadd.f32 v21, v13;
	v19 =	vmul.f32 v19, v9;
	[tilespmem:s1+$0x171E0] =	vst v23;
	s1 =	smov.u32 s29;
	s29 =	smov.u32 s0  }
0x3c6: {  	v23 =	vld [tilespmem:s29+$0xA980];
	v22 =	vadd.f32 v22, v11;
	v17 =	vmul.f32 v17, v15;
	[tilespmem:s1+$0x171F0] =	vst v24  }
0x3c7: {  	v24 =	vld [tilespmem:s29+$0xA990];
	[tilespmem:s1+$0x17180] =	vst v21;
	v21 =	vadd.f32 v19, v8;
	v16 =	vmul.f32 v16, v12  }
.Ltmp20:
0x3c8: {  	v19 =	vld [tilespmem:s29+$0xA9A0];
	[tilespmem:s1+$0x17190] =	vst v22;
	v22 =	vadd.f32 v17, v14;
	v18 =	vmul.f32 v18, v10;
	(pc) =	sbr.rel @p0 .LBB2_37-.Ltmp20, $4  }
0x3c9: {  	v17 =	vld [tilespmem:s29+$0xA9B0];
	[tilespmem:s1+$0x171A0] =	vst v21;
	v26 =	vadd.f32 v16, v13;
	v20 =	vmul.f32 v20, v9  }
0x3ca: {  	v16 =	vld [tilespmem:s29+$0xA9C0];
	v25 =	vmul.f32 v25, v15;
	[tilespmem:s1+$0x171B0] =	vst v22;
	v27 =	vadd.f32 v18, v11  }
0x3cb: {  	v21 =	vmul.f32 v23, v12;
	v18 =	vld [tilespmem:s29+$0xA9D0];
	[tilespmem:s1+$0x171C0] =	vst v26;
	v23 =	vadd.f32 v20, v8  }
0x3cc: {  	s0 =	sshra.s32 s13, $0x2;
	s13 =	sadd.s32 $0x1000, s13;
	v22 =	vmul.f32 v24, v10;
	v20 =	vld [tilespmem:s29+$0xA9E0];
	v24 =	vadd.f32 v25, v14;
	[tilespmem:s1+$0x171D0] =	vst v27  }
0x3cd: {  	v25 =	vld [tilespmem:s0+$0xA9F0];
	[tilespmem:s1+$0x171E0] =	vst v23;
	v21 =	vadd.f32 v21, v13;
	v19 =	vmul.f32 v19, v9  }
0x3ce: {  	v23 =	vld [tilespmem:s0+$0xA980];
	[tilespmem:s29+$0x171F0] =	vst v24;
	v22 =	vadd.f32 v22, v11;
	v17 =	vmul.f32 v17, v15  }
0x3cf: {  	v24 =	vld [tilespmem:s0+$0xA990];
	[tilespmem:s29+$0x17180] =	vst v21;
	v19 =	vadd.f32 v19, v8;
	v16 =	vmul.f32 v16, v12  }
0x3d0: {  	v21 =	vld [tilespmem:s0+$0xA9A0];
	[tilespmem:s29+$0x17190] =	vst v22;
	v17 =	vadd.f32 v17, v14;
	v18 =	vmul.f32 v18, v10  }
0x3d1: {  	v22 =	vld [tilespmem:s0+$0xA9B0];
	[tilespmem:s29+$0x171A0] =	vst v19;
	v16 =	vadd.f32 v16, v13;
	v52 =	vmul.f32 v20, v9  }
0x3d2: {  	v19 =	vld [tilespmem:s0+$0xA9C0];
	[tilespmem:s29+$0x171B0] =	vst v17;
	v25 =	vmul.f32 v25, v15;
	v18 =	vadd.f32 v18, v11  }
0x3d3: {  	v53 =	vld [tilespmem:s0+$0xA9D0];
	[tilespmem:s29+$0x171C0] =	vst v16;
	v54 =	vmul.f32 v23, v12;
	v17 =	vadd.f32 v52, v8  }
0x3d4: {  	v55 =	vld [tilespmem:s0+$0xA9E0];
	v24 =	vmul.f32 v24, v10;
	v25 =	vadd.f32 v25, v14;
	[tilespmem:s29+$0x171D0] =	vst v18  }
0x3d5: {  	v16 =	vadd.f32 v54, v13;
	v56 =	vmul.f32 v21, v9;
	[tilespmem:s29+$0x171E0] =	vst v17  }
0x3d6: {  	v57 =	vadd.f32 v24, v11;
	v58 =	vmul.f32 v22, v15;
	[tilespmem:s0+$0x171F0] =	vst v25  }
0x3d7: {  	[tilespmem:s0+$0x17180] =	vst v16;
	v59 =	vadd.f32 v56, v8;
	v60 =	vmul.f32 v19, v12  }
0x3d8: {  	[tilespmem:s0+$0x17190] =	vst v57;
	v61 =	vadd.f32 v58, v14;
	v62 =	vmul.f32 v53, v10  }
0x3d9: {  	s30 =	sor.u32 s3, s30;
	p0 =	seq.s32 s26, $0x1F;
	[tilespmem:s0+$0x171A0] =	vst v59;
	v12 =	vadd.f32 v60, v13;
	v63 =	vmul.f32 v55, v9  }
.Ltmp21:
0x3da: {  	s1 =	sshrl.u32 s30, $0x3;
	[tilespmem:s0+$0x171B0] =	vst v61;
	v10 =	vadd.f32 v62, v11;
	(pc) =	sbr.rel @p0 .LBB2_40-.Ltmp21, $4  }
0x3db: {  	s1 =	smul.u32 $0xC80, s1;
	[tilespmem:s0+$0x171C0] =	vst v12;
	v8 =	vadd.f32 v63, v8  }
0x3dc: {  	[tilespmem:s0+$0x171D0] =	vst v10  }
0x3dd: {  	s31 =	sadd.s32 s6, s1;
	[tilespmem:s0+$0x171E0] =	vst v8  }
0x3de: {  	[hbm4b:s31+s4] =	stream.linear.scatter [tilespmem:s23], [sflag:$0x4], $0x6400, $0x38;
	[tilespmem:$0x1D200] =	vst v63  }
.Ltmp22:
0x3df: {  	s0 =	sadd.s32 s28, s11;
	(pc) =	sbr.rel .LBB2_2-.Ltmp22, $3  }
0x3e0: {  	s0 =	smul.u32 $0xC80, s0;
	_ =	sdelay $0x1  }
0x3e1: {  	s26 =	sadd.s32 $0x1, s26;
	s0 =	sadd.s32 s2, s0  }
0x3e2: {  	[tilespmem:s18], [sflag:$0x2] =	stream.linear.gather [hbm4b:s0+s4], $0x6400, $0x38;
	[tilespmem:$0x1D200] =	vst v63  }
.LBB2_41:
0x3e3: {  	_ =	sfence.sel $0x180000  }
0x3e4: {  	[bflag:$0x0] =	sbarrier.arrive $0xFFFF  }
0x3e5: {  	_ =	strace $0x90000047  }
0x3e6: {  	s0 =	stileid.u32;
	[bflag:$0x2] =	sbarrier.arrive $0xFFFF  }
0x3e7: {  	p0 =	sne.s32 s0, $0x0;
	s0 =	rddreg [dreg:$0x2]  }
0x3e8: {  	s0 =	sadd.s32 @!p0 $0x100000, s0  }
0x3e9: {  	[sflag:s0] =	ssyncadd.tile.s32 @!p0 $0x1;
	_ =	shalt  }
.Lfunc_end2:
_tile_overlayer_lowered:
.L_overlay_start_2:
0x3ea: {  	(tag) =	ssettag $0x2  }
0x3eb: {  	s0 =	rddreg [dreg:$0x0];
	s2 =	stileid.u32  }
0x3ec: {  	s1 =	rddreg [dreg:$0x1];
	p0 =	sne.s32 s2, $0x0  }
0x3ed: {  	s3 =	rddreg [dreg:$0x2];
	[bflag:$0x3] =	sbarrier.arrive $0xFFFF;
	s2 =	simm.s32 @!p0 $0x1C05  }
0x3ee: {  	[timem:s3], [sflag:s2] =	dma.local @!p0 [hbm:s0], s1  }
0x3ef: {  	s0 =	simm.s32 @!p0 $0x5  }
0x3f0: {  	_ =	swait.ge @!p0 [sflag:s0], s1  }
0x3f1: {  	s1 =	ssub.s32 @!p0 $0x0, s1;
	[sflag:s0] =	ssyncset.done @!p0 $0x0  }
0x3f2: {  	[sflag:s0] =	ssyncadd.s32 @!p0 s1  }
0x3f3: {  	[bflag:$0x3] =	sbarrier.arrive $0xFFFF  }
0x3f4: {  	_ =	shalt  }

</sc_bundles>
